<compile_context>
chip_gen: v7x
topology: tpu7x:2x2x1
jax: 0.10.2.dev20260603
libtpu: 0.0.44.dev20260713+nightly
codegen_flags: <defaults>
</compile_context>

<pallas_src>
import functools

import jax
import jax.numpy as jnp
from jax import lax
from jax.experimental import pallas as pl
from jax.experimental.pallas import tpu as pltpu
from jax.experimental.pallas import tpu_sc as plsc

B = 16384
C = 1000
LANES = 16
NC, NS = 2, 16
NW = NC * NS
IPW = B // NW
TCW = IPW // 128
NGR = 128 // LANES
CBS = (504, 496)
CB0 = (0, CBS[0])
NSTEP = TCW * 2

_mesh = plsc.VectorSubcoreMesh(core_axis_name="c", subcore_axis_name="s")


@functools.partial(
    pl.kernel,
    out_type=jax.ShapeDtypeStruct((B,), jnp.float32),
    mesh=_mesh,
    scratch_types=[
        pltpu.VMEM((CBS[0], 128), jnp.float32),
        pltpu.VMEM((CBS[1], 128), jnp.float32),
        pltpu.VMEM((IPW,), jnp.int32),
        pltpu.VMEM((IPW,), jnp.float32),
        pltpu.SemaphoreType.DMA,
        pltpu.SemaphoreType.DMA,
    ],
    compiler_params=pltpu.CompilerParams(
        use_tc_tiling_on_sc=True,
        needs_layout_passes=False,
    ),
)
def _cw_kernel(predt_hbm, y_hbm, out_hbm, buf_a, buf_b, y_v, loss_v, sem_a, sem_b):
    wid = lax.axis_index("s") * NC + lax.axis_index("c")
    base = pl.multiple_of(wid * IPW, IPW)

    neg_inf = jnp.full((LANES,), -jnp.inf, dtype=jnp.float32)
    lane = lax.iota(jnp.int32, LANES)
    bufs = (buf_a, buf_b)
    sems = (sem_a, sem_b)

    def src(k):
        tc, b = divmod(k, 2)
        col0 = pl.multiple_of(base + tc * 128, 128)
        return predt_hbm.at[pl.ds(CB0[b], CBS[b]), pl.ds(col0, 128)]

    def issue(k):
        pltpu.async_copy(src(k), bufs[k % 2], sems[k % 2])

    issue(0)
    issue(1)
    pltpu.sync_copy(y_hbm.at[pl.ds(base, IPW)], y_v)

    m1s = [None] * NGR
    m2s = [None] * NGR
    cls = [neg_inf] * NGR

    for k in range(NSTEP):
        tc, b = divmod(k, 2)
        buf = bufs[k % 2]
        rows = CBS[b]
        c0 = CB0[b]
        pltpu.make_async_copy(src(k), buf, sems[k % 2]).wait()

        if b == 0:
            for s in range(NGR):
                m1s[s] = buf[0, pl.ds(s * LANES, LANES)]
                m2s[s] = neg_inf
                cls[s] = neg_inf
            start = 1
        else:
            start = 0

        def jbody(c, carry, buf=buf):
            m1t, m2t = carry
            m1n, m2n = [], []
            for s in range(NGR):
                v = buf[c, pl.ds(s * LANES, LANES)]
                m2n.append(jnp.maximum(m2t[s], jnp.minimum(m1t[s], v)))
                m1n.append(jnp.maximum(m1t[s], v))
            return tuple(m1n), tuple(m2n)

        res = lax.fori_loop(
            start, rows, jbody, (tuple(m1s), tuple(m2s)), unroll=2
        )
        m1s = list(res[0])
        m2s = list(res[1])

        for s in range(NGR):
            yv = y_v[pl.ds(tc * 128 + s * LANES, LANES)]
            rel = yv - c0
            rcl = jnp.minimum(jnp.maximum(rel, 0), rows - 1)
            g = plsc.load_gather(buf, [rcl, lane + s * LANES])
            hit = (rel >= 0) & (rel < rows)
            cls[s] = jnp.where(hit, g, cls[s])

        if b == 1:
            for s in range(NGR):
                tgt = jnp.where(cls[s] == m1s[s], m2s[s], m1s[s])
                loss_v[pl.ds(tc * 128 + s * LANES, LANES)] = tgt - cls[s]

        if k + 2 < NSTEP:
            issue(k + 2)

    pltpu.sync_copy(loss_v, out_hbm.at[pl.ds(base, IPW)])


def kernel(pred, y):
    return _cw_kernel(pred.T, y.astype(jnp.int32))

# --- scband reference (transcript-rebuilt; emitter-appended) ---
"""Pipeline reference for scband-cwloss-38293928411600 (READ-ONLY COPY).

The authoritative reference and input builder live on the scoring server;
editing this copy changes nothing except your own understanding.
"""

import jax, jax.numpy as jnp
import numpy as np

B = 16384
C = 1000

def setup_inputs(seed: int = 0) -> dict:
    key = jax.random.key(seed)
    k1, k2 = jax.random.split(key)
    pred = jax.random.uniform(k1, (B, C), dtype=jnp.float32)  # values in [0, 1)
    y = jax.random.randint(k2, (B,), 0, C, dtype=jnp.int64)
    return {"pred": pred, "y": y}

def reference(pred, y):
    # descending sort along class dim (values and indices)
    order = jnp.argsort(-pred, axis=1)
    pred_sorted = jnp.take_along_axis(pred, order, axis=1)
    # f_y(x): predicted prob of the true class
    class_pred = pred[jnp.arange(pred.shape[0]), y]
    # max_{c != y} f_c(x): top-1 unless top-1 is the true class, then top-2
    target_pred = jnp.where(order[:, 0] == y, pred_sorted[:, 1], pred_sorted[:, 0])
    loss = target_pred - class_pred
    return loss

if __name__ == "__main__":
    import jax
    _d = setup_inputs()
    print(jax.jit(kernel)(*tuple(_d.values())))

</pallas_src>

<mosaic_0001>
#map = affine_map<(d0, d1) -> (0, 0)>
#map1 = affine_map<(d0, d1) -> (0)>
module attributes {stable_mosaic.version = 14 : i64} {
  func.func @_cw_kernel(%arg0: i32, %arg1: i32, %arg2: memref<1000x16384xf32, #tpu.memory_space<hbm>>, %arg3: memref<16384xi32, #tpu.memory_space<hbm>>, %arg4: memref<16384xf32, #tpu.memory_space<hbm>>, %arg5: memref<504x128xf32, #tpu.memory_space<vmem>>, %arg6: memref<496x128xf32, #tpu.memory_space<vmem>>, %arg7: memref<512xi32, #tpu.memory_space<vmem>>, %arg8: memref<512xf32, #tpu.memory_space<vmem>>, %arg9: memref<!tpu.dma_semaphore, #tpu.memory_space<semaphore_mem>>, %arg10: memref<!tpu.dma_semaphore, #tpu.memory_space<semaphore_mem>>) attributes {dimension_semantics = [#tpu.dimension_semantics<core_parallel>, #tpu.dimension_semantics<subcore_parallel>], iteration_bounds = array<i64: 2, 16>, scalar_prefetch = 0 : i64, scratch_operands = 6 : i64, tpu.core_type = #tpu.core_type<sc_vector_subcore>, window_params = [{transform_indices = #map}, {transform_indices = #map1}, {transform_indices = #map1}]} {
    %mul3A = arith.constant 2 : i32
    %mul3A_0 = arith.muli %arg1, %mul3A : i32
    %add3A = arith.addi %mul3A_0, %arg0 : i32
    %mul3A_1 = arith.constant 512 : i32
    %mul3A_2 = arith.muli %add3A, %mul3A_1 : i32
    %multiple_of3A = tpu.assume_multiple %mul3A_2, 512 : i32
    %broadcast_in_dim3A = arith.constant 0xFF800000 : f32
    %broadcast_in_dim3A_3 = vector.broadcast %broadcast_in_dim3A : f32 to vector<16xf32>
    %iota3A = tpu.iota {dimensions = array<i32: 0>} : vector<16xi32>
    %add3A_4 = arith.constant 0 : i32
    %add3A_5 = arith.addi %multiple_of3A, %add3A_4 : i32
    %multiple_of3A_6 = tpu.assume_multiple %add3A_5, 128 : i32
    %dma_start3A = arith.constant 0 : i32
    %dma_start3A_7 = tpu.memref_slice %arg2[%dma_start3A, %multiple_of3A_6] : memref<1000x16384xf32, #tpu.memory_space<hbm>> -> memref<504x128xf32, #tpu.memory_space<hbm>>
    %dma_start3A_8 = arith.constant 0 : i32
    %dma_start3A_9 = tpu.memref_slice %arg2[%dma_start3A_8, %multiple_of3A_6] : memref<1000x16384xf32, #tpu.memory_space<hbm>> -> memref<504x128xf32, #tpu.memory_space<hbm>>
    tpu.enqueue_dma source(%dma_start3A_9 : memref<504x128xf32, #tpu.memory_space<hbm>>) target(%arg5 : memref<504x128xf32, #tpu.memory_space<vmem>>) target_semaphore(%arg9 : memref<!tpu.dma_semaphore, #tpu.memory_space<semaphore_mem>>)
    %add3A_10 = arith.constant 0 : i32
    %add3A_11 = arith.addi %multiple_of3A, %add3A_10 : i32
    %multiple_of3A_12 = tpu.assume_multiple %add3A_11, 128 : i32
    %dma_start3A_13 = arith.constant 504 : i32
    %dma_start3A_14 = tpu.memref_slice %arg2[%dma_start3A_13, %multiple_of3A_12] : memref<1000x16384xf32, #tpu.memory_space<hbm>> -> memref<496x128xf32, #tpu.memory_space<hbm>>
    %dma_start3A_15 = arith.constant 504 : i32
    %dma_start3A_16 = tpu.memref_slice %arg2[%dma_start3A_15, %multiple_of3A_12] : memref<1000x16384xf32, #tpu.memory_space<hbm>> -> memref<496x128xf32, #tpu.memory_space<hbm>>
    tpu.enqueue_dma source(%dma_start3A_16 : memref<496x128xf32, #tpu.memory_space<hbm>>) target(%arg6 : memref<496x128xf32, #tpu.memory_space<vmem>>) target_semaphore(%arg10 : memref<!tpu.dma_semaphore, #tpu.memory_space<semaphore_mem>>)
    "tpu.region"() ({
      %run_scoped3A = tpu.sem_alloc : memref<!tpu.dma_semaphore, #tpu.memory_space<semaphore_mem>>
      %dma_start3A_2110 = tpu.memref_slice %arg3[%multiple_of3A] : memref<16384xi32, #tpu.memory_space<hbm>> -> memref<512xi32, #tpu.memory_space<hbm>>
      %dma_start3A_2111 = tpu.memref_slice %arg3[%multiple_of3A] : memref<16384xi32, #tpu.memory_space<hbm>> -> memref<512xi32, #tpu.memory_space<hbm>>
      tpu.enqueue_dma source(%dma_start3A_2111 : memref<512xi32, #tpu.memory_space<hbm>>) target(%arg7 : memref<512xi32, #tpu.memory_space<vmem>>) target_semaphore(%run_scoped3A : memref<!tpu.dma_semaphore, #tpu.memory_space<semaphore_mem>>)
      %dma_wait3A_2112 = tpu.memref_slice %arg3[%multiple_of3A] : memref<16384xi32, #tpu.memory_space<hbm>> -> memref<512xi32, #tpu.memory_space<hbm>>
      %dma_wait3A_2113 = tpu.memref_slice %arg3[%multiple_of3A] : memref<16384xi32, #tpu.memory_space<hbm>> -> memref<512xi32, #tpu.memory_space<hbm>>
      tpu.wait_dma2 semaphore(%run_scoped3A : memref<!tpu.dma_semaphore, #tpu.memory_space<semaphore_mem>>) src(%dma_wait3A_2113 : memref<512xi32, #tpu.memory_space<hbm>>) dst(%arg7 : memref<512xi32, #tpu.memory_space<vmem>>)
      tpu.yield
    }) : () -> ()
    %add3A_17 = arith.constant 0 : i32
    %add3A_18 = arith.addi %multiple_of3A, %add3A_17 : i32
    %multiple_of3A_19 = tpu.assume_multiple %add3A_18, 128 : i32
    %dma_wait3A = arith.constant 0 : i32
    %dma_wait3A_20 = tpu.memref_slice %arg2[%dma_wait3A, %multiple_of3A_19] : memref<1000x16384xf32, #tpu.memory_space<hbm>> -> memref<504x128xf32, #tpu.memory_space<hbm>>
    %dma_wait3A_21 = arith.constant 0 : i32
    %dma_wait3A_22 = tpu.memref_slice %arg2[%dma_wait3A_21, %multiple_of3A_19] : memref<1000x16384xf32, #tpu.memory_space<hbm>> -> memref<504x128xf32, #tpu.memory_space<hbm>>
    tpu.wait_dma2 semaphore(%arg9 : memref<!tpu.dma_semaphore, #tpu.memory_space<semaphore_mem>>) src(%dma_wait3A_22 : memref<504x128xf32, #tpu.memory_space<hbm>>) dst(%arg5 : memref<504x128xf32, #tpu.memory_space<vmem>>)
    %get3A = arith.constant 0 : i32
    %get3A_23 = arith.index_cast %get3A : i32 to index
    %get3A_24 = arith.constant 0 : index
    %get3A_25 = tpu.vector_load %arg5[%get3A_23, %get3A_24] {strides = array<i32>} : memref<504x128xf32, #tpu.memory_space<vmem>>, vector<16xf32>,
    %get3A_26 = arith.constant 0 : i32
    %get3A_27 = arith.index_cast %get3A_26 : i32 to index
    %get3A_28 = arith.constant 16 : index
    %get3A_29 = tpu.vector_load %arg5[%get3A_27, %get3A_28] {strides = array<i32>} : memref<504x128xf32, #tpu.memory_space<vmem>>, vector<16xf32>,
    %get3A_30 = arith.constant 0 : i32
    %get3A_31 = arith.index_cast %get3A_30 : i32 to index
    %get3A_32 = arith.constant 32 : index
    %get3A_33 = tpu.vector_load %arg5[%get3A_31, %get3A_32] {strides = array<i32>} : memref<504x128xf32, #tpu.memory_space<vmem>>, vector<16xf32>,
    %get3A_34 = arith.constant 0 : i32
    %get3A_35 = arith.index_cast %get3A_34 : i32 to index
    %get3A_36 = arith.constant 48 : index
    %get3A_37 = tpu.vector_load %arg5[%get3A_35, %get3A_36] {strides = array<i32>} : memref<504x128xf32, #tpu.memory_space<vmem>>, vector<16xf32>,
    %get3A_38 = arith.constant 0 : i32
    %get3A_39 = arith.index_cast %get3A_38 : i32 to index
    %get3A_40 = arith.constant 64 : index
    %get3A_41 = tpu.vector_load %arg5[%get3A_39, %get3A_40] {strides = array<i32>} : memref<504x128xf32, #tpu.memory_space<vmem>>, vector<16xf32>,
    %get3A_42 = arith.constant 0 : i32
    %get3A_43 = arith.index_cast %get3A_42 : i32 to index
    %get3A_44 = arith.constant 80 : index
    %get3A_45 = tpu.vector_load %arg5[%get3A_43, %get3A_44] {strides = array<i32>} : memref<504x128xf32, #tpu.memory_space<vmem>>, vector<16xf32>,
    %get3A_46 = arith.constant 0 : i32
    %get3A_47 = arith.index_cast %get3A_46 : i32 to index
    %get3A_48 = arith.constant 96 : index
    %get3A_49 = tpu.vector_load %arg5[%get3A_47, %get3A_48] {strides = array<i32>} : memref<504x128xf32, #tpu.memory_space<vmem>>, vector<16xf32>,
    %get3A_50 = arith.constant 0 : i32
    %get3A_51 = arith.index_cast %get3A_50 : i32 to index
    %get3A_52 = arith.constant 112 : index
    %get3A_53 = tpu.vector_load %arg5[%get3A_51, %get3A_52] {strides = array<i32>} : memref<504x128xf32, #tpu.memory_space<vmem>>, vector<16xf32>,
    %scan3A = arith.constant 1 : i32
    %scan3A_54 = arith.constant 502 : i32
    %scan3A_55 = arith.addi %scan3A, %scan3A_54 : i32
    %scan3A_56 = arith.constant 2 : i32
    %scan3A_57:16 = scf.for %scan3A_2110 = %scan3A to %scan3A_55 step %scan3A_56 iter_args(%scan3A_2111 = %get3A_25, %scan3A_2112 = %get3A_29, %scan3A_2113 = %get3A_33, %scan3A_2114 = %get3A_37, %scan3A_2115 = %get3A_41, %scan3A_2116 = %get3A_45, %scan3A_2117 = %get3A_49, %scan3A_2118 = %get3A_53, %scan3A_2119 = %broadcast_in_dim3A_3, %scan3A_2120 = %broadcast_in_dim3A_3, %scan3A_2121 = %broadcast_in_dim3A_3, %scan3A_2122 = %broadcast_in_dim3A_3, %scan3A_2123 = %broadcast_in_dim3A_3, %scan3A_2124 = %broadcast_in_dim3A_3, %scan3A_2125 = %broadcast_in_dim3A_3, %scan3A_2126 = %broadcast_in_dim3A_3) -> (vector<16xf32>, vector<16xf32>, vector<16xf32>, vector<16xf32>, vector<16xf32>, vector<16xf32>, vector<16xf32>, vector<16xf32>, vector<16xf32>, vector<16xf32>, vector<16xf32>, vector<16xf32>, vector<16xf32>, vector<16xf32>, vector<16xf32>, vector<16xf32>)  : i32 {
      %get3A_2127 = arith.index_cast %scan3A_2110 : i32 to index
      %get3A_2128 = arith.constant 0 : index
      %get3A_2129 = tpu.vector_load %arg5[%get3A_2127, %get3A_2128] {strides = array<i32>} : memref<504x128xf32, #tpu.memory_space<vmem>>, vector<16xf32>,
      %min3A_2130 = arith.minimumf %scan3A_2111, %get3A_2129 : vector<16xf32>
      %max3A_2131 = arith.maximumf %scan3A_2119, %min3A_2130 : vector<16xf32>
      %max3A_2132 = arith.maximumf %scan3A_2111, %get3A_2129 : vector<16xf32>
      %get3A_2133 = arith.index_cast %scan3A_2110 : i32 to index
      %get3A_2134 = arith.constant 16 : index
      %get3A_2135 = tpu.vector_load %arg5[%get3A_2133, %get3A_2134] {strides = array<i32>} : memref<504x128xf32, #tpu.memory_space<vmem>>, vector<16xf32>,
      %min3A_2136 = arith.minimumf %scan3A_2112, %get3A_2135 : vector<16xf32>
      %max3A_2137 = arith.maximumf %scan3A_2120, %min3A_2136 : vector<16xf32>
      %max3A_2138 = arith.maximumf %scan3A_2112, %get3A_2135 : vector<16xf32>
      %get3A_2139 = arith.index_cast %scan3A_2110 : i32 to index
      %get3A_2140 = arith.constant 32 : index
      %get3A_2141 = tpu.vector_load %arg5[%get3A_2139, %get3A_2140] {strides = array<i32>} : memref<504x128xf32, #tpu.memory_space<vmem>>, vector<16xf32>,
      %min3A_2142 = arith.minimumf %scan3A_2113, %get3A_2141 : vector<16xf32>
      %max3A_2143 = arith.maximumf %scan3A_2121, %min3A_2142 : vector<16xf32>
      %max3A_2144 = arith.maximumf %scan3A_2113, %get3A_2141 : vector<16xf32>
      %get3A_2145 = arith.index_cast %scan3A_2110 : i32 to index
      %get3A_2146 = arith.constant 48 : index
      %get3A_2147 = tpu.vector_load %arg5[%get3A_2145, %get3A_2146] {strides = array<i32>} : memref<504x128xf32, #tpu.memory_space<vmem>>, vector<16xf32>,
      %min3A_2148 = arith.minimumf %scan3A_2114, %get3A_2147 : vector<16xf32>
      %max3A_2149 = arith.maximumf %scan3A_2122, %min3A_2148 : vector<16xf32>
      %max3A_2150 = arith.maximumf %scan3A_2114, %get3A_2147 : vector<16xf32>
      %get3A_2151 = arith.index_cast %scan3A_2110 : i32 to index
      %get3A_2152 = arith.constant 64 : index
      %get3A_2153 = tpu.vector_load %arg5[%get3A_2151, %get3A_2152] {strides = array<i32>} : memref<504x128xf32, #tpu.memory_space<vmem>>, vector<16xf32>,
      %min3A_2154 = arith.minimumf %scan3A_2115, %get3A_2153 : vector<16xf32>
      %max3A_2155 = arith.maximumf %scan3A_2123, %min3A_2154 : vector<16xf32>
      %max3A_2156 = arith.maximumf %scan3A_2115, %get3A_2153 : vector<16xf32>
      %get3A_2157 = arith.index_cast %scan3A_2110 : i32 to index
      %get3A_2158 = arith.constant 80 : index
      %get3A_2159 = tpu.vector_load %arg5[%get3A_2157, %get3A_2158] {strides = array<i32>} : memref<504x128xf32, #tpu.memory_space<vmem>>, vector<16xf32>,
      %min3A_2160 = arith.minimumf %scan3A_2116, %get3A_2159 : vector<16xf32>
      %max3A_2161 = arith.maximumf %scan3A_2124, %min3A_2160 : vector<16xf32>
      %max3A_2162 = arith.maximumf %scan3A_2116, %get3A_2159 : vector<16xf32>
      %get3A_2163 = arith.index_cast %scan3A_2110 : i32 to index
      %get3A_2164 = arith.constant 96 : index
      %get3A_2165 = tpu.vector_load %arg5[%get3A_2163, %get3A_2164] {strides = array<i32>} : memref<504x128xf32, #tpu.memory_space<vmem>>, vector<16xf32>,
      %min3A_2166 = arith.minimumf %scan3A_2117, %get3A_2165 : vector<16xf32>
      %max3A_2167 = arith.maximumf %scan3A_2125, %min3A_2166 : vector<16xf32>
      %max3A_2168 = arith.maximumf %scan3A_2117, %get3A_2165 : vector<16xf32>
      %get3A_2169 = arith.index_cast %scan3A_2110 : i32 to index
      %get3A_2170 = arith.constant 112 : index
      %get3A_2171 = tpu.vector_load %arg5[%get3A_2169, %get3A_2170] {strides = array<i32>} : memref<504x128xf32, #tpu.memory_space<vmem>>, vector<16xf32>,
      %min3A_2172 = arith.minimumf %scan3A_2118, %get3A_2171 : vector<16xf32>
      %max3A_2173 = arith.maximumf %scan3A_2126, %min3A_2172 : vector<16xf32>
      %max3A_2174 = arith.maximumf %scan3A_2118, %get3A_2171 : vector<16xf32>
      %scan3A_2175 = arith.constant 1 : i32
      %scan3A_2176 = arith.addi %scan3A_2110, %scan3A_2175 : i32
      %get3A_2177 = arith.index_cast %scan3A_2176 : i32 to index
      %get3A_2178 = arith.constant 0 : index
      %get3A_2179 = tpu.vector_load %arg5[%get3A_2177, %get3A_2178] {strides = array<i32>} : memref<504x128xf32, #tpu.memory_space<vmem>>, vector<16xf32>,
      %min3A_2180 = arith.minimumf %max3A_2132, %get3A_2179 : vector<16xf32>
      %max3A_2181 = arith.maximumf %max3A_2131, %min3A_2180 : vector<16xf32>
      %max3A_2182 = arith.maximumf %max3A_2132, %get3A_2179 : vector<16xf32>
      %get3A_2183 = arith.index_cast %scan3A_2176 : i32 to index
      %get3A_2184 = arith.constant 16 : index
      %get3A_2185 = tpu.vector_load %arg5[%get3A_2183, %get3A_2184] {strides = array<i32>} : memref<504x128xf32, #tpu.memory_space<vmem>>, vector<16xf32>,
      %min3A_2186 = arith.minimumf %max3A_2138, %get3A_2185 : vector<16xf32>
      %max3A_2187 = arith.maximumf %max3A_2137, %min3A_2186 : vector<16xf32>
      %max3A_2188 = arith.maximumf %max3A_2138, %get3A_2185 : vector<16xf32>
      %get3A_2189 = arith.index_cast %scan3A_2176 : i32 to index
      %get3A_2190 = arith.constant 32 : index
      %get3A_2191 = tpu.vector_load %arg5[%get3A_2189, %get3A_2190] {strides = array<i32>} : memref<504x128xf32, #tpu.memory_space<vmem>>, vector<16xf32>,
      %min3A_2192 = arith.minimumf %max3A_2144, %get3A_2191 : vector<16xf32>
      %max3A_2193 = arith.maximumf %max3A_2143, %min3A_2192 : vector<16xf32>
      %max3A_2194 = arith.maximumf %max3A_2144, %get3A_2191 : vector<16xf32>
      %get3A_2195 = arith.index_cast %scan3A_2176 : i32 to index
      %get3A_2196 = arith.constant 48 : index
      %get3A_2197 = tpu.vector_load %arg5[%get3A_2195, %get3A_2196] {strides = array<i32>} : memref<504x128xf32, #tpu.memory_space<vmem>>, vector<16xf32>,
      %min3A_2198 = arith.minimumf %max3A_2150, %get3A_2197 : vector<16xf32>
      %max3A_2199 = arith.maximumf %max3A_2149, %min3A_2198 : vector<16xf32>
      %max3A_2200 = arith.maximumf %max3A_2150, %get3A_2197 : vector<16xf32>
      %get3A_2201 = arith.index_cast %scan3A_2176 : i32 to index
      %get3A_2202 = arith.constant 64 : index
      %get3A_2203 = tpu.vector_load %arg5[%get3A_2201, %get3A_2202] {strides = array<i32>} : memref<504x128xf32, #tpu.memory_space<vmem>>, vector<16xf32>,
      %min3A_2204 = arith.minimumf %max3A_2156, %get3A_2203 : vector<16xf32>
      %max3A_2205 = arith.maximumf %max3A_2155, %min3A_2204 : vector<16xf32>
      %max3A_2206 = arith.maximumf %max3A_2156, %get3A_2203 : vector<16xf32>
      %get3A_2207 = arith.index_cast %scan3A_2176 : i32 to index
      %get3A_2208 = arith.constant 80 : index
      %get3A_2209 = tpu.vector_load %arg5[%get3A_2207, %get3A_2208] {strides = array<i32>} : memref<504x128xf32, #tpu.memory_space<vmem>>, vector<16xf32>,
      %min3A_2210 = arith.minimumf %max3A_2162, %get3A_2209 : vector<16xf32>
      %max3A_2211 = arith.maximumf %max3A_2161, %min3A_2210 : vector<16xf32>
      %max3A_2212 = arith.maximumf %max3A_2162, %get3A_2209 : vector<16xf32>
      %get3A_2213 = arith.index_cast %scan3A_2176 : i32 to index
      %get3A_2214 = arith.constant 96 : index
      %get3A_2215 = tpu.vector_load %arg5[%get3A_2213, %get3A_2214] {strides = array<i32>} : memref<504x128xf32, #tpu.memory_space<vmem>>, vector<16xf32>,
      %min3A_2216 = arith.minimumf %max3A_2168, %get3A_2215 : vector<16xf32>
      %max3A_2217 = arith.maximumf %max3A_2167, %min3A_2216 : vector<16xf32>
      %max3A_2218 = arith.maximumf %max3A_2168, %get3A_2215 : vector<16xf32>
      %get3A_2219 = arith.index_cast %scan3A_2176 : i32 to index
      %get3A_2220 = arith.constant 112 : index
      %get3A_2221 = tpu.vector_load %arg5[%get3A_2219, %get3A_2220] {strides = array<i32>} : memref<504x128xf32, #tpu.memory_space<vmem>>, vector<16xf32>,
      %min3A_2222 = arith.minimumf %max3A_2174, %get3A_2221 : vector<16xf32>
      %max3A_2223 = arith.maximumf %max3A_2173, %min3A_2222 : vector<16xf32>
      %max3A_2224 = arith.maximumf %max3A_2174, %get3A_2221 : vector<16xf32>
      scf.yield %max3A_2182, %max3A_2188, %max3A_2194, %max3A_2200, %max3A_2206, %max3A_2212, %max3A_2218, %max3A_2224, %max3A_2181, %max3A_2187, %max3A_2193, %max3A_2199, %max3A_2205, %max3A_2211, %max3A_2217, %max3A_2223 : vector<16xf32>, vector<16xf32>, vector<16xf32>, vector<16xf32>, vector<16xf32>, vector<16xf32>, vector<16xf32>, vector<16xf32>, vector<16xf32>, vector<16xf32>, vector<16xf32>, vector<16xf32>, vector<16xf32>, vector<16xf32>, vector<16xf32>, vector<16xf32>
    }
    %scan3A_58 = arith.constant 502 : i32
    %scan3A_59 = arith.addi %scan3A, %scan3A_58 : i32
    %get3A_60 = arith.index_cast %scan3A_59 : i32 to index
    %get3A_61 = arith.constant 0 : index
    %get3A_62 = tpu.vector_load %arg5[%get3A_60, %get3A_61] {strides = array<i32>} : memref<504x128xf32, #tpu.memory_space<vmem>>, vector<16xf32>,
    %min3A = arith.minimumf %scan3A_57#0, %get3A_62 : vector<16xf32>
    %max3A = arith.maximumf %scan3A_57#8, %min3A : vector<16xf32>
    %max3A_63 = arith.maximumf %scan3A_57#0, %get3A_62 : vector<16xf32>
    %get3A_64 = arith.index_cast %scan3A_59 : i32 to index
    %get3A_65 = arith.constant 16 : index
    %get3A_66 = tpu.vector_load %arg5[%get3A_64, %get3A_65] {strides = array<i32>} : memref<504x128xf32, #tpu.memory_space<vmem>>, vector<16xf32>,
    %min3A_67 = arith.minimumf %scan3A_57#1, %get3A_66 : vector<16xf32>
    %max3A_68 = arith.maximumf %scan3A_57#9, %min3A_67 : vector<16xf32>
    %max3A_69 = arith.maximumf %scan3A_57#1, %get3A_66 : vector<16xf32>
    %get3A_70 = arith.index_cast %scan3A_59 : i32 to index
    %get3A_71 = arith.constant 32 : index
    %get3A_72 = tpu.vector_load %arg5[%get3A_70, %get3A_71] {strides = array<i32>} : memref<504x128xf32, #tpu.memory_space<vmem>>, vector<16xf32>,
    %min3A_73 = arith.minimumf %scan3A_57#2, %get3A_72 : vector<16xf32>
    %max3A_74 = arith.maximumf %scan3A_57#10, %min3A_73 : vector<16xf32>
    %max3A_75 = arith.maximumf %scan3A_57#2, %get3A_72 : vector<16xf32>
    %get3A_76 = arith.index_cast %scan3A_59 : i32 to index
    %get3A_77 = arith.constant 48 : index
    %get3A_78 = tpu.vector_load %arg5[%get3A_76, %get3A_77] {strides = array<i32>} : memref<504x128xf32, #tpu.memory_space<vmem>>, vector<16xf32>,
    %min3A_79 = arith.minimumf %scan3A_57#3, %get3A_78 : vector<16xf32>
    %max3A_80 = arith.maximumf %scan3A_57#11, %min3A_79 : vector<16xf32>
    %max3A_81 = arith.maximumf %scan3A_57#3, %get3A_78 : vector<16xf32>
    %get3A_82 = arith.index_cast %scan3A_59 : i32 to index
    %get3A_83 = arith.constant 64 : index
    %get3A_84 = tpu.vector_load %arg5[%get3A_82, %get3A_83] {strides = array<i32>} : memref<504x128xf32, #tpu.memory_space<vmem>>, vector<16xf32>,
    %min3A_85 = arith.minimumf %scan3A_57#4, %get3A_84 : vector<16xf32>
    %max3A_86 = arith.maximumf %scan3A_57#12, %min3A_85 : vector<16xf32>
    %max3A_87 = arith.maximumf %scan3A_57#4, %get3A_84 : vector<16xf32>
    %get3A_88 = arith.index_cast %scan3A_59 : i32 to index
    %get3A_89 = arith.constant 80 : index
    %get3A_90 = tpu.vector_load %arg5[%get3A_88, %get3A_89] {strides = array<i32>} : memref<504x128xf32, #tpu.memory_space<vmem>>, vector<16xf32>,
    %min3A_91 = arith.minimumf %scan3A_57#5, %get3A_90 : vector<16xf32>
    %max3A_92 = arith.maximumf %scan3A_57#13, %min3A_91 : vector<16xf32>
    %max3A_93 = arith.maximumf %scan3A_57#5, %get3A_90 : vector<16xf32>
    %get3A_94 = arith.index_cast %scan3A_59 : i32 to index
    %get3A_95 = arith.constant 96 : index
    %get3A_96 = tpu.vector_load %arg5[%get3A_94, %get3A_95] {strides = array<i32>} : memref<504x128xf32, #tpu.memory_space<vmem>>, vector<16xf32>,
    %min3A_97 = arith.minimumf %scan3A_57#6, %get3A_96 : vector<16xf32>
    %max3A_98 = arith.maximumf %scan3A_57#14, %min3A_97 : vector<16xf32>
    %max3A_99 = arith.maximumf %scan3A_57#6, %get3A_96 : vector<16xf32>
    %get3A_100 = arith.index_cast %scan3A_59 : i32 to index
    %get3A_101 = arith.constant 112 : index
    %get3A_102 = tpu.vector_load %arg5[%get3A_100, %get3A_101] {strides = array<i32>} : memref<504x128xf32, #tpu.memory_space<vmem>>, vector<16xf32>,
    %min3A_103 = arith.minimumf %scan3A_57#7, %get3A_102 : vector<16xf32>
    %max3A_104 = arith.maximumf %scan3A_57#15, %min3A_103 : vector<16xf32>
    %max3A_105 = arith.maximumf %scan3A_57#7, %get3A_102 : vector<16xf32>
    %scan3A_106 = arith.constant 503 : i32
    %get3A_107 = arith.constant 0 : index
    %get3A_108 = tpu.vector_load %arg7[%get3A_107] {strides = array<i32>} : memref<512xi32, #tpu.memory_space<vmem>>, vector<16xi32>,
    %sub3A = arith.constant 0 : i32
    %sub3A_109 = vector.broadcast %sub3A : i32 to vector<16xi32>
    %sub3A_110 = arith.subi %get3A_108, %sub3A_109 : vector<16xi32>
    %max3A_111 = arith.constant 0 : i32
    %max3A_112 = vector.broadcast %max3A_111 : i32 to vector<16xi32>
    %max3A_113 = arith.maxsi %sub3A_110, %max3A_112 : vector<16xi32>
    %min3A_114 = arith.constant 503 : i32
    %min3A_115 = vector.broadcast %min3A_114 : i32 to vector<16xi32>
    %min3A_116 = arith.minsi %max3A_113, %min3A_115 : vector<16xi32>
    %add3A_117 = arith.constant 0 : i32
    %add3A_118 = vector.broadcast %add3A_117 : i32 to vector<16xi32>
    %add3A_119 = arith.addi %iota3A, %add3A_118 : vector<16xi32>
    %gather3A = tpu.vector_load_idx %arg5[%min3A_116, %add3A_119] : memref<504x128xf32, #tpu.memory_space<vmem>>[vector<16xi32>, vector<16xi32>], vector<16xf32>,
    %ge3A = arith.constant 0 : i32
    %ge3A_120 = vector.broadcast %ge3A : i32 to vector<16xi32>
    %ge3A_121 = arith.cmpi sge, %sub3A_110, %ge3A_120 : vector<16xi32>
    %lt3A = arith.constant 504 : i32
    %lt3A_122 = vector.broadcast %lt3A : i32 to vector<16xi32>
    %lt3A_123 = arith.cmpi slt, %sub3A_110, %lt3A_122 : vector<16xi32>
    %and3A = arith.andi %ge3A_121, %lt3A_123 : vector<16xi1>
    %select_n3A = arith.select %and3A, %gather3A, %broadcast_in_dim3A_3 : vector<16xi1>, vector<16xf32>
    %get3A_124 = arith.constant 16 : index
    %get3A_125 = tpu.vector_load %arg7[%get3A_124] {strides = array<i32>} : memref<512xi32, #tpu.memory_space<vmem>>, vector<16xi32>,
    %sub3A_126 = arith.constant 0 : i32
    %sub3A_127 = vector.broadcast %sub3A_126 : i32 to vector<16xi32>
    %sub3A_128 = arith.subi %get3A_125, %sub3A_127 : vector<16xi32>
    %max3A_129 = arith.constant 0 : i32
    %max3A_130 = vector.broadcast %max3A_129 : i32 to vector<16xi32>
    %max3A_131 = arith.maxsi %sub3A_128, %max3A_130 : vector<16xi32>
    %min3A_132 = arith.constant 503 : i32
    %min3A_133 = vector.broadcast %min3A_132 : i32 to vector<16xi32>
    %min3A_134 = arith.minsi %max3A_131, %min3A_133 : vector<16xi32>
    %add3A_135 = arith.constant 16 : i32
    %add3A_136 = vector.broadcast %add3A_135 : i32 to vector<16xi32>
    %add3A_137 = arith.addi %iota3A, %add3A_136 : vector<16xi32>
    %gather3A_138 = tpu.vector_load_idx %arg5[%min3A_134, %add3A_137] : memref<504x128xf32, #tpu.memory_space<vmem>>[vector<16xi32>, vector<16xi32>], vector<16xf32>,
    %ge3A_139 = arith.constant 0 : i32
    %ge3A_140 = vector.broadcast %ge3A_139 : i32 to vector<16xi32>
    %ge3A_141 = arith.cmpi sge, %sub3A_128, %ge3A_140 : vector<16xi32>
    %lt3A_142 = arith.constant 504 : i32
    %lt3A_143 = vector.broadcast %lt3A_142 : i32 to vector<16xi32>
    %lt3A_144 = arith.cmpi slt, %sub3A_128, %lt3A_143 : vector<16xi32>
    %and3A_145 = arith.andi %ge3A_141, %lt3A_144 : vector<16xi1>
    %select_n3A_146 = arith.select %and3A_145, %gather3A_138, %broadcast_in_dim3A_3 : vector<16xi1>, vector<16xf32>
    %get3A_147 = arith.constant 32 : index
    %get3A_148 = tpu.vector_load %arg7[%get3A_147] {strides = array<i32>} : memref<512xi32, #tpu.memory_space<vmem>>, vector<16xi32>,
    %sub3A_149 = arith.constant 0 : i32
    %sub3A_150 = vector.broadcast %sub3A_149 : i32 to vector<16xi32>
    %sub3A_151 = arith.subi %get3A_148, %sub3A_150 : vector<16xi32>
    %max3A_152 = arith.constant 0 : i32
    %max3A_153 = vector.broadcast %max3A_152 : i32 to vector<16xi32>
    %max3A_154 = arith.maxsi %sub3A_151, %max3A_153 : vector<16xi32>
    %min3A_155 = arith.constant 503 : i32
    %min3A_156 = vector.broadcast %min3A_155 : i32 to vector<16xi32>
    %min3A_157 = arith.minsi %max3A_154, %min3A_156 : vector<16xi32>
    %add3A_158 = arith.constant 32 : i32
    %add3A_159 = vector.broadcast %add3A_158 : i32 to vector<16xi32>
    %add3A_160 = arith.addi %iota3A, %add3A_159 : vector<16xi32>
    %gather3A_161 = tpu.vector_load_idx %arg5[%min3A_157, %add3A_160] : memref<504x128xf32, #tpu.memory_space<vmem>>[vector<16xi32>, vector<16xi32>], vector<16xf32>,
    %ge3A_162 = arith.constant 0 : i32
    %ge3A_163 = vector.broadcast %ge3A_162 : i32 to vector<16xi32>
    %ge3A_164 = arith.cmpi sge, %sub3A_151, %ge3A_163 : vector<16xi32>
    %lt3A_165 = arith.constant 504 : i32
    %lt3A_166 = vector.broadcast %lt3A_165 : i32 to vector<16xi32>
    %lt3A_167 = arith.cmpi slt, %sub3A_151, %lt3A_166 : vector<16xi32>
    %and3A_168 = arith.andi %ge3A_164, %lt3A_167 : vector<16xi1>
    %select_n3A_169 = arith.select %and3A_168, %gather3A_161, %broadcast_in_dim3A_3 : vector<16xi1>, vector<16xf32>
    %get3A_170 = arith.constant 48 : index
    %get3A_171 = tpu.vector_load %arg7[%get3A_170] {strides = array<i32>} : memref<512xi32, #tpu.memory_space<vmem>>, vector<16xi32>,
    %sub3A_172 = arith.constant 0 : i32
    %sub3A_173 = vector.broadcast %sub3A_172 : i32 to vector<16xi32>
    %sub3A_174 = arith.subi %get3A_171, %sub3A_173 : vector<16xi32>
    %max3A_175 = arith.constant 0 : i32
    %max3A_176 = vector.broadcast %max3A_175 : i32 to vector<16xi32>
    %max3A_177 = arith.maxsi %sub3A_174, %max3A_176 : vector<16xi32>
    %min3A_178 = arith.constant 503 : i32
    %min3A_179 = vector.broadcast %min3A_178 : i32 to vector<16xi32>
    %min3A_180 = arith.minsi %max3A_177, %min3A_179 : vector<16xi32>
    %add3A_181 = arith.constant 48 : i32
    %add3A_182 = vector.broadcast %add3A_181 : i32 to vector<16xi32>
    %add3A_183 = arith.addi %iota3A, %add3A_182 : vector<16xi32>
    %gather3A_184 = tpu.vector_load_idx %arg5[%min3A_180, %add3A_183] : memref<504x128xf32, #tpu.memory_space<vmem>>[vector<16xi32>, vector<16xi32>], vector<16xf32>,
    %ge3A_185 = arith.constant 0 : i32
    %ge3A_186 = vector.broadcast %ge3A_185 : i32 to vector<16xi32>
    %ge3A_187 = arith.cmpi sge, %sub3A_174, %ge3A_186 : vector<16xi32>
    %lt3A_188 = arith.constant 504 : i32
    %lt3A_189 = vector.broadcast %lt3A_188 : i32 to vector<16xi32>
    %lt3A_190 = arith.cmpi slt, %sub3A_174, %lt3A_189 : vector<16xi32>
    %and3A_191 = arith.andi %ge3A_187, %lt3A_190 : vector<16xi1>
    %select_n3A_192 = arith.select %and3A_191, %gather3A_184, %broadcast_in_dim3A_3 : vector<16xi1>, vector<16xf32>
    %get3A_193 = arith.constant 64 : index
    %get3A_194 = tpu.vector_load %arg7[%get3A_193] {strides = array<i32>} : memref<512xi32, #tpu.memory_space<vmem>>, vector<16xi32>,
    %sub3A_195 = arith.constant 0 : i32
    %sub3A_196 = vector.broadcast %sub3A_195 : i32 to vector<16xi32>
    %sub3A_197 = arith.subi %get3A_194, %sub3A_196 : vector<16xi32>
    %max3A_198 = arith.constant 0 : i32
    %max3A_199 = vector.broadcast %max3A_198 : i32 to vector<16xi32>
    %max3A_200 = arith.maxsi %sub3A_197, %max3A_199 : vector<16xi32>
    %min3A_201 = arith.constant 503 : i32
    %min3A_202 = vector.broadcast %min3A_201 : i32 to vector<16xi32>
    %min3A_203 = arith.minsi %max3A_200, %min3A_202 : vector<16xi32>
    %add3A_204 = arith.constant 64 : i32
    %add3A_205 = vector.broadcast %add3A_204 : i32 to vector<16xi32>
    %add3A_206 = arith.addi %iota3A, %add3A_205 : vector<16xi32>
    %gather3A_207 = tpu.vector_load_idx %arg5[%min3A_203, %add3A_206] : memref<504x128xf32, #tpu.memory_space<vmem>>[vector<16xi32>, vector<16xi32>], vector<16xf32>,
    %ge3A_208 = arith.constant 0 : i32
    %ge3A_209 = vector.broadcast %ge3A_208 : i32 to vector<16xi32>
    %ge3A_210 = arith.cmpi sge, %sub3A_197, %ge3A_209 : vector<16xi32>
    %lt3A_211 = arith.constant 504 : i32
    %lt3A_212 = vector.broadcast %lt3A_211 : i32 to vector<16xi32>
    %lt3A_213 = arith.cmpi slt, %sub3A_197, %lt3A_212 : vector<16xi32>
    %and3A_214 = arith.andi %ge3A_210, %lt3A_213 : vector<16xi1>
    %select_n3A_215 = arith.select %and3A_214, %gather3A_207, %broadcast_in_dim3A_3 : vector<16xi1>, vector<16xf32>
    %get3A_216 = arith.constant 80 : index
    %get3A_217 = tpu.vector_load %arg7[%get3A_216] {strides = array<i32>} : memref<512xi32, #tpu.memory_space<vmem>>, vector<16xi32>,
    %sub3A_218 = arith.constant 0 : i32
    %sub3A_219 = vector.broadcast %sub3A_218 : i32 to vector<16xi32>
    %sub3A_220 = arith.subi %get3A_217, %sub3A_219 : vector<16xi32>
    %max3A_221 = arith.constant 0 : i32
    %max3A_222 = vector.broadcast %max3A_221 : i32 to vector<16xi32>
    %max3A_223 = arith.maxsi %sub3A_220, %max3A_222 : vector<16xi32>
    %min3A_224 = arith.constant 503 : i32
    %min3A_225 = vector.broadcast %min3A_224 : i32 to vector<16xi32>
    %min3A_226 = arith.minsi %max3A_223, %min3A_225 : vector<16xi32>
    %add3A_227 = arith.constant 80 : i32
    %add3A_228 = vector.broadcast %add3A_227 : i32 to vector<16xi32>
    %add3A_229 = arith.addi %iota3A, %add3A_228 : vector<16xi32>
    %gather3A_230 = tpu.vector_load_idx %arg5[%min3A_226, %add3A_229] : memref<504x128xf32, #tpu.memory_space<vmem>>[vector<16xi32>, vector<16xi32>], vector<16xf32>,
    %ge3A_231 = arith.constant 0 : i32
    %ge3A_232 = vector.broadcast %ge3A_231 : i32 to vector<16xi32>
    %ge3A_233 = arith.cmpi sge, %sub3A_220, %ge3A_232 : vector<16xi32>
    %lt3A_234 = arith.constant 504 : i32
    %lt3A_235 = vector.broadcast %lt3A_234 : i32 to vector<16xi32>
    %lt3A_236 = arith.cmpi slt, %sub3A_220, %lt3A_235 : vector<16xi32>
    %and3A_237 = arith.andi %ge3A_233, %lt3A_236 : vector<16xi1>
    %select_n3A_238 = arith.select %and3A_237, %gather3A_230, %broadcast_in_dim3A_3 : vector<16xi1>, vector<16xf32>
    %get3A_239 = arith.constant 96 : index
    %get3A_240 = tpu.vector_load %arg7[%get3A_239] {strides = array<i32>} : memref<512xi32, #tpu.memory_space<vmem>>, vector<16xi32>,
    %sub3A_241 = arith.constant 0 : i32
    %sub3A_242 = vector.broadcast %sub3A_241 : i32 to vector<16xi32>
    %sub3A_243 = arith.subi %get3A_240, %sub3A_242 : vector<16xi32>
    %max3A_244 = arith.constant 0 : i32
    %max3A_245 = vector.broadcast %max3A_244 : i32 to vector<16xi32>
    %max3A_246 = arith.maxsi %sub3A_243, %max3A_245 : vector<16xi32>
    %min3A_247 = arith.constant 503 : i32
    %min3A_248 = vector.broadcast %min3A_247 : i32 to vector<16xi32>
    %min3A_249 = arith.minsi %max3A_246, %min3A_248 : vector<16xi32>
    %add3A_250 = arith.constant 96 : i32
    %add3A_251 = vector.broadcast %add3A_250 : i32 to vector<16xi32>
    %add3A_252 = arith.addi %iota3A, %add3A_251 : vector<16xi32>
    %gather3A_253 = tpu.vector_load_idx %arg5[%min3A_249, %add3A_252] : memref<504x128xf32, #tpu.memory_space<vmem>>[vector<16xi32>, vector<16xi32>], vector<16xf32>,
    %ge3A_254 = arith.constant 0 : i32
    %ge3A_255 = vector.broadcast %ge3A_254 : i32 to vector<16xi32>
    %ge3A_256 = arith.cmpi sge, %sub3A_243, %ge3A_255 : vector<16xi32>
    %lt3A_257 = arith.constant 504 : i32
    %lt3A_258 = vector.broadcast %lt3A_257 : i32 to vector<16xi32>
    %lt3A_259 = arith.cmpi slt, %sub3A_243, %lt3A_258 : vector<16xi32>
    %and3A_260 = arith.andi %ge3A_256, %lt3A_259 : vector<16xi1>
    %select_n3A_261 = arith.select %and3A_260, %gather3A_253, %broadcast_in_dim3A_3 : vector<16xi1>, vector<16xf32>
    %get3A_262 = arith.constant 112 : index
    %get3A_263 = tpu.vector_load %arg7[%get3A_262] {strides = array<i32>} : memref<512xi32, #tpu.memory_space<vmem>>, vector<16xi32>,
    %sub3A_264 = arith.constant 0 : i32
    %sub3A_265 = vector.broadcast %sub3A_264 : i32 to vector<16xi32>
    %sub3A_266 = arith.subi %get3A_263, %sub3A_265 : vector<16xi32>
    %max3A_267 = arith.constant 0 : i32
    %max3A_268 = vector.broadcast %max3A_267 : i32 to vector<16xi32>
    %max3A_269 = arith.maxsi %sub3A_266, %max3A_268 : vector<16xi32>
    %min3A_270 = arith.constant 503 : i32
    %min3A_271 = vector.broadcast %min3A_270 : i32 to vector<16xi32>
    %min3A_272 = arith.minsi %max3A_269, %min3A_271 : vector<16xi32>
    %add3A_273 = arith.constant 112 : i32
    %add3A_274 = vector.broadcast %add3A_273 : i32 to vector<16xi32>
    %add3A_275 = arith.addi %iota3A, %add3A_274 : vector<16xi32>
    %gather3A_276 = tpu.vector_load_idx %arg5[%min3A_272, %add3A_275] : memref<504x128xf32, #tpu.memory_space<vmem>>[vector<16xi32>, vector<16xi32>], vector<16xf32>,
    %ge3A_277 = arith.constant 0 : i32
    %ge3A_278 = vector.broadcast %ge3A_277 : i32 to vector<16xi32>
    %ge3A_279 = arith.cmpi sge, %sub3A_266, %ge3A_278 : vector<16xi32>
    %lt3A_280 = arith.constant 504 : i32
    %lt3A_281 = vector.broadcast %lt3A_280 : i32 to vector<16xi32>
    %lt3A_282 = arith.cmpi slt, %sub3A_266, %lt3A_281 : vector<16xi32>
    %and3A_283 = arith.andi %ge3A_279, %lt3A_282 : vector<16xi1>
    %select_n3A_284 = arith.select %and3A_283, %gather3A_276, %broadcast_in_dim3A_3 : vector<16xi1>, vector<16xf32>
    %add3A_285 = arith.constant 128 : i32
    %add3A_286 = arith.addi %multiple_of3A, %add3A_285 : i32
    %multiple_of3A_287 = tpu.assume_multiple %add3A_286, 128 : i32
    %dma_start3A_288 = arith.constant 0 : i32
    %dma_start3A_289 = tpu.memref_slice %arg2[%dma_start3A_288, %multiple_of3A_287] : memref<1000x16384xf32, #tpu.memory_space<hbm>> -> memref<504x128xf32, #tpu.memory_space<hbm>>
    %dma_start3A_290 = arith.constant 0 : i32
    %dma_start3A_291 = tpu.memref_slice %arg2[%dma_start3A_290, %multiple_of3A_287] : memref<1000x16384xf32, #tpu.memory_space<hbm>> -> memref<504x128xf32, #tpu.memory_space<hbm>>
    tpu.enqueue_dma source(%dma_start3A_291 : memref<504x128xf32, #tpu.memory_space<hbm>>) target(%arg5 : memref<504x128xf32, #tpu.memory_space<vmem>>) target_semaphore(%arg9 : memref<!tpu.dma_semaphore, #tpu.memory_space<semaphore_mem>>)
    %add3A_292 = arith.constant 0 : i32
    %add3A_293 = arith.addi %multiple_of3A, %add3A_292 : i32
    %multiple_of3A_294 = tpu.assume_multiple %add3A_293, 128 : i32
    %dma_wait3A_295 = arith.constant 504 : i32
    %dma_wait3A_296 = tpu.memref_slice %arg2[%dma_wait3A_295, %multiple_of3A_294] : memref<1000x16384xf32, #tpu.memory_space<hbm>> -> memref<496x128xf32, #tpu.memory_space<hbm>>
    %dma_wait3A_297 = arith.constant 504 : i32
    %dma_wait3A_298 = tpu.memref_slice %arg2[%dma_wait3A_297, %multiple_of3A_294] : memref<1000x16384xf32, #tpu.memory_space<hbm>> -> memref<496x128xf32, #tpu.memory_space<hbm>>
    tpu.wait_dma2 semaphore(%arg10 : memref<!tpu.dma_semaphore, #tpu.memory_space<semaphore_mem>>) src(%dma_wait3A_298 : memref<496x128xf32, #tpu.memory_space<hbm>>) dst(%arg6 : memref<496x128xf32, #tpu.memory_space<vmem>>)
    %scan3A_299 = arith.constant 0 : i32
    %scan3A_300 = arith.constant 496 : i32
    %scan3A_301 = arith.addi %scan3A_299, %scan3A_300 : i32
    %scan3A_302 = arith.constant 2 : i32
    %scan3A_303:16 = scf.for %scan3A_2110 = %scan3A_299 to %scan3A_301 step %scan3A_302 iter_args(%scan3A_2111 = %max3A_63, %scan3A_2112 = %max3A_69, %scan3A_2113 = %max3A_75, %scan3A_2114 = %max3A_81, %scan3A_2115 = %max3A_87, %scan3A_2116 = %max3A_93, %scan3A_2117 = %max3A_99, %scan3A_2118 = %max3A_105, %scan3A_2119 = %max3A, %scan3A_2120 = %max3A_68, %scan3A_2121 = %max3A_74, %scan3A_2122 = %max3A_80, %scan3A_2123 = %max3A_86, %scan3A_2124 = %max3A_92, %scan3A_2125 = %max3A_98, %scan3A_2126 = %max3A_104) -> (vector<16xf32>, vector<16xf32>, vector<16xf32>, vector<16xf32>, vector<16xf32>, vector<16xf32>, vector<16xf32>, vector<16xf32>, vector<16xf32>, vector<16xf32>, vector<16xf32>, vector<16xf32>, vector<16xf32>, vector<16xf32>, vector<16xf32>, vector<16xf32>)  : i32 {
      %get3A_2127 = arith.index_cast %scan3A_2110 : i32 to index
      %get3A_2128 = arith.constant 0 : index
      %get3A_2129 = tpu.vector_load %arg6[%get3A_2127, %get3A_2128] {strides = array<i32>} : memref<496x128xf32, #tpu.memory_space<vmem>>, vector<16xf32>,
      %min3A_2130 = arith.minimumf %scan3A_2111, %get3A_2129 : vector<16xf32>
      %max3A_2131 = arith.maximumf %scan3A_2119, %min3A_2130 : vector<16xf32>
      %max3A_2132 = arith.maximumf %scan3A_2111, %get3A_2129 : vector<16xf32>
      %get3A_2133 = arith.index_cast %scan3A_2110 : i32 to index
      %get3A_2134 = arith.constant 16 : index
      %get3A_2135 = tpu.vector_load %arg6[%get3A_2133, %get3A_2134] {strides = array<i32>} : memref<496x128xf32, #tpu.memory_space<vmem>>, vector<16xf32>,
      %min3A_2136 = arith.minimumf %scan3A_2112, %get3A_2135 : vector<16xf32>
      %max3A_2137 = arith.maximumf %scan3A_2120, %min3A_2136 : vector<16xf32>
      %max3A_2138 = arith.maximumf %scan3A_2112, %get3A_2135 : vector<16xf32>
      %get3A_2139 = arith.index_cast %scan3A_2110 : i32 to index
      %get3A_2140 = arith.constant 32 : index
      %get3A_2141 = tpu.vector_load %arg6[%get3A_2139, %get3A_2140] {strides = array<i32>} : memref<496x128xf32, #tpu.memory_space<vmem>>, vector<16xf32>,
      %min3A_2142 = arith.minimumf %scan3A_2113, %get3A_2141 : vector<16xf32>
      %max3A_2143 = arith.maximumf %scan3A_2121, %min3A_2142 : vector<16xf32>
      %max3A_2144 = arith.maximumf %scan3A_2113, %get3A_2141 : vector<16xf32>
      %get3A_2145 = arith.index_cast %scan3A_2110 : i32 to index
      %get3A_2146 = arith.constant 48 : index
      %get3A_2147 = tpu.vector_load %arg6[%get3A_2145, %get3A_2146] {strides = array<i32>} : memref<496x128xf32, #tpu.memory_space<vmem>>, vector<16xf32>,
      %min3A_2148 = arith.minimumf %scan3A_2114, %get3A_2147 : vector<16xf32>
      %max3A_2149 = arith.maximumf %scan3A_2122, %min3A_2148 : vector<16xf32>
      %max3A_2150 = arith.maximumf %scan3A_2114, %get3A_2147 : vector<16xf32>
      %get3A_2151 = arith.index_cast %scan3A_2110 : i32 to index
      %get3A_2152 = arith.constant 64 : index
      %get3A_2153 = tpu.vector_load %arg6[%get3A_2151, %get3A_2152] {strides = array<i32>} : memref<496x128xf32, #tpu.memory_space<vmem>>, vector<16xf32>,
      %min3A_2154 = arith.minimumf %scan3A_2115, %get3A_2153 : vector<16xf32>
      %max3A_2155 = arith.maximumf %scan3A_2123, %min3A_2154 : vector<16xf32>
      %max3A_2156 = arith.maximumf %scan3A_2115, %get3A_2153 : vector<16xf32>
      %get3A_2157 = arith.index_cast %scan3A_2110 : i32 to index
      %get3A_2158 = arith.constant 80 : index
      %get3A_2159 = tpu.vector_load %arg6[%get3A_2157, %get3A_2158] {strides = array<i32>} : memref<496x128xf32, #tpu.memory_space<vmem>>, vector<16xf32>,
      %min3A_2160 = arith.minimumf %scan3A_2116, %get3A_2159 : vector<16xf32>
      %max3A_2161 = arith.maximumf %scan3A_2124, %min3A_2160 : vector<16xf32>
      %max3A_2162 = arith.maximumf %scan3A_2116, %get3A_2159 : vector<16xf32>
      %get3A_2163 = arith.index_cast %scan3A_2110 : i32 to index
      %get3A_2164 = arith.constant 96 : index
      %get3A_2165 = tpu.vector_load %arg6[%get3A_2163, %get3A_2164] {strides = array<i32>} : memref<496x128xf32, #tpu.memory_space<vmem>>, vector<16xf32>,
      %min3A_2166 = arith.minimumf %scan3A_2117, %get3A_2165 : vector<16xf32>
      %max3A_2167 = arith.maximumf %scan3A_2125, %min3A_2166 : vector<16xf32>
      %max3A_2168 = arith.maximumf %scan3A_2117, %get3A_2165 : vector<16xf32>
      %get3A_2169 = arith.index_cast %scan3A_2110 : i32 to index
      %get3A_2170 = arith.constant 112 : index
      %get3A_2171 = tpu.vector_load %arg6[%get3A_2169, %get3A_2170] {strides = array<i32>} : memref<496x128xf32, #tpu.memory_space<vmem>>, vector<16xf32>,
      %min3A_2172 = arith.minimumf %scan3A_2118, %get3A_2171 : vector<16xf32>
      %max3A_2173 = arith.maximumf %scan3A_2126, %min3A_2172 : vector<16xf32>
      %max3A_2174 = arith.maximumf %scan3A_2118, %get3A_2171 : vector<16xf32>
      %scan3A_2175 = arith.constant 1 : i32
      %scan3A_2176 = arith.addi %scan3A_2110, %scan3A_2175 : i32
      %get3A_2177 = arith.index_cast %scan3A_2176 : i32 to index
      %get3A_2178 = arith.constant 0 : index
      %get3A_2179 = tpu.vector_load %arg6[%get3A_2177, %get3A_2178] {strides = array<i32>} : memref<496x128xf32, #tpu.memory_space<vmem>>, vector<16xf32>,
      %min3A_2180 = arith.minimumf %max3A_2132, %get3A_2179 : vector<16xf32>
      %max3A_2181 = arith.maximumf %max3A_2131, %min3A_2180 : vector<16xf32>
      %max3A_2182 = arith.maximumf %max3A_2132, %get3A_2179 : vector<16xf32>
      %get3A_2183 = arith.index_cast %scan3A_2176 : i32 to index
      %get3A_2184 = arith.constant 16 : index
      %get3A_2185 = tpu.vector_load %arg6[%get3A_2183, %get3A_2184] {strides = array<i32>} : memref<496x128xf32, #tpu.memory_space<vmem>>, vector<16xf32>,
      %min3A_2186 = arith.minimumf %max3A_2138, %get3A_2185 : vector<16xf32>
      %max3A_2187 = arith.maximumf %max3A_2137, %min3A_2186 : vector<16xf32>
      %max3A_2188 = arith.maximumf %max3A_2138, %get3A_2185 : vector<16xf32>
      %get3A_2189 = arith.index_cast %scan3A_2176 : i32 to index
      %get3A_2190 = arith.constant 32 : index
      %get3A_2191 = tpu.vector_load %arg6[%get3A_2189, %get3A_2190] {strides = array<i32>} : memref<496x128xf32, #tpu.memory_space<vmem>>, vector<16xf32>,
      %min3A_2192 = arith.minimumf %max3A_2144, %get3A_2191 : vector<16xf32>
      %max3A_2193 = arith.maximumf %max3A_2143, %min3A_2192 : vector<16xf32>
      %max3A_2194 = arith.maximumf %max3A_2144, %get3A_2191 : vector<16xf32>
      %get3A_2195 = arith.index_cast %scan3A_2176 : i32 to index
      %get3A_2196 = arith.constant 48 : index
      %get3A_2197 = tpu.vector_load %arg6[%get3A_2195, %get3A_2196] {strides = array<i32>} : memref<496x128xf32, #tpu.memory_space<vmem>>, vector<16xf32>,
      %min3A_2198 = arith.minimumf %max3A_2150, %get3A_2197 : vector<16xf32>
      %max3A_2199 = arith.maximumf %max3A_2149, %min3A_2198 : vector<16xf32>
      %max3A_2200 = arith.maximumf %max3A_2150, %get3A_2197 : vector<16xf32>
      %get3A_2201 = arith.index_cast %scan3A_2176 : i32 to index
      %get3A_2202 = arith.constant 64 : index
      %get3A_2203 = tpu.vector_load %arg6[%get3A_2201, %get3A_2202] {strides = array<i32>} : memref<496x128xf32, #tpu.memory_space<vmem>>, vector<16xf32>,
      %min3A_2204 = arith.minimumf %max3A_2156, %get3A_2203 : vector<16xf32>
      %max3A_2205 = arith.maximumf %max3A_2155, %min3A_2204 : vector<16xf32>
      %max3A_2206 = arith.maximumf %max3A_2156, %get3A_2203 : vector<16xf32>
      %get3A_2207 = arith.index_cast %scan3A_2176 : i32 to index
      %get3A_2208 = arith.constant 80 : index
      %get3A_2209 = tpu.vector_load %arg6[%get3A_2207, %get3A_2208] {strides = array<i32>} : memref<496x128xf32, #tpu.memory_space<vmem>>, vector<16xf32>,
      %min3A_2210 = arith.minimumf %max3A_2162, %get3A_2209 : vector<16xf32>
      %max3A_2211 = arith.maximumf %max3A_2161, %min3A_2210 : vector<16xf32>
      %max3A_2212 = arith.maximumf %max3A_2162, %get3A_2209 : vector<16xf32>
      %get3A_2213 = arith.index_cast %scan3A_2176 : i32 to index
      %get3A_2214 = arith.constant 96 : index
      %get3A_2215 = tpu.vector_load %arg6[%get3A_2213, %get3A_2214] {strides = array<i32>} : memref<496x128xf32, #tpu.memory_space<vmem>>, vector<16xf32>,
      %min3A_2216 = arith.minimumf %max3A_2168, %get3A_2215 : vector<16xf32>
      %max3A_2217 = arith.maximumf %max3A_2167, %min3A_2216 : vector<16xf32>
      %max3A_2218 = arith.maximumf %max3A_2168, %get3A_2215 : vector<16xf32>
      %get3A_2219 = arith.index_cast %scan3A_2176 : i32 to index
      %get3A_2220 = arith.constant 112 : index
      %get3A_2221 = tpu.vector_load %arg6[%get3A_2219, %get3A_2220] {strides = array<i32>} : memref<496x128xf32, #tpu.memory_space<vmem>>, vector<16xf32>,
      %min3A_2222 = arith.minimumf %max3A_2174, %get3A_2221 : vector<16xf32>
      %max3A_2223 = arith.maximumf %max3A_2173, %min3A_2222 : vector<16xf32>
      %max3A_2224 = arith.maximumf %max3A_2174, %get3A_2221 : vector<16xf32>
      scf.yield %max3A_2182, %max3A_2188, %max3A_2194, %max3A_2200, %max3A_2206, %max3A_2212, %max3A_2218, %max3A_2224, %max3A_2181, %max3A_2187, %max3A_2193, %max3A_2199, %max3A_2205, %max3A_2211, %max3A_2217, %max3A_2223 : vector<16xf32>, vector<16xf32>, vector<16xf32>, vector<16xf32>, vector<16xf32>, vector<16xf32>, vector<16xf32>, vector<16xf32>, vector<16xf32>, vector<16xf32>, vector<16xf32>, vector<16xf32>, vector<16xf32>, vector<16xf32>, vector<16xf32>, vector<16xf32>
    }
    %scan3A_304 = arith.constant 496 : i32
    %get3A_305 = arith.constant 0 : index
    %get3A_306 = tpu.vector_load %arg7[%get3A_305] {strides = array<i32>} : memref<512xi32, #tpu.memory_space<vmem>>, vector<16xi32>,
    %sub3A_307 = arith.constant 504 : i32
    %sub3A_308 = vector.broadcast %sub3A_307 : i32 to vector<16xi32>
    %sub3A_309 = arith.subi %get3A_306, %sub3A_308 : vector<16xi32>
    %max3A_310 = arith.constant 0 : i32
    %max3A_311 = vector.broadcast %max3A_310 : i32 to vector<16xi32>
    %max3A_312 = arith.maxsi %sub3A_309, %max3A_311 : vector<16xi32>
    %min3A_313 = arith.constant 495 : i32
    %min3A_314 = vector.broadcast %min3A_313 : i32 to vector<16xi32>
    %min3A_315 = arith.minsi %max3A_312, %min3A_314 : vector<16xi32>
    %add3A_316 = arith.constant 0 : i32
    %add3A_317 = vector.broadcast %add3A_316 : i32 to vector<16xi32>
    %add3A_318 = arith.addi %iota3A, %add3A_317 : vector<16xi32>
    %gather3A_319 = tpu.vector_load_idx %arg6[%min3A_315, %add3A_318] : memref<496x128xf32, #tpu.memory_space<vmem>>[vector<16xi32>, vector<16xi32>], vector<16xf32>,
    %ge3A_320 = arith.constant 0 : i32
    %ge3A_321 = vector.broadcast %ge3A_320 : i32 to vector<16xi32>
    %ge3A_322 = arith.cmpi sge, %sub3A_309, %ge3A_321 : vector<16xi32>
    %lt3A_323 = arith.constant 496 : i32
    %lt3A_324 = vector.broadcast %lt3A_323 : i32 to vector<16xi32>
    %lt3A_325 = arith.cmpi slt, %sub3A_309, %lt3A_324 : vector<16xi32>
    %and3A_326 = arith.andi %ge3A_322, %lt3A_325 : vector<16xi1>
    %select_n3A_327 = arith.select %and3A_326, %gather3A_319, %select_n3A : vector<16xi1>, vector<16xf32>
    %get3A_328 = arith.constant 16 : index
    %get3A_329 = tpu.vector_load %arg7[%get3A_328] {strides = array<i32>} : memref<512xi32, #tpu.memory_space<vmem>>, vector<16xi32>,
    %sub3A_330 = arith.constant 504 : i32
    %sub3A_331 = vector.broadcast %sub3A_330 : i32 to vector<16xi32>
    %sub3A_332 = arith.subi %get3A_329, %sub3A_331 : vector<16xi32>
    %max3A_333 = arith.constant 0 : i32
    %max3A_334 = vector.broadcast %max3A_333 : i32 to vector<16xi32>
    %max3A_335 = arith.maxsi %sub3A_332, %max3A_334 : vector<16xi32>
    %min3A_336 = arith.constant 495 : i32
    %min3A_337 = vector.broadcast %min3A_336 : i32 to vector<16xi32>
    %min3A_338 = arith.minsi %max3A_335, %min3A_337 : vector<16xi32>
    %add3A_339 = arith.constant 16 : i32
    %add3A_340 = vector.broadcast %add3A_339 : i32 to vector<16xi32>
    %add3A_341 = arith.addi %iota3A, %add3A_340 : vector<16xi32>
    %gather3A_342 = tpu.vector_load_idx %arg6[%min3A_338, %add3A_341] : memref<496x128xf32, #tpu.memory_space<vmem>>[vector<16xi32>, vector<16xi32>], vector<16xf32>,
    %ge3A_343 = arith.constant 0 : i32
    %ge3A_344 = vector.broadcast %ge3A_343 : i32 to vector<16xi32>
    %ge3A_345 = arith.cmpi sge, %sub3A_332, %ge3A_344 : vector<16xi32>
    %lt3A_346 = arith.constant 496 : i32
    %lt3A_347 = vector.broadcast %lt3A_346 : i32 to vector<16xi32>
    %lt3A_348 = arith.cmpi slt, %sub3A_332, %lt3A_347 : vector<16xi32>
    %and3A_349 = arith.andi %ge3A_345, %lt3A_348 : vector<16xi1>
    %select_n3A_350 = arith.select %and3A_349, %gather3A_342, %select_n3A_146 : vector<16xi1>, vector<16xf32>
    %get3A_351 = arith.constant 32 : index
    %get3A_352 = tpu.vector_load %arg7[%get3A_351] {strides = array<i32>} : memref<512xi32, #tpu.memory_space<vmem>>, vector<16xi32>,
    %sub3A_353 = arith.constant 504 : i32
    %sub3A_354 = vector.broadcast %sub3A_353 : i32 to vector<16xi32>
    %sub3A_355 = arith.subi %get3A_352, %sub3A_354 : vector<16xi32>
    %max3A_356 = arith.constant 0 : i32
    %max3A_357 = vector.broadcast %max3A_356 : i32 to vector<16xi32>
    %max3A_358 = arith.maxsi %sub3A_355, %max3A_357 : vector<16xi32>
    %min3A_359 = arith.constant 495 : i32
    %min3A_360 = vector.broadcast %min3A_359 : i32 to vector<16xi32>
    %min3A_361 = arith.minsi %max3A_358, %min3A_360 : vector<16xi32>
    %add3A_362 = arith.constant 32 : i32
    %add3A_363 = vector.broadcast %add3A_362 : i32 to vector<16xi32>
    %add3A_364 = arith.addi %iota3A, %add3A_363 : vector<16xi32>
    %gather3A_365 = tpu.vector_load_idx %arg6[%min3A_361, %add3A_364] : memref<496x128xf32, #tpu.memory_space<vmem>>[vector<16xi32>, vector<16xi32>], vector<16xf32>,
    %ge3A_366 = arith.constant 0 : i32
    %ge3A_367 = vector.broadcast %ge3A_366 : i32 to vector<16xi32>
    %ge3A_368 = arith.cmpi sge, %sub3A_355, %ge3A_367 : vector<16xi32>
    %lt3A_369 = arith.constant 496 : i32
    %lt3A_370 = vector.broadcast %lt3A_369 : i32 to vector<16xi32>
    %lt3A_371 = arith.cmpi slt, %sub3A_355, %lt3A_370 : vector<16xi32>
    %and3A_372 = arith.andi %ge3A_368, %lt3A_371 : vector<16xi1>
    %select_n3A_373 = arith.select %and3A_372, %gather3A_365, %select_n3A_169 : vector<16xi1>, vector<16xf32>
    %get3A_374 = arith.constant 48 : index
    %get3A_375 = tpu.vector_load %arg7[%get3A_374] {strides = array<i32>} : memref<512xi32, #tpu.memory_space<vmem>>, vector<16xi32>,
    %sub3A_376 = arith.constant 504 : i32
    %sub3A_377 = vector.broadcast %sub3A_376 : i32 to vector<16xi32>
    %sub3A_378 = arith.subi %get3A_375, %sub3A_377 : vector<16xi32>
    %max3A_379 = arith.constant 0 : i32
    %max3A_380 = vector.broadcast %max3A_379 : i32 to vector<16xi32>
    %max3A_381 = arith.maxsi %sub3A_378, %max3A_380 : vector<16xi32>
    %min3A_382 = arith.constant 495 : i32
    %min3A_383 = vector.broadcast %min3A_382 : i32 to vector<16xi32>
    %min3A_384 = arith.minsi %max3A_381, %min3A_383 : vector<16xi32>
    %add3A_385 = arith.constant 48 : i32
    %add3A_386 = vector.broadcast %add3A_385 : i32 to vector<16xi32>
    %add3A_387 = arith.addi %iota3A, %add3A_386 : vector<16xi32>
    %gather3A_388 = tpu.vector_load_idx %arg6[%min3A_384, %add3A_387] : memref<496x128xf32, #tpu.memory_space<vmem>>[vector<16xi32>, vector<16xi32>], vector<16xf32>,
    %ge3A_389 = arith.constant 0 : i32
    %ge3A_390 = vector.broadcast %ge3A_389 : i32 to vector<16xi32>
    %ge3A_391 = arith.cmpi sge, %sub3A_378, %ge3A_390 : vector<16xi32>
    %lt3A_392 = arith.constant 496 : i32
    %lt3A_393 = vector.broadcast %lt3A_392 : i32 to vector<16xi32>
    %lt3A_394 = arith.cmpi slt, %sub3A_378, %lt3A_393 : vector<16xi32>
    %and3A_395 = arith.andi %ge3A_391, %lt3A_394 : vector<16xi1>
    %select_n3A_396 = arith.select %and3A_395, %gather3A_388, %select_n3A_192 : vector<16xi1>, vector<16xf32>
    %get3A_397 = arith.constant 64 : index
    %get3A_398 = tpu.vector_load %arg7[%get3A_397] {strides = array<i32>} : memref<512xi32, #tpu.memory_space<vmem>>, vector<16xi32>,
    %sub3A_399 = arith.constant 504 : i32
    %sub3A_400 = vector.broadcast %sub3A_399 : i32 to vector<16xi32>
    %sub3A_401 = arith.subi %get3A_398, %sub3A_400 : vector<16xi32>
    %max3A_402 = arith.constant 0 : i32
    %max3A_403 = vector.broadcast %max3A_402 : i32 to vector<16xi32>
    %max3A_404 = arith.maxsi %sub3A_401, %max3A_403 : vector<16xi32>
    %min3A_405 = arith.constant 495 : i32
    %min3A_406 = vector.broadcast %min3A_405 : i32 to vector<16xi32>
    %min3A_407 = arith.minsi %max3A_404, %min3A_406 : vector<16xi32>
    %add3A_408 = arith.constant 64 : i32
    %add3A_409 = vector.broadcast %add3A_408 : i32 to vector<16xi32>
    %add3A_410 = arith.addi %iota3A, %add3A_409 : vector<16xi32>
    %gather3A_411 = tpu.vector_load_idx %arg6[%min3A_407, %add3A_410] : memref<496x128xf32, #tpu.memory_space<vmem>>[vector<16xi32>, vector<16xi32>], vector<16xf32>,
    %ge3A_412 = arith.constant 0 : i32
    %ge3A_413 = vector.broadcast %ge3A_412 : i32 to vector<16xi32>
    %ge3A_414 = arith.cmpi sge, %sub3A_401, %ge3A_413 : vector<16xi32>
    %lt3A_415 = arith.constant 496 : i32
    %lt3A_416 = vector.broadcast %lt3A_415 : i32 to vector<16xi32>
    %lt3A_417 = arith.cmpi slt, %sub3A_401, %lt3A_416 : vector<16xi32>
    %and3A_418 = arith.andi %ge3A_414, %lt3A_417 : vector<16xi1>
    %select_n3A_419 = arith.select %and3A_418, %gather3A_411, %select_n3A_215 : vector<16xi1>, vector<16xf32>
    %get3A_420 = arith.constant 80 : index
    %get3A_421 = tpu.vector_load %arg7[%get3A_420] {strides = array<i32>} : memref<512xi32, #tpu.memory_space<vmem>>, vector<16xi32>,
    %sub3A_422 = arith.constant 504 : i32
    %sub3A_423 = vector.broadcast %sub3A_422 : i32 to vector<16xi32>
    %sub3A_424 = arith.subi %get3A_421, %sub3A_423 : vector<16xi32>
    %max3A_425 = arith.constant 0 : i32
    %max3A_426 = vector.broadcast %max3A_425 : i32 to vector<16xi32>
    %max3A_427 = arith.maxsi %sub3A_424, %max3A_426 : vector<16xi32>
    %min3A_428 = arith.constant 495 : i32
    %min3A_429 = vector.broadcast %min3A_428 : i32 to vector<16xi32>
    %min3A_430 = arith.minsi %max3A_427, %min3A_429 : vector<16xi32>
    %add3A_431 = arith.constant 80 : i32
    %add3A_432 = vector.broadcast %add3A_431 : i32 to vector<16xi32>
    %add3A_433 = arith.addi %iota3A, %add3A_432 : vector<16xi32>
    %gather3A_434 = tpu.vector_load_idx %arg6[%min3A_430, %add3A_433] : memref<496x128xf32, #tpu.memory_space<vmem>>[vector<16xi32>, vector<16xi32>], vector<16xf32>,
    %ge3A_435 = arith.constant 0 : i32
    %ge3A_436 = vector.broadcast %ge3A_435 : i32 to vector<16xi32>
    %ge3A_437 = arith.cmpi sge, %sub3A_424, %ge3A_436 : vector<16xi32>
    %lt3A_438 = arith.constant 496 : i32
    %lt3A_439 = vector.broadcast %lt3A_438 : i32 to vector<16xi32>
    %lt3A_440 = arith.cmpi slt, %sub3A_424, %lt3A_439 : vector<16xi32>
    %and3A_441 = arith.andi %ge3A_437, %lt3A_440 : vector<16xi1>
    %select_n3A_442 = arith.select %and3A_441, %gather3A_434, %select_n3A_238 : vector<16xi1>, vector<16xf32>
    %get3A_443 = arith.constant 96 : index
    %get3A_444 = tpu.vector_load %arg7[%get3A_443] {strides = array<i32>} : memref<512xi32, #tpu.memory_space<vmem>>, vector<16xi32>,
    %sub3A_445 = arith.constant 504 : i32
    %sub3A_446 = vector.broadcast %sub3A_445 : i32 to vector<16xi32>
    %sub3A_447 = arith.subi %get3A_444, %sub3A_446 : vector<16xi32>
    %max3A_448 = arith.constant 0 : i32
    %max3A_449 = vector.broadcast %max3A_448 : i32 to vector<16xi32>
    %max3A_450 = arith.maxsi %sub3A_447, %max3A_449 : vector<16xi32>
    %min3A_451 = arith.constant 495 : i32
    %min3A_452 = vector.broadcast %min3A_451 : i32 to vector<16xi32>
    %min3A_453 = arith.minsi %max3A_450, %min3A_452 : vector<16xi32>
    %add3A_454 = arith.constant 96 : i32
    %add3A_455 = vector.broadcast %add3A_454 : i32 to vector<16xi32>
    %add3A_456 = arith.addi %iota3A, %add3A_455 : vector<16xi32>
    %gather3A_457 = tpu.vector_load_idx %arg6[%min3A_453, %add3A_456] : memref<496x128xf32, #tpu.memory_space<vmem>>[vector<16xi32>, vector<16xi32>], vector<16xf32>,
    %ge3A_458 = arith.constant 0 : i32
    %ge3A_459 = vector.broadcast %ge3A_458 : i32 to vector<16xi32>
    %ge3A_460 = arith.cmpi sge, %sub3A_447, %ge3A_459 : vector<16xi32>
    %lt3A_461 = arith.constant 496 : i32
    %lt3A_462 = vector.broadcast %lt3A_461 : i32 to vector<16xi32>
    %lt3A_463 = arith.cmpi slt, %sub3A_447, %lt3A_462 : vector<16xi32>
    %and3A_464 = arith.andi %ge3A_460, %lt3A_463 : vector<16xi1>
    %select_n3A_465 = arith.select %and3A_464, %gather3A_457, %select_n3A_261 : vector<16xi1>, vector<16xf32>
    %get3A_466 = arith.constant 112 : index
    %get3A_467 = tpu.vector_load %arg7[%get3A_466] {strides = array<i32>} : memref<512xi32, #tpu.memory_space<vmem>>, vector<16xi32>,
    %sub3A_468 = arith.constant 504 : i32
    %sub3A_469 = vector.broadcast %sub3A_468 : i32 to vector<16xi32>
    %sub3A_470 = arith.subi %get3A_467, %sub3A_469 : vector<16xi32>
    %max3A_471 = arith.constant 0 : i32
    %max3A_472 = vector.broadcast %max3A_471 : i32 to vector<16xi32>
    %max3A_473 = arith.maxsi %sub3A_470, %max3A_472 : vector<16xi32>
    %min3A_474 = arith.constant 495 : i32
    %min3A_475 = vector.broadcast %min3A_474 : i32 to vector<16xi32>
    %min3A_476 = arith.minsi %max3A_473, %min3A_475 : vector<16xi32>
    %add3A_477 = arith.constant 112 : i32
    %add3A_478 = vector.broadcast %add3A_477 : i32 to vector<16xi32>
    %add3A_479 = arith.addi %iota3A, %add3A_478 : vector<16xi32>
    %gather3A_480 = tpu.vector_load_idx %arg6[%min3A_476, %add3A_479] : memref<496x128xf32, #tpu.memory_space<vmem>>[vector<16xi32>, vector<16xi32>], vector<16xf32>,
    %ge3A_481 = arith.constant 0 : i32
    %ge3A_482 = vector.broadcast %ge3A_481 : i32 to vector<16xi32>
    %ge3A_483 = arith.cmpi sge, %sub3A_470, %ge3A_482 : vector<16xi32>
    %lt3A_484 = arith.constant 496 : i32
    %lt3A_485 = vector.broadcast %lt3A_484 : i32 to vector<16xi32>
    %lt3A_486 = arith.cmpi slt, %sub3A_470, %lt3A_485 : vector<16xi32>
    %and3A_487 = arith.andi %ge3A_483, %lt3A_486 : vector<16xi1>
    %select_n3A_488 = arith.select %and3A_487, %gather3A_480, %select_n3A_284 : vector<16xi1>, vector<16xf32>
    %eq3A = arith.cmpf oeq, %select_n3A_327, %scan3A_303#0 : vector<16xf32>
    %select_n3A_489 = arith.select %eq3A, %scan3A_303#8, %scan3A_303#0 : vector<16xi1>, vector<16xf32>
    %sub3A_490 = arith.subf %select_n3A_489, %select_n3A_327 : vector<16xf32>
    %swap3A = arith.constant 0 : index
    %swap3A_491 = tpu.vector_load %arg8[%swap3A] {strides = array<i32>} : memref<512xf32, #tpu.memory_space<vmem>>, vector<16xf32>,
    tpu.vector_store %arg8[%swap3A], %sub3A_490 {strides = array<i32>} : memref<512xf32, #tpu.memory_space<vmem>>, vector<16xf32>,
    %eq3A_492 = arith.cmpf oeq, %select_n3A_350, %scan3A_303#1 : vector<16xf32>
    %select_n3A_493 = arith.select %eq3A_492, %scan3A_303#9, %scan3A_303#1 : vector<16xi1>, vector<16xf32>
    %sub3A_494 = arith.subf %select_n3A_493, %select_n3A_350 : vector<16xf32>
    %swap3A_495 = arith.constant 16 : index
    %swap3A_496 = tpu.vector_load %arg8[%swap3A_495] {strides = array<i32>} : memref<512xf32, #tpu.memory_space<vmem>>, vector<16xf32>,
    tpu.vector_store %arg8[%swap3A_495], %sub3A_494 {strides = array<i32>} : memref<512xf32, #tpu.memory_space<vmem>>, vector<16xf32>,
    %eq3A_497 = arith.cmpf oeq, %select_n3A_373, %scan3A_303#2 : vector<16xf32>
    %select_n3A_498 = arith.select %eq3A_497, %scan3A_303#10, %scan3A_303#2 : vector<16xi1>, vector<16xf32>
    %sub3A_499 = arith.subf %select_n3A_498, %select_n3A_373 : vector<16xf32>
    %swap3A_500 = arith.constant 32 : index
    %swap3A_501 = tpu.vector_load %arg8[%swap3A_500] {strides = array<i32>} : memref<512xf32, #tpu.memory_space<vmem>>, vector<16xf32>,
    tpu.vector_store %arg8[%swap3A_500], %sub3A_499 {strides = array<i32>} : memref<512xf32, #tpu.memory_space<vmem>>, vector<16xf32>,
    %eq3A_502 = arith.cmpf oeq, %select_n3A_396, %scan3A_303#3 : vector<16xf32>
    %select_n3A_503 = arith.select %eq3A_502, %scan3A_303#11, %scan3A_303#3 : vector<16xi1>, vector<16xf32>
    %sub3A_504 = arith.subf %select_n3A_503, %select_n3A_396 : vector<16xf32>
    %swap3A_505 = arith.constant 48 : index
    %swap3A_506 = tpu.vector_load %arg8[%swap3A_505] {strides = array<i32>} : memref<512xf32, #tpu.memory_space<vmem>>, vector<16xf32>,
    tpu.vector_store %arg8[%swap3A_505], %sub3A_504 {strides = array<i32>} : memref<512xf32, #tpu.memory_space<vmem>>, vector<16xf32>,
    %eq3A_507 = arith.cmpf oeq, %select_n3A_419, %scan3A_303#4 : vector<16xf32>
    %select_n3A_508 = arith.select %eq3A_507, %scan3A_303#12, %scan3A_303#4 : vector<16xi1>, vector<16xf32>
    %sub3A_509 = arith.subf %select_n3A_508, %select_n3A_419 : vector<16xf32>
    %swap3A_510 = arith.constant 64 : index
    %swap3A_511 = tpu.vector_load %arg8[%swap3A_510] {strides = array<i32>} : memref<512xf32, #tpu.memory_space<vmem>>, vector<16xf32>,
    tpu.vector_store %arg8[%swap3A_510], %sub3A_509 {strides = array<i32>} : memref<512xf32, #tpu.memory_space<vmem>>, vector<16xf32>,
    %eq3A_512 = arith.cmpf oeq, %select_n3A_442, %scan3A_303#5 : vector<16xf32>
    %select_n3A_513 = arith.select %eq3A_512, %scan3A_303#13, %scan3A_303#5 : vector<16xi1>, vector<16xf32>
    %sub3A_514 = arith.subf %select_n3A_513, %select_n3A_442 : vector<16xf32>
    %swap3A_515 = arith.constant 80 : index
    %swap3A_516 = tpu.vector_load %arg8[%swap3A_515] {strides = array<i32>} : memref<512xf32, #tpu.memory_space<vmem>>, vector<16xf32>,
    tpu.vector_store %arg8[%swap3A_515], %sub3A_514 {strides = array<i32>} : memref<512xf32, #tpu.memory_space<vmem>>, vector<16xf32>,
    %eq3A_517 = arith.cmpf oeq, %select_n3A_465, %scan3A_303#6 : vector<16xf32>
    %select_n3A_518 = arith.select %eq3A_517, %scan3A_303#14, %scan3A_303#6 : vector<16xi1>, vector<16xf32>
    %sub3A_519 = arith.subf %select_n3A_518, %select_n3A_465 : vector<16xf32>
    %swap3A_520 = arith.constant 96 : index
    %swap3A_521 = tpu.vector_load %arg8[%swap3A_520] {strides = array<i32>} : memref<512xf32, #tpu.memory_space<vmem>>, vector<16xf32>,
    tpu.vector_store %arg8[%swap3A_520], %sub3A_519 {strides = array<i32>} : memref<512xf32, #tpu.memory_space<vmem>>, vector<16xf32>,
    %eq3A_522 = arith.cmpf oeq, %select_n3A_488, %scan3A_303#7 : vector<16xf32>
    %select_n3A_523 = arith.select %eq3A_522, %scan3A_303#15, %scan3A_303#7 : vector<16xi1>, vector<16xf32>
    %sub3A_524 = arith.subf %select_n3A_523, %select_n3A_488 : vector<16xf32>
    %swap3A_525 = arith.constant 112 : index
    %swap3A_526 = tpu.vector_load %arg8[%swap3A_525] {strides = array<i32>} : memref<512xf32, #tpu.memory_space<vmem>>, vector<16xf32>,
    tpu.vector_store %arg8[%swap3A_525], %sub3A_524 {strides = array<i32>} : memref<512xf32, #tpu.memory_space<vmem>>, vector<16xf32>,
    %add3A_527 = arith.constant 128 : i32
    %add3A_528 = arith.addi %multiple_of3A, %add3A_527 : i32
    %multiple_of3A_529 = tpu.assume_multiple %add3A_528, 128 : i32
    %dma_start3A_530 = arith.constant 504 : i32
    %dma_start3A_531 = tpu.memref_slice %arg2[%dma_start3A_530, %multiple_of3A_529] : memref<1000x16384xf32, #tpu.memory_space<hbm>> -> memref<496x128xf32, #tpu.memory_space<hbm>>
    %dma_start3A_532 = arith.constant 504 : i32
    %dma_start3A_533 = tpu.memref_slice %arg2[%dma_start3A_532, %multiple_of3A_529] : memref<1000x16384xf32, #tpu.memory_space<hbm>> -> memref<496x128xf32, #tpu.memory_space<hbm>>
    tpu.enqueue_dma source(%dma_start3A_533 : memref<496x128xf32, #tpu.memory_space<hbm>>) target(%arg6 : memref<496x128xf32, #tpu.memory_space<vmem>>) target_semaphore(%arg10 : memref<!tpu.dma_semaphore, #tpu.memory_space<semaphore_mem>>)
    %add3A_534 = arith.constant 128 : i32
    %add3A_535 = arith.addi %multiple_of3A, %add3A_534 : i32
    %multiple_of3A_536 = tpu.assume_multiple %add3A_535, 128 : i32
    %dma_wait3A_537 = arith.constant 0 : i32
    %dma_wait3A_538 = tpu.memref_slice %arg2[%dma_wait3A_537, %multiple_of3A_536] : memref<1000x16384xf32, #tpu.memory_space<hbm>> -> memref<504x128xf32, #tpu.memory_space<hbm>>
    %dma_wait3A_539 = arith.constant 0 : i32
    %dma_wait3A_540 = tpu.memref_slice %arg2[%dma_wait3A_539, %multiple_of3A_536] : memref<1000x16384xf32, #tpu.memory_space<hbm>> -> memref<504x128xf32, #tpu.memory_space<hbm>>
    tpu.wait_dma2 semaphore(%arg9 : memref<!tpu.dma_semaphore, #tpu.memory_space<semaphore_mem>>) src(%dma_wait3A_540 : memref<504x128xf32, #tpu.memory_space<hbm>>) dst(%arg5 : memref<504x128xf32, #tpu.memory_space<vmem>>)
    %get3A_541 = arith.constant 0 : i32
    %get3A_542 = arith.index_cast %get3A_541 : i32 to index
    %get3A_543 = arith.constant 0 : index
    %get3A_544 = tpu.vector_load %arg5[%get3A_542, %get3A_543] {strides = array<i32>} : memref<504x128xf32, #tpu.memory_space<vmem>>, vector<16xf32>,
    %get3A_545 = arith.constant 0 : i32
    %get3A_546 = arith.index_cast %get3A_545 : i32 to index
    %get3A_547 = arith.constant 16 : index
    %get3A_548 = tpu.vector_load %arg5[%get3A_546, %get3A_547] {strides = array<i32>} : memref<504x128xf32, #tpu.memory_space<vmem>>, vector<16xf32>,
    %get3A_549 = arith.constant 0 : i32
    %get3A_550 = arith.index_cast %get3A_549 : i32 to index
    %get3A_551 = arith.constant 32 : index
    %get3A_552 = tpu.vector_load %arg5[%get3A_550, %get3A_551] {strides = array<i32>} : memref<504x128xf32, #tpu.memory_space<vmem>>, vector<16xf32>,
    %get3A_553 = arith.constant 0 : i32
    %get3A_554 = arith.index_cast %get3A_553 : i32 to index
    %get3A_555 = arith.constant 48 : index
    %get3A_556 = tpu.vector_load %arg5[%get3A_554, %get3A_555] {strides = array<i32>} : memref<504x128xf32, #tpu.memory_space<vmem>>, vector<16xf32>,
    %get3A_557 = arith.constant 0 : i32
    %get3A_558 = arith.index_cast %get3A_557 : i32 to index
    %get3A_559 = arith.constant 64 : index
    %get3A_560 = tpu.vector_load %arg5[%get3A_558, %get3A_559] {strides = array<i32>} : memref<504x128xf32, #tpu.memory_space<vmem>>, vector<16xf32>,
    %get3A_561 = arith.constant 0 : i32
    %get3A_562 = arith.index_cast %get3A_561 : i32 to index
    %get3A_563 = arith.constant 80 : index
    %get3A_564 = tpu.vector_load %arg5[%get3A_562, %get3A_563] {strides = array<i32>} : memref<504x128xf32, #tpu.memory_space<vmem>>, vector<16xf32>,
    %get3A_565 = arith.constant 0 : i32
    %get3A_566 = arith.index_cast %get3A_565 : i32 to index
    %get3A_567 = arith.constant 96 : index
    %get3A_568 = tpu.vector_load %arg5[%get3A_566, %get3A_567] {strides = array<i32>} : memref<504x128xf32, #tpu.memory_space<vmem>>, vector<16xf32>,
    %get3A_569 = arith.constant 0 : i32
    %get3A_570 = arith.index_cast %get3A_569 : i32 to index
    %get3A_571 = arith.constant 112 : index
    %get3A_572 = tpu.vector_load %arg5[%get3A_570, %get3A_571] {strides = array<i32>} : memref<504x128xf32, #tpu.memory_space<vmem>>, vector<16xf32>,
    %scan3A_573 = arith.constant 1 : i32
    %scan3A_574 = arith.constant 502 : i32
    %scan3A_575 = arith.addi %scan3A_573, %scan3A_574 : i32
    %scan3A_576 = arith.constant 2 : i32
    %scan3A_577:16 = scf.for %scan3A_2110 = %scan3A_573 to %scan3A_575 step %scan3A_576 iter_args(%scan3A_2111 = %get3A_544, %scan3A_2112 = %get3A_548, %scan3A_2113 = %get3A_552, %scan3A_2114 = %get3A_556, %scan3A_2115 = %get3A_560, %scan3A_2116 = %get3A_564, %scan3A_2117 = %get3A_568, %scan3A_2118 = %get3A_572, %scan3A_2119 = %broadcast_in_dim3A_3, %scan3A_2120 = %broadcast_in_dim3A_3, %scan3A_2121 = %broadcast_in_dim3A_3, %scan3A_2122 = %broadcast_in_dim3A_3, %scan3A_2123 = %broadcast_in_dim3A_3, %scan3A_2124 = %broadcast_in_dim3A_3, %scan3A_2125 = %broadcast_in_dim3A_3, %scan3A_2126 = %broadcast_in_dim3A_3) -> (vector<16xf32>, vector<16xf32>, vector<16xf32>, vector<16xf32>, vector<16xf32>, vector<16xf32>, vector<16xf32>, vector<16xf32>, vector<16xf32>, vector<16xf32>, vector<16xf32>, vector<16xf32>, vector<16xf32>, vector<16xf32>, vector<16xf32>, vector<16xf32>)  : i32 {
      %get3A_2127 = arith.index_cast %scan3A_2110 : i32 to index
      %get3A_2128 = arith.constant 0 : index
      %get3A_2129 = tpu.vector_load %arg5[%get3A_2127, %get3A_2128] {strides = array<i32>} : memref<504x128xf32, #tpu.memory_space<vmem>>, vector<16xf32>,
      %min3A_2130 = arith.minimumf %scan3A_2111, %get3A_2129 : vector<16xf32>
      %max3A_2131 = arith.maximumf %scan3A_2119, %min3A_2130 : vector<16xf32>
      %max3A_2132 = arith.maximumf %scan3A_2111, %get3A_2129 : vector<16xf32>
      %get3A_2133 = arith.index_cast %scan3A_2110 : i32 to index
      %get3A_2134 = arith.constant 16 : index
      %get3A_2135 = tpu.vector_load %arg5[%get3A_2133, %get3A_2134] {strides = array<i32>} : memref<504x128xf32, #tpu.memory_space<vmem>>, vector<16xf32>,
      %min3A_2136 = arith.minimumf %scan3A_2112, %get3A_2135 : vector<16xf32>
      %max3A_2137 = arith.maximumf %scan3A_2120, %min3A_2136 : vector<16xf32>
      %max3A_2138 = arith.maximumf %scan3A_2112, %get3A_2135 : vector<16xf32>
      %get3A_2139 = arith.index_cast %scan3A_2110 : i32 to index
      %get3A_2140 = arith.constant 32 : index
      %get3A_2141 = tpu.vector_load %arg5[%get3A_2139, %get3A_2140] {strides = array<i32>} : memref<504x128xf32, #tpu.memory_space<vmem>>, vector<16xf32>,
      %min3A_2142 = arith.minimumf %scan3A_2113, %get3A_2141 : vector<16xf32>
      %max3A_2143 = arith.maximumf %scan3A_2121, %min3A_2142 : vector<16xf32>
      %max3A_2144 = arith.maximumf %scan3A_2113, %get3A_2141 : vector<16xf32>
      %get3A_2145 = arith.index_cast %scan3A_2110 : i32 to index
      %get3A_2146 = arith.constant 48 : index
      %get3A_2147 = tpu.vector_load %arg5[%get3A_2145, %get3A_2146] {strides = array<i32>} : memref<504x128xf32, #tpu.memory_space<vmem>>, vector<16xf32>,
      %min3A_2148 = arith.minimumf %scan3A_2114, %get3A_2147 : vector<16xf32>
      %max3A_2149 = arith.maximumf %scan3A_2122, %min3A_2148 : vector<16xf32>
      %max3A_2150 = arith.maximumf %scan3A_2114, %get3A_2147 : vector<16xf32>
      %get3A_2151 = arith.index_cast %scan3A_2110 : i32 to index
      %get3A_2152 = arith.constant 64 : index
      %get3A_2153 = tpu.vector_load %arg5[%get3A_2151, %get3A_2152] {strides = array<i32>} : memref<504x128xf32, #tpu.memory_space<vmem>>, vector<16xf32>,
      %min3A_2154 = arith.minimumf %scan3A_2115, %get3A_2153 : vector<16xf32>
      %max3A_2155 = arith.maximumf %scan3A_2123, %min3A_2154 : vector<16xf32>
      %max3A_2156 = arith.maximumf %scan3A_2115, %get3A_2153 : vector<16xf32>
      %get3A_2157 = arith.index_cast %scan3A_2110 : i32 to index
      %get3A_2158 = arith.constant 80 : index
      %get3A_2159 = tpu.vector_load %arg5[%get3A_2157, %get3A_2158] {strides = array<i32>} : memref<504x128xf32, #tpu.memory_space<vmem>>, vector<16xf32>,
      %min3A_2160 = arith.minimumf %scan3A_2116, %get3A_2159 : vector<16xf32>
      %max3A_2161 = arith.maximumf %scan3A_2124, %min3A_2160 : vector<16xf32>
      %max3A_2162 = arith.maximumf %scan3A_2116, %get3A_2159 : vector<16xf32>
      %get3A_2163 = arith.index_cast %scan3A_2110 : i32 to index
      %get3A_2164 = arith.constant 96 : index
      %get3A_2165 = tpu.vector_load %arg5[%get3A_2163, %get3A_2164] {strides = array<i32>} : memref<504x128xf32, #tpu.memory_space<vmem>>, vector<16xf32>,
      %min3A_2166 = arith.minimumf %scan3A_2117, %get3A_2165 : vector<16xf32>
      %max3A_2167 = arith.maximumf %scan3A_2125, %min3A_2166 : vector<16xf32>
      %max3A_2168 = arith.maximumf %scan3A_2117, %get3A_2165 : vector<16xf32>
      %get3A_2169 = arith.index_cast %scan3A_2110 : i32 to index
      %get3A_2170 = arith.constant 112 : index
      %get3A_2171 = tpu.vector_load %arg5[%get3A_2169, %get3A_2170] {strides = array<i32>} : memref<504x128xf32, #tpu.memory_space<vmem>>, vector<16xf32>,
      %min3A_2172 = arith.minimumf %scan3A_2118, %get3A_2171 : vector<16xf32>
      %max3A_2173 = arith.maximumf %scan3A_2126, %min3A_2172 : vector<16xf32>
      %max3A_2174 = arith.maximumf %scan3A_2118, %get3A_2171 : vector<16xf32>
      %scan3A_2175 = arith.constant 1 : i32
      %scan3A_2176 = arith.addi %scan3A_2110, %scan3A_2175 : i32
      %get3A_2177 = arith.index_cast %scan3A_2176 : i32 to index
      %get3A_2178 = arith.constant 0 : index
      %get3A_2179 = tpu.vector_load %arg5[%get3A_2177, %get3A_2178] {strides = array<i32>} : memref<504x128xf32, #tpu.memory_space<vmem>>, vector<16xf32>,
      %min3A_2180 = arith.minimumf %max3A_2132, %get3A_2179 : vector<16xf32>
      %max3A_2181 = arith.maximumf %max3A_2131, %min3A_2180 : vector<16xf32>
      %max3A_2182 = arith.maximumf %max3A_2132, %get3A_2179 : vector<16xf32>
      %get3A_2183 = arith.index_cast %scan3A_2176 : i32 to index
      %get3A_2184 = arith.constant 16 : index
      %get3A_2185 = tpu.vector_load %arg5[%get3A_2183, %get3A_2184] {strides = array<i32>} : memref<504x128xf32, #tpu.memory_space<vmem>>, vector<16xf32>,
      %min3A_2186 = arith.minimumf %max3A_2138, %get3A_2185 : vector<16xf32>
      %max3A_2187 = arith.maximumf %max3A_2137, %min3A_2186 : vector<16xf32>
      %max3A_2188 = arith.maximumf %max3A_2138, %get3A_2185 : vector<16xf32>
      %get3A_2189 = arith.index_cast %scan3A_2176 : i32 to index
      %get3A_2190 = arith.constant 32 : index
      %get3A_2191 = tpu.vector_load %arg5[%get3A_2189, %get3A_2190] {strides = array<i32>} : memref<504x128xf32, #tpu.memory_space<vmem>>, vector<16xf32>,
      %min3A_2192 = arith.minimumf %max3A_2144, %get3A_2191 : vector<16xf32>
      %max3A_2193 = arith.maximumf %max3A_2143, %min3A_2192 : vector<16xf32>
      %max3A_2194 = arith.maximumf %max3A_2144, %get3A_2191 : vector<16xf32>
      %get3A_2195 = arith.index_cast %scan3A_2176 : i32 to index
      %get3A_2196 = arith.constant 48 : index
      %get3A_2197 = tpu.vector_load %arg5[%get3A_2195, %get3A_2196] {strides = array<i32>} : memref<504x128xf32, #tpu.memory_space<vmem>>, vector<16xf32>,
      %min3A_2198 = arith.minimumf %max3A_2150, %get3A_2197 : vector<16xf32>
      %max3A_2199 = arith.maximumf %max3A_2149, %min3A_2198 : vector<16xf32>
      %max3A_2200 = arith.maximumf %max3A_2150, %get3A_2197 : vector<16xf32>
      %get3A_2201 = arith.index_cast %scan3A_2176 : i32 to index
      %get3A_2202 = arith.constant 64 : index
      %get3A_2203 = tpu.vector_load %arg5[%get3A_2201, %get3A_2202] {strides = array<i32>} : memref<504x128xf32, #tpu.memory_space<vmem>>, vector<16xf32>,
      %min3A_2204 = arith.minimumf %max3A_2156, %get3A_2203 : vector<16xf32>
      %max3A_2205 = arith.maximumf %max3A_2155, %min3A_2204 : vector<16xf32>
      %max3A_2206 = arith.maximumf %max3A_2156, %get3A_2203 : vector<16xf32>
      %get3A_2207 = arith.index_cast %scan3A_2176 : i32 to index
      %get3A_2208 = arith.constant 80 : index
      %get3A_2209 = tpu.vector_load %arg5[%get3A_2207, %get3A_2208] {strides = array<i32>} : memref<504x128xf32, #tpu.memory_space<vmem>>, vector<16xf32>,
      %min3A_2210 = arith.minimumf %max3A_2162, %get3A_2209 : vector<16xf32>
      %max3A_2211 = arith.maximumf %max3A_2161, %min3A_2210 : vector<16xf32>
      %max3A_2212 = arith.maximumf %max3A_2162, %get3A_2209 : vector<16xf32>
      %get3A_2213 = arith.index_cast %scan3A_2176 : i32 to index
      %get3A_2214 = arith.constant 96 : index
      %get3A_2215 = tpu.vector_load %arg5[%get3A_2213, %get3A_2214] {strides = array<i32>} : memref<504x128xf32, #tpu.memory_space<vmem>>, vector<16xf32>,
      %min3A_2216 = arith.minimumf %max3A_2168, %get3A_2215 : vector<16xf32>
      %max3A_2217 = arith.maximumf %max3A_2167, %min3A_2216 : vector<16xf32>
      %max3A_2218 = arith.maximumf %max3A_2168, %get3A_2215 : vector<16xf32>
      %get3A_2219 = arith.index_cast %scan3A_2176 : i32 to index
      %get3A_2220 = arith.constant 112 : index
      %get3A_2221 = tpu.vector_load %arg5[%get3A_2219, %get3A_2220] {strides = array<i32>} : memref<504x128xf32, #tpu.memory_space<vmem>>, vector<16xf32>,
      %min3A_2222 = arith.minimumf %max3A_2174, %get3A_2221 : vector<16xf32>
      %max3A_2223 = arith.maximumf %max3A_2173, %min3A_2222 : vector<16xf32>
      %max3A_2224 = arith.maximumf %max3A_2174, %get3A_2221 : vector<16xf32>
      scf.yield %max3A_2182, %max3A_2188, %max3A_2194, %max3A_2200, %max3A_2206, %max3A_2212, %max3A_2218, %max3A_2224, %max3A_2181, %max3A_2187, %max3A_2193, %max3A_2199, %max3A_2205, %max3A_2211, %max3A_2217, %max3A_2223 : vector<16xf32>, vector<16xf32>, vector<16xf32>, vector<16xf32>, vector<16xf32>, vector<16xf32>, vector<16xf32>, vector<16xf32>, vector<16xf32>, vector<16xf32>, vector<16xf32>, vector<16xf32>, vector<16xf32>, vector<16xf32>, vector<16xf32>, vector<16xf32>
    }
    %scan3A_578 = arith.constant 502 : i32
    %scan3A_579 = arith.addi %scan3A_573, %scan3A_578 : i32
    %get3A_580 = arith.index_cast %scan3A_579 : i32 to index
    %get3A_581 = arith.constant 0 : index
    %get3A_582 = tpu.vector_load %arg5[%get3A_580, %get3A_581] {strides = array<i32>} : memref<504x128xf32, #tpu.memory_space<vmem>>, vector<16xf32>,
    %min3A_583 = arith.minimumf %scan3A_577#0, %get3A_582 : vector<16xf32>
    %max3A_584 = arith.maximumf %scan3A_577#8, %min3A_583 : vector<16xf32>
    %max3A_585 = arith.maximumf %scan3A_577#0, %get3A_582 : vector<16xf32>
    %get3A_586 = arith.index_cast %scan3A_579 : i32 to index
    %get3A_587 = arith.constant 16 : index
    %get3A_588 = tpu.vector_load %arg5[%get3A_586, %get3A_587] {strides = array<i32>} : memref<504x128xf32, #tpu.memory_space<vmem>>, vector<16xf32>,
    %min3A_589 = arith.minimumf %scan3A_577#1, %get3A_588 : vector<16xf32>
    %max3A_590 = arith.maximumf %scan3A_577#9, %min3A_589 : vector<16xf32>
    %max3A_591 = arith.maximumf %scan3A_577#1, %get3A_588 : vector<16xf32>
    %get3A_592 = arith.index_cast %scan3A_579 : i32 to index
    %get3A_593 = arith.constant 32 : index
    %get3A_594 = tpu.vector_load %arg5[%get3A_592, %get3A_593] {strides = array<i32>} : memref<504x128xf32, #tpu.memory_space<vmem>>, vector<16xf32>,
    %min3A_595 = arith.minimumf %scan3A_577#2, %get3A_594 : vector<16xf32>
    %max3A_596 = arith.maximumf %scan3A_577#10, %min3A_595 : vector<16xf32>
    %max3A_597 = arith.maximumf %scan3A_577#2, %get3A_594 : vector<16xf32>
    %get3A_598 = arith.index_cast %scan3A_579 : i32 to index
    %get3A_599 = arith.constant 48 : index
    %get3A_600 = tpu.vector_load %arg5[%get3A_598, %get3A_599] {strides = array<i32>} : memref<504x128xf32, #tpu.memory_space<vmem>>, vector<16xf32>,
    %min3A_601 = arith.minimumf %scan3A_577#3, %get3A_600 : vector<16xf32>
    %max3A_602 = arith.maximumf %scan3A_577#11, %min3A_601 : vector<16xf32>
    %max3A_603 = arith.maximumf %scan3A_577#3, %get3A_600 : vector<16xf32>
    %get3A_604 = arith.index_cast %scan3A_579 : i32 to index
    %get3A_605 = arith.constant 64 : index
    %get3A_606 = tpu.vector_load %arg5[%get3A_604, %get3A_605] {strides = array<i32>} : memref<504x128xf32, #tpu.memory_space<vmem>>, vector<16xf32>,
    %min3A_607 = arith.minimumf %scan3A_577#4, %get3A_606 : vector<16xf32>
    %max3A_608 = arith.maximumf %scan3A_577#12, %min3A_607 : vector<16xf32>
    %max3A_609 = arith.maximumf %scan3A_577#4, %get3A_606 : vector<16xf32>
    %get3A_610 = arith.index_cast %scan3A_579 : i32 to index
    %get3A_611 = arith.constant 80 : index
    %get3A_612 = tpu.vector_load %arg5[%get3A_610, %get3A_611] {strides = array<i32>} : memref<504x128xf32, #tpu.memory_space<vmem>>, vector<16xf32>,
    %min3A_613 = arith.minimumf %scan3A_577#5, %get3A_612 : vector<16xf32>
    %max3A_614 = arith.maximumf %scan3A_577#13, %min3A_613 : vector<16xf32>
    %max3A_615 = arith.maximumf %scan3A_577#5, %get3A_612 : vector<16xf32>
    %get3A_616 = arith.index_cast %scan3A_579 : i32 to index
    %get3A_617 = arith.constant 96 : index
    %get3A_618 = tpu.vector_load %arg5[%get3A_616, %get3A_617] {strides = array<i32>} : memref<504x128xf32, #tpu.memory_space<vmem>>, vector<16xf32>,
    %min3A_619 = arith.minimumf %scan3A_577#6, %get3A_618 : vector<16xf32>
    %max3A_620 = arith.maximumf %scan3A_577#14, %min3A_619 : vector<16xf32>
    %max3A_621 = arith.maximumf %scan3A_577#6, %get3A_618 : vector<16xf32>
    %get3A_622 = arith.index_cast %scan3A_579 : i32 to index
    %get3A_623 = arith.constant 112 : index
    %get3A_624 = tpu.vector_load %arg5[%get3A_622, %get3A_623] {strides = array<i32>} : memref<504x128xf32, #tpu.memory_space<vmem>>, vector<16xf32>,
    %min3A_625 = arith.minimumf %scan3A_577#7, %get3A_624 : vector<16xf32>
    %max3A_626 = arith.maximumf %scan3A_577#15, %min3A_625 : vector<16xf32>
    %max3A_627 = arith.maximumf %scan3A_577#7, %get3A_624 : vector<16xf32>
    %scan3A_628 = arith.constant 503 : i32
    %get3A_629 = arith.constant 128 : index
    %get3A_630 = tpu.vector_load %arg7[%get3A_629] {strides = array<i32>} : memref<512xi32, #tpu.memory_space<vmem>>, vector<16xi32>,
    %sub3A_631 = arith.constant 0 : i32
    %sub3A_632 = vector.broadcast %sub3A_631 : i32 to vector<16xi32>
    %sub3A_633 = arith.subi %get3A_630, %sub3A_632 : vector<16xi32>
    %max3A_634 = arith.constant 0 : i32
    %max3A_635 = vector.broadcast %max3A_634 : i32 to vector<16xi32>
    %max3A_636 = arith.maxsi %sub3A_633, %max3A_635 : vector<16xi32>
    %min3A_637 = arith.constant 503 : i32
    %min3A_638 = vector.broadcast %min3A_637 : i32 to vector<16xi32>
    %min3A_639 = arith.minsi %max3A_636, %min3A_638 : vector<16xi32>
    %add3A_640 = arith.constant 0 : i32
    %add3A_641 = vector.broadcast %add3A_640 : i32 to vector<16xi32>
    %add3A_642 = arith.addi %iota3A, %add3A_641 : vector<16xi32>
    %gather3A_643 = tpu.vector_load_idx %arg5[%min3A_639, %add3A_642] : memref<504x128xf32, #tpu.memory_space<vmem>>[vector<16xi32>, vector<16xi32>], vector<16xf32>,
    %ge3A_644 = arith.constant 0 : i32
    %ge3A_645 = vector.broadcast %ge3A_644 : i32 to vector<16xi32>
    %ge3A_646 = arith.cmpi sge, %sub3A_633, %ge3A_645 : vector<16xi32>
    %lt3A_647 = arith.constant 504 : i32
    %lt3A_648 = vector.broadcast %lt3A_647 : i32 to vector<16xi32>
    %lt3A_649 = arith.cmpi slt, %sub3A_633, %lt3A_648 : vector<16xi32>
    %and3A_650 = arith.andi %ge3A_646, %lt3A_649 : vector<16xi1>
    %select_n3A_651 = arith.select %and3A_650, %gather3A_643, %broadcast_in_dim3A_3 : vector<16xi1>, vector<16xf32>
    %get3A_652 = arith.constant 144 : index
    %get3A_653 = tpu.vector_load %arg7[%get3A_652] {strides = array<i32>} : memref<512xi32, #tpu.memory_space<vmem>>, vector<16xi32>,
    %sub3A_654 = arith.constant 0 : i32
    %sub3A_655 = vector.broadcast %sub3A_654 : i32 to vector<16xi32>
    %sub3A_656 = arith.subi %get3A_653, %sub3A_655 : vector<16xi32>
    %max3A_657 = arith.constant 0 : i32
    %max3A_658 = vector.broadcast %max3A_657 : i32 to vector<16xi32>
    %max3A_659 = arith.maxsi %sub3A_656, %max3A_658 : vector<16xi32>
    %min3A_660 = arith.constant 503 : i32
    %min3A_661 = vector.broadcast %min3A_660 : i32 to vector<16xi32>
    %min3A_662 = arith.minsi %max3A_659, %min3A_661 : vector<16xi32>
    %add3A_663 = arith.constant 16 : i32
    %add3A_664 = vector.broadcast %add3A_663 : i32 to vector<16xi32>
    %add3A_665 = arith.addi %iota3A, %add3A_664 : vector<16xi32>
    %gather3A_666 = tpu.vector_load_idx %arg5[%min3A_662, %add3A_665] : memref<504x128xf32, #tpu.memory_space<vmem>>[vector<16xi32>, vector<16xi32>], vector<16xf32>,
    %ge3A_667 = arith.constant 0 : i32
    %ge3A_668 = vector.broadcast %ge3A_667 : i32 to vector<16xi32>
    %ge3A_669 = arith.cmpi sge, %sub3A_656, %ge3A_668 : vector<16xi32>
    %lt3A_670 = arith.constant 504 : i32
    %lt3A_671 = vector.broadcast %lt3A_670 : i32 to vector<16xi32>
    %lt3A_672 = arith.cmpi slt, %sub3A_656, %lt3A_671 : vector<16xi32>
    %and3A_673 = arith.andi %ge3A_669, %lt3A_672 : vector<16xi1>
    %select_n3A_674 = arith.select %and3A_673, %gather3A_666, %broadcast_in_dim3A_3 : vector<16xi1>, vector<16xf32>
    %get3A_675 = arith.constant 160 : index
    %get3A_676 = tpu.vector_load %arg7[%get3A_675] {strides = array<i32>} : memref<512xi32, #tpu.memory_space<vmem>>, vector<16xi32>,
    %sub3A_677 = arith.constant 0 : i32
    %sub3A_678 = vector.broadcast %sub3A_677 : i32 to vector<16xi32>
    %sub3A_679 = arith.subi %get3A_676, %sub3A_678 : vector<16xi32>
    %max3A_680 = arith.constant 0 : i32
    %max3A_681 = vector.broadcast %max3A_680 : i32 to vector<16xi32>
    %max3A_682 = arith.maxsi %sub3A_679, %max3A_681 : vector<16xi32>
    %min3A_683 = arith.constant 503 : i32
    %min3A_684 = vector.broadcast %min3A_683 : i32 to vector<16xi32>
    %min3A_685 = arith.minsi %max3A_682, %min3A_684 : vector<16xi32>
    %add3A_686 = arith.constant 32 : i32
    %add3A_687 = vector.broadcast %add3A_686 : i32 to vector<16xi32>
    %add3A_688 = arith.addi %iota3A, %add3A_687 : vector<16xi32>
    %gather3A_689 = tpu.vector_load_idx %arg5[%min3A_685, %add3A_688] : memref<504x128xf32, #tpu.memory_space<vmem>>[vector<16xi32>, vector<16xi32>], vector<16xf32>,
    %ge3A_690 = arith.constant 0 : i32
    %ge3A_691 = vector.broadcast %ge3A_690 : i32 to vector<16xi32>
    %ge3A_692 = arith.cmpi sge, %sub3A_679, %ge3A_691 : vector<16xi32>
    %lt3A_693 = arith.constant 504 : i32
    %lt3A_694 = vector.broadcast %lt3A_693 : i32 to vector<16xi32>
    %lt3A_695 = arith.cmpi slt, %sub3A_679, %lt3A_694 : vector<16xi32>
    %and3A_696 = arith.andi %ge3A_692, %lt3A_695 : vector<16xi1>
    %select_n3A_697 = arith.select %and3A_696, %gather3A_689, %broadcast_in_dim3A_3 : vector<16xi1>, vector<16xf32>
    %get3A_698 = arith.constant 176 : index
    %get3A_699 = tpu.vector_load %arg7[%get3A_698] {strides = array<i32>} : memref<512xi32, #tpu.memory_space<vmem>>, vector<16xi32>,
    %sub3A_700 = arith.constant 0 : i32
    %sub3A_701 = vector.broadcast %sub3A_700 : i32 to vector<16xi32>
    %sub3A_702 = arith.subi %get3A_699, %sub3A_701 : vector<16xi32>
    %max3A_703 = arith.constant 0 : i32
    %max3A_704 = vector.broadcast %max3A_703 : i32 to vector<16xi32>
    %max3A_705 = arith.maxsi %sub3A_702, %max3A_704 : vector<16xi32>
    %min3A_706 = arith.constant 503 : i32
    %min3A_707 = vector.broadcast %min3A_706 : i32 to vector<16xi32>
    %min3A_708 = arith.minsi %max3A_705, %min3A_707 : vector<16xi32>
    %add3A_709 = arith.constant 48 : i32
    %add3A_710 = vector.broadcast %add3A_709 : i32 to vector<16xi32>
    %add3A_711 = arith.addi %iota3A, %add3A_710 : vector<16xi32>
    %gather3A_712 = tpu.vector_load_idx %arg5[%min3A_708, %add3A_711] : memref<504x128xf32, #tpu.memory_space<vmem>>[vector<16xi32>, vector<16xi32>], vector<16xf32>,
    %ge3A_713 = arith.constant 0 : i32
    %ge3A_714 = vector.broadcast %ge3A_713 : i32 to vector<16xi32>
    %ge3A_715 = arith.cmpi sge, %sub3A_702, %ge3A_714 : vector<16xi32>
    %lt3A_716 = arith.constant 504 : i32
    %lt3A_717 = vector.broadcast %lt3A_716 : i32 to vector<16xi32>
    %lt3A_718 = arith.cmpi slt, %sub3A_702, %lt3A_717 : vector<16xi32>
    %and3A_719 = arith.andi %ge3A_715, %lt3A_718 : vector<16xi1>
    %select_n3A_720 = arith.select %and3A_719, %gather3A_712, %broadcast_in_dim3A_3 : vector<16xi1>, vector<16xf32>
    %get3A_721 = arith.constant 192 : index
    %get3A_722 = tpu.vector_load %arg7[%get3A_721] {strides = array<i32>} : memref<512xi32, #tpu.memory_space<vmem>>, vector<16xi32>,
    %sub3A_723 = arith.constant 0 : i32
    %sub3A_724 = vector.broadcast %sub3A_723 : i32 to vector<16xi32>
    %sub3A_725 = arith.subi %get3A_722, %sub3A_724 : vector<16xi32>
    %max3A_726 = arith.constant 0 : i32
    %max3A_727 = vector.broadcast %max3A_726 : i32 to vector<16xi32>
    %max3A_728 = arith.maxsi %sub3A_725, %max3A_727 : vector<16xi32>
    %min3A_729 = arith.constant 503 : i32
    %min3A_730 = vector.broadcast %min3A_729 : i32 to vector<16xi32>
    %min3A_731 = arith.minsi %max3A_728, %min3A_730 : vector<16xi32>
    %add3A_732 = arith.constant 64 : i32
    %add3A_733 = vector.broadcast %add3A_732 : i32 to vector<16xi32>
    %add3A_734 = arith.addi %iota3A, %add3A_733 : vector<16xi32>
    %gather3A_735 = tpu.vector_load_idx %arg5[%min3A_731, %add3A_734] : memref<504x128xf32, #tpu.memory_space<vmem>>[vector<16xi32>, vector<16xi32>], vector<16xf32>,
    %ge3A_736 = arith.constant 0 : i32
    %ge3A_737 = vector.broadcast %ge3A_736 : i32 to vector<16xi32>
    %ge3A_738 = arith.cmpi sge, %sub3A_725, %ge3A_737 : vector<16xi32>
    %lt3A_739 = arith.constant 504 : i32
    %lt3A_740 = vector.broadcast %lt3A_739 : i32 to vector<16xi32>
    %lt3A_741 = arith.cmpi slt, %sub3A_725, %lt3A_740 : vector<16xi32>
    %and3A_742 = arith.andi %ge3A_738, %lt3A_741 : vector<16xi1>
    %select_n3A_743 = arith.select %and3A_742, %gather3A_735, %broadcast_in_dim3A_3 : vector<16xi1>, vector<16xf32>
    %get3A_744 = arith.constant 208 : index
    %get3A_745 = tpu.vector_load %arg7[%get3A_744] {strides = array<i32>} : memref<512xi32, #tpu.memory_space<vmem>>, vector<16xi32>,
    %sub3A_746 = arith.constant 0 : i32
    %sub3A_747 = vector.broadcast %sub3A_746 : i32 to vector<16xi32>
    %sub3A_748 = arith.subi %get3A_745, %sub3A_747 : vector<16xi32>
    %max3A_749 = arith.constant 0 : i32
    %max3A_750 = vector.broadcast %max3A_749 : i32 to vector<16xi32>
    %max3A_751 = arith.maxsi %sub3A_748, %max3A_750 : vector<16xi32>
    %min3A_752 = arith.constant 503 : i32
    %min3A_753 = vector.broadcast %min3A_752 : i32 to vector<16xi32>
    %min3A_754 = arith.minsi %max3A_751, %min3A_753 : vector<16xi32>
    %add3A_755 = arith.constant 80 : i32
    %add3A_756 = vector.broadcast %add3A_755 : i32 to vector<16xi32>
    %add3A_757 = arith.addi %iota3A, %add3A_756 : vector<16xi32>
    %gather3A_758 = tpu.vector_load_idx %arg5[%min3A_754, %add3A_757] : memref<504x128xf32, #tpu.memory_space<vmem>>[vector<16xi32>, vector<16xi32>], vector<16xf32>,
    %ge3A_759 = arith.constant 0 : i32
    %ge3A_760 = vector.broadcast %ge3A_759 : i32 to vector<16xi32>
    %ge3A_761 = arith.cmpi sge, %sub3A_748, %ge3A_760 : vector<16xi32>
    %lt3A_762 = arith.constant 504 : i32
    %lt3A_763 = vector.broadcast %lt3A_762 : i32 to vector<16xi32>
    %lt3A_764 = arith.cmpi slt, %sub3A_748, %lt3A_763 : vector<16xi32>
    %and3A_765 = arith.andi %ge3A_761, %lt3A_764 : vector<16xi1>
    %select_n3A_766 = arith.select %and3A_765, %gather3A_758, %broadcast_in_dim3A_3 : vector<16xi1>, vector<16xf32>
    %get3A_767 = arith.constant 224 : index
    %get3A_768 = tpu.vector_load %arg7[%get3A_767] {strides = array<i32>} : memref<512xi32, #tpu.memory_space<vmem>>, vector<16xi32>,
    %sub3A_769 = arith.constant 0 : i32
    %sub3A_770 = vector.broadcast %sub3A_769 : i32 to vector<16xi32>
    %sub3A_771 = arith.subi %get3A_768, %sub3A_770 : vector<16xi32>
    %max3A_772 = arith.constant 0 : i32
    %max3A_773 = vector.broadcast %max3A_772 : i32 to vector<16xi32>
    %max3A_774 = arith.maxsi %sub3A_771, %max3A_773 : vector<16xi32>
    %min3A_775 = arith.constant 503 : i32
    %min3A_776 = vector.broadcast %min3A_775 : i32 to vector<16xi32>
    %min3A_777 = arith.minsi %max3A_774, %min3A_776 : vector<16xi32>
    %add3A_778 = arith.constant 96 : i32
    %add3A_779 = vector.broadcast %add3A_778 : i32 to vector<16xi32>
    %add3A_780 = arith.addi %iota3A, %add3A_779 : vector<16xi32>
    %gather3A_781 = tpu.vector_load_idx %arg5[%min3A_777, %add3A_780] : memref<504x128xf32, #tpu.memory_space<vmem>>[vector<16xi32>, vector<16xi32>], vector<16xf32>,
    %ge3A_782 = arith.constant 0 : i32
    %ge3A_783 = vector.broadcast %ge3A_782 : i32 to vector<16xi32>
    %ge3A_784 = arith.cmpi sge, %sub3A_771, %ge3A_783 : vector<16xi32>
    %lt3A_785 = arith.constant 504 : i32
    %lt3A_786 = vector.broadcast %lt3A_785 : i32 to vector<16xi32>
    %lt3A_787 = arith.cmpi slt, %sub3A_771, %lt3A_786 : vector<16xi32>
    %and3A_788 = arith.andi %ge3A_784, %lt3A_787 : vector<16xi1>
    %select_n3A_789 = arith.select %and3A_788, %gather3A_781, %broadcast_in_dim3A_3 : vector<16xi1>, vector<16xf32>
    %get3A_790 = arith.constant 240 : index
    %get3A_791 = tpu.vector_load %arg7[%get3A_790] {strides = array<i32>} : memref<512xi32, #tpu.memory_space<vmem>>, vector<16xi32>,
    %sub3A_792 = arith.constant 0 : i32
    %sub3A_793 = vector.broadcast %sub3A_792 : i32 to vector<16xi32>
    %sub3A_794 = arith.subi %get3A_791, %sub3A_793 : vector<16xi32>
    %max3A_795 = arith.constant 0 : i32
    %max3A_796 = vector.broadcast %max3A_795 : i32 to vector<16xi32>
    %max3A_797 = arith.maxsi %sub3A_794, %max3A_796 : vector<16xi32>
    %min3A_798 = arith.constant 503 : i32
    %min3A_799 = vector.broadcast %min3A_798 : i32 to vector<16xi32>
    %min3A_800 = arith.minsi %max3A_797, %min3A_799 : vector<16xi32>
    %add3A_801 = arith.constant 112 : i32
    %add3A_802 = vector.broadcast %add3A_801 : i32 to vector<16xi32>
    %add3A_803 = arith.addi %iota3A, %add3A_802 : vector<16xi32>
    %gather3A_804 = tpu.vector_load_idx %arg5[%min3A_800, %add3A_803] : memref<504x128xf32, #tpu.memory_space<vmem>>[vector<16xi32>, vector<16xi32>], vector<16xf32>,
    %ge3A_805 = arith.constant 0 : i32
    %ge3A_806 = vector.broadcast %ge3A_805 : i32 to vector<16xi32>
    %ge3A_807 = arith.cmpi sge, %sub3A_794, %ge3A_806 : vector<16xi32>
    %lt3A_808 = arith.constant 504 : i32
    %lt3A_809 = vector.broadcast %lt3A_808 : i32 to vector<16xi32>
    %lt3A_810 = arith.cmpi slt, %sub3A_794, %lt3A_809 : vector<16xi32>
    %and3A_811 = arith.andi %ge3A_807, %lt3A_810 : vector<16xi1>
    %select_n3A_812 = arith.select %and3A_811, %gather3A_804, %broadcast_in_dim3A_3 : vector<16xi1>, vector<16xf32>
    %add3A_813 = arith.constant 256 : i32
    %add3A_814 = arith.addi %multiple_of3A, %add3A_813 : i32
    %multiple_of3A_815 = tpu.assume_multiple %add3A_814, 128 : i32
    %dma_start3A_816 = arith.constant 0 : i32
    %dma_start3A_817 = tpu.memref_slice %arg2[%dma_start3A_816, %multiple_of3A_815] : memref<1000x16384xf32, #tpu.memory_space<hbm>> -> memref<504x128xf32, #tpu.memory_space<hbm>>
    %dma_start3A_818 = arith.constant 0 : i32
    %dma_start3A_819 = tpu.memref_slice %arg2[%dma_start3A_818, %multiple_of3A_815] : memref<1000x16384xf32, #tpu.memory_space<hbm>> -> memref<504x128xf32, #tpu.memory_space<hbm>>
    tpu.enqueue_dma source(%dma_start3A_819 : memref<504x128xf32, #tpu.memory_space<hbm>>) target(%arg5 : memref<504x128xf32, #tpu.memory_space<vmem>>) target_semaphore(%arg9 : memref<!tpu.dma_semaphore, #tpu.memory_space<semaphore_mem>>)
    %add3A_820 = arith.constant 128 : i32
    %add3A_821 = arith.addi %multiple_of3A, %add3A_820 : i32
    %multiple_of3A_822 = tpu.assume_multiple %add3A_821, 128 : i32
    %dma_wait3A_823 = arith.constant 504 : i32
    %dma_wait3A_824 = tpu.memref_slice %arg2[%dma_wait3A_823, %multiple_of3A_822] : memref<1000x16384xf32, #tpu.memory_space<hbm>> -> memref<496x128xf32, #tpu.memory_space<hbm>>
    %dma_wait3A_825 = arith.constant 504 : i32
    %dma_wait3A_826 = tpu.memref_slice %arg2[%dma_wait3A_825, %multiple_of3A_822] : memref<1000x16384xf32, #tpu.memory_space<hbm>> -> memref<496x128xf32, #tpu.memory_space<hbm>>
    tpu.wait_dma2 semaphore(%arg10 : memref<!tpu.dma_semaphore, #tpu.memory_space<semaphore_mem>>) src(%dma_wait3A_826 : memref<496x128xf32, #tpu.memory_space<hbm>>) dst(%arg6 : memref<496x128xf32, #tpu.memory_space<vmem>>)
    %scan3A_827 = arith.constant 0 : i32
    %scan3A_828 = arith.constant 496 : i32
    %scan3A_829 = arith.addi %scan3A_827, %scan3A_828 : i32
    %scan3A_830 = arith.constant 2 : i32
    %scan3A_831:16 = scf.for %scan3A_2110 = %scan3A_827 to %scan3A_829 step %scan3A_830 iter_args(%scan3A_2111 = %max3A_585, %scan3A_2112 = %max3A_591, %scan3A_2113 = %max3A_597, %scan3A_2114 = %max3A_603, %scan3A_2115 = %max3A_609, %scan3A_2116 = %max3A_615, %scan3A_2117 = %max3A_621, %scan3A_2118 = %max3A_627, %scan3A_2119 = %max3A_584, %scan3A_2120 = %max3A_590, %scan3A_2121 = %max3A_596, %scan3A_2122 = %max3A_602, %scan3A_2123 = %max3A_608, %scan3A_2124 = %max3A_614, %scan3A_2125 = %max3A_620, %scan3A_2126 = %max3A_626) -> (vector<16xf32>, vector<16xf32>, vector<16xf32>, vector<16xf32>, vector<16xf32>, vector<16xf32>, vector<16xf32>, vector<16xf32>, vector<16xf32>, vector<16xf32>, vector<16xf32>, vector<16xf32>, vector<16xf32>, vector<16xf32>, vector<16xf32>, vector<16xf32>)  : i32 {
      %get3A_2127 = arith.index_cast %scan3A_2110 : i32 to index
      %get3A_2128 = arith.constant 0 : index
      %get3A_2129 = tpu.vector_load %arg6[%get3A_2127, %get3A_2128] {strides = array<i32>} : memref<496x128xf32, #tpu.memory_space<vmem>>, vector<16xf32>,
      %min3A_2130 = arith.minimumf %scan3A_2111, %get3A_2129 : vector<16xf32>
      %max3A_2131 = arith.maximumf %scan3A_2119, %min3A_2130 : vector<16xf32>
      %max3A_2132 = arith.maximumf %scan3A_2111, %get3A_2129 : vector<16xf32>
      %get3A_2133 = arith.index_cast %scan3A_2110 : i32 to index
      %get3A_2134 = arith.constant 16 : index
      %get3A_2135 = tpu.vector_load %arg6[%get3A_2133, %get3A_2134] {strides = array<i32>} : memref<496x128xf32, #tpu.memory_space<vmem>>, vector<16xf32>,
      %min3A_2136 = arith.minimumf %scan3A_2112, %get3A_2135 : vector<16xf32>
      %max3A_2137 = arith.maximumf %scan3A_2120, %min3A_2136 : vector<16xf32>
      %max3A_2138 = arith.maximumf %scan3A_2112, %get3A_2135 : vector<16xf32>
      %get3A_2139 = arith.index_cast %scan3A_2110 : i32 to index
      %get3A_2140 = arith.constant 32 : index
      %get3A_2141 = tpu.vector_load %arg6[%get3A_2139, %get3A_2140] {strides = array<i32>} : memref<496x128xf32, #tpu.memory_space<vmem>>, vector<16xf32>,
      %min3A_2142 = arith.minimumf %scan3A_2113, %get3A_2141 : vector<16xf32>
      %max3A_2143 = arith.maximumf %scan3A_2121, %min3A_2142 : vector<16xf32>
      %max3A_2144 = arith.maximumf %scan3A_2113, %get3A_2141 : vector<16xf32>
      %get3A_2145 = arith.index_cast %scan3A_2110 : i32 to index
      %get3A_2146 = arith.constant 48 : index
      %get3A_2147 = tpu.vector_load %arg6[%get3A_2145, %get3A_2146] {strides = array<i32>} : memref<496x128xf32, #tpu.memory_space<vmem>>, vector<16xf32>,
      %min3A_2148 = arith.minimumf %scan3A_2114, %get3A_2147 : vector<16xf32>
      %max3A_2149 = arith.maximumf %scan3A_2122, %min3A_2148 : vector<16xf32>
      %max3A_2150 = arith.maximumf %scan3A_2114, %get3A_2147 : vector<16xf32>
      %get3A_2151 = arith.index_cast %scan3A_2110 : i32 to index
      %get3A_2152 = arith.constant 64 : index
      %get3A_2153 = tpu.vector_load %arg6[%get3A_2151, %get3A_2152] {strides = array<i32>} : memref<496x128xf32, #tpu.memory_space<vmem>>, vector<16xf32>,
      %min3A_2154 = arith.minimumf %scan3A_2115, %get3A_2153 : vector<16xf32>
      %max3A_2155 = arith.maximumf %scan3A_2123, %min3A_2154 : vector<16xf32>
      %max3A_2156 = arith.maximumf %scan3A_2115, %get3A_2153 : vector<16xf32>
      %get3A_2157 = arith.index_cast %scan3A_2110 : i32 to index
      %get3A_2158 = arith.constant 80 : index
      %get3A_2159 = tpu.vector_load %arg6[%get3A_2157, %get3A_2158] {strides = array<i32>} : memref<496x128xf32, #tpu.memory_space<vmem>>, vector<16xf32>,
      %min3A_2160 = arith.minimumf %scan3A_2116, %get3A_2159 : vector<16xf32>
      %max3A_2161 = arith.maximumf %scan3A_2124, %min3A_2160 : vector<16xf32>
      %max3A_2162 = arith.maximumf %scan3A_2116, %get3A_2159 : vector<16xf32>
      %get3A_2163 = arith.index_cast %scan3A_2110 : i32 to index
      %get3A_2164 = arith.constant 96 : index
      %get3A_2165 = tpu.vector_load %arg6[%get3A_2163, %get3A_2164] {strides = array<i32>} : memref<496x128xf32, #tpu.memory_space<vmem>>, vector<16xf32>,
      %min3A_2166 = arith.minimumf %scan3A_2117, %get3A_2165 : vector<16xf32>
      %max3A_2167 = arith.maximumf %scan3A_2125, %min3A_2166 : vector<16xf32>
      %max3A_2168 = arith.maximumf %scan3A_2117, %get3A_2165 : vector<16xf32>
      %get3A_2169 = arith.index_cast %scan3A_2110 : i32 to index
      %get3A_2170 = arith.constant 112 : index
      %get3A_2171 = tpu.vector_load %arg6[%get3A_2169, %get3A_2170] {strides = array<i32>} : memref<496x128xf32, #tpu.memory_space<vmem>>, vector<16xf32>,
      %min3A_2172 = arith.minimumf %scan3A_2118, %get3A_2171 : vector<16xf32>
      %max3A_2173 = arith.maximumf %scan3A_2126, %min3A_2172 : vector<16xf32>
      %max3A_2174 = arith.maximumf %scan3A_2118, %get3A_2171 : vector<16xf32>
      %scan3A_2175 = arith.constant 1 : i32
      %scan3A_2176 = arith.addi %scan3A_2110, %scan3A_2175 : i32
      %get3A_2177 = arith.index_cast %scan3A_2176 : i32 to index
      %get3A_2178 = arith.constant 0 : index
      %get3A_2179 = tpu.vector_load %arg6[%get3A_2177, %get3A_2178] {strides = array<i32>} : memref<496x128xf32, #tpu.memory_space<vmem>>, vector<16xf32>,
      %min3A_2180 = arith.minimumf %max3A_2132, %get3A_2179 : vector<16xf32>
      %max3A_2181 = arith.maximumf %max3A_2131, %min3A_2180 : vector<16xf32>
      %max3A_2182 = arith.maximumf %max3A_2132, %get3A_2179 : vector<16xf32>
      %get3A_2183 = arith.index_cast %scan3A_2176 : i32 to index
      %get3A_2184 = arith.constant 16 : index
      %get3A_2185 = tpu.vector_load %arg6[%get3A_2183, %get3A_2184] {strides = array<i32>} : memref<496x128xf32, #tpu.memory_space<vmem>>, vector<16xf32>,
      %min3A_2186 = arith.minimumf %max3A_2138, %get3A_2185 : vector<16xf32>
      %max3A_2187 = arith.maximumf %max3A_2137, %min3A_2186 : vector<16xf32>
      %max3A_2188 = arith.maximumf %max3A_2138, %get3A_2185 : vector<16xf32>
      %get3A_2189 = arith.index_cast %scan3A_2176 : i32 to index
      %get3A_2190 = arith.constant 32 : index
      %get3A_2191 = tpu.vector_load %arg6[%get3A_2189, %get3A_2190] {strides = array<i32>} : memref<496x128xf32, #tpu.memory_space<vmem>>, vector<16xf32>,
      %min3A_2192 = arith.minimumf %max3A_2144, %get3A_2191 : vector<16xf32>
      %max3A_2193 = arith.maximumf %max3A_2143, %min3A_2192 : vector<16xf32>
      %max3A_2194 = arith.maximumf %max3A_2144, %get3A_2191 : vector<16xf32>
      %get3A_2195 = arith.index_cast %scan3A_2176 : i32 to index
      %get3A_2196 = arith.constant 48 : index
      %get3A_2197 = tpu.vector_load %arg6[%get3A_2195, %get3A_2196] {strides = array<i32>} : memref<496x128xf32, #tpu.memory_space<vmem>>, vector<16xf32>,
      %min3A_2198 = arith.minimumf %max3A_2150, %get3A_2197 : vector<16xf32>
      %max3A_2199 = arith.maximumf %max3A_2149, %min3A_2198 : vector<16xf32>
      %max3A_2200 = arith.maximumf %max3A_2150, %get3A_2197 : vector<16xf32>
      %get3A_2201 = arith.index_cast %scan3A_2176 : i32 to index
      %get3A_2202 = arith.constant 64 : index
      %get3A_2203 = tpu.vector_load %arg6[%get3A_2201, %get3A_2202] {strides = array<i32>} : memref<496x128xf32, #tpu.memory_space<vmem>>, vector<16xf32>,
      %min3A_2204 = arith.minimumf %max3A_2156, %get3A_2203 : vector<16xf32>
      %max3A_2205 = arith.maximumf %max3A_2155, %min3A_2204 : vector<16xf32>
      %max3A_2206 = arith.maximumf %max3A_2156, %get3A_2203 : vector<16xf32>
      %get3A_2207 = arith.index_cast %scan3A_2176 : i32 to index
      %get3A_2208 = arith.constant 80 : index
      %get3A_2209 = tpu.vector_load %arg6[%get3A_2207, %get3A_2208] {strides = array<i32>} : memref<496x128xf32, #tpu.memory_space<vmem>>, vector<16xf32>,
      %min3A_2210 = arith.minimumf %max3A_2162, %get3A_2209 : vector<16xf32>
      %max3A_2211 = arith.maximumf %max3A_2161, %min3A_2210 : vector<16xf32>
      %max3A_2212 = arith.maximumf %max3A_2162, %get3A_2209 : vector<16xf32>
      %get3A_2213 = arith.index_cast %scan3A_2176 : i32 to index
      %get3A_2214 = arith.constant 96 : index
      %get3A_2215 = tpu.vector_load %arg6[%get3A_2213, %get3A_2214] {strides = array<i32>} : memref<496x128xf32, #tpu.memory_space<vmem>>, vector<16xf32>,
      %min3A_2216 = arith.minimumf %max3A_2168, %get3A_2215 : vector<16xf32>
      %max3A_2217 = arith.maximumf %max3A_2167, %min3A_2216 : vector<16xf32>
      %max3A_2218 = arith.maximumf %max3A_2168, %get3A_2215 : vector<16xf32>
      %get3A_2219 = arith.index_cast %scan3A_2176 : i32 to index
      %get3A_2220 = arith.constant 112 : index
      %get3A_2221 = tpu.vector_load %arg6[%get3A_2219, %get3A_2220] {strides = array<i32>} : memref<496x128xf32, #tpu.memory_space<vmem>>, vector<16xf32>,
      %min3A_2222 = arith.minimumf %max3A_2174, %get3A_2221 : vector<16xf32>
      %max3A_2223 = arith.maximumf %max3A_2173, %min3A_2222 : vector<16xf32>
      %max3A_2224 = arith.maximumf %max3A_2174, %get3A_2221 : vector<16xf32>
      scf.yield %max3A_2182, %max3A_2188, %max3A_2194, %max3A_2200, %max3A_2206, %max3A_2212, %max3A_2218, %max3A_2224, %max3A_2181, %max3A_2187, %max3A_2193, %max3A_2199, %max3A_2205, %max3A_2211, %max3A_2217, %max3A_2223 : vector<16xf32>, vector<16xf32>, vector<16xf32>, vector<16xf32>, vector<16xf32>, vector<16xf32>, vector<16xf32>, vector<16xf32>, vector<16xf32>, vector<16xf32>, vector<16xf32>, vector<16xf32>, vector<16xf32>, vector<16xf32>, vector<16xf32>, vector<16xf32>
    }
    %scan3A_832 = arith.constant 496 : i32
    %get3A_833 = arith.constant 128 : index
    %get3A_834 = tpu.vector_load %arg7[%get3A_833] {strides = array<i32>} : memref<512xi32, #tpu.memory_space<vmem>>, vector<16xi32>,
    %sub3A_835 = arith.constant 504 : i32
    %sub3A_836 = vector.broadcast %sub3A_835 : i32 to vector<16xi32>
    %sub3A_837 = arith.subi %get3A_834, %sub3A_836 : vector<16xi32>
    %max3A_838 = arith.constant 0 : i32
    %max3A_839 = vector.broadcast %max3A_838 : i32 to vector<16xi32>
    %max3A_840 = arith.maxsi %sub3A_837, %max3A_839 : vector<16xi32>
    %min3A_841 = arith.constant 495 : i32
    %min3A_842 = vector.broadcast %min3A_841 : i32 to vector<16xi32>
    %min3A_843 = arith.minsi %max3A_840, %min3A_842 : vector<16xi32>
    %add3A_844 = arith.constant 0 : i32
    %add3A_845 = vector.broadcast %add3A_844 : i32 to vector<16xi32>
    %add3A_846 = arith.addi %iota3A, %add3A_845 : vector<16xi32>
    %gather3A_847 = tpu.vector_load_idx %arg6[%min3A_843, %add3A_846] : memref<496x128xf32, #tpu.memory_space<vmem>>[vector<16xi32>, vector<16xi32>], vector<16xf32>,
    %ge3A_848 = arith.constant 0 : i32
    %ge3A_849 = vector.broadcast %ge3A_848 : i32 to vector<16xi32>
    %ge3A_850 = arith.cmpi sge, %sub3A_837, %ge3A_849 : vector<16xi32>
    %lt3A_851 = arith.constant 496 : i32
    %lt3A_852 = vector.broadcast %lt3A_851 : i32 to vector<16xi32>
    %lt3A_853 = arith.cmpi slt, %sub3A_837, %lt3A_852 : vector<16xi32>
    %and3A_854 = arith.andi %ge3A_850, %lt3A_853 : vector<16xi1>
    %select_n3A_855 = arith.select %and3A_854, %gather3A_847, %select_n3A_651 : vector<16xi1>, vector<16xf32>
    %get3A_856 = arith.constant 144 : index
    %get3A_857 = tpu.vector_load %arg7[%get3A_856] {strides = array<i32>} : memref<512xi32, #tpu.memory_space<vmem>>, vector<16xi32>,
    %sub3A_858 = arith.constant 504 : i32
    %sub3A_859 = vector.broadcast %sub3A_858 : i32 to vector<16xi32>
    %sub3A_860 = arith.subi %get3A_857, %sub3A_859 : vector<16xi32>
    %max3A_861 = arith.constant 0 : i32
    %max3A_862 = vector.broadcast %max3A_861 : i32 to vector<16xi32>
    %max3A_863 = arith.maxsi %sub3A_860, %max3A_862 : vector<16xi32>
    %min3A_864 = arith.constant 495 : i32
    %min3A_865 = vector.broadcast %min3A_864 : i32 to vector<16xi32>
    %min3A_866 = arith.minsi %max3A_863, %min3A_865 : vector<16xi32>
    %add3A_867 = arith.constant 16 : i32
    %add3A_868 = vector.broadcast %add3A_867 : i32 to vector<16xi32>
    %add3A_869 = arith.addi %iota3A, %add3A_868 : vector<16xi32>
    %gather3A_870 = tpu.vector_load_idx %arg6[%min3A_866, %add3A_869] : memref<496x128xf32, #tpu.memory_space<vmem>>[vector<16xi32>, vector<16xi32>], vector<16xf32>,
    %ge3A_871 = arith.constant 0 : i32
    %ge3A_872 = vector.broadcast %ge3A_871 : i32 to vector<16xi32>
    %ge3A_873 = arith.cmpi sge, %sub3A_860, %ge3A_872 : vector<16xi32>
    %lt3A_874 = arith.constant 496 : i32
    %lt3A_875 = vector.broadcast %lt3A_874 : i32 to vector<16xi32>
    %lt3A_876 = arith.cmpi slt, %sub3A_860, %lt3A_875 : vector<16xi32>
    %and3A_877 = arith.andi %ge3A_873, %lt3A_876 : vector<16xi1>
    %select_n3A_878 = arith.select %and3A_877, %gather3A_870, %select_n3A_674 : vector<16xi1>, vector<16xf32>
    %get3A_879 = arith.constant 160 : index
    %get3A_880 = tpu.vector_load %arg7[%get3A_879] {strides = array<i32>} : memref<512xi32, #tpu.memory_space<vmem>>, vector<16xi32>,
    %sub3A_881 = arith.constant 504 : i32
    %sub3A_882 = vector.broadcast %sub3A_881 : i32 to vector<16xi32>
    %sub3A_883 = arith.subi %get3A_880, %sub3A_882 : vector<16xi32>
    %max3A_884 = arith.constant 0 : i32
    %max3A_885 = vector.broadcast %max3A_884 : i32 to vector<16xi32>
    %max3A_886 = arith.maxsi %sub3A_883, %max3A_885 : vector<16xi32>
    %min3A_887 = arith.constant 495 : i32
    %min3A_888 = vector.broadcast %min3A_887 : i32 to vector<16xi32>
    %min3A_889 = arith.minsi %max3A_886, %min3A_888 : vector<16xi32>
    %add3A_890 = arith.constant 32 : i32
    %add3A_891 = vector.broadcast %add3A_890 : i32 to vector<16xi32>
    %add3A_892 = arith.addi %iota3A, %add3A_891 : vector<16xi32>
    %gather3A_893 = tpu.vector_load_idx %arg6[%min3A_889, %add3A_892] : memref<496x128xf32, #tpu.memory_space<vmem>>[vector<16xi32>, vector<16xi32>], vector<16xf32>,
    %ge3A_894 = arith.constant 0 : i32
    %ge3A_895 = vector.broadcast %ge3A_894 : i32 to vector<16xi32>
    %ge3A_896 = arith.cmpi sge, %sub3A_883, %ge3A_895 : vector<16xi32>
    %lt3A_897 = arith.constant 496 : i32
    %lt3A_898 = vector.broadcast %lt3A_897 : i32 to vector<16xi32>
    %lt3A_899 = arith.cmpi slt, %sub3A_883, %lt3A_898 : vector<16xi32>
    %and3A_900 = arith.andi %ge3A_896, %lt3A_899 : vector<16xi1>
    %select_n3A_901 = arith.select %and3A_900, %gather3A_893, %select_n3A_697 : vector<16xi1>, vector<16xf32>
    %get3A_902 = arith.constant 176 : index
    %get3A_903 = tpu.vector_load %arg7[%get3A_902] {strides = array<i32>} : memref<512xi32, #tpu.memory_space<vmem>>, vector<16xi32>,
    %sub3A_904 = arith.constant 504 : i32
    %sub3A_905 = vector.broadcast %sub3A_904 : i32 to vector<16xi32>
    %sub3A_906 = arith.subi %get3A_903, %sub3A_905 : vector<16xi32>
    %max3A_907 = arith.constant 0 : i32
    %max3A_908 = vector.broadcast %max3A_907 : i32 to vector<16xi32>
    %max3A_909 = arith.maxsi %sub3A_906, %max3A_908 : vector<16xi32>
    %min3A_910 = arith.constant 495 : i32
    %min3A_911 = vector.broadcast %min3A_910 : i32 to vector<16xi32>
    %min3A_912 = arith.minsi %max3A_909, %min3A_911 : vector<16xi32>
    %add3A_913 = arith.constant 48 : i32
    %add3A_914 = vector.broadcast %add3A_913 : i32 to vector<16xi32>
    %add3A_915 = arith.addi %iota3A, %add3A_914 : vector<16xi32>
    %gather3A_916 = tpu.vector_load_idx %arg6[%min3A_912, %add3A_915] : memref<496x128xf32, #tpu.memory_space<vmem>>[vector<16xi32>, vector<16xi32>], vector<16xf32>,
    %ge3A_917 = arith.constant 0 : i32
    %ge3A_918 = vector.broadcast %ge3A_917 : i32 to vector<16xi32>
    %ge3A_919 = arith.cmpi sge, %sub3A_906, %ge3A_918 : vector<16xi32>
    %lt3A_920 = arith.constant 496 : i32
    %lt3A_921 = vector.broadcast %lt3A_920 : i32 to vector<16xi32>
    %lt3A_922 = arith.cmpi slt, %sub3A_906, %lt3A_921 : vector<16xi32>
    %and3A_923 = arith.andi %ge3A_919, %lt3A_922 : vector<16xi1>
    %select_n3A_924 = arith.select %and3A_923, %gather3A_916, %select_n3A_720 : vector<16xi1>, vector<16xf32>
    %get3A_925 = arith.constant 192 : index
    %get3A_926 = tpu.vector_load %arg7[%get3A_925] {strides = array<i32>} : memref<512xi32, #tpu.memory_space<vmem>>, vector<16xi32>,
    %sub3A_927 = arith.constant 504 : i32
    %sub3A_928 = vector.broadcast %sub3A_927 : i32 to vector<16xi32>
    %sub3A_929 = arith.subi %get3A_926, %sub3A_928 : vector<16xi32>
    %max3A_930 = arith.constant 0 : i32
    %max3A_931 = vector.broadcast %max3A_930 : i32 to vector<16xi32>
    %max3A_932 = arith.maxsi %sub3A_929, %max3A_931 : vector<16xi32>
    %min3A_933 = arith.constant 495 : i32
    %min3A_934 = vector.broadcast %min3A_933 : i32 to vector<16xi32>
    %min3A_935 = arith.minsi %max3A_932, %min3A_934 : vector<16xi32>
    %add3A_936 = arith.constant 64 : i32
    %add3A_937 = vector.broadcast %add3A_936 : i32 to vector<16xi32>
    %add3A_938 = arith.addi %iota3A, %add3A_937 : vector<16xi32>
    %gather3A_939 = tpu.vector_load_idx %arg6[%min3A_935, %add3A_938] : memref<496x128xf32, #tpu.memory_space<vmem>>[vector<16xi32>, vector<16xi32>], vector<16xf32>,
    %ge3A_940 = arith.constant 0 : i32
    %ge3A_941 = vector.broadcast %ge3A_940 : i32 to vector<16xi32>
    %ge3A_942 = arith.cmpi sge, %sub3A_929, %ge3A_941 : vector<16xi32>
    %lt3A_943 = arith.constant 496 : i32
    %lt3A_944 = vector.broadcast %lt3A_943 : i32 to vector<16xi32>
    %lt3A_945 = arith.cmpi slt, %sub3A_929, %lt3A_944 : vector<16xi32>
    %and3A_946 = arith.andi %ge3A_942, %lt3A_945 : vector<16xi1>
    %select_n3A_947 = arith.select %and3A_946, %gather3A_939, %select_n3A_743 : vector<16xi1>, vector<16xf32>
    %get3A_948 = arith.constant 208 : index
    %get3A_949 = tpu.vector_load %arg7[%get3A_948] {strides = array<i32>} : memref<512xi32, #tpu.memory_space<vmem>>, vector<16xi32>,
    %sub3A_950 = arith.constant 504 : i32
    %sub3A_951 = vector.broadcast %sub3A_950 : i32 to vector<16xi32>
    %sub3A_952 = arith.subi %get3A_949, %sub3A_951 : vector<16xi32>
    %max3A_953 = arith.constant 0 : i32
    %max3A_954 = vector.broadcast %max3A_953 : i32 to vector<16xi32>
    %max3A_955 = arith.maxsi %sub3A_952, %max3A_954 : vector<16xi32>
    %min3A_956 = arith.constant 495 : i32
    %min3A_957 = vector.broadcast %min3A_956 : i32 to vector<16xi32>
    %min3A_958 = arith.minsi %max3A_955, %min3A_957 : vector<16xi32>
    %add3A_959 = arith.constant 80 : i32
    %add3A_960 = vector.broadcast %add3A_959 : i32 to vector<16xi32>
    %add3A_961 = arith.addi %iota3A, %add3A_960 : vector<16xi32>
    %gather3A_962 = tpu.vector_load_idx %arg6[%min3A_958, %add3A_961] : memref<496x128xf32, #tpu.memory_space<vmem>>[vector<16xi32>, vector<16xi32>], vector<16xf32>,
    %ge3A_963 = arith.constant 0 : i32
    %ge3A_964 = vector.broadcast %ge3A_963 : i32 to vector<16xi32>
    %ge3A_965 = arith.cmpi sge, %sub3A_952, %ge3A_964 : vector<16xi32>
    %lt3A_966 = arith.constant 496 : i32
    %lt3A_967 = vector.broadcast %lt3A_966 : i32 to vector<16xi32>
    %lt3A_968 = arith.cmpi slt, %sub3A_952, %lt3A_967 : vector<16xi32>
    %and3A_969 = arith.andi %ge3A_965, %lt3A_968 : vector<16xi1>
    %select_n3A_970 = arith.select %and3A_969, %gather3A_962, %select_n3A_766 : vector<16xi1>, vector<16xf32>
    %get3A_971 = arith.constant 224 : index
    %get3A_972 = tpu.vector_load %arg7[%get3A_971] {strides = array<i32>} : memref<512xi32, #tpu.memory_space<vmem>>, vector<16xi32>,
    %sub3A_973 = arith.constant 504 : i32
    %sub3A_974 = vector.broadcast %sub3A_973 : i32 to vector<16xi32>
    %sub3A_975 = arith.subi %get3A_972, %sub3A_974 : vector<16xi32>
    %max3A_976 = arith.constant 0 : i32
    %max3A_977 = vector.broadcast %max3A_976 : i32 to vector<16xi32>
    %max3A_978 = arith.maxsi %sub3A_975, %max3A_977 : vector<16xi32>
    %min3A_979 = arith.constant 495 : i32
    %min3A_980 = vector.broadcast %min3A_979 : i32 to vector<16xi32>
    %min3A_981 = arith.minsi %max3A_978, %min3A_980 : vector<16xi32>
    %add3A_982 = arith.constant 96 : i32
    %add3A_983 = vector.broadcast %add3A_982 : i32 to vector<16xi32>
    %add3A_984 = arith.addi %iota3A, %add3A_983 : vector<16xi32>
    %gather3A_985 = tpu.vector_load_idx %arg6[%min3A_981, %add3A_984] : memref<496x128xf32, #tpu.memory_space<vmem>>[vector<16xi32>, vector<16xi32>], vector<16xf32>,
    %ge3A_986 = arith.constant 0 : i32
    %ge3A_987 = vector.broadcast %ge3A_986 : i32 to vector<16xi32>
    %ge3A_988 = arith.cmpi sge, %sub3A_975, %ge3A_987 : vector<16xi32>
    %lt3A_989 = arith.constant 496 : i32
    %lt3A_990 = vector.broadcast %lt3A_989 : i32 to vector<16xi32>
    %lt3A_991 = arith.cmpi slt, %sub3A_975, %lt3A_990 : vector<16xi32>
    %and3A_992 = arith.andi %ge3A_988, %lt3A_991 : vector<16xi1>
    %select_n3A_993 = arith.select %and3A_992, %gather3A_985, %select_n3A_789 : vector<16xi1>, vector<16xf32>
    %get3A_994 = arith.constant 240 : index
    %get3A_995 = tpu.vector_load %arg7[%get3A_994] {strides = array<i32>} : memref<512xi32, #tpu.memory_space<vmem>>, vector<16xi32>,
    %sub3A_996 = arith.constant 504 : i32
    %sub3A_997 = vector.broadcast %sub3A_996 : i32 to vector<16xi32>
    %sub3A_998 = arith.subi %get3A_995, %sub3A_997 : vector<16xi32>
    %max3A_999 = arith.constant 0 : i32
    %max3A_1000 = vector.broadcast %max3A_999 : i32 to vector<16xi32>
    %max3A_1001 = arith.maxsi %sub3A_998, %max3A_1000 : vector<16xi32>
    %min3A_1002 = arith.constant 495 : i32
    %min3A_1003 = vector.broadcast %min3A_1002 : i32 to vector<16xi32>
    %min3A_1004 = arith.minsi %max3A_1001, %min3A_1003 : vector<16xi32>
    %add3A_1005 = arith.constant 112 : i32
    %add3A_1006 = vector.broadcast %add3A_1005 : i32 to vector<16xi32>
    %add3A_1007 = arith.addi %iota3A, %add3A_1006 : vector<16xi32>
    %gather3A_1008 = tpu.vector_load_idx %arg6[%min3A_1004, %add3A_1007] : memref<496x128xf32, #tpu.memory_space<vmem>>[vector<16xi32>, vector<16xi32>], vector<16xf32>,
    %ge3A_1009 = arith.constant 0 : i32
    %ge3A_1010 = vector.broadcast %ge3A_1009 : i32 to vector<16xi32>
    %ge3A_1011 = arith.cmpi sge, %sub3A_998, %ge3A_1010 : vector<16xi32>
    %lt3A_1012 = arith.constant 496 : i32
    %lt3A_1013 = vector.broadcast %lt3A_1012 : i32 to vector<16xi32>
    %lt3A_1014 = arith.cmpi slt, %sub3A_998, %lt3A_1013 : vector<16xi32>
    %and3A_1015 = arith.andi %ge3A_1011, %lt3A_1014 : vector<16xi1>
    %select_n3A_1016 = arith.select %and3A_1015, %gather3A_1008, %select_n3A_812 : vector<16xi1>, vector<16xf32>
    %eq3A_1017 = arith.cmpf oeq, %select_n3A_855, %scan3A_831#0 : vector<16xf32>
    %select_n3A_1018 = arith.select %eq3A_1017, %scan3A_831#8, %scan3A_831#0 : vector<16xi1>, vector<16xf32>
    %sub3A_1019 = arith.subf %select_n3A_1018, %select_n3A_855 : vector<16xf32>
    %swap3A_1020 = arith.constant 128 : index
    %swap3A_1021 = tpu.vector_load %arg8[%swap3A_1020] {strides = array<i32>} : memref<512xf32, #tpu.memory_space<vmem>>, vector<16xf32>,
    tpu.vector_store %arg8[%swap3A_1020], %sub3A_1019 {strides = array<i32>} : memref<512xf32, #tpu.memory_space<vmem>>, vector<16xf32>,
    %eq3A_1022 = arith.cmpf oeq, %select_n3A_878, %scan3A_831#1 : vector<16xf32>
    %select_n3A_1023 = arith.select %eq3A_1022, %scan3A_831#9, %scan3A_831#1 : vector<16xi1>, vector<16xf32>
    %sub3A_1024 = arith.subf %select_n3A_1023, %select_n3A_878 : vector<16xf32>
    %swap3A_1025 = arith.constant 144 : index
    %swap3A_1026 = tpu.vector_load %arg8[%swap3A_1025] {strides = array<i32>} : memref<512xf32, #tpu.memory_space<vmem>>, vector<16xf32>,
    tpu.vector_store %arg8[%swap3A_1025], %sub3A_1024 {strides = array<i32>} : memref<512xf32, #tpu.memory_space<vmem>>, vector<16xf32>,
    %eq3A_1027 = arith.cmpf oeq, %select_n3A_901, %scan3A_831#2 : vector<16xf32>
    %select_n3A_1028 = arith.select %eq3A_1027, %scan3A_831#10, %scan3A_831#2 : vector<16xi1>, vector<16xf32>
    %sub3A_1029 = arith.subf %select_n3A_1028, %select_n3A_901 : vector<16xf32>
    %swap3A_1030 = arith.constant 160 : index
    %swap3A_1031 = tpu.vector_load %arg8[%swap3A_1030] {strides = array<i32>} : memref<512xf32, #tpu.memory_space<vmem>>, vector<16xf32>,
    tpu.vector_store %arg8[%swap3A_1030], %sub3A_1029 {strides = array<i32>} : memref<512xf32, #tpu.memory_space<vmem>>, vector<16xf32>,
    %eq3A_1032 = arith.cmpf oeq, %select_n3A_924, %scan3A_831#3 : vector<16xf32>
    %select_n3A_1033 = arith.select %eq3A_1032, %scan3A_831#11, %scan3A_831#3 : vector<16xi1>, vector<16xf32>
    %sub3A_1034 = arith.subf %select_n3A_1033, %select_n3A_924 : vector<16xf32>
    %swap3A_1035 = arith.constant 176 : index
    %swap3A_1036 = tpu.vector_load %arg8[%swap3A_1035] {strides = array<i32>} : memref<512xf32, #tpu.memory_space<vmem>>, vector<16xf32>,
    tpu.vector_store %arg8[%swap3A_1035], %sub3A_1034 {strides = array<i32>} : memref<512xf32, #tpu.memory_space<vmem>>, vector<16xf32>,
    %eq3A_1037 = arith.cmpf oeq, %select_n3A_947, %scan3A_831#4 : vector<16xf32>
    %select_n3A_1038 = arith.select %eq3A_1037, %scan3A_831#12, %scan3A_831#4 : vector<16xi1>, vector<16xf32>
    %sub3A_1039 = arith.subf %select_n3A_1038, %select_n3A_947 : vector<16xf32>
    %swap3A_1040 = arith.constant 192 : index
    %swap3A_1041 = tpu.vector_load %arg8[%swap3A_1040] {strides = array<i32>} : memref<512xf32, #tpu.memory_space<vmem>>, vector<16xf32>,
    tpu.vector_store %arg8[%swap3A_1040], %sub3A_1039 {strides = array<i32>} : memref<512xf32, #tpu.memory_space<vmem>>, vector<16xf32>,
    %eq3A_1042 = arith.cmpf oeq, %select_n3A_970, %scan3A_831#5 : vector<16xf32>
    %select_n3A_1043 = arith.select %eq3A_1042, %scan3A_831#13, %scan3A_831#5 : vector<16xi1>, vector<16xf32>
    %sub3A_1044 = arith.subf %select_n3A_1043, %select_n3A_970 : vector<16xf32>
    %swap3A_1045 = arith.constant 208 : index
    %swap3A_1046 = tpu.vector_load %arg8[%swap3A_1045] {strides = array<i32>} : memref<512xf32, #tpu.memory_space<vmem>>, vector<16xf32>,
    tpu.vector_store %arg8[%swap3A_1045], %sub3A_1044 {strides = array<i32>} : memref<512xf32, #tpu.memory_space<vmem>>, vector<16xf32>,
    %eq3A_1047 = arith.cmpf oeq, %select_n3A_993, %scan3A_831#6 : vector<16xf32>
    %select_n3A_1048 = arith.select %eq3A_1047, %scan3A_831#14, %scan3A_831#6 : vector<16xi1>, vector<16xf32>
    %sub3A_1049 = arith.subf %select_n3A_1048, %select_n3A_993 : vector<16xf32>
    %swap3A_1050 = arith.constant 224 : index
    %swap3A_1051 = tpu.vector_load %arg8[%swap3A_1050] {strides = array<i32>} : memref<512xf32, #tpu.memory_space<vmem>>, vector<16xf32>,
    tpu.vector_store %arg8[%swap3A_1050], %sub3A_1049 {strides = array<i32>} : memref<512xf32, #tpu.memory_space<vmem>>, vector<16xf32>,
    %eq3A_1052 = arith.cmpf oeq, %select_n3A_1016, %scan3A_831#7 : vector<16xf32>
    %select_n3A_1053 = arith.select %eq3A_1052, %scan3A_831#15, %scan3A_831#7 : vector<16xi1>, vector<16xf32>
    %sub3A_1054 = arith.subf %select_n3A_1053, %select_n3A_1016 : vector<16xf32>
    %swap3A_1055 = arith.constant 240 : index
    %swap3A_1056 = tpu.vector_load %arg8[%swap3A_1055] {strides = array<i32>} : memref<512xf32, #tpu.memory_space<vmem>>, vector<16xf32>,
    tpu.vector_store %arg8[%swap3A_1055], %sub3A_1054 {strides = array<i32>} : memref<512xf32, #tpu.memory_space<vmem>>, vector<16xf32>,
    %add3A_1057 = arith.constant 256 : i32
    %add3A_1058 = arith.addi %multiple_of3A, %add3A_1057 : i32
    %multiple_of3A_1059 = tpu.assume_multiple %add3A_1058, 128 : i32
    %dma_start3A_1060 = arith.constant 504 : i32
    %dma_start3A_1061 = tpu.memref_slice %arg2[%dma_start3A_1060, %multiple_of3A_1059] : memref<1000x16384xf32, #tpu.memory_space<hbm>> -> memref<496x128xf32, #tpu.memory_space<hbm>>
    %dma_start3A_1062 = arith.constant 504 : i32
    %dma_start3A_1063 = tpu.memref_slice %arg2[%dma_start3A_1062, %multiple_of3A_1059] : memref<1000x16384xf32, #tpu.memory_space<hbm>> -> memref<496x128xf32, #tpu.memory_space<hbm>>
    tpu.enqueue_dma source(%dma_start3A_1063 : memref<496x128xf32, #tpu.memory_space<hbm>>) target(%arg6 : memref<496x128xf32, #tpu.memory_space<vmem>>) target_semaphore(%arg10 : memref<!tpu.dma_semaphore, #tpu.memory_space<semaphore_mem>>)
    %add3A_1064 = arith.constant 256 : i32
    %add3A_1065 = arith.addi %multiple_of3A, %add3A_1064 : i32
    %multiple_of3A_1066 = tpu.assume_multiple %add3A_1065, 128 : i32
    %dma_wait3A_1067 = arith.constant 0 : i32
    %dma_wait3A_1068 = tpu.memref_slice %arg2[%dma_wait3A_1067, %multiple_of3A_1066] : memref<1000x16384xf32, #tpu.memory_space<hbm>> -> memref<504x128xf32, #tpu.memory_space<hbm>>
    %dma_wait3A_1069 = arith.constant 0 : i32
    %dma_wait3A_1070 = tpu.memref_slice %arg2[%dma_wait3A_1069, %multiple_of3A_1066] : memref<1000x16384xf32, #tpu.memory_space<hbm>> -> memref<504x128xf32, #tpu.memory_space<hbm>>
    tpu.wait_dma2 semaphore(%arg9 : memref<!tpu.dma_semaphore, #tpu.memory_space<semaphore_mem>>) src(%dma_wait3A_1070 : memref<504x128xf32, #tpu.memory_space<hbm>>) dst(%arg5 : memref<504x128xf32, #tpu.memory_space<vmem>>)
    %get3A_1071 = arith.constant 0 : i32
    %get3A_1072 = arith.index_cast %get3A_1071 : i32 to index
    %get3A_1073 = arith.constant 0 : index
    %get3A_1074 = tpu.vector_load %arg5[%get3A_1072, %get3A_1073] {strides = array<i32>} : memref<504x128xf32, #tpu.memory_space<vmem>>, vector<16xf32>,
    %get3A_1075 = arith.constant 0 : i32
    %get3A_1076 = arith.index_cast %get3A_1075 : i32 to index
    %get3A_1077 = arith.constant 16 : index
    %get3A_1078 = tpu.vector_load %arg5[%get3A_1076, %get3A_1077] {strides = array<i32>} : memref<504x128xf32, #tpu.memory_space<vmem>>, vector<16xf32>,
    %get3A_1079 = arith.constant 0 : i32
    %get3A_1080 = arith.index_cast %get3A_1079 : i32 to index
    %get3A_1081 = arith.constant 32 : index
    %get3A_1082 = tpu.vector_load %arg5[%get3A_1080, %get3A_1081] {strides = array<i32>} : memref<504x128xf32, #tpu.memory_space<vmem>>, vector<16xf32>,
    %get3A_1083 = arith.constant 0 : i32
    %get3A_1084 = arith.index_cast %get3A_1083 : i32 to index
    %get3A_1085 = arith.constant 48 : index
    %get3A_1086 = tpu.vector_load %arg5[%get3A_1084, %get3A_1085] {strides = array<i32>} : memref<504x128xf32, #tpu.memory_space<vmem>>, vector<16xf32>,
    %get3A_1087 = arith.constant 0 : i32
    %get3A_1088 = arith.index_cast %get3A_1087 : i32 to index
    %get3A_1089 = arith.constant 64 : index
    %get3A_1090 = tpu.vector_load %arg5[%get3A_1088, %get3A_1089] {strides = array<i32>} : memref<504x128xf32, #tpu.memory_space<vmem>>, vector<16xf32>,
    %get3A_1091 = arith.constant 0 : i32
    %get3A_1092 = arith.index_cast %get3A_1091 : i32 to index
    %get3A_1093 = arith.constant 80 : index
    %get3A_1094 = tpu.vector_load %arg5[%get3A_1092, %get3A_1093] {strides = array<i32>} : memref<504x128xf32, #tpu.memory_space<vmem>>, vector<16xf32>,
    %get3A_1095 = arith.constant 0 : i32
    %get3A_1096 = arith.index_cast %get3A_1095 : i32 to index
    %get3A_1097 = arith.constant 96 : index
    %get3A_1098 = tpu.vector_load %arg5[%get3A_1096, %get3A_1097] {strides = array<i32>} : memref<504x128xf32, #tpu.memory_space<vmem>>, vector<16xf32>,
    %get3A_1099 = arith.constant 0 : i32
    %get3A_1100 = arith.index_cast %get3A_1099 : i32 to index
    %get3A_1101 = arith.constant 112 : index
    %get3A_1102 = tpu.vector_load %arg5[%get3A_1100, %get3A_1101] {strides = array<i32>} : memref<504x128xf32, #tpu.memory_space<vmem>>, vector<16xf32>,
    %scan3A_1103 = arith.constant 1 : i32
    %scan3A_1104 = arith.constant 502 : i32
    %scan3A_1105 = arith.addi %scan3A_1103, %scan3A_1104 : i32
    %scan3A_1106 = arith.constant 2 : i32
    %scan3A_1107:16 = scf.for %scan3A_2110 = %scan3A_1103 to %scan3A_1105 step %scan3A_1106 iter_args(%scan3A_2111 = %get3A_1074, %scan3A_2112 = %get3A_1078, %scan3A_2113 = %get3A_1082, %scan3A_2114 = %get3A_1086, %scan3A_2115 = %get3A_1090, %scan3A_2116 = %get3A_1094, %scan3A_2117 = %get3A_1098, %scan3A_2118 = %get3A_1102, %scan3A_2119 = %broadcast_in_dim3A_3, %scan3A_2120 = %broadcast_in_dim3A_3, %scan3A_2121 = %broadcast_in_dim3A_3, %scan3A_2122 = %broadcast_in_dim3A_3, %scan3A_2123 = %broadcast_in_dim3A_3, %scan3A_2124 = %broadcast_in_dim3A_3, %scan3A_2125 = %broadcast_in_dim3A_3, %scan3A_2126 = %broadcast_in_dim3A_3) -> (vector<16xf32>, vector<16xf32>, vector<16xf32>, vector<16xf32>, vector<16xf32>, vector<16xf32>, vector<16xf32>, vector<16xf32>, vector<16xf32>, vector<16xf32>, vector<16xf32>, vector<16xf32>, vector<16xf32>, vector<16xf32>, vector<16xf32>, vector<16xf32>)  : i32 {
      %get3A_2127 = arith.index_cast %scan3A_2110 : i32 to index
      %get3A_2128 = arith.constant 0 : index
      %get3A_2129 = tpu.vector_load %arg5[%get3A_2127, %get3A_2128] {strides = array<i32>} : memref<504x128xf32, #tpu.memory_space<vmem>>, vector<16xf32>,
      %min3A_2130 = arith.minimumf %scan3A_2111, %get3A_2129 : vector<16xf32>
      %max3A_2131 = arith.maximumf %scan3A_2119, %min3A_2130 : vector<16xf32>
      %max3A_2132 = arith.maximumf %scan3A_2111, %get3A_2129 : vector<16xf32>
      %get3A_2133 = arith.index_cast %scan3A_2110 : i32 to index
      %get3A_2134 = arith.constant 16 : index
      %get3A_2135 = tpu.vector_load %arg5[%get3A_2133, %get3A_2134] {strides = array<i32>} : memref<504x128xf32, #tpu.memory_space<vmem>>, vector<16xf32>,
      %min3A_2136 = arith.minimumf %scan3A_2112, %get3A_2135 : vector<16xf32>
      %max3A_2137 = arith.maximumf %scan3A_2120, %min3A_2136 : vector<16xf32>
      %max3A_2138 = arith.maximumf %scan3A_2112, %get3A_2135 : vector<16xf32>
      %get3A_2139 = arith.index_cast %scan3A_2110 : i32 to index
      %get3A_2140 = arith.constant 32 : index
      %get3A_2141 = tpu.vector_load %arg5[%get3A_2139, %get3A_2140] {strides = array<i32>} : memref<504x128xf32, #tpu.memory_space<vmem>>, vector<16xf32>,
      %min3A_2142 = arith.minimumf %scan3A_2113, %get3A_2141 : vector<16xf32>
      %max3A_2143 = arith.maximumf %scan3A_2121, %min3A_2142 : vector<16xf32>
      %max3A_2144 = arith.maximumf %scan3A_2113, %get3A_2141 : vector<16xf32>
      %get3A_2145 = arith.index_cast %scan3A_2110 : i32 to index
      %get3A_2146 = arith.constant 48 : index
      %get3A_2147 = tpu.vector_load %arg5[%get3A_2145, %get3A_2146] {strides = array<i32>} : memref<504x128xf32, #tpu.memory_space<vmem>>, vector<16xf32>,
      %min3A_2148 = arith.minimumf %scan3A_2114, %get3A_2147 : vector<16xf32>
      %max3A_2149 = arith.maximumf %scan3A_2122, %min3A_2148 : vector<16xf32>
      %max3A_2150 = arith.maximumf %scan3A_2114, %get3A_2147 : vector<16xf32>
      %get3A_2151 = arith.index_cast %scan3A_2110 : i32 to index
      %get3A_2152 = arith.constant 64 : index
      %get3A_2153 = tpu.vector_load %arg5[%get3A_2151, %get3A_2152] {strides = array<i32>} : memref<504x128xf32, #tpu.memory_space<vmem>>, vector<16xf32>,
      %min3A_2154 = arith.minimumf %scan3A_2115, %get3A_2153 : vector<16xf32>
      %max3A_2155 = arith.maximumf %scan3A_2123, %min3A_2154 : vector<16xf32>
      %max3A_2156 = arith.maximumf %scan3A_2115, %get3A_2153 : vector<16xf32>
      %get3A_2157 = arith.index_cast %scan3A_2110 : i32 to index
      %get3A_2158 = arith.constant 80 : index
      %get3A_2159 = tpu.vector_load %arg5[%get3A_2157, %get3A_2158] {strides = array<i32>} : memref<504x128xf32, #tpu.memory_space<vmem>>, vector<16xf32>,
      %min3A_2160 = arith.minimumf %scan3A_2116, %get3A_2159 : vector<16xf32>
      %max3A_2161 = arith.maximumf %scan3A_2124, %min3A_2160 : vector<16xf32>
      %max3A_2162 = arith.maximumf %scan3A_2116, %get3A_2159 : vector<16xf32>
      %get3A_2163 = arith.index_cast %scan3A_2110 : i32 to index
      %get3A_2164 = arith.constant 96 : index
      %get3A_2165 = tpu.vector_load %arg5[%get3A_2163, %get3A_2164] {strides = array<i32>} : memref<504x128xf32, #tpu.memory_space<vmem>>, vector<16xf32>,
      %min3A_2166 = arith.minimumf %scan3A_2117, %get3A_2165 : vector<16xf32>
      %max3A_2167 = arith.maximumf %scan3A_2125, %min3A_2166 : vector<16xf32>
      %max3A_2168 = arith.maximumf %scan3A_2117, %get3A_2165 : vector<16xf32>
      %get3A_2169 = arith.index_cast %scan3A_2110 : i32 to index
      %get3A_2170 = arith.constant 112 : index
      %get3A_2171 = tpu.vector_load %arg5[%get3A_2169, %get3A_2170] {strides = array<i32>} : memref<504x128xf32, #tpu.memory_space<vmem>>, vector<16xf32>,
      %min3A_2172 = arith.minimumf %scan3A_2118, %get3A_2171 : vector<16xf32>
      %max3A_2173 = arith.maximumf %scan3A_2126, %min3A_2172 : vector<16xf32>
      %max3A_2174 = arith.maximumf %scan3A_2118, %get3A_2171 : vector<16xf32>
      %scan3A_2175 = arith.constant 1 : i32
      %scan3A_2176 = arith.addi %scan3A_2110, %scan3A_2175 : i32
      %get3A_2177 = arith.index_cast %scan3A_2176 : i32 to index
      %get3A_2178 = arith.constant 0 : index
      %get3A_2179 = tpu.vector_load %arg5[%get3A_2177, %get3A_2178] {strides = array<i32>} : memref<504x128xf32, #tpu.memory_space<vmem>>, vector<16xf32>,
      %min3A_2180 = arith.minimumf %max3A_2132, %get3A_2179 : vector<16xf32>
      %max3A_2181 = arith.maximumf %max3A_2131, %min3A_2180 : vector<16xf32>
      %max3A_2182 = arith.maximumf %max3A_2132, %get3A_2179 : vector<16xf32>
      %get3A_2183 = arith.index_cast %scan3A_2176 : i32 to index
      %get3A_2184 = arith.constant 16 : index
      %get3A_2185 = tpu.vector_load %arg5[%get3A_2183, %get3A_2184] {strides = array<i32>} : memref<504x128xf32, #tpu.memory_space<vmem>>, vector<16xf32>,
      %min3A_2186 = arith.minimumf %max3A_2138, %get3A_2185 : vector<16xf32>
      %max3A_2187 = arith.maximumf %max3A_2137, %min3A_2186 : vector<16xf32>
      %max3A_2188 = arith.maximumf %max3A_2138, %get3A_2185 : vector<16xf32>
      %get3A_2189 = arith.index_cast %scan3A_2176 : i32 to index
      %get3A_2190 = arith.constant 32 : index
      %get3A_2191 = tpu.vector_load %arg5[%get3A_2189, %get3A_2190] {strides = array<i32>} : memref<504x128xf32, #tpu.memory_space<vmem>>, vector<16xf32>,
      %min3A_2192 = arith.minimumf %max3A_2144, %get3A_2191 : vector<16xf32>
      %max3A_2193 = arith.maximumf %max3A_2143, %min3A_2192 : vector<16xf32>
      %max3A_2194 = arith.maximumf %max3A_2144, %get3A_2191 : vector<16xf32>
      %get3A_2195 = arith.index_cast %scan3A_2176 : i32 to index
      %get3A_2196 = arith.constant 48 : index
      %get3A_2197 = tpu.vector_load %arg5[%get3A_2195, %get3A_2196] {strides = array<i32>} : memref<504x128xf32, #tpu.memory_space<vmem>>, vector<16xf32>,
      %min3A_2198 = arith.minimumf %max3A_2150, %get3A_2197 : vector<16xf32>
      %max3A_2199 = arith.maximumf %max3A_2149, %min3A_2198 : vector<16xf32>
      %max3A_2200 = arith.maximumf %max3A_2150, %get3A_2197 : vector<16xf32>
      %get3A_2201 = arith.index_cast %scan3A_2176 : i32 to index
      %get3A_2202 = arith.constant 64 : index
      %get3A_2203 = tpu.vector_load %arg5[%get3A_2201, %get3A_2202] {strides = array<i32>} : memref<504x128xf32, #tpu.memory_space<vmem>>, vector<16xf32>,
      %min3A_2204 = arith.minimumf %max3A_2156, %get3A_2203 : vector<16xf32>
      %max3A_2205 = arith.maximumf %max3A_2155, %min3A_2204 : vector<16xf32>
      %max3A_2206 = arith.maximumf %max3A_2156, %get3A_2203 : vector<16xf32>
      %get3A_2207 = arith.index_cast %scan3A_2176 : i32 to index
      %get3A_2208 = arith.constant 80 : index
      %get3A_2209 = tpu.vector_load %arg5[%get3A_2207, %get3A_2208] {strides = array<i32>} : memref<504x128xf32, #tpu.memory_space<vmem>>, vector<16xf32>,
      %min3A_2210 = arith.minimumf %max3A_2162, %get3A_2209 : vector<16xf32>
      %max3A_2211 = arith.maximumf %max3A_2161, %min3A_2210 : vector<16xf32>
      %max3A_2212 = arith.maximumf %max3A_2162, %get3A_2209 : vector<16xf32>
      %get3A_2213 = arith.index_cast %scan3A_2176 : i32 to index
      %get3A_2214 = arith.constant 96 : index
      %get3A_2215 = tpu.vector_load %arg5[%get3A_2213, %get3A_2214] {strides = array<i32>} : memref<504x128xf32, #tpu.memory_space<vmem>>, vector<16xf32>,
      %min3A_2216 = arith.minimumf %max3A_2168, %get3A_2215 : vector<16xf32>
      %max3A_2217 = arith.maximumf %max3A_2167, %min3A_2216 : vector<16xf32>
      %max3A_2218 = arith.maximumf %max3A_2168, %get3A_2215 : vector<16xf32>
      %get3A_2219 = arith.index_cast %scan3A_2176 : i32 to index
      %get3A_2220 = arith.constant 112 : index
      %get3A_2221 = tpu.vector_load %arg5[%get3A_2219, %get3A_2220] {strides = array<i32>} : memref<504x128xf32, #tpu.memory_space<vmem>>, vector<16xf32>,
      %min3A_2222 = arith.minimumf %max3A_2174, %get3A_2221 : vector<16xf32>
      %max3A_2223 = arith.maximumf %max3A_2173, %min3A_2222 : vector<16xf32>
      %max3A_2224 = arith.maximumf %max3A_2174, %get3A_2221 : vector<16xf32>
      scf.yield %max3A_2182, %max3A_2188, %max3A_2194, %max3A_2200, %max3A_2206, %max3A_2212, %max3A_2218, %max3A_2224, %max3A_2181, %max3A_2187, %max3A_2193, %max3A_2199, %max3A_2205, %max3A_2211, %max3A_2217, %max3A_2223 : vector<16xf32>, vector<16xf32>, vector<16xf32>, vector<16xf32>, vector<16xf32>, vector<16xf32>, vector<16xf32>, vector<16xf32>, vector<16xf32>, vector<16xf32>, vector<16xf32>, vector<16xf32>, vector<16xf32>, vector<16xf32>, vector<16xf32>, vector<16xf32>
    }
    %scan3A_1108 = arith.constant 502 : i32
    %scan3A_1109 = arith.addi %scan3A_1103, %scan3A_1108 : i32
    %get3A_1110 = arith.index_cast %scan3A_1109 : i32 to index
    %get3A_1111 = arith.constant 0 : index
    %get3A_1112 = tpu.vector_load %arg5[%get3A_1110, %get3A_1111] {strides = array<i32>} : memref<504x128xf32, #tpu.memory_space<vmem>>, vector<16xf32>,
    %min3A_1113 = arith.minimumf %scan3A_1107#0, %get3A_1112 : vector<16xf32>
    %max3A_1114 = arith.maximumf %scan3A_1107#8, %min3A_1113 : vector<16xf32>
    %max3A_1115 = arith.maximumf %scan3A_1107#0, %get3A_1112 : vector<16xf32>
    %get3A_1116 = arith.index_cast %scan3A_1109 : i32 to index
    %get3A_1117 = arith.constant 16 : index
    %get3A_1118 = tpu.vector_load %arg5[%get3A_1116, %get3A_1117] {strides = array<i32>} : memref<504x128xf32, #tpu.memory_space<vmem>>, vector<16xf32>,
    %min3A_1119 = arith.minimumf %scan3A_1107#1, %get3A_1118 : vector<16xf32>
    %max3A_1120 = arith.maximumf %scan3A_1107#9, %min3A_1119 : vector<16xf32>
    %max3A_1121 = arith.maximumf %scan3A_1107#1, %get3A_1118 : vector<16xf32>
    %get3A_1122 = arith.index_cast %scan3A_1109 : i32 to index
    %get3A_1123 = arith.constant 32 : index
    %get3A_1124 = tpu.vector_load %arg5[%get3A_1122, %get3A_1123] {strides = array<i32>} : memref<504x128xf32, #tpu.memory_space<vmem>>, vector<16xf32>,
    %min3A_1125 = arith.minimumf %scan3A_1107#2, %get3A_1124 : vector<16xf32>
    %max3A_1126 = arith.maximumf %scan3A_1107#10, %min3A_1125 : vector<16xf32>
    %max3A_1127 = arith.maximumf %scan3A_1107#2, %get3A_1124 : vector<16xf32>
    %get3A_1128 = arith.index_cast %scan3A_1109 : i32 to index
    %get3A_1129 = arith.constant 48 : index
    %get3A_1130 = tpu.vector_load %arg5[%get3A_1128, %get3A_1129] {strides = array<i32>} : memref<504x128xf32, #tpu.memory_space<vmem>>, vector<16xf32>,
    %min3A_1131 = arith.minimumf %scan3A_1107#3, %get3A_1130 : vector<16xf32>
    %max3A_1132 = arith.maximumf %scan3A_1107#11, %min3A_1131 : vector<16xf32>
    %max3A_1133 = arith.maximumf %scan3A_1107#3, %get3A_1130 : vector<16xf32>
    %get3A_1134 = arith.index_cast %scan3A_1109 : i32 to index
    %get3A_1135 = arith.constant 64 : index
    %get3A_1136 = tpu.vector_load %arg5[%get3A_1134, %get3A_1135] {strides = array<i32>} : memref<504x128xf32, #tpu.memory_space<vmem>>, vector<16xf32>,
    %min3A_1137 = arith.minimumf %scan3A_1107#4, %get3A_1136 : vector<16xf32>
    %max3A_1138 = arith.maximumf %scan3A_1107#12, %min3A_1137 : vector<16xf32>
    %max3A_1139 = arith.maximumf %scan3A_1107#4, %get3A_1136 : vector<16xf32>
    %get3A_1140 = arith.index_cast %scan3A_1109 : i32 to index
    %get3A_1141 = arith.constant 80 : index
    %get3A_1142 = tpu.vector_load %arg5[%get3A_1140, %get3A_1141] {strides = array<i32>} : memref<504x128xf32, #tpu.memory_space<vmem>>, vector<16xf32>,
    %min3A_1143 = arith.minimumf %scan3A_1107#5, %get3A_1142 : vector<16xf32>
    %max3A_1144 = arith.maximumf %scan3A_1107#13, %min3A_1143 : vector<16xf32>
    %max3A_1145 = arith.maximumf %scan3A_1107#5, %get3A_1142 : vector<16xf32>
    %get3A_1146 = arith.index_cast %scan3A_1109 : i32 to index
    %get3A_1147 = arith.constant 96 : index
    %get3A_1148 = tpu.vector_load %arg5[%get3A_1146, %get3A_1147] {strides = array<i32>} : memref<504x128xf32, #tpu.memory_space<vmem>>, vector<16xf32>,
    %min3A_1149 = arith.minimumf %scan3A_1107#6, %get3A_1148 : vector<16xf32>
    %max3A_1150 = arith.maximumf %scan3A_1107#14, %min3A_1149 : vector<16xf32>
    %max3A_1151 = arith.maximumf %scan3A_1107#6, %get3A_1148 : vector<16xf32>
    %get3A_1152 = arith.index_cast %scan3A_1109 : i32 to index
    %get3A_1153 = arith.constant 112 : index
    %get3A_1154 = tpu.vector_load %arg5[%get3A_1152, %get3A_1153] {strides = array<i32>} : memref<504x128xf32, #tpu.memory_space<vmem>>, vector<16xf32>,
    %min3A_1155 = arith.minimumf %scan3A_1107#7, %get3A_1154 : vector<16xf32>
    %max3A_1156 = arith.maximumf %scan3A_1107#15, %min3A_1155 : vector<16xf32>
    %max3A_1157 = arith.maximumf %scan3A_1107#7, %get3A_1154 : vector<16xf32>
    %scan3A_1158 = arith.constant 503 : i32
    %get3A_1159 = arith.constant 256 : index
    %get3A_1160 = tpu.vector_load %arg7[%get3A_1159] {strides = array<i32>} : memref<512xi32, #tpu.memory_space<vmem>>, vector<16xi32>,
    %sub3A_1161 = arith.constant 0 : i32
    %sub3A_1162 = vector.broadcast %sub3A_1161 : i32 to vector<16xi32>
    %sub3A_1163 = arith.subi %get3A_1160, %sub3A_1162 : vector<16xi32>
    %max3A_1164 = arith.constant 0 : i32
    %max3A_1165 = vector.broadcast %max3A_1164 : i32 to vector<16xi32>
    %max3A_1166 = arith.maxsi %sub3A_1163, %max3A_1165 : vector<16xi32>
    %min3A_1167 = arith.constant 503 : i32
    %min3A_1168 = vector.broadcast %min3A_1167 : i32 to vector<16xi32>
    %min3A_1169 = arith.minsi %max3A_1166, %min3A_1168 : vector<16xi32>
    %add3A_1170 = arith.constant 0 : i32
    %add3A_1171 = vector.broadcast %add3A_1170 : i32 to vector<16xi32>
    %add3A_1172 = arith.addi %iota3A, %add3A_1171 : vector<16xi32>
    %gather3A_1173 = tpu.vector_load_idx %arg5[%min3A_1169, %add3A_1172] : memref<504x128xf32, #tpu.memory_space<vmem>>[vector<16xi32>, vector<16xi32>], vector<16xf32>,
    %ge3A_1174 = arith.constant 0 : i32
    %ge3A_1175 = vector.broadcast %ge3A_1174 : i32 to vector<16xi32>
    %ge3A_1176 = arith.cmpi sge, %sub3A_1163, %ge3A_1175 : vector<16xi32>
    %lt3A_1177 = arith.constant 504 : i32
    %lt3A_1178 = vector.broadcast %lt3A_1177 : i32 to vector<16xi32>
    %lt3A_1179 = arith.cmpi slt, %sub3A_1163, %lt3A_1178 : vector<16xi32>
    %and3A_1180 = arith.andi %ge3A_1176, %lt3A_1179 : vector<16xi1>
    %select_n3A_1181 = arith.select %and3A_1180, %gather3A_1173, %broadcast_in_dim3A_3 : vector<16xi1>, vector<16xf32>
    %get3A_1182 = arith.constant 272 : index
    %get3A_1183 = tpu.vector_load %arg7[%get3A_1182] {strides = array<i32>} : memref<512xi32, #tpu.memory_space<vmem>>, vector<16xi32>,
    %sub3A_1184 = arith.constant 0 : i32
    %sub3A_1185 = vector.broadcast %sub3A_1184 : i32 to vector<16xi32>
    %sub3A_1186 = arith.subi %get3A_1183, %sub3A_1185 : vector<16xi32>
    %max3A_1187 = arith.constant 0 : i32
    %max3A_1188 = vector.broadcast %max3A_1187 : i32 to vector<16xi32>
    %max3A_1189 = arith.maxsi %sub3A_1186, %max3A_1188 : vector<16xi32>
    %min3A_1190 = arith.constant 503 : i32
    %min3A_1191 = vector.broadcast %min3A_1190 : i32 to vector<16xi32>
    %min3A_1192 = arith.minsi %max3A_1189, %min3A_1191 : vector<16xi32>
    %add3A_1193 = arith.constant 16 : i32
    %add3A_1194 = vector.broadcast %add3A_1193 : i32 to vector<16xi32>
    %add3A_1195 = arith.addi %iota3A, %add3A_1194 : vector<16xi32>
    %gather3A_1196 = tpu.vector_load_idx %arg5[%min3A_1192, %add3A_1195] : memref<504x128xf32, #tpu.memory_space<vmem>>[vector<16xi32>, vector<16xi32>], vector<16xf32>,
    %ge3A_1197 = arith.constant 0 : i32
    %ge3A_1198 = vector.broadcast %ge3A_1197 : i32 to vector<16xi32>
    %ge3A_1199 = arith.cmpi sge, %sub3A_1186, %ge3A_1198 : vector<16xi32>
    %lt3A_1200 = arith.constant 504 : i32
    %lt3A_1201 = vector.broadcast %lt3A_1200 : i32 to vector<16xi32>
    %lt3A_1202 = arith.cmpi slt, %sub3A_1186, %lt3A_1201 : vector<16xi32>
    %and3A_1203 = arith.andi %ge3A_1199, %lt3A_1202 : vector<16xi1>
    %select_n3A_1204 = arith.select %and3A_1203, %gather3A_1196, %broadcast_in_dim3A_3 : vector<16xi1>, vector<16xf32>
    %get3A_1205 = arith.constant 288 : index
    %get3A_1206 = tpu.vector_load %arg7[%get3A_1205] {strides = array<i32>} : memref<512xi32, #tpu.memory_space<vmem>>, vector<16xi32>,
    %sub3A_1207 = arith.constant 0 : i32
    %sub3A_1208 = vector.broadcast %sub3A_1207 : i32 to vector<16xi32>
    %sub3A_1209 = arith.subi %get3A_1206, %sub3A_1208 : vector<16xi32>
    %max3A_1210 = arith.constant 0 : i32
    %max3A_1211 = vector.broadcast %max3A_1210 : i32 to vector<16xi32>
    %max3A_1212 = arith.maxsi %sub3A_1209, %max3A_1211 : vector<16xi32>
    %min3A_1213 = arith.constant 503 : i32
    %min3A_1214 = vector.broadcast %min3A_1213 : i32 to vector<16xi32>
    %min3A_1215 = arith.minsi %max3A_1212, %min3A_1214 : vector<16xi32>
    %add3A_1216 = arith.constant 32 : i32
    %add3A_1217 = vector.broadcast %add3A_1216 : i32 to vector<16xi32>
    %add3A_1218 = arith.addi %iota3A, %add3A_1217 : vector<16xi32>
    %gather3A_1219 = tpu.vector_load_idx %arg5[%min3A_1215, %add3A_1218] : memref<504x128xf32, #tpu.memory_space<vmem>>[vector<16xi32>, vector<16xi32>], vector<16xf32>,
    %ge3A_1220 = arith.constant 0 : i32
    %ge3A_1221 = vector.broadcast %ge3A_1220 : i32 to vector<16xi32>
    %ge3A_1222 = arith.cmpi sge, %sub3A_1209, %ge3A_1221 : vector<16xi32>
    %lt3A_1223 = arith.constant 504 : i32
    %lt3A_1224 = vector.broadcast %lt3A_1223 : i32 to vector<16xi32>
    %lt3A_1225 = arith.cmpi slt, %sub3A_1209, %lt3A_1224 : vector<16xi32>
    %and3A_1226 = arith.andi %ge3A_1222, %lt3A_1225 : vector<16xi1>
    %select_n3A_1227 = arith.select %and3A_1226, %gather3A_1219, %broadcast_in_dim3A_3 : vector<16xi1>, vector<16xf32>
    %get3A_1228 = arith.constant 304 : index
    %get3A_1229 = tpu.vector_load %arg7[%get3A_1228] {strides = array<i32>} : memref<512xi32, #tpu.memory_space<vmem>>, vector<16xi32>,
    %sub3A_1230 = arith.constant 0 : i32
    %sub3A_1231 = vector.broadcast %sub3A_1230 : i32 to vector<16xi32>
    %sub3A_1232 = arith.subi %get3A_1229, %sub3A_1231 : vector<16xi32>
    %max3A_1233 = arith.constant 0 : i32
    %max3A_1234 = vector.broadcast %max3A_1233 : i32 to vector<16xi32>
    %max3A_1235 = arith.maxsi %sub3A_1232, %max3A_1234 : vector<16xi32>
    %min3A_1236 = arith.constant 503 : i32
    %min3A_1237 = vector.broadcast %min3A_1236 : i32 to vector<16xi32>
    %min3A_1238 = arith.minsi %max3A_1235, %min3A_1237 : vector<16xi32>
    %add3A_1239 = arith.constant 48 : i32
    %add3A_1240 = vector.broadcast %add3A_1239 : i32 to vector<16xi32>
    %add3A_1241 = arith.addi %iota3A, %add3A_1240 : vector<16xi32>
    %gather3A_1242 = tpu.vector_load_idx %arg5[%min3A_1238, %add3A_1241] : memref<504x128xf32, #tpu.memory_space<vmem>>[vector<16xi32>, vector<16xi32>], vector<16xf32>,
    %ge3A_1243 = arith.constant 0 : i32
    %ge3A_1244 = vector.broadcast %ge3A_1243 : i32 to vector<16xi32>
    %ge3A_1245 = arith.cmpi sge, %sub3A_1232, %ge3A_1244 : vector<16xi32>
    %lt3A_1246 = arith.constant 504 : i32
    %lt3A_1247 = vector.broadcast %lt3A_1246 : i32 to vector<16xi32>
    %lt3A_1248 = arith.cmpi slt, %sub3A_1232, %lt3A_1247 : vector<16xi32>
    %and3A_1249 = arith.andi %ge3A_1245, %lt3A_1248 : vector<16xi1>
    %select_n3A_1250 = arith.select %and3A_1249, %gather3A_1242, %broadcast_in_dim3A_3 : vector<16xi1>, vector<16xf32>
    %get3A_1251 = arith.constant 320 : index
    %get3A_1252 = tpu.vector_load %arg7[%get3A_1251] {strides = array<i32>} : memref<512xi32, #tpu.memory_space<vmem>>, vector<16xi32>,
    %sub3A_1253 = arith.constant 0 : i32
    %sub3A_1254 = vector.broadcast %sub3A_1253 : i32 to vector<16xi32>
    %sub3A_1255 = arith.subi %get3A_1252, %sub3A_1254 : vector<16xi32>
    %max3A_1256 = arith.constant 0 : i32
    %max3A_1257 = vector.broadcast %max3A_1256 : i32 to vector<16xi32>
    %max3A_1258 = arith.maxsi %sub3A_1255, %max3A_1257 : vector<16xi32>
    %min3A_1259 = arith.constant 503 : i32
    %min3A_1260 = vector.broadcast %min3A_1259 : i32 to vector<16xi32>
    %min3A_1261 = arith.minsi %max3A_1258, %min3A_1260 : vector<16xi32>
    %add3A_1262 = arith.constant 64 : i32
    %add3A_1263 = vector.broadcast %add3A_1262 : i32 to vector<16xi32>
    %add3A_1264 = arith.addi %iota3A, %add3A_1263 : vector<16xi32>
    %gather3A_1265 = tpu.vector_load_idx %arg5[%min3A_1261, %add3A_1264] : memref<504x128xf32, #tpu.memory_space<vmem>>[vector<16xi32>, vector<16xi32>], vector<16xf32>,
    %ge3A_1266 = arith.constant 0 : i32
    %ge3A_1267 = vector.broadcast %ge3A_1266 : i32 to vector<16xi32>
    %ge3A_1268 = arith.cmpi sge, %sub3A_1255, %ge3A_1267 : vector<16xi32>
    %lt3A_1269 = arith.constant 504 : i32
    %lt3A_1270 = vector.broadcast %lt3A_1269 : i32 to vector<16xi32>
    %lt3A_1271 = arith.cmpi slt, %sub3A_1255, %lt3A_1270 : vector<16xi32>
    %and3A_1272 = arith.andi %ge3A_1268, %lt3A_1271 : vector<16xi1>
    %select_n3A_1273 = arith.select %and3A_1272, %gather3A_1265, %broadcast_in_dim3A_3 : vector<16xi1>, vector<16xf32>
    %get3A_1274 = arith.constant 336 : index
    %get3A_1275 = tpu.vector_load %arg7[%get3A_1274] {strides = array<i32>} : memref<512xi32, #tpu.memory_space<vmem>>, vector<16xi32>,
    %sub3A_1276 = arith.constant 0 : i32
    %sub3A_1277 = vector.broadcast %sub3A_1276 : i32 to vector<16xi32>
    %sub3A_1278 = arith.subi %get3A_1275, %sub3A_1277 : vector<16xi32>
    %max3A_1279 = arith.constant 0 : i32
    %max3A_1280 = vector.broadcast %max3A_1279 : i32 to vector<16xi32>
    %max3A_1281 = arith.maxsi %sub3A_1278, %max3A_1280 : vector<16xi32>
    %min3A_1282 = arith.constant 503 : i32
    %min3A_1283 = vector.broadcast %min3A_1282 : i32 to vector<16xi32>
    %min3A_1284 = arith.minsi %max3A_1281, %min3A_1283 : vector<16xi32>
    %add3A_1285 = arith.constant 80 : i32
    %add3A_1286 = vector.broadcast %add3A_1285 : i32 to vector<16xi32>
    %add3A_1287 = arith.addi %iota3A, %add3A_1286 : vector<16xi32>
    %gather3A_1288 = tpu.vector_load_idx %arg5[%min3A_1284, %add3A_1287] : memref<504x128xf32, #tpu.memory_space<vmem>>[vector<16xi32>, vector<16xi32>], vector<16xf32>,
    %ge3A_1289 = arith.constant 0 : i32
    %ge3A_1290 = vector.broadcast %ge3A_1289 : i32 to vector<16xi32>
    %ge3A_1291 = arith.cmpi sge, %sub3A_1278, %ge3A_1290 : vector<16xi32>
    %lt3A_1292 = arith.constant 504 : i32
    %lt3A_1293 = vector.broadcast %lt3A_1292 : i32 to vector<16xi32>
    %lt3A_1294 = arith.cmpi slt, %sub3A_1278, %lt3A_1293 : vector<16xi32>
    %and3A_1295 = arith.andi %ge3A_1291, %lt3A_1294 : vector<16xi1>
    %select_n3A_1296 = arith.select %and3A_1295, %gather3A_1288, %broadcast_in_dim3A_3 : vector<16xi1>, vector<16xf32>
    %get3A_1297 = arith.constant 352 : index
    %get3A_1298 = tpu.vector_load %arg7[%get3A_1297] {strides = array<i32>} : memref<512xi32, #tpu.memory_space<vmem>>, vector<16xi32>,
    %sub3A_1299 = arith.constant 0 : i32
    %sub3A_1300 = vector.broadcast %sub3A_1299 : i32 to vector<16xi32>
    %sub3A_1301 = arith.subi %get3A_1298, %sub3A_1300 : vector<16xi32>
    %max3A_1302 = arith.constant 0 : i32
    %max3A_1303 = vector.broadcast %max3A_1302 : i32 to vector<16xi32>
    %max3A_1304 = arith.maxsi %sub3A_1301, %max3A_1303 : vector<16xi32>
    %min3A_1305 = arith.constant 503 : i32
    %min3A_1306 = vector.broadcast %min3A_1305 : i32 to vector<16xi32>
    %min3A_1307 = arith.minsi %max3A_1304, %min3A_1306 : vector<16xi32>
    %add3A_1308 = arith.constant 96 : i32
    %add3A_1309 = vector.broadcast %add3A_1308 : i32 to vector<16xi32>
    %add3A_1310 = arith.addi %iota3A, %add3A_1309 : vector<16xi32>
    %gather3A_1311 = tpu.vector_load_idx %arg5[%min3A_1307, %add3A_1310] : memref<504x128xf32, #tpu.memory_space<vmem>>[vector<16xi32>, vector<16xi32>], vector<16xf32>,
    %ge3A_1312 = arith.constant 0 : i32
    %ge3A_1313 = vector.broadcast %ge3A_1312 : i32 to vector<16xi32>
    %ge3A_1314 = arith.cmpi sge, %sub3A_1301, %ge3A_1313 : vector<16xi32>
    %lt3A_1315 = arith.constant 504 : i32
    %lt3A_1316 = vector.broadcast %lt3A_1315 : i32 to vector<16xi32>
    %lt3A_1317 = arith.cmpi slt, %sub3A_1301, %lt3A_1316 : vector<16xi32>
    %and3A_1318 = arith.andi %ge3A_1314, %lt3A_1317 : vector<16xi1>
    %select_n3A_1319 = arith.select %and3A_1318, %gather3A_1311, %broadcast_in_dim3A_3 : vector<16xi1>, vector<16xf32>
    %get3A_1320 = arith.constant 368 : index
    %get3A_1321 = tpu.vector_load %arg7[%get3A_1320] {strides = array<i32>} : memref<512xi32, #tpu.memory_space<vmem>>, vector<16xi32>,
    %sub3A_1322 = arith.constant 0 : i32
    %sub3A_1323 = vector.broadcast %sub3A_1322 : i32 to vector<16xi32>
    %sub3A_1324 = arith.subi %get3A_1321, %sub3A_1323 : vector<16xi32>
    %max3A_1325 = arith.constant 0 : i32
    %max3A_1326 = vector.broadcast %max3A_1325 : i32 to vector<16xi32>
    %max3A_1327 = arith.maxsi %sub3A_1324, %max3A_1326 : vector<16xi32>
    %min3A_1328 = arith.constant 503 : i32
    %min3A_1329 = vector.broadcast %min3A_1328 : i32 to vector<16xi32>
    %min3A_1330 = arith.minsi %max3A_1327, %min3A_1329 : vector<16xi32>
    %add3A_1331 = arith.constant 112 : i32
    %add3A_1332 = vector.broadcast %add3A_1331 : i32 to vector<16xi32>
    %add3A_1333 = arith.addi %iota3A, %add3A_1332 : vector<16xi32>
    %gather3A_1334 = tpu.vector_load_idx %arg5[%min3A_1330, %add3A_1333] : memref<504x128xf32, #tpu.memory_space<vmem>>[vector<16xi32>, vector<16xi32>], vector<16xf32>,
    %ge3A_1335 = arith.constant 0 : i32
    %ge3A_1336 = vector.broadcast %ge3A_1335 : i32 to vector<16xi32>
    %ge3A_1337 = arith.cmpi sge, %sub3A_1324, %ge3A_1336 : vector<16xi32>
    %lt3A_1338 = arith.constant 504 : i32
    %lt3A_1339 = vector.broadcast %lt3A_1338 : i32 to vector<16xi32>
    %lt3A_1340 = arith.cmpi slt, %sub3A_1324, %lt3A_1339 : vector<16xi32>
    %and3A_1341 = arith.andi %ge3A_1337, %lt3A_1340 : vector<16xi1>
    %select_n3A_1342 = arith.select %and3A_1341, %gather3A_1334, %broadcast_in_dim3A_3 : vector<16xi1>, vector<16xf32>
    %add3A_1343 = arith.constant 384 : i32
    %add3A_1344 = arith.addi %multiple_of3A, %add3A_1343 : i32
    %multiple_of3A_1345 = tpu.assume_multiple %add3A_1344, 128 : i32
    %dma_start3A_1346 = arith.constant 0 : i32
    %dma_start3A_1347 = tpu.memref_slice %arg2[%dma_start3A_1346, %multiple_of3A_1345] : memref<1000x16384xf32, #tpu.memory_space<hbm>> -> memref<504x128xf32, #tpu.memory_space<hbm>>
    %dma_start3A_1348 = arith.constant 0 : i32
    %dma_start3A_1349 = tpu.memref_slice %arg2[%dma_start3A_1348, %multiple_of3A_1345] : memref<1000x16384xf32, #tpu.memory_space<hbm>> -> memref<504x128xf32, #tpu.memory_space<hbm>>
    tpu.enqueue_dma source(%dma_start3A_1349 : memref<504x128xf32, #tpu.memory_space<hbm>>) target(%arg5 : memref<504x128xf32, #tpu.memory_space<vmem>>) target_semaphore(%arg9 : memref<!tpu.dma_semaphore, #tpu.memory_space<semaphore_mem>>)
    %add3A_1350 = arith.constant 256 : i32
    %add3A_1351 = arith.addi %multiple_of3A, %add3A_1350 : i32
    %multiple_of3A_1352 = tpu.assume_multiple %add3A_1351, 128 : i32
    %dma_wait3A_1353 = arith.constant 504 : i32
    %dma_wait3A_1354 = tpu.memref_slice %arg2[%dma_wait3A_1353, %multiple_of3A_1352] : memref<1000x16384xf32, #tpu.memory_space<hbm>> -> memref<496x128xf32, #tpu.memory_space<hbm>>
    %dma_wait3A_1355 = arith.constant 504 : i32
    %dma_wait3A_1356 = tpu.memref_slice %arg2[%dma_wait3A_1355, %multiple_of3A_1352] : memref<1000x16384xf32, #tpu.memory_space<hbm>> -> memref<496x128xf32, #tpu.memory_space<hbm>>
    tpu.wait_dma2 semaphore(%arg10 : memref<!tpu.dma_semaphore, #tpu.memory_space<semaphore_mem>>) src(%dma_wait3A_1356 : memref<496x128xf32, #tpu.memory_space<hbm>>) dst(%arg6 : memref<496x128xf32, #tpu.memory_space<vmem>>)
    %scan3A_1357 = arith.constant 0 : i32
    %scan3A_1358 = arith.constant 496 : i32
    %scan3A_1359 = arith.addi %scan3A_1357, %scan3A_1358 : i32
    %scan3A_1360 = arith.constant 2 : i32
    %scan3A_1361:16 = scf.for %scan3A_2110 = %scan3A_1357 to %scan3A_1359 step %scan3A_1360 iter_args(%scan3A_2111 = %max3A_1115, %scan3A_2112 = %max3A_1121, %scan3A_2113 = %max3A_1127, %scan3A_2114 = %max3A_1133, %scan3A_2115 = %max3A_1139, %scan3A_2116 = %max3A_1145, %scan3A_2117 = %max3A_1151, %scan3A_2118 = %max3A_1157, %scan3A_2119 = %max3A_1114, %scan3A_2120 = %max3A_1120, %scan3A_2121 = %max3A_1126, %scan3A_2122 = %max3A_1132, %scan3A_2123 = %max3A_1138, %scan3A_2124 = %max3A_1144, %scan3A_2125 = %max3A_1150, %scan3A_2126 = %max3A_1156) -> (vector<16xf32>, vector<16xf32>, vector<16xf32>, vector<16xf32>, vector<16xf32>, vector<16xf32>, vector<16xf32>, vector<16xf32>, vector<16xf32>, vector<16xf32>, vector<16xf32>, vector<16xf32>, vector<16xf32>, vector<16xf32>, vector<16xf32>, vector<16xf32>)  : i32 {
      %get3A_2127 = arith.index_cast %scan3A_2110 : i32 to index
      %get3A_2128 = arith.constant 0 : index
      %get3A_2129 = tpu.vector_load %arg6[%get3A_2127, %get3A_2128] {strides = array<i32>} : memref<496x128xf32, #tpu.memory_space<vmem>>, vector<16xf32>,
      %min3A_2130 = arith.minimumf %scan3A_2111, %get3A_2129 : vector<16xf32>
      %max3A_2131 = arith.maximumf %scan3A_2119, %min3A_2130 : vector<16xf32>
      %max3A_2132 = arith.maximumf %scan3A_2111, %get3A_2129 : vector<16xf32>
      %get3A_2133 = arith.index_cast %scan3A_2110 : i32 to index
      %get3A_2134 = arith.constant 16 : index
      %get3A_2135 = tpu.vector_load %arg6[%get3A_2133, %get3A_2134] {strides = array<i32>} : memref<496x128xf32, #tpu.memory_space<vmem>>, vector<16xf32>,
      %min3A_2136 = arith.minimumf %scan3A_2112, %get3A_2135 : vector<16xf32>
      %max3A_2137 = arith.maximumf %scan3A_2120, %min3A_2136 : vector<16xf32>
      %max3A_2138 = arith.maximumf %scan3A_2112, %get3A_2135 : vector<16xf32>
      %get3A_2139 = arith.index_cast %scan3A_2110 : i32 to index
      %get3A_2140 = arith.constant 32 : index
      %get3A_2141 = tpu.vector_load %arg6[%get3A_2139, %get3A_2140] {strides = array<i32>} : memref<496x128xf32, #tpu.memory_space<vmem>>, vector<16xf32>,
      %min3A_2142 = arith.minimumf %scan3A_2113, %get3A_2141 : vector<16xf32>
      %max3A_2143 = arith.maximumf %scan3A_2121, %min3A_2142 : vector<16xf32>
      %max3A_2144 = arith.maximumf %scan3A_2113, %get3A_2141 : vector<16xf32>
      %get3A_2145 = arith.index_cast %scan3A_2110 : i32 to index
      %get3A_2146 = arith.constant 48 : index
      %get3A_2147 = tpu.vector_load %arg6[%get3A_2145, %get3A_2146] {strides = array<i32>} : memref<496x128xf32, #tpu.memory_space<vmem>>, vector<16xf32>,
      %min3A_2148 = arith.minimumf %scan3A_2114, %get3A_2147 : vector<16xf32>
      %max3A_2149 = arith.maximumf %scan3A_2122, %min3A_2148 : vector<16xf32>
      %max3A_2150 = arith.maximumf %scan3A_2114, %get3A_2147 : vector<16xf32>
      %get3A_2151 = arith.index_cast %scan3A_2110 : i32 to index
      %get3A_2152 = arith.constant 64 : index
      %get3A_2153 = tpu.vector_load %arg6[%get3A_2151, %get3A_2152] {strides = array<i32>} : memref<496x128xf32, #tpu.memory_space<vmem>>, vector<16xf32>,
      %min3A_2154 = arith.minimumf %scan3A_2115, %get3A_2153 : vector<16xf32>
      %max3A_2155 = arith.maximumf %scan3A_2123, %min3A_2154 : vector<16xf32>
      %max3A_2156 = arith.maximumf %scan3A_2115, %get3A_2153 : vector<16xf32>
      %get3A_2157 = arith.index_cast %scan3A_2110 : i32 to index
      %get3A_2158 = arith.constant 80 : index
      %get3A_2159 = tpu.vector_load %arg6[%get3A_2157, %get3A_2158] {strides = array<i32>} : memref<496x128xf32, #tpu.memory_space<vmem>>, vector<16xf32>,
      %min3A_2160 = arith.minimumf %scan3A_2116, %get3A_2159 : vector<16xf32>
      %max3A_2161 = arith.maximumf %scan3A_2124, %min3A_2160 : vector<16xf32>
      %max3A_2162 = arith.maximumf %scan3A_2116, %get3A_2159 : vector<16xf32>
      %get3A_2163 = arith.index_cast %scan3A_2110 : i32 to index
      %get3A_2164 = arith.constant 96 : index
      %get3A_2165 = tpu.vector_load %arg6[%get3A_2163, %get3A_2164] {strides = array<i32>} : memref<496x128xf32, #tpu.memory_space<vmem>>, vector<16xf32>,
      %min3A_2166 = arith.minimumf %scan3A_2117, %get3A_2165 : vector<16xf32>
      %max3A_2167 = arith.maximumf %scan3A_2125, %min3A_2166 : vector<16xf32>
      %max3A_2168 = arith.maximumf %scan3A_2117, %get3A_2165 : vector<16xf32>
      %get3A_2169 = arith.index_cast %scan3A_2110 : i32 to index
      %get3A_2170 = arith.constant 112 : index
      %get3A_2171 = tpu.vector_load %arg6[%get3A_2169, %get3A_2170] {strides = array<i32>} : memref<496x128xf32, #tpu.memory_space<vmem>>, vector<16xf32>,
      %min3A_2172 = arith.minimumf %scan3A_2118, %get3A_2171 : vector<16xf32>
      %max3A_2173 = arith.maximumf %scan3A_2126, %min3A_2172 : vector<16xf32>
      %max3A_2174 = arith.maximumf %scan3A_2118, %get3A_2171 : vector<16xf32>
      %scan3A_2175 = arith.constant 1 : i32
      %scan3A_2176 = arith.addi %scan3A_2110, %scan3A_2175 : i32
      %get3A_2177 = arith.index_cast %scan3A_2176 : i32 to index
      %get3A_2178 = arith.constant 0 : index
      %get3A_2179 = tpu.vector_load %arg6[%get3A_2177, %get3A_2178] {strides = array<i32>} : memref<496x128xf32, #tpu.memory_space<vmem>>, vector<16xf32>,
      %min3A_2180 = arith.minimumf %max3A_2132, %get3A_2179 : vector<16xf32>
      %max3A_2181 = arith.maximumf %max3A_2131, %min3A_2180 : vector<16xf32>
      %max3A_2182 = arith.maximumf %max3A_2132, %get3A_2179 : vector<16xf32>
      %get3A_2183 = arith.index_cast %scan3A_2176 : i32 to index
      %get3A_2184 = arith.constant 16 : index
      %get3A_2185 = tpu.vector_load %arg6[%get3A_2183, %get3A_2184] {strides = array<i32>} : memref<496x128xf32, #tpu.memory_space<vmem>>, vector<16xf32>,
      %min3A_2186 = arith.minimumf %max3A_2138, %get3A_2185 : vector<16xf32>
      %max3A_2187 = arith.maximumf %max3A_2137, %min3A_2186 : vector<16xf32>
      %max3A_2188 = arith.maximumf %max3A_2138, %get3A_2185 : vector<16xf32>
      %get3A_2189 = arith.index_cast %scan3A_2176 : i32 to index
      %get3A_2190 = arith.constant 32 : index
      %get3A_2191 = tpu.vector_load %arg6[%get3A_2189, %get3A_2190] {strides = array<i32>} : memref<496x128xf32, #tpu.memory_space<vmem>>, vector<16xf32>,
      %min3A_2192 = arith.minimumf %max3A_2144, %get3A_2191 : vector<16xf32>
      %max3A_2193 = arith.maximumf %max3A_2143, %min3A_2192 : vector<16xf32>
      %max3A_2194 = arith.maximumf %max3A_2144, %get3A_2191 : vector<16xf32>
      %get3A_2195 = arith.index_cast %scan3A_2176 : i32 to index
      %get3A_2196 = arith.constant 48 : index
      %get3A_2197 = tpu.vector_load %arg6[%get3A_2195, %get3A_2196] {strides = array<i32>} : memref<496x128xf32, #tpu.memory_space<vmem>>, vector<16xf32>,
      %min3A_2198 = arith.minimumf %max3A_2150, %get3A_2197 : vector<16xf32>
      %max3A_2199 = arith.maximumf %max3A_2149, %min3A_2198 : vector<16xf32>
      %max3A_2200 = arith.maximumf %max3A_2150, %get3A_2197 : vector<16xf32>
      %get3A_2201 = arith.index_cast %scan3A_2176 : i32 to index
      %get3A_2202 = arith.constant 64 : index
      %get3A_2203 = tpu.vector_load %arg6[%get3A_2201, %get3A_2202] {strides = array<i32>} : memref<496x128xf32, #tpu.memory_space<vmem>>, vector<16xf32>,
      %min3A_2204 = arith.minimumf %max3A_2156, %get3A_2203 : vector<16xf32>
      %max3A_2205 = arith.maximumf %max3A_2155, %min3A_2204 : vector<16xf32>
      %max3A_2206 = arith.maximumf %max3A_2156, %get3A_2203 : vector<16xf32>
      %get3A_2207 = arith.index_cast %scan3A_2176 : i32 to index
      %get3A_2208 = arith.constant 80 : index
      %get3A_2209 = tpu.vector_load %arg6[%get3A_2207, %get3A_2208] {strides = array<i32>} : memref<496x128xf32, #tpu.memory_space<vmem>>, vector<16xf32>,
      %min3A_2210 = arith.minimumf %max3A_2162, %get3A_2209 : vector<16xf32>
      %max3A_2211 = arith.maximumf %max3A_2161, %min3A_2210 : vector<16xf32>
      %max3A_2212 = arith.maximumf %max3A_2162, %get3A_2209 : vector<16xf32>
      %get3A_2213 = arith.index_cast %scan3A_2176 : i32 to index
      %get3A_2214 = arith.constant 96 : index
      %get3A_2215 = tpu.vector_load %arg6[%get3A_2213, %get3A_2214] {strides = array<i32>} : memref<496x128xf32, #tpu.memory_space<vmem>>, vector<16xf32>,
      %min3A_2216 = arith.minimumf %max3A_2168, %get3A_2215 : vector<16xf32>
      %max3A_2217 = arith.maximumf %max3A_2167, %min3A_2216 : vector<16xf32>
      %max3A_2218 = arith.maximumf %max3A_2168, %get3A_2215 : vector<16xf32>
      %get3A_2219 = arith.index_cast %scan3A_2176 : i32 to index
      %get3A_2220 = arith.constant 112 : index
      %get3A_2221 = tpu.vector_load %arg6[%get3A_2219, %get3A_2220] {strides = array<i32>} : memref<496x128xf32, #tpu.memory_space<vmem>>, vector<16xf32>,
      %min3A_2222 = arith.minimumf %max3A_2174, %get3A_2221 : vector<16xf32>
      %max3A_2223 = arith.maximumf %max3A_2173, %min3A_2222 : vector<16xf32>
      %max3A_2224 = arith.maximumf %max3A_2174, %get3A_2221 : vector<16xf32>
      scf.yield %max3A_2182, %max3A_2188, %max3A_2194, %max3A_2200, %max3A_2206, %max3A_2212, %max3A_2218, %max3A_2224, %max3A_2181, %max3A_2187, %max3A_2193, %max3A_2199, %max3A_2205, %max3A_2211, %max3A_2217, %max3A_2223 : vector<16xf32>, vector<16xf32>, vector<16xf32>, vector<16xf32>, vector<16xf32>, vector<16xf32>, vector<16xf32>, vector<16xf32>, vector<16xf32>, vector<16xf32>, vector<16xf32>, vector<16xf32>, vector<16xf32>, vector<16xf32>, vector<16xf32>, vector<16xf32>
    }
    %scan3A_1362 = arith.constant 496 : i32
    %get3A_1363 = arith.constant 256 : index
    %get3A_1364 = tpu.vector_load %arg7[%get3A_1363] {strides = array<i32>} : memref<512xi32, #tpu.memory_space<vmem>>, vector<16xi32>,
    %sub3A_1365 = arith.constant 504 : i32
    %sub3A_1366 = vector.broadcast %sub3A_1365 : i32 to vector<16xi32>
    %sub3A_1367 = arith.subi %get3A_1364, %sub3A_1366 : vector<16xi32>
    %max3A_1368 = arith.constant 0 : i32
    %max3A_1369 = vector.broadcast %max3A_1368 : i32 to vector<16xi32>
    %max3A_1370 = arith.maxsi %sub3A_1367, %max3A_1369 : vector<16xi32>
    %min3A_1371 = arith.constant 495 : i32
    %min3A_1372 = vector.broadcast %min3A_1371 : i32 to vector<16xi32>
    %min3A_1373 = arith.minsi %max3A_1370, %min3A_1372 : vector<16xi32>
    %add3A_1374 = arith.constant 0 : i32
    %add3A_1375 = vector.broadcast %add3A_1374 : i32 to vector<16xi32>
    %add3A_1376 = arith.addi %iota3A, %add3A_1375 : vector<16xi32>
    %gather3A_1377 = tpu.vector_load_idx %arg6[%min3A_1373, %add3A_1376] : memref<496x128xf32, #tpu.memory_space<vmem>>[vector<16xi32>, vector<16xi32>], vector<16xf32>,
    %ge3A_1378 = arith.constant 0 : i32
    %ge3A_1379 = vector.broadcast %ge3A_1378 : i32 to vector<16xi32>
    %ge3A_1380 = arith.cmpi sge, %sub3A_1367, %ge3A_1379 : vector<16xi32>
    %lt3A_1381 = arith.constant 496 : i32
    %lt3A_1382 = vector.broadcast %lt3A_1381 : i32 to vector<16xi32>
    %lt3A_1383 = arith.cmpi slt, %sub3A_1367, %lt3A_1382 : vector<16xi32>
    %and3A_1384 = arith.andi %ge3A_1380, %lt3A_1383 : vector<16xi1>
    %select_n3A_1385 = arith.select %and3A_1384, %gather3A_1377, %select_n3A_1181 : vector<16xi1>, vector<16xf32>
    %get3A_1386 = arith.constant 272 : index
    %get3A_1387 = tpu.vector_load %arg7[%get3A_1386] {strides = array<i32>} : memref<512xi32, #tpu.memory_space<vmem>>, vector<16xi32>,
    %sub3A_1388 = arith.constant 504 : i32
    %sub3A_1389 = vector.broadcast %sub3A_1388 : i32 to vector<16xi32>
    %sub3A_1390 = arith.subi %get3A_1387, %sub3A_1389 : vector<16xi32>
    %max3A_1391 = arith.constant 0 : i32
    %max3A_1392 = vector.broadcast %max3A_1391 : i32 to vector<16xi32>
    %max3A_1393 = arith.maxsi %sub3A_1390, %max3A_1392 : vector<16xi32>
    %min3A_1394 = arith.constant 495 : i32
    %min3A_1395 = vector.broadcast %min3A_1394 : i32 to vector<16xi32>
    %min3A_1396 = arith.minsi %max3A_1393, %min3A_1395 : vector<16xi32>
    %add3A_1397 = arith.constant 16 : i32
    %add3A_1398 = vector.broadcast %add3A_1397 : i32 to vector<16xi32>
    %add3A_1399 = arith.addi %iota3A, %add3A_1398 : vector<16xi32>
    %gather3A_1400 = tpu.vector_load_idx %arg6[%min3A_1396, %add3A_1399] : memref<496x128xf32, #tpu.memory_space<vmem>>[vector<16xi32>, vector<16xi32>], vector<16xf32>,
    %ge3A_1401 = arith.constant 0 : i32
    %ge3A_1402 = vector.broadcast %ge3A_1401 : i32 to vector<16xi32>
    %ge3A_1403 = arith.cmpi sge, %sub3A_1390, %ge3A_1402 : vector<16xi32>
    %lt3A_1404 = arith.constant 496 : i32
    %lt3A_1405 = vector.broadcast %lt3A_1404 : i32 to vector<16xi32>
    %lt3A_1406 = arith.cmpi slt, %sub3A_1390, %lt3A_1405 : vector<16xi32>
    %and3A_1407 = arith.andi %ge3A_1403, %lt3A_1406 : vector<16xi1>
    %select_n3A_1408 = arith.select %and3A_1407, %gather3A_1400, %select_n3A_1204 : vector<16xi1>, vector<16xf32>
    %get3A_1409 = arith.constant 288 : index
    %get3A_1410 = tpu.vector_load %arg7[%get3A_1409] {strides = array<i32>} : memref<512xi32, #tpu.memory_space<vmem>>, vector<16xi32>,
    %sub3A_1411 = arith.constant 504 : i32
    %sub3A_1412 = vector.broadcast %sub3A_1411 : i32 to vector<16xi32>
    %sub3A_1413 = arith.subi %get3A_1410, %sub3A_1412 : vector<16xi32>
    %max3A_1414 = arith.constant 0 : i32
    %max3A_1415 = vector.broadcast %max3A_1414 : i32 to vector<16xi32>
    %max3A_1416 = arith.maxsi %sub3A_1413, %max3A_1415 : vector<16xi32>
    %min3A_1417 = arith.constant 495 : i32
    %min3A_1418 = vector.broadcast %min3A_1417 : i32 to vector<16xi32>
    %min3A_1419 = arith.minsi %max3A_1416, %min3A_1418 : vector<16xi32>
    %add3A_1420 = arith.constant 32 : i32
    %add3A_1421 = vector.broadcast %add3A_1420 : i32 to vector<16xi32>
    %add3A_1422 = arith.addi %iota3A, %add3A_1421 : vector<16xi32>
    %gather3A_1423 = tpu.vector_load_idx %arg6[%min3A_1419, %add3A_1422] : memref<496x128xf32, #tpu.memory_space<vmem>>[vector<16xi32>, vector<16xi32>], vector<16xf32>,
    %ge3A_1424 = arith.constant 0 : i32
    %ge3A_1425 = vector.broadcast %ge3A_1424 : i32 to vector<16xi32>
    %ge3A_1426 = arith.cmpi sge, %sub3A_1413, %ge3A_1425 : vector<16xi32>
    %lt3A_1427 = arith.constant 496 : i32
    %lt3A_1428 = vector.broadcast %lt3A_1427 : i32 to vector<16xi32>
    %lt3A_1429 = arith.cmpi slt, %sub3A_1413, %lt3A_1428 : vector<16xi32>
    %and3A_1430 = arith.andi %ge3A_1426, %lt3A_1429 : vector<16xi1>
    %select_n3A_1431 = arith.select %and3A_1430, %gather3A_1423, %select_n3A_1227 : vector<16xi1>, vector<16xf32>
    %get3A_1432 = arith.constant 304 : index
    %get3A_1433 = tpu.vector_load %arg7[%get3A_1432] {strides = array<i32>} : memref<512xi32, #tpu.memory_space<vmem>>, vector<16xi32>,
    %sub3A_1434 = arith.constant 504 : i32
    %sub3A_1435 = vector.broadcast %sub3A_1434 : i32 to vector<16xi32>
    %sub3A_1436 = arith.subi %get3A_1433, %sub3A_1435 : vector<16xi32>
    %max3A_1437 = arith.constant 0 : i32
    %max3A_1438 = vector.broadcast %max3A_1437 : i32 to vector<16xi32>
    %max3A_1439 = arith.maxsi %sub3A_1436, %max3A_1438 : vector<16xi32>
    %min3A_1440 = arith.constant 495 : i32
    %min3A_1441 = vector.broadcast %min3A_1440 : i32 to vector<16xi32>
    %min3A_1442 = arith.minsi %max3A_1439, %min3A_1441 : vector<16xi32>
    %add3A_1443 = arith.constant 48 : i32
    %add3A_1444 = vector.broadcast %add3A_1443 : i32 to vector<16xi32>
    %add3A_1445 = arith.addi %iota3A, %add3A_1444 : vector<16xi32>
    %gather3A_1446 = tpu.vector_load_idx %arg6[%min3A_1442, %add3A_1445] : memref<496x128xf32, #tpu.memory_space<vmem>>[vector<16xi32>, vector<16xi32>], vector<16xf32>,
    %ge3A_1447 = arith.constant 0 : i32
    %ge3A_1448 = vector.broadcast %ge3A_1447 : i32 to vector<16xi32>
    %ge3A_1449 = arith.cmpi sge, %sub3A_1436, %ge3A_1448 : vector<16xi32>
    %lt3A_1450 = arith.constant 496 : i32
    %lt3A_1451 = vector.broadcast %lt3A_1450 : i32 to vector<16xi32>
    %lt3A_1452 = arith.cmpi slt, %sub3A_1436, %lt3A_1451 : vector<16xi32>
    %and3A_1453 = arith.andi %ge3A_1449, %lt3A_1452 : vector<16xi1>
    %select_n3A_1454 = arith.select %and3A_1453, %gather3A_1446, %select_n3A_1250 : vector<16xi1>, vector<16xf32>
    %get3A_1455 = arith.constant 320 : index
    %get3A_1456 = tpu.vector_load %arg7[%get3A_1455] {strides = array<i32>} : memref<512xi32, #tpu.memory_space<vmem>>, vector<16xi32>,
    %sub3A_1457 = arith.constant 504 : i32
    %sub3A_1458 = vector.broadcast %sub3A_1457 : i32 to vector<16xi32>
    %sub3A_1459 = arith.subi %get3A_1456, %sub3A_1458 : vector<16xi32>
    %max3A_1460 = arith.constant 0 : i32
    %max3A_1461 = vector.broadcast %max3A_1460 : i32 to vector<16xi32>
    %max3A_1462 = arith.maxsi %sub3A_1459, %max3A_1461 : vector<16xi32>
    %min3A_1463 = arith.constant 495 : i32
    %min3A_1464 = vector.broadcast %min3A_1463 : i32 to vector<16xi32>
    %min3A_1465 = arith.minsi %max3A_1462, %min3A_1464 : vector<16xi32>
    %add3A_1466 = arith.constant 64 : i32
    %add3A_1467 = vector.broadcast %add3A_1466 : i32 to vector<16xi32>
    %add3A_1468 = arith.addi %iota3A, %add3A_1467 : vector<16xi32>
    %gather3A_1469 = tpu.vector_load_idx %arg6[%min3A_1465, %add3A_1468] : memref<496x128xf32, #tpu.memory_space<vmem>>[vector<16xi32>, vector<16xi32>], vector<16xf32>,
    %ge3A_1470 = arith.constant 0 : i32
    %ge3A_1471 = vector.broadcast %ge3A_1470 : i32 to vector<16xi32>
    %ge3A_1472 = arith.cmpi sge, %sub3A_1459, %ge3A_1471 : vector<16xi32>
    %lt3A_1473 = arith.constant 496 : i32
    %lt3A_1474 = vector.broadcast %lt3A_1473 : i32 to vector<16xi32>
    %lt3A_1475 = arith.cmpi slt, %sub3A_1459, %lt3A_1474 : vector<16xi32>
    %and3A_1476 = arith.andi %ge3A_1472, %lt3A_1475 : vector<16xi1>
    %select_n3A_1477 = arith.select %and3A_1476, %gather3A_1469, %select_n3A_1273 : vector<16xi1>, vector<16xf32>
    %get3A_1478 = arith.constant 336 : index
    %get3A_1479 = tpu.vector_load %arg7[%get3A_1478] {strides = array<i32>} : memref<512xi32, #tpu.memory_space<vmem>>, vector<16xi32>,
    %sub3A_1480 = arith.constant 504 : i32
    %sub3A_1481 = vector.broadcast %sub3A_1480 : i32 to vector<16xi32>
    %sub3A_1482 = arith.subi %get3A_1479, %sub3A_1481 : vector<16xi32>
    %max3A_1483 = arith.constant 0 : i32
    %max3A_1484 = vector.broadcast %max3A_1483 : i32 to vector<16xi32>
    %max3A_1485 = arith.maxsi %sub3A_1482, %max3A_1484 : vector<16xi32>
    %min3A_1486 = arith.constant 495 : i32
    %min3A_1487 = vector.broadcast %min3A_1486 : i32 to vector<16xi32>
    %min3A_1488 = arith.minsi %max3A_1485, %min3A_1487 : vector<16xi32>
    %add3A_1489 = arith.constant 80 : i32
    %add3A_1490 = vector.broadcast %add3A_1489 : i32 to vector<16xi32>
    %add3A_1491 = arith.addi %iota3A, %add3A_1490 : vector<16xi32>
    %gather3A_1492 = tpu.vector_load_idx %arg6[%min3A_1488, %add3A_1491] : memref<496x128xf32, #tpu.memory_space<vmem>>[vector<16xi32>, vector<16xi32>], vector<16xf32>,
    %ge3A_1493 = arith.constant 0 : i32
    %ge3A_1494 = vector.broadcast %ge3A_1493 : i32 to vector<16xi32>
    %ge3A_1495 = arith.cmpi sge, %sub3A_1482, %ge3A_1494 : vector<16xi32>
    %lt3A_1496 = arith.constant 496 : i32
    %lt3A_1497 = vector.broadcast %lt3A_1496 : i32 to vector<16xi32>
    %lt3A_1498 = arith.cmpi slt, %sub3A_1482, %lt3A_1497 : vector<16xi32>
    %and3A_1499 = arith.andi %ge3A_1495, %lt3A_1498 : vector<16xi1>
    %select_n3A_1500 = arith.select %and3A_1499, %gather3A_1492, %select_n3A_1296 : vector<16xi1>, vector<16xf32>
    %get3A_1501 = arith.constant 352 : index
    %get3A_1502 = tpu.vector_load %arg7[%get3A_1501] {strides = array<i32>} : memref<512xi32, #tpu.memory_space<vmem>>, vector<16xi32>,
    %sub3A_1503 = arith.constant 504 : i32
    %sub3A_1504 = vector.broadcast %sub3A_1503 : i32 to vector<16xi32>
    %sub3A_1505 = arith.subi %get3A_1502, %sub3A_1504 : vector<16xi32>
    %max3A_1506 = arith.constant 0 : i32
    %max3A_1507 = vector.broadcast %max3A_1506 : i32 to vector<16xi32>
    %max3A_1508 = arith.maxsi %sub3A_1505, %max3A_1507 : vector<16xi32>
    %min3A_1509 = arith.constant 495 : i32
    %min3A_1510 = vector.broadcast %min3A_1509 : i32 to vector<16xi32>
    %min3A_1511 = arith.minsi %max3A_1508, %min3A_1510 : vector<16xi32>
    %add3A_1512 = arith.constant 96 : i32
    %add3A_1513 = vector.broadcast %add3A_1512 : i32 to vector<16xi32>
    %add3A_1514 = arith.addi %iota3A, %add3A_1513 : vector<16xi32>
    %gather3A_1515 = tpu.vector_load_idx %arg6[%min3A_1511, %add3A_1514] : memref<496x128xf32, #tpu.memory_space<vmem>>[vector<16xi32>, vector<16xi32>], vector<16xf32>,
    %ge3A_1516 = arith.constant 0 : i32
    %ge3A_1517 = vector.broadcast %ge3A_1516 : i32 to vector<16xi32>
    %ge3A_1518 = arith.cmpi sge, %sub3A_1505, %ge3A_1517 : vector<16xi32>
    %lt3A_1519 = arith.constant 496 : i32
    %lt3A_1520 = vector.broadcast %lt3A_1519 : i32 to vector<16xi32>
    %lt3A_1521 = arith.cmpi slt, %sub3A_1505, %lt3A_1520 : vector<16xi32>
    %and3A_1522 = arith.andi %ge3A_1518, %lt3A_1521 : vector<16xi1>
    %select_n3A_1523 = arith.select %and3A_1522, %gather3A_1515, %select_n3A_1319 : vector<16xi1>, vector<16xf32>
    %get3A_1524 = arith.constant 368 : index
    %get3A_1525 = tpu.vector_load %arg7[%get3A_1524] {strides = array<i32>} : memref<512xi32, #tpu.memory_space<vmem>>, vector<16xi32>,
    %sub3A_1526 = arith.constant 504 : i32
    %sub3A_1527 = vector.broadcast %sub3A_1526 : i32 to vector<16xi32>
    %sub3A_1528 = arith.subi %get3A_1525, %sub3A_1527 : vector<16xi32>
    %max3A_1529 = arith.constant 0 : i32
    %max3A_1530 = vector.broadcast %max3A_1529 : i32 to vector<16xi32>
    %max3A_1531 = arith.maxsi %sub3A_1528, %max3A_1530 : vector<16xi32>
    %min3A_1532 = arith.constant 495 : i32
    %min3A_1533 = vector.broadcast %min3A_1532 : i32 to vector<16xi32>
    %min3A_1534 = arith.minsi %max3A_1531, %min3A_1533 : vector<16xi32>
    %add3A_1535 = arith.constant 112 : i32
    %add3A_1536 = vector.broadcast %add3A_1535 : i32 to vector<16xi32>
    %add3A_1537 = arith.addi %iota3A, %add3A_1536 : vector<16xi32>
    %gather3A_1538 = tpu.vector_load_idx %arg6[%min3A_1534, %add3A_1537] : memref<496x128xf32, #tpu.memory_space<vmem>>[vector<16xi32>, vector<16xi32>], vector<16xf32>,
    %ge3A_1539 = arith.constant 0 : i32
    %ge3A_1540 = vector.broadcast %ge3A_1539 : i32 to vector<16xi32>
    %ge3A_1541 = arith.cmpi sge, %sub3A_1528, %ge3A_1540 : vector<16xi32>
    %lt3A_1542 = arith.constant 496 : i32
    %lt3A_1543 = vector.broadcast %lt3A_1542 : i32 to vector<16xi32>
    %lt3A_1544 = arith.cmpi slt, %sub3A_1528, %lt3A_1543 : vector<16xi32>
    %and3A_1545 = arith.andi %ge3A_1541, %lt3A_1544 : vector<16xi1>
    %select_n3A_1546 = arith.select %and3A_1545, %gather3A_1538, %select_n3A_1342 : vector<16xi1>, vector<16xf32>
    %eq3A_1547 = arith.cmpf oeq, %select_n3A_1385, %scan3A_1361#0 : vector<16xf32>
    %select_n3A_1548 = arith.select %eq3A_1547, %scan3A_1361#8, %scan3A_1361#0 : vector<16xi1>, vector<16xf32>
    %sub3A_1549 = arith.subf %select_n3A_1548, %select_n3A_1385 : vector<16xf32>
    %swap3A_1550 = arith.constant 256 : index
    %swap3A_1551 = tpu.vector_load %arg8[%swap3A_1550] {strides = array<i32>} : memref<512xf32, #tpu.memory_space<vmem>>, vector<16xf32>,
    tpu.vector_store %arg8[%swap3A_1550], %sub3A_1549 {strides = array<i32>} : memref<512xf32, #tpu.memory_space<vmem>>, vector<16xf32>,
    %eq3A_1552 = arith.cmpf oeq, %select_n3A_1408, %scan3A_1361#1 : vector<16xf32>
    %select_n3A_1553 = arith.select %eq3A_1552, %scan3A_1361#9, %scan3A_1361#1 : vector<16xi1>, vector<16xf32>
    %sub3A_1554 = arith.subf %select_n3A_1553, %select_n3A_1408 : vector<16xf32>
    %swap3A_1555 = arith.constant 272 : index
    %swap3A_1556 = tpu.vector_load %arg8[%swap3A_1555] {strides = array<i32>} : memref<512xf32, #tpu.memory_space<vmem>>, vector<16xf32>,
    tpu.vector_store %arg8[%swap3A_1555], %sub3A_1554 {strides = array<i32>} : memref<512xf32, #tpu.memory_space<vmem>>, vector<16xf32>,
    %eq3A_1557 = arith.cmpf oeq, %select_n3A_1431, %scan3A_1361#2 : vector<16xf32>
    %select_n3A_1558 = arith.select %eq3A_1557, %scan3A_1361#10, %scan3A_1361#2 : vector<16xi1>, vector<16xf32>
    %sub3A_1559 = arith.subf %select_n3A_1558, %select_n3A_1431 : vector<16xf32>
    %swap3A_1560 = arith.constant 288 : index
    %swap3A_1561 = tpu.vector_load %arg8[%swap3A_1560] {strides = array<i32>} : memref<512xf32, #tpu.memory_space<vmem>>, vector<16xf32>,
    tpu.vector_store %arg8[%swap3A_1560], %sub3A_1559 {strides = array<i32>} : memref<512xf32, #tpu.memory_space<vmem>>, vector<16xf32>,
    %eq3A_1562 = arith.cmpf oeq, %select_n3A_1454, %scan3A_1361#3 : vector<16xf32>
    %select_n3A_1563 = arith.select %eq3A_1562, %scan3A_1361#11, %scan3A_1361#3 : vector<16xi1>, vector<16xf32>
    %sub3A_1564 = arith.subf %select_n3A_1563, %select_n3A_1454 : vector<16xf32>
    %swap3A_1565 = arith.constant 304 : index
    %swap3A_1566 = tpu.vector_load %arg8[%swap3A_1565] {strides = array<i32>} : memref<512xf32, #tpu.memory_space<vmem>>, vector<16xf32>,
    tpu.vector_store %arg8[%swap3A_1565], %sub3A_1564 {strides = array<i32>} : memref<512xf32, #tpu.memory_space<vmem>>, vector<16xf32>,
    %eq3A_1567 = arith.cmpf oeq, %select_n3A_1477, %scan3A_1361#4 : vector<16xf32>
    %select_n3A_1568 = arith.select %eq3A_1567, %scan3A_1361#12, %scan3A_1361#4 : vector<16xi1>, vector<16xf32>
    %sub3A_1569 = arith.subf %select_n3A_1568, %select_n3A_1477 : vector<16xf32>
    %swap3A_1570 = arith.constant 320 : index
    %swap3A_1571 = tpu.vector_load %arg8[%swap3A_1570] {strides = array<i32>} : memref<512xf32, #tpu.memory_space<vmem>>, vector<16xf32>,
    tpu.vector_store %arg8[%swap3A_1570], %sub3A_1569 {strides = array<i32>} : memref<512xf32, #tpu.memory_space<vmem>>, vector<16xf32>,
    %eq3A_1572 = arith.cmpf oeq, %select_n3A_1500, %scan3A_1361#5 : vector<16xf32>
    %select_n3A_1573 = arith.select %eq3A_1572, %scan3A_1361#13, %scan3A_1361#5 : vector<16xi1>, vector<16xf32>
    %sub3A_1574 = arith.subf %select_n3A_1573, %select_n3A_1500 : vector<16xf32>
    %swap3A_1575 = arith.constant 336 : index
    %swap3A_1576 = tpu.vector_load %arg8[%swap3A_1575] {strides = array<i32>} : memref<512xf32, #tpu.memory_space<vmem>>, vector<16xf32>,
    tpu.vector_store %arg8[%swap3A_1575], %sub3A_1574 {strides = array<i32>} : memref<512xf32, #tpu.memory_space<vmem>>, vector<16xf32>,
    %eq3A_1577 = arith.cmpf oeq, %select_n3A_1523, %scan3A_1361#6 : vector<16xf32>
    %select_n3A_1578 = arith.select %eq3A_1577, %scan3A_1361#14, %scan3A_1361#6 : vector<16xi1>, vector<16xf32>
    %sub3A_1579 = arith.subf %select_n3A_1578, %select_n3A_1523 : vector<16xf32>
    %swap3A_1580 = arith.constant 352 : index
    %swap3A_1581 = tpu.vector_load %arg8[%swap3A_1580] {strides = array<i32>} : memref<512xf32, #tpu.memory_space<vmem>>, vector<16xf32>,
    tpu.vector_store %arg8[%swap3A_1580], %sub3A_1579 {strides = array<i32>} : memref<512xf32, #tpu.memory_space<vmem>>, vector<16xf32>,
    %eq3A_1582 = arith.cmpf oeq, %select_n3A_1546, %scan3A_1361#7 : vector<16xf32>
    %select_n3A_1583 = arith.select %eq3A_1582, %scan3A_1361#15, %scan3A_1361#7 : vector<16xi1>, vector<16xf32>
    %sub3A_1584 = arith.subf %select_n3A_1583, %select_n3A_1546 : vector<16xf32>
    %swap3A_1585 = arith.constant 368 : index
    %swap3A_1586 = tpu.vector_load %arg8[%swap3A_1585] {strides = array<i32>} : memref<512xf32, #tpu.memory_space<vmem>>, vector<16xf32>,
    tpu.vector_store %arg8[%swap3A_1585], %sub3A_1584 {strides = array<i32>} : memref<512xf32, #tpu.memory_space<vmem>>, vector<16xf32>,
    %add3A_1587 = arith.constant 384 : i32
    %add3A_1588 = arith.addi %multiple_of3A, %add3A_1587 : i32
    %multiple_of3A_1589 = tpu.assume_multiple %add3A_1588, 128 : i32
    %dma_start3A_1590 = arith.constant 504 : i32
    %dma_start3A_1591 = tpu.memref_slice %arg2[%dma_start3A_1590, %multiple_of3A_1589] : memref<1000x16384xf32, #tpu.memory_space<hbm>> -> memref<496x128xf32, #tpu.memory_space<hbm>>
    %dma_start3A_1592 = arith.constant 504 : i32
    %dma_start3A_1593 = tpu.memref_slice %arg2[%dma_start3A_1592, %multiple_of3A_1589] : memref<1000x16384xf32, #tpu.memory_space<hbm>> -> memref<496x128xf32, #tpu.memory_space<hbm>>
    tpu.enqueue_dma source(%dma_start3A_1593 : memref<496x128xf32, #tpu.memory_space<hbm>>) target(%arg6 : memref<496x128xf32, #tpu.memory_space<vmem>>) target_semaphore(%arg10 : memref<!tpu.dma_semaphore, #tpu.memory_space<semaphore_mem>>)
    %add3A_1594 = arith.constant 384 : i32
    %add3A_1595 = arith.addi %multiple_of3A, %add3A_1594 : i32
    %multiple_of3A_1596 = tpu.assume_multiple %add3A_1595, 128 : i32
    %dma_wait3A_1597 = arith.constant 0 : i32
    %dma_wait3A_1598 = tpu.memref_slice %arg2[%dma_wait3A_1597, %multiple_of3A_1596] : memref<1000x16384xf32, #tpu.memory_space<hbm>> -> memref<504x128xf32, #tpu.memory_space<hbm>>
    %dma_wait3A_1599 = arith.constant 0 : i32
    %dma_wait3A_1600 = tpu.memref_slice %arg2[%dma_wait3A_1599, %multiple_of3A_1596] : memref<1000x16384xf32, #tpu.memory_space<hbm>> -> memref<504x128xf32, #tpu.memory_space<hbm>>
    tpu.wait_dma2 semaphore(%arg9 : memref<!tpu.dma_semaphore, #tpu.memory_space<semaphore_mem>>) src(%dma_wait3A_1600 : memref<504x128xf32, #tpu.memory_space<hbm>>) dst(%arg5 : memref<504x128xf32, #tpu.memory_space<vmem>>)
    %get3A_1601 = arith.constant 0 : i32
    %get3A_1602 = arith.index_cast %get3A_1601 : i32 to index
    %get3A_1603 = arith.constant 0 : index
    %get3A_1604 = tpu.vector_load %arg5[%get3A_1602, %get3A_1603] {strides = array<i32>} : memref<504x128xf32, #tpu.memory_space<vmem>>, vector<16xf32>,
    %get3A_1605 = arith.constant 0 : i32
    %get3A_1606 = arith.index_cast %get3A_1605 : i32 to index
    %get3A_1607 = arith.constant 16 : index
    %get3A_1608 = tpu.vector_load %arg5[%get3A_1606, %get3A_1607] {strides = array<i32>} : memref<504x128xf32, #tpu.memory_space<vmem>>, vector<16xf32>,
    %get3A_1609 = arith.constant 0 : i32
    %get3A_1610 = arith.index_cast %get3A_1609 : i32 to index
    %get3A_1611 = arith.constant 32 : index
    %get3A_1612 = tpu.vector_load %arg5[%get3A_1610, %get3A_1611] {strides = array<i32>} : memref<504x128xf32, #tpu.memory_space<vmem>>, vector<16xf32>,
    %get3A_1613 = arith.constant 0 : i32
    %get3A_1614 = arith.index_cast %get3A_1613 : i32 to index
    %get3A_1615 = arith.constant 48 : index
    %get3A_1616 = tpu.vector_load %arg5[%get3A_1614, %get3A_1615] {strides = array<i32>} : memref<504x128xf32, #tpu.memory_space<vmem>>, vector<16xf32>,
    %get3A_1617 = arith.constant 0 : i32
    %get3A_1618 = arith.index_cast %get3A_1617 : i32 to index
    %get3A_1619 = arith.constant 64 : index
    %get3A_1620 = tpu.vector_load %arg5[%get3A_1618, %get3A_1619] {strides = array<i32>} : memref<504x128xf32, #tpu.memory_space<vmem>>, vector<16xf32>,
    %get3A_1621 = arith.constant 0 : i32
    %get3A_1622 = arith.index_cast %get3A_1621 : i32 to index
    %get3A_1623 = arith.constant 80 : index
    %get3A_1624 = tpu.vector_load %arg5[%get3A_1622, %get3A_1623] {strides = array<i32>} : memref<504x128xf32, #tpu.memory_space<vmem>>, vector<16xf32>,
    %get3A_1625 = arith.constant 0 : i32
    %get3A_1626 = arith.index_cast %get3A_1625 : i32 to index
    %get3A_1627 = arith.constant 96 : index
    %get3A_1628 = tpu.vector_load %arg5[%get3A_1626, %get3A_1627] {strides = array<i32>} : memref<504x128xf32, #tpu.memory_space<vmem>>, vector<16xf32>,
    %get3A_1629 = arith.constant 0 : i32
    %get3A_1630 = arith.index_cast %get3A_1629 : i32 to index
    %get3A_1631 = arith.constant 112 : index
    %get3A_1632 = tpu.vector_load %arg5[%get3A_1630, %get3A_1631] {strides = array<i32>} : memref<504x128xf32, #tpu.memory_space<vmem>>, vector<16xf32>,
    %scan3A_1633 = arith.constant 1 : i32
    %scan3A_1634 = arith.constant 502 : i32
    %scan3A_1635 = arith.addi %scan3A_1633, %scan3A_1634 : i32
    %scan3A_1636 = arith.constant 2 : i32
    %scan3A_1637:16 = scf.for %scan3A_2110 = %scan3A_1633 to %scan3A_1635 step %scan3A_1636 iter_args(%scan3A_2111 = %get3A_1604, %scan3A_2112 = %get3A_1608, %scan3A_2113 = %get3A_1612, %scan3A_2114 = %get3A_1616, %scan3A_2115 = %get3A_1620, %scan3A_2116 = %get3A_1624, %scan3A_2117 = %get3A_1628, %scan3A_2118 = %get3A_1632, %scan3A_2119 = %broadcast_in_dim3A_3, %scan3A_2120 = %broadcast_in_dim3A_3, %scan3A_2121 = %broadcast_in_dim3A_3, %scan3A_2122 = %broadcast_in_dim3A_3, %scan3A_2123 = %broadcast_in_dim3A_3, %scan3A_2124 = %broadcast_in_dim3A_3, %scan3A_2125 = %broadcast_in_dim3A_3, %scan3A_2126 = %broadcast_in_dim3A_3) -> (vector<16xf32>, vector<16xf32>, vector<16xf32>, vector<16xf32>, vector<16xf32>, vector<16xf32>, vector<16xf32>, vector<16xf32>, vector<16xf32>, vector<16xf32>, vector<16xf32>, vector<16xf32>, vector<16xf32>, vector<16xf32>, vector<16xf32>, vector<16xf32>)  : i32 {
      %get3A_2127 = arith.index_cast %scan3A_2110 : i32 to index
      %get3A_2128 = arith.constant 0 : index
      %get3A_2129 = tpu.vector_load %arg5[%get3A_2127, %get3A_2128] {strides = array<i32>} : memref<504x128xf32, #tpu.memory_space<vmem>>, vector<16xf32>,
      %min3A_2130 = arith.minimumf %scan3A_2111, %get3A_2129 : vector<16xf32>
      %max3A_2131 = arith.maximumf %scan3A_2119, %min3A_2130 : vector<16xf32>
      %max3A_2132 = arith.maximumf %scan3A_2111, %get3A_2129 : vector<16xf32>
      %get3A_2133 = arith.index_cast %scan3A_2110 : i32 to index
      %get3A_2134 = arith.constant 16 : index
      %get3A_2135 = tpu.vector_load %arg5[%get3A_2133, %get3A_2134] {strides = array<i32>} : memref<504x128xf32, #tpu.memory_space<vmem>>, vector<16xf32>,
      %min3A_2136 = arith.minimumf %scan3A_2112, %get3A_2135 : vector<16xf32>
      %max3A_2137 = arith.maximumf %scan3A_2120, %min3A_2136 : vector<16xf32>
      %max3A_2138 = arith.maximumf %scan3A_2112, %get3A_2135 : vector<16xf32>
      %get3A_2139 = arith.index_cast %scan3A_2110 : i32 to index
      %get3A_2140 = arith.constant 32 : index
      %get3A_2141 = tpu.vector_load %arg5[%get3A_2139, %get3A_2140] {strides = array<i32>} : memref<504x128xf32, #tpu.memory_space<vmem>>, vector<16xf32>,
      %min3A_2142 = arith.minimumf %scan3A_2113, %get3A_2141 : vector<16xf32>
      %max3A_2143 = arith.maximumf %scan3A_2121, %min3A_2142 : vector<16xf32>
      %max3A_2144 = arith.maximumf %scan3A_2113, %get3A_2141 : vector<16xf32>
      %get3A_2145 = arith.index_cast %scan3A_2110 : i32 to index
      %get3A_2146 = arith.constant 48 : index
      %get3A_2147 = tpu.vector_load %arg5[%get3A_2145, %get3A_2146] {strides = array<i32>} : memref<504x128xf32, #tpu.memory_space<vmem>>, vector<16xf32>,
      %min3A_2148 = arith.minimumf %scan3A_2114, %get3A_2147 : vector<16xf32>
      %max3A_2149 = arith.maximumf %scan3A_2122, %min3A_2148 : vector<16xf32>
      %max3A_2150 = arith.maximumf %scan3A_2114, %get3A_2147 : vector<16xf32>
      %get3A_2151 = arith.index_cast %scan3A_2110 : i32 to index
      %get3A_2152 = arith.constant 64 : index
      %get3A_2153 = tpu.vector_load %arg5[%get3A_2151, %get3A_2152] {strides = array<i32>} : memref<504x128xf32, #tpu.memory_space<vmem>>, vector<16xf32>,
      %min3A_2154 = arith.minimumf %scan3A_2115, %get3A_2153 : vector<16xf32>
      %max3A_2155 = arith.maximumf %scan3A_2123, %min3A_2154 : vector<16xf32>
      %max3A_2156 = arith.maximumf %scan3A_2115, %get3A_2153 : vector<16xf32>
      %get3A_2157 = arith.index_cast %scan3A_2110 : i32 to index
      %get3A_2158 = arith.constant 80 : index
      %get3A_2159 = tpu.vector_load %arg5[%get3A_2157, %get3A_2158] {strides = array<i32>} : memref<504x128xf32, #tpu.memory_space<vmem>>, vector<16xf32>,
      %min3A_2160 = arith.minimumf %scan3A_2116, %get3A_2159 : vector<16xf32>
      %max3A_2161 = arith.maximumf %scan3A_2124, %min3A_2160 : vector<16xf32>
      %max3A_2162 = arith.maximumf %scan3A_2116, %get3A_2159 : vector<16xf32>
      %get3A_2163 = arith.index_cast %scan3A_2110 : i32 to index
      %get3A_2164 = arith.constant 96 : index
      %get3A_2165 = tpu.vector_load %arg5[%get3A_2163, %get3A_2164] {strides = array<i32>} : memref<504x128xf32, #tpu.memory_space<vmem>>, vector<16xf32>,
      %min3A_2166 = arith.minimumf %scan3A_2117, %get3A_2165 : vector<16xf32>
      %max3A_2167 = arith.maximumf %scan3A_2125, %min3A_2166 : vector<16xf32>
      %max3A_2168 = arith.maximumf %scan3A_2117, %get3A_2165 : vector<16xf32>
      %get3A_2169 = arith.index_cast %scan3A_2110 : i32 to index
      %get3A_2170 = arith.constant 112 : index
      %get3A_2171 = tpu.vector_load %arg5[%get3A_2169, %get3A_2170] {strides = array<i32>} : memref<504x128xf32, #tpu.memory_space<vmem>>, vector<16xf32>,
      %min3A_2172 = arith.minimumf %scan3A_2118, %get3A_2171 : vector<16xf32>
      %max3A_2173 = arith.maximumf %scan3A_2126, %min3A_2172 : vector<16xf32>
      %max3A_2174 = arith.maximumf %scan3A_2118, %get3A_2171 : vector<16xf32>
      %scan3A_2175 = arith.constant 1 : i32
      %scan3A_2176 = arith.addi %scan3A_2110, %scan3A_2175 : i32
      %get3A_2177 = arith.index_cast %scan3A_2176 : i32 to index
      %get3A_2178 = arith.constant 0 : index
      %get3A_2179 = tpu.vector_load %arg5[%get3A_2177, %get3A_2178] {strides = array<i32>} : memref<504x128xf32, #tpu.memory_space<vmem>>, vector<16xf32>,
      %min3A_2180 = arith.minimumf %max3A_2132, %get3A_2179 : vector<16xf32>
      %max3A_2181 = arith.maximumf %max3A_2131, %min3A_2180 : vector<16xf32>
      %max3A_2182 = arith.maximumf %max3A_2132, %get3A_2179 : vector<16xf32>
      %get3A_2183 = arith.index_cast %scan3A_2176 : i32 to index
      %get3A_2184 = arith.constant 16 : index
      %get3A_2185 = tpu.vector_load %arg5[%get3A_2183, %get3A_2184] {strides = array<i32>} : memref<504x128xf32, #tpu.memory_space<vmem>>, vector<16xf32>,
      %min3A_2186 = arith.minimumf %max3A_2138, %get3A_2185 : vector<16xf32>
      %max3A_2187 = arith.maximumf %max3A_2137, %min3A_2186 : vector<16xf32>
      %max3A_2188 = arith.maximumf %max3A_2138, %get3A_2185 : vector<16xf32>
      %get3A_2189 = arith.index_cast %scan3A_2176 : i32 to index
      %get3A_2190 = arith.constant 32 : index
      %get3A_2191 = tpu.vector_load %arg5[%get3A_2189, %get3A_2190] {strides = array<i32>} : memref<504x128xf32, #tpu.memory_space<vmem>>, vector<16xf32>,
      %min3A_2192 = arith.minimumf %max3A_2144, %get3A_2191 : vector<16xf32>
      %max3A_2193 = arith.maximumf %max3A_2143, %min3A_2192 : vector<16xf32>
      %max3A_2194 = arith.maximumf %max3A_2144, %get3A_2191 : vector<16xf32>
      %get3A_2195 = arith.index_cast %scan3A_2176 : i32 to index
      %get3A_2196 = arith.constant 48 : index
      %get3A_2197 = tpu.vector_load %arg5[%get3A_2195, %get3A_2196] {strides = array<i32>} : memref<504x128xf32, #tpu.memory_space<vmem>>, vector<16xf32>,
      %min3A_2198 = arith.minimumf %max3A_2150, %get3A_2197 : vector<16xf32>
      %max3A_2199 = arith.maximumf %max3A_2149, %min3A_2198 : vector<16xf32>
      %max3A_2200 = arith.maximumf %max3A_2150, %get3A_2197 : vector<16xf32>
      %get3A_2201 = arith.index_cast %scan3A_2176 : i32 to index
      %get3A_2202 = arith.constant 64 : index
      %get3A_2203 = tpu.vector_load %arg5[%get3A_2201, %get3A_2202] {strides = array<i32>} : memref<504x128xf32, #tpu.memory_space<vmem>>, vector<16xf32>,
      %min3A_2204 = arith.minimumf %max3A_2156, %get3A_2203 : vector<16xf32>
      %max3A_2205 = arith.maximumf %max3A_2155, %min3A_2204 : vector<16xf32>
      %max3A_2206 = arith.maximumf %max3A_2156, %get3A_2203 : vector<16xf32>
      %get3A_2207 = arith.index_cast %scan3A_2176 : i32 to index
      %get3A_2208 = arith.constant 80 : index
      %get3A_2209 = tpu.vector_load %arg5[%get3A_2207, %get3A_2208] {strides = array<i32>} : memref<504x128xf32, #tpu.memory_space<vmem>>, vector<16xf32>,
      %min3A_2210 = arith.minimumf %max3A_2162, %get3A_2209 : vector<16xf32>
      %max3A_2211 = arith.maximumf %max3A_2161, %min3A_2210 : vector<16xf32>
      %max3A_2212 = arith.maximumf %max3A_2162, %get3A_2209 : vector<16xf32>
      %get3A_2213 = arith.index_cast %scan3A_2176 : i32 to index
      %get3A_2214 = arith.constant 96 : index
      %get3A_2215 = tpu.vector_load %arg5[%get3A_2213, %get3A_2214] {strides = array<i32>} : memref<504x128xf32, #tpu.memory_space<vmem>>, vector<16xf32>,
      %min3A_2216 = arith.minimumf %max3A_2168, %get3A_2215 : vector<16xf32>
      %max3A_2217 = arith.maximumf %max3A_2167, %min3A_2216 : vector<16xf32>
      %max3A_2218 = arith.maximumf %max3A_2168, %get3A_2215 : vector<16xf32>
      %get3A_2219 = arith.index_cast %scan3A_2176 : i32 to index
      %get3A_2220 = arith.constant 112 : index
      %get3A_2221 = tpu.vector_load %arg5[%get3A_2219, %get3A_2220] {strides = array<i32>} : memref<504x128xf32, #tpu.memory_space<vmem>>, vector<16xf32>,
      %min3A_2222 = arith.minimumf %max3A_2174, %get3A_2221 : vector<16xf32>
      %max3A_2223 = arith.maximumf %max3A_2173, %min3A_2222 : vector<16xf32>
      %max3A_2224 = arith.maximumf %max3A_2174, %get3A_2221 : vector<16xf32>
      scf.yield %max3A_2182, %max3A_2188, %max3A_2194, %max3A_2200, %max3A_2206, %max3A_2212, %max3A_2218, %max3A_2224, %max3A_2181, %max3A_2187, %max3A_2193, %max3A_2199, %max3A_2205, %max3A_2211, %max3A_2217, %max3A_2223 : vector<16xf32>, vector<16xf32>, vector<16xf32>, vector<16xf32>, vector<16xf32>, vector<16xf32>, vector<16xf32>, vector<16xf32>, vector<16xf32>, vector<16xf32>, vector<16xf32>, vector<16xf32>, vector<16xf32>, vector<16xf32>, vector<16xf32>, vector<16xf32>
    }
    %scan3A_1638 = arith.constant 502 : i32
    %scan3A_1639 = arith.addi %scan3A_1633, %scan3A_1638 : i32
    %get3A_1640 = arith.index_cast %scan3A_1639 : i32 to index
    %get3A_1641 = arith.constant 0 : index
    %get3A_1642 = tpu.vector_load %arg5[%get3A_1640, %get3A_1641] {strides = array<i32>} : memref<504x128xf32, #tpu.memory_space<vmem>>, vector<16xf32>,
    %min3A_1643 = arith.minimumf %scan3A_1637#0, %get3A_1642 : vector<16xf32>
    %max3A_1644 = arith.maximumf %scan3A_1637#8, %min3A_1643 : vector<16xf32>
    %max3A_1645 = arith.maximumf %scan3A_1637#0, %get3A_1642 : vector<16xf32>
    %get3A_1646 = arith.index_cast %scan3A_1639 : i32 to index
    %get3A_1647 = arith.constant 16 : index
    %get3A_1648 = tpu.vector_load %arg5[%get3A_1646, %get3A_1647] {strides = array<i32>} : memref<504x128xf32, #tpu.memory_space<vmem>>, vector<16xf32>,
    %min3A_1649 = arith.minimumf %scan3A_1637#1, %get3A_1648 : vector<16xf32>
    %max3A_1650 = arith.maximumf %scan3A_1637#9, %min3A_1649 : vector<16xf32>
    %max3A_1651 = arith.maximumf %scan3A_1637#1, %get3A_1648 : vector<16xf32>
    %get3A_1652 = arith.index_cast %scan3A_1639 : i32 to index
    %get3A_1653 = arith.constant 32 : index
    %get3A_1654 = tpu.vector_load %arg5[%get3A_1652, %get3A_1653] {strides = array<i32>} : memref<504x128xf32, #tpu.memory_space<vmem>>, vector<16xf32>,
    %min3A_1655 = arith.minimumf %scan3A_1637#2, %get3A_1654 : vector<16xf32>
    %max3A_1656 = arith.maximumf %scan3A_1637#10, %min3A_1655 : vector<16xf32>
    %max3A_1657 = arith.maximumf %scan3A_1637#2, %get3A_1654 : vector<16xf32>
    %get3A_1658 = arith.index_cast %scan3A_1639 : i32 to index
    %get3A_1659 = arith.constant 48 : index
    %get3A_1660 = tpu.vector_load %arg5[%get3A_1658, %get3A_1659] {strides = array<i32>} : memref<504x128xf32, #tpu.memory_space<vmem>>, vector<16xf32>,
    %min3A_1661 = arith.minimumf %scan3A_1637#3, %get3A_1660 : vector<16xf32>
    %max3A_1662 = arith.maximumf %scan3A_1637#11, %min3A_1661 : vector<16xf32>
    %max3A_1663 = arith.maximumf %scan3A_1637#3, %get3A_1660 : vector<16xf32>
    %get3A_1664 = arith.index_cast %scan3A_1639 : i32 to index
    %get3A_1665 = arith.constant 64 : index
    %get3A_1666 = tpu.vector_load %arg5[%get3A_1664, %get3A_1665] {strides = array<i32>} : memref<504x128xf32, #tpu.memory_space<vmem>>, vector<16xf32>,
    %min3A_1667 = arith.minimumf %scan3A_1637#4, %get3A_1666 : vector<16xf32>
    %max3A_1668 = arith.maximumf %scan3A_1637#12, %min3A_1667 : vector<16xf32>
    %max3A_1669 = arith.maximumf %scan3A_1637#4, %get3A_1666 : vector<16xf32>
    %get3A_1670 = arith.index_cast %scan3A_1639 : i32 to index
    %get3A_1671 = arith.constant 80 : index
    %get3A_1672 = tpu.vector_load %arg5[%get3A_1670, %get3A_1671] {strides = array<i32>} : memref<504x128xf32, #tpu.memory_space<vmem>>, vector<16xf32>,
    %min3A_1673 = arith.minimumf %scan3A_1637#5, %get3A_1672 : vector<16xf32>
    %max3A_1674 = arith.maximumf %scan3A_1637#13, %min3A_1673 : vector<16xf32>
    %max3A_1675 = arith.maximumf %scan3A_1637#5, %get3A_1672 : vector<16xf32>
    %get3A_1676 = arith.index_cast %scan3A_1639 : i32 to index
    %get3A_1677 = arith.constant 96 : index
    %get3A_1678 = tpu.vector_load %arg5[%get3A_1676, %get3A_1677] {strides = array<i32>} : memref<504x128xf32, #tpu.memory_space<vmem>>, vector<16xf32>,
    %min3A_1679 = arith.minimumf %scan3A_1637#6, %get3A_1678 : vector<16xf32>
    %max3A_1680 = arith.maximumf %scan3A_1637#14, %min3A_1679 : vector<16xf32>
    %max3A_1681 = arith.maximumf %scan3A_1637#6, %get3A_1678 : vector<16xf32>
    %get3A_1682 = arith.index_cast %scan3A_1639 : i32 to index
    %get3A_1683 = arith.constant 112 : index
    %get3A_1684 = tpu.vector_load %arg5[%get3A_1682, %get3A_1683] {strides = array<i32>} : memref<504x128xf32, #tpu.memory_space<vmem>>, vector<16xf32>,
    %min3A_1685 = arith.minimumf %scan3A_1637#7, %get3A_1684 : vector<16xf32>
    %max3A_1686 = arith.maximumf %scan3A_1637#15, %min3A_1685 : vector<16xf32>
    %max3A_1687 = arith.maximumf %scan3A_1637#7, %get3A_1684 : vector<16xf32>
    %scan3A_1688 = arith.constant 503 : i32
    %get3A_1689 = arith.constant 384 : index
    %get3A_1690 = tpu.vector_load %arg7[%get3A_1689] {strides = array<i32>} : memref<512xi32, #tpu.memory_space<vmem>>, vector<16xi32>,
    %sub3A_1691 = arith.constant 0 : i32
    %sub3A_1692 = vector.broadcast %sub3A_1691 : i32 to vector<16xi32>
    %sub3A_1693 = arith.subi %get3A_1690, %sub3A_1692 : vector<16xi32>
    %max3A_1694 = arith.constant 0 : i32
    %max3A_1695 = vector.broadcast %max3A_1694 : i32 to vector<16xi32>
    %max3A_1696 = arith.maxsi %sub3A_1693, %max3A_1695 : vector<16xi32>
    %min3A_1697 = arith.constant 503 : i32
    %min3A_1698 = vector.broadcast %min3A_1697 : i32 to vector<16xi32>
    %min3A_1699 = arith.minsi %max3A_1696, %min3A_1698 : vector<16xi32>
    %add3A_1700 = arith.constant 0 : i32
    %add3A_1701 = vector.broadcast %add3A_1700 : i32 to vector<16xi32>
    %add3A_1702 = arith.addi %iota3A, %add3A_1701 : vector<16xi32>
    %gather3A_1703 = tpu.vector_load_idx %arg5[%min3A_1699, %add3A_1702] : memref<504x128xf32, #tpu.memory_space<vmem>>[vector<16xi32>, vector<16xi32>], vector<16xf32>,
    %ge3A_1704 = arith.constant 0 : i32
    %ge3A_1705 = vector.broadcast %ge3A_1704 : i32 to vector<16xi32>
    %ge3A_1706 = arith.cmpi sge, %sub3A_1693, %ge3A_1705 : vector<16xi32>
    %lt3A_1707 = arith.constant 504 : i32
    %lt3A_1708 = vector.broadcast %lt3A_1707 : i32 to vector<16xi32>
    %lt3A_1709 = arith.cmpi slt, %sub3A_1693, %lt3A_1708 : vector<16xi32>
    %and3A_1710 = arith.andi %ge3A_1706, %lt3A_1709 : vector<16xi1>
    %select_n3A_1711 = arith.select %and3A_1710, %gather3A_1703, %broadcast_in_dim3A_3 : vector<16xi1>, vector<16xf32>
    %get3A_1712 = arith.constant 400 : index
    %get3A_1713 = tpu.vector_load %arg7[%get3A_1712] {strides = array<i32>} : memref<512xi32, #tpu.memory_space<vmem>>, vector<16xi32>,
    %sub3A_1714 = arith.constant 0 : i32
    %sub3A_1715 = vector.broadcast %sub3A_1714 : i32 to vector<16xi32>
    %sub3A_1716 = arith.subi %get3A_1713, %sub3A_1715 : vector<16xi32>
    %max3A_1717 = arith.constant 0 : i32
    %max3A_1718 = vector.broadcast %max3A_1717 : i32 to vector<16xi32>
    %max3A_1719 = arith.maxsi %sub3A_1716, %max3A_1718 : vector<16xi32>
    %min3A_1720 = arith.constant 503 : i32
    %min3A_1721 = vector.broadcast %min3A_1720 : i32 to vector<16xi32>
    %min3A_1722 = arith.minsi %max3A_1719, %min3A_1721 : vector<16xi32>
    %add3A_1723 = arith.constant 16 : i32
    %add3A_1724 = vector.broadcast %add3A_1723 : i32 to vector<16xi32>
    %add3A_1725 = arith.addi %iota3A, %add3A_1724 : vector<16xi32>
    %gather3A_1726 = tpu.vector_load_idx %arg5[%min3A_1722, %add3A_1725] : memref<504x128xf32, #tpu.memory_space<vmem>>[vector<16xi32>, vector<16xi32>], vector<16xf32>,
    %ge3A_1727 = arith.constant 0 : i32
    %ge3A_1728 = vector.broadcast %ge3A_1727 : i32 to vector<16xi32>
    %ge3A_1729 = arith.cmpi sge, %sub3A_1716, %ge3A_1728 : vector<16xi32>
    %lt3A_1730 = arith.constant 504 : i32
    %lt3A_1731 = vector.broadcast %lt3A_1730 : i32 to vector<16xi32>
    %lt3A_1732 = arith.cmpi slt, %sub3A_1716, %lt3A_1731 : vector<16xi32>
    %and3A_1733 = arith.andi %ge3A_1729, %lt3A_1732 : vector<16xi1>
    %select_n3A_1734 = arith.select %and3A_1733, %gather3A_1726, %broadcast_in_dim3A_3 : vector<16xi1>, vector<16xf32>
    %get3A_1735 = arith.constant 416 : index
    %get3A_1736 = tpu.vector_load %arg7[%get3A_1735] {strides = array<i32>} : memref<512xi32, #tpu.memory_space<vmem>>, vector<16xi32>,
    %sub3A_1737 = arith.constant 0 : i32
    %sub3A_1738 = vector.broadcast %sub3A_1737 : i32 to vector<16xi32>
    %sub3A_1739 = arith.subi %get3A_1736, %sub3A_1738 : vector<16xi32>
    %max3A_1740 = arith.constant 0 : i32
    %max3A_1741 = vector.broadcast %max3A_1740 : i32 to vector<16xi32>
    %max3A_1742 = arith.maxsi %sub3A_1739, %max3A_1741 : vector<16xi32>
    %min3A_1743 = arith.constant 503 : i32
    %min3A_1744 = vector.broadcast %min3A_1743 : i32 to vector<16xi32>
    %min3A_1745 = arith.minsi %max3A_1742, %min3A_1744 : vector<16xi32>
    %add3A_1746 = arith.constant 32 : i32
    %add3A_1747 = vector.broadcast %add3A_1746 : i32 to vector<16xi32>
    %add3A_1748 = arith.addi %iota3A, %add3A_1747 : vector<16xi32>
    %gather3A_1749 = tpu.vector_load_idx %arg5[%min3A_1745, %add3A_1748] : memref<504x128xf32, #tpu.memory_space<vmem>>[vector<16xi32>, vector<16xi32>], vector<16xf32>,
    %ge3A_1750 = arith.constant 0 : i32
    %ge3A_1751 = vector.broadcast %ge3A_1750 : i32 to vector<16xi32>
    %ge3A_1752 = arith.cmpi sge, %sub3A_1739, %ge3A_1751 : vector<16xi32>
    %lt3A_1753 = arith.constant 504 : i32
    %lt3A_1754 = vector.broadcast %lt3A_1753 : i32 to vector<16xi32>
    %lt3A_1755 = arith.cmpi slt, %sub3A_1739, %lt3A_1754 : vector<16xi32>
    %and3A_1756 = arith.andi %ge3A_1752, %lt3A_1755 : vector<16xi1>
    %select_n3A_1757 = arith.select %and3A_1756, %gather3A_1749, %broadcast_in_dim3A_3 : vector<16xi1>, vector<16xf32>
    %get3A_1758 = arith.constant 432 : index
    %get3A_1759 = tpu.vector_load %arg7[%get3A_1758] {strides = array<i32>} : memref<512xi32, #tpu.memory_space<vmem>>, vector<16xi32>,
    %sub3A_1760 = arith.constant 0 : i32
    %sub3A_1761 = vector.broadcast %sub3A_1760 : i32 to vector<16xi32>
    %sub3A_1762 = arith.subi %get3A_1759, %sub3A_1761 : vector<16xi32>
    %max3A_1763 = arith.constant 0 : i32
    %max3A_1764 = vector.broadcast %max3A_1763 : i32 to vector<16xi32>
    %max3A_1765 = arith.maxsi %sub3A_1762, %max3A_1764 : vector<16xi32>
    %min3A_1766 = arith.constant 503 : i32
    %min3A_1767 = vector.broadcast %min3A_1766 : i32 to vector<16xi32>
    %min3A_1768 = arith.minsi %max3A_1765, %min3A_1767 : vector<16xi32>
    %add3A_1769 = arith.constant 48 : i32
    %add3A_1770 = vector.broadcast %add3A_1769 : i32 to vector<16xi32>
    %add3A_1771 = arith.addi %iota3A, %add3A_1770 : vector<16xi32>
    %gather3A_1772 = tpu.vector_load_idx %arg5[%min3A_1768, %add3A_1771] : memref<504x128xf32, #tpu.memory_space<vmem>>[vector<16xi32>, vector<16xi32>], vector<16xf32>,
    %ge3A_1773 = arith.constant 0 : i32
    %ge3A_1774 = vector.broadcast %ge3A_1773 : i32 to vector<16xi32>
    %ge3A_1775 = arith.cmpi sge, %sub3A_1762, %ge3A_1774 : vector<16xi32>
    %lt3A_1776 = arith.constant 504 : i32
    %lt3A_1777 = vector.broadcast %lt3A_1776 : i32 to vector<16xi32>
    %lt3A_1778 = arith.cmpi slt, %sub3A_1762, %lt3A_1777 : vector<16xi32>
    %and3A_1779 = arith.andi %ge3A_1775, %lt3A_1778 : vector<16xi1>
    %select_n3A_1780 = arith.select %and3A_1779, %gather3A_1772, %broadcast_in_dim3A_3 : vector<16xi1>, vector<16xf32>
    %get3A_1781 = arith.constant 448 : index
    %get3A_1782 = tpu.vector_load %arg7[%get3A_1781] {strides = array<i32>} : memref<512xi32, #tpu.memory_space<vmem>>, vector<16xi32>,
    %sub3A_1783 = arith.constant 0 : i32
    %sub3A_1784 = vector.broadcast %sub3A_1783 : i32 to vector<16xi32>
    %sub3A_1785 = arith.subi %get3A_1782, %sub3A_1784 : vector<16xi32>
    %max3A_1786 = arith.constant 0 : i32
    %max3A_1787 = vector.broadcast %max3A_1786 : i32 to vector<16xi32>
    %max3A_1788 = arith.maxsi %sub3A_1785, %max3A_1787 : vector<16xi32>
    %min3A_1789 = arith.constant 503 : i32
    %min3A_1790 = vector.broadcast %min3A_1789 : i32 to vector<16xi32>
    %min3A_1791 = arith.minsi %max3A_1788, %min3A_1790 : vector<16xi32>
    %add3A_1792 = arith.constant 64 : i32
    %add3A_1793 = vector.broadcast %add3A_1792 : i32 to vector<16xi32>
    %add3A_1794 = arith.addi %iota3A, %add3A_1793 : vector<16xi32>
    %gather3A_1795 = tpu.vector_load_idx %arg5[%min3A_1791, %add3A_1794] : memref<504x128xf32, #tpu.memory_space<vmem>>[vector<16xi32>, vector<16xi32>], vector<16xf32>,
    %ge3A_1796 = arith.constant 0 : i32
    %ge3A_1797 = vector.broadcast %ge3A_1796 : i32 to vector<16xi32>
    %ge3A_1798 = arith.cmpi sge, %sub3A_1785, %ge3A_1797 : vector<16xi32>
    %lt3A_1799 = arith.constant 504 : i32
    %lt3A_1800 = vector.broadcast %lt3A_1799 : i32 to vector<16xi32>
    %lt3A_1801 = arith.cmpi slt, %sub3A_1785, %lt3A_1800 : vector<16xi32>
    %and3A_1802 = arith.andi %ge3A_1798, %lt3A_1801 : vector<16xi1>
    %select_n3A_1803 = arith.select %and3A_1802, %gather3A_1795, %broadcast_in_dim3A_3 : vector<16xi1>, vector<16xf32>
    %get3A_1804 = arith.constant 464 : index
    %get3A_1805 = tpu.vector_load %arg7[%get3A_1804] {strides = array<i32>} : memref<512xi32, #tpu.memory_space<vmem>>, vector<16xi32>,
    %sub3A_1806 = arith.constant 0 : i32
    %sub3A_1807 = vector.broadcast %sub3A_1806 : i32 to vector<16xi32>
    %sub3A_1808 = arith.subi %get3A_1805, %sub3A_1807 : vector<16xi32>
    %max3A_1809 = arith.constant 0 : i32
    %max3A_1810 = vector.broadcast %max3A_1809 : i32 to vector<16xi32>
    %max3A_1811 = arith.maxsi %sub3A_1808, %max3A_1810 : vector<16xi32>
    %min3A_1812 = arith.constant 503 : i32
    %min3A_1813 = vector.broadcast %min3A_1812 : i32 to vector<16xi32>
    %min3A_1814 = arith.minsi %max3A_1811, %min3A_1813 : vector<16xi32>
    %add3A_1815 = arith.constant 80 : i32
    %add3A_1816 = vector.broadcast %add3A_1815 : i32 to vector<16xi32>
    %add3A_1817 = arith.addi %iota3A, %add3A_1816 : vector<16xi32>
    %gather3A_1818 = tpu.vector_load_idx %arg5[%min3A_1814, %add3A_1817] : memref<504x128xf32, #tpu.memory_space<vmem>>[vector<16xi32>, vector<16xi32>], vector<16xf32>,
    %ge3A_1819 = arith.constant 0 : i32
    %ge3A_1820 = vector.broadcast %ge3A_1819 : i32 to vector<16xi32>
    %ge3A_1821 = arith.cmpi sge, %sub3A_1808, %ge3A_1820 : vector<16xi32>
    %lt3A_1822 = arith.constant 504 : i32
    %lt3A_1823 = vector.broadcast %lt3A_1822 : i32 to vector<16xi32>
    %lt3A_1824 = arith.cmpi slt, %sub3A_1808, %lt3A_1823 : vector<16xi32>
    %and3A_1825 = arith.andi %ge3A_1821, %lt3A_1824 : vector<16xi1>
    %select_n3A_1826 = arith.select %and3A_1825, %gather3A_1818, %broadcast_in_dim3A_3 : vector<16xi1>, vector<16xf32>
    %get3A_1827 = arith.constant 480 : index
    %get3A_1828 = tpu.vector_load %arg7[%get3A_1827] {strides = array<i32>} : memref<512xi32, #tpu.memory_space<vmem>>, vector<16xi32>,
    %sub3A_1829 = arith.constant 0 : i32
    %sub3A_1830 = vector.broadcast %sub3A_1829 : i32 to vector<16xi32>
    %sub3A_1831 = arith.subi %get3A_1828, %sub3A_1830 : vector<16xi32>
    %max3A_1832 = arith.constant 0 : i32
    %max3A_1833 = vector.broadcast %max3A_1832 : i32 to vector<16xi32>
    %max3A_1834 = arith.maxsi %sub3A_1831, %max3A_1833 : vector<16xi32>
    %min3A_1835 = arith.constant 503 : i32
    %min3A_1836 = vector.broadcast %min3A_1835 : i32 to vector<16xi32>
    %min3A_1837 = arith.minsi %max3A_1834, %min3A_1836 : vector<16xi32>
    %add3A_1838 = arith.constant 96 : i32
    %add3A_1839 = vector.broadcast %add3A_1838 : i32 to vector<16xi32>
    %add3A_1840 = arith.addi %iota3A, %add3A_1839 : vector<16xi32>
    %gather3A_1841 = tpu.vector_load_idx %arg5[%min3A_1837, %add3A_1840] : memref<504x128xf32, #tpu.memory_space<vmem>>[vector<16xi32>, vector<16xi32>], vector<16xf32>,
    %ge3A_1842 = arith.constant 0 : i32
    %ge3A_1843 = vector.broadcast %ge3A_1842 : i32 to vector<16xi32>
    %ge3A_1844 = arith.cmpi sge, %sub3A_1831, %ge3A_1843 : vector<16xi32>
    %lt3A_1845 = arith.constant 504 : i32
    %lt3A_1846 = vector.broadcast %lt3A_1845 : i32 to vector<16xi32>
    %lt3A_1847 = arith.cmpi slt, %sub3A_1831, %lt3A_1846 : vector<16xi32>
    %and3A_1848 = arith.andi %ge3A_1844, %lt3A_1847 : vector<16xi1>
    %select_n3A_1849 = arith.select %and3A_1848, %gather3A_1841, %broadcast_in_dim3A_3 : vector<16xi1>, vector<16xf32>
    %get3A_1850 = arith.constant 496 : index
    %get3A_1851 = tpu.vector_load %arg7[%get3A_1850] {strides = array<i32>} : memref<512xi32, #tpu.memory_space<vmem>>, vector<16xi32>,
    %sub3A_1852 = arith.constant 0 : i32
    %sub3A_1853 = vector.broadcast %sub3A_1852 : i32 to vector<16xi32>
    %sub3A_1854 = arith.subi %get3A_1851, %sub3A_1853 : vector<16xi32>
    %max3A_1855 = arith.constant 0 : i32
    %max3A_1856 = vector.broadcast %max3A_1855 : i32 to vector<16xi32>
    %max3A_1857 = arith.maxsi %sub3A_1854, %max3A_1856 : vector<16xi32>
    %min3A_1858 = arith.constant 503 : i32
    %min3A_1859 = vector.broadcast %min3A_1858 : i32 to vector<16xi32>
    %min3A_1860 = arith.minsi %max3A_1857, %min3A_1859 : vector<16xi32>
    %add3A_1861 = arith.constant 112 : i32
    %add3A_1862 = vector.broadcast %add3A_1861 : i32 to vector<16xi32>
    %add3A_1863 = arith.addi %iota3A, %add3A_1862 : vector<16xi32>
    %gather3A_1864 = tpu.vector_load_idx %arg5[%min3A_1860, %add3A_1863] : memref<504x128xf32, #tpu.memory_space<vmem>>[vector<16xi32>, vector<16xi32>], vector<16xf32>,
    %ge3A_1865 = arith.constant 0 : i32
    %ge3A_1866 = vector.broadcast %ge3A_1865 : i32 to vector<16xi32>
    %ge3A_1867 = arith.cmpi sge, %sub3A_1854, %ge3A_1866 : vector<16xi32>
    %lt3A_1868 = arith.constant 504 : i32
    %lt3A_1869 = vector.broadcast %lt3A_1868 : i32 to vector<16xi32>
    %lt3A_1870 = arith.cmpi slt, %sub3A_1854, %lt3A_1869 : vector<16xi32>
    %and3A_1871 = arith.andi %ge3A_1867, %lt3A_1870 : vector<16xi1>
    %select_n3A_1872 = arith.select %and3A_1871, %gather3A_1864, %broadcast_in_dim3A_3 : vector<16xi1>, vector<16xf32>
    %add3A_1873 = arith.constant 384 : i32
    %add3A_1874 = arith.addi %multiple_of3A, %add3A_1873 : i32
    %multiple_of3A_1875 = tpu.assume_multiple %add3A_1874, 128 : i32
    %dma_wait3A_1876 = arith.constant 504 : i32
    %dma_wait3A_1877 = tpu.memref_slice %arg2[%dma_wait3A_1876, %multiple_of3A_1875] : memref<1000x16384xf32, #tpu.memory_space<hbm>> -> memref<496x128xf32, #tpu.memory_space<hbm>>
    %dma_wait3A_1878 = arith.constant 504 : i32
    %dma_wait3A_1879 = tpu.memref_slice %arg2[%dma_wait3A_1878, %multiple_of3A_1875] : memref<1000x16384xf32, #tpu.memory_space<hbm>> -> memref<496x128xf32, #tpu.memory_space<hbm>>
    tpu.wait_dma2 semaphore(%arg10 : memref<!tpu.dma_semaphore, #tpu.memory_space<semaphore_mem>>) src(%dma_wait3A_1879 : memref<496x128xf32, #tpu.memory_space<hbm>>) dst(%arg6 : memref<496x128xf32, #tpu.memory_space<vmem>>)
    %scan3A_1880 = arith.constant 0 : i32
    %scan3A_1881 = arith.constant 496 : i32
    %scan3A_1882 = arith.addi %scan3A_1880, %scan3A_1881 : i32
    %scan3A_1883 = arith.constant 2 : i32
    %scan3A_1884:16 = scf.for %scan3A_2110 = %scan3A_1880 to %scan3A_1882 step %scan3A_1883 iter_args(%scan3A_2111 = %max3A_1645, %scan3A_2112 = %max3A_1651, %scan3A_2113 = %max3A_1657, %scan3A_2114 = %max3A_1663, %scan3A_2115 = %max3A_1669, %scan3A_2116 = %max3A_1675, %scan3A_2117 = %max3A_1681, %scan3A_2118 = %max3A_1687, %scan3A_2119 = %max3A_1644, %scan3A_2120 = %max3A_1650, %scan3A_2121 = %max3A_1656, %scan3A_2122 = %max3A_1662, %scan3A_2123 = %max3A_1668, %scan3A_2124 = %max3A_1674, %scan3A_2125 = %max3A_1680, %scan3A_2126 = %max3A_1686) -> (vector<16xf32>, vector<16xf32>, vector<16xf32>, vector<16xf32>, vector<16xf32>, vector<16xf32>, vector<16xf32>, vector<16xf32>, vector<16xf32>, vector<16xf32>, vector<16xf32>, vector<16xf32>, vector<16xf32>, vector<16xf32>, vector<16xf32>, vector<16xf32>)  : i32 {
      %get3A_2127 = arith.index_cast %scan3A_2110 : i32 to index
      %get3A_2128 = arith.constant 0 : index
      %get3A_2129 = tpu.vector_load %arg6[%get3A_2127, %get3A_2128] {strides = array<i32>} : memref<496x128xf32, #tpu.memory_space<vmem>>, vector<16xf32>,
      %min3A_2130 = arith.minimumf %scan3A_2111, %get3A_2129 : vector<16xf32>
      %max3A_2131 = arith.maximumf %scan3A_2119, %min3A_2130 : vector<16xf32>
      %max3A_2132 = arith.maximumf %scan3A_2111, %get3A_2129 : vector<16xf32>
      %get3A_2133 = arith.index_cast %scan3A_2110 : i32 to index
      %get3A_2134 = arith.constant 16 : index
      %get3A_2135 = tpu.vector_load %arg6[%get3A_2133, %get3A_2134] {strides = array<i32>} : memref<496x128xf32, #tpu.memory_space<vmem>>, vector<16xf32>,
      %min3A_2136 = arith.minimumf %scan3A_2112, %get3A_2135 : vector<16xf32>
      %max3A_2137 = arith.maximumf %scan3A_2120, %min3A_2136 : vector<16xf32>
      %max3A_2138 = arith.maximumf %scan3A_2112, %get3A_2135 : vector<16xf32>
      %get3A_2139 = arith.index_cast %scan3A_2110 : i32 to index
      %get3A_2140 = arith.constant 32 : index
      %get3A_2141 = tpu.vector_load %arg6[%get3A_2139, %get3A_2140] {strides = array<i32>} : memref<496x128xf32, #tpu.memory_space<vmem>>, vector<16xf32>,
      %min3A_2142 = arith.minimumf %scan3A_2113, %get3A_2141 : vector<16xf32>
      %max3A_2143 = arith.maximumf %scan3A_2121, %min3A_2142 : vector<16xf32>
      %max3A_2144 = arith.maximumf %scan3A_2113, %get3A_2141 : vector<16xf32>
      %get3A_2145 = arith.index_cast %scan3A_2110 : i32 to index
      %get3A_2146 = arith.constant 48 : index
      %get3A_2147 = tpu.vector_load %arg6[%get3A_2145, %get3A_2146] {strides = array<i32>} : memref<496x128xf32, #tpu.memory_space<vmem>>, vector<16xf32>,
      %min3A_2148 = arith.minimumf %scan3A_2114, %get3A_2147 : vector<16xf32>
      %max3A_2149 = arith.maximumf %scan3A_2122, %min3A_2148 : vector<16xf32>
      %max3A_2150 = arith.maximumf %scan3A_2114, %get3A_2147 : vector<16xf32>
      %get3A_2151 = arith.index_cast %scan3A_2110 : i32 to index
      %get3A_2152 = arith.constant 64 : index
      %get3A_2153 = tpu.vector_load %arg6[%get3A_2151, %get3A_2152] {strides = array<i32>} : memref<496x128xf32, #tpu.memory_space<vmem>>, vector<16xf32>,
      %min3A_2154 = arith.minimumf %scan3A_2115, %get3A_2153 : vector<16xf32>
      %max3A_2155 = arith.maximumf %scan3A_2123, %min3A_2154 : vector<16xf32>
      %max3A_2156 = arith.maximumf %scan3A_2115, %get3A_2153 : vector<16xf32>
      %get3A_2157 = arith.index_cast %scan3A_2110 : i32 to index
      %get3A_2158 = arith.constant 80 : index
      %get3A_2159 = tpu.vector_load %arg6[%get3A_2157, %get3A_2158] {strides = array<i32>} : memref<496x128xf32, #tpu.memory_space<vmem>>, vector<16xf32>,
      %min3A_2160 = arith.minimumf %scan3A_2116, %get3A_2159 : vector<16xf32>
      %max3A_2161 = arith.maximumf %scan3A_2124, %min3A_2160 : vector<16xf32>
      %max3A_2162 = arith.maximumf %scan3A_2116, %get3A_2159 : vector<16xf32>
      %get3A_2163 = arith.index_cast %scan3A_2110 : i32 to index
      %get3A_2164 = arith.constant 96 : index
      %get3A_2165 = tpu.vector_load %arg6[%get3A_2163, %get3A_2164] {strides = array<i32>} : memref<496x128xf32, #tpu.memory_space<vmem>>, vector<16xf32>,
      %min3A_2166 = arith.minimumf %scan3A_2117, %get3A_2165 : vector<16xf32>
      %max3A_2167 = arith.maximumf %scan3A_2125, %min3A_2166 : vector<16xf32>
      %max3A_2168 = arith.maximumf %scan3A_2117, %get3A_2165 : vector<16xf32>
      %get3A_2169 = arith.index_cast %scan3A_2110 : i32 to index
      %get3A_2170 = arith.constant 112 : index
      %get3A_2171 = tpu.vector_load %arg6[%get3A_2169, %get3A_2170] {strides = array<i32>} : memref<496x128xf32, #tpu.memory_space<vmem>>, vector<16xf32>,
      %min3A_2172 = arith.minimumf %scan3A_2118, %get3A_2171 : vector<16xf32>
      %max3A_2173 = arith.maximumf %scan3A_2126, %min3A_2172 : vector<16xf32>
      %max3A_2174 = arith.maximumf %scan3A_2118, %get3A_2171 : vector<16xf32>
      %scan3A_2175 = arith.constant 1 : i32
      %scan3A_2176 = arith.addi %scan3A_2110, %scan3A_2175 : i32
      %get3A_2177 = arith.index_cast %scan3A_2176 : i32 to index
      %get3A_2178 = arith.constant 0 : index
      %get3A_2179 = tpu.vector_load %arg6[%get3A_2177, %get3A_2178] {strides = array<i32>} : memref<496x128xf32, #tpu.memory_space<vmem>>, vector<16xf32>,
      %min3A_2180 = arith.minimumf %max3A_2132, %get3A_2179 : vector<16xf32>
      %max3A_2181 = arith.maximumf %max3A_2131, %min3A_2180 : vector<16xf32>
      %max3A_2182 = arith.maximumf %max3A_2132, %get3A_2179 : vector<16xf32>
      %get3A_2183 = arith.index_cast %scan3A_2176 : i32 to index
      %get3A_2184 = arith.constant 16 : index
      %get3A_2185 = tpu.vector_load %arg6[%get3A_2183, %get3A_2184] {strides = array<i32>} : memref<496x128xf32, #tpu.memory_space<vmem>>, vector<16xf32>,
      %min3A_2186 = arith.minimumf %max3A_2138, %get3A_2185 : vector<16xf32>
      %max3A_2187 = arith.maximumf %max3A_2137, %min3A_2186 : vector<16xf32>
      %max3A_2188 = arith.maximumf %max3A_2138, %get3A_2185 : vector<16xf32>
      %get3A_2189 = arith.index_cast %scan3A_2176 : i32 to index
      %get3A_2190 = arith.constant 32 : index
      %get3A_2191 = tpu.vector_load %arg6[%get3A_2189, %get3A_2190] {strides = array<i32>} : memref<496x128xf32, #tpu.memory_space<vmem>>, vector<16xf32>,
      %min3A_2192 = arith.minimumf %max3A_2144, %get3A_2191 : vector<16xf32>
      %max3A_2193 = arith.maximumf %max3A_2143, %min3A_2192 : vector<16xf32>
      %max3A_2194 = arith.maximumf %max3A_2144, %get3A_2191 : vector<16xf32>
      %get3A_2195 = arith.index_cast %scan3A_2176 : i32 to index
      %get3A_2196 = arith.constant 48 : index
      %get3A_2197 = tpu.vector_load %arg6[%get3A_2195, %get3A_2196] {strides = array<i32>} : memref<496x128xf32, #tpu.memory_space<vmem>>, vector<16xf32>,
      %min3A_2198 = arith.minimumf %max3A_2150, %get3A_2197 : vector<16xf32>
      %max3A_2199 = arith.maximumf %max3A_2149, %min3A_2198 : vector<16xf32>
      %max3A_2200 = arith.maximumf %max3A_2150, %get3A_2197 : vector<16xf32>
      %get3A_2201 = arith.index_cast %scan3A_2176 : i32 to index
      %get3A_2202 = arith.constant 64 : index
      %get3A_2203 = tpu.vector_load %arg6[%get3A_2201, %get3A_2202] {strides = array<i32>} : memref<496x128xf32, #tpu.memory_space<vmem>>, vector<16xf32>,
      %min3A_2204 = arith.minimumf %max3A_2156, %get3A_2203 : vector<16xf32>
      %max3A_2205 = arith.maximumf %max3A_2155, %min3A_2204 : vector<16xf32>
      %max3A_2206 = arith.maximumf %max3A_2156, %get3A_2203 : vector<16xf32>
      %get3A_2207 = arith.index_cast %scan3A_2176 : i32 to index
      %get3A_2208 = arith.constant 80 : index
      %get3A_2209 = tpu.vector_load %arg6[%get3A_2207, %get3A_2208] {strides = array<i32>} : memref<496x128xf32, #tpu.memory_space<vmem>>, vector<16xf32>,
      %min3A_2210 = arith.minimumf %max3A_2162, %get3A_2209 : vector<16xf32>
      %max3A_2211 = arith.maximumf %max3A_2161, %min3A_2210 : vector<16xf32>
      %max3A_2212 = arith.maximumf %max3A_2162, %get3A_2209 : vector<16xf32>
      %get3A_2213 = arith.index_cast %scan3A_2176 : i32 to index
      %get3A_2214 = arith.constant 96 : index
      %get3A_2215 = tpu.vector_load %arg6[%get3A_2213, %get3A_2214] {strides = array<i32>} : memref<496x128xf32, #tpu.memory_space<vmem>>, vector<16xf32>,
      %min3A_2216 = arith.minimumf %max3A_2168, %get3A_2215 : vector<16xf32>
      %max3A_2217 = arith.maximumf %max3A_2167, %min3A_2216 : vector<16xf32>
      %max3A_2218 = arith.maximumf %max3A_2168, %get3A_2215 : vector<16xf32>
      %get3A_2219 = arith.index_cast %scan3A_2176 : i32 to index
      %get3A_2220 = arith.constant 112 : index
      %get3A_2221 = tpu.vector_load %arg6[%get3A_2219, %get3A_2220] {strides = array<i32>} : memref<496x128xf32, #tpu.memory_space<vmem>>, vector<16xf32>,
      %min3A_2222 = arith.minimumf %max3A_2174, %get3A_2221 : vector<16xf32>
      %max3A_2223 = arith.maximumf %max3A_2173, %min3A_2222 : vector<16xf32>
      %max3A_2224 = arith.maximumf %max3A_2174, %get3A_2221 : vector<16xf32>
      scf.yield %max3A_2182, %max3A_2188, %max3A_2194, %max3A_2200, %max3A_2206, %max3A_2212, %max3A_2218, %max3A_2224, %max3A_2181, %max3A_2187, %max3A_2193, %max3A_2199, %max3A_2205, %max3A_2211, %max3A_2217, %max3A_2223 : vector<16xf32>, vector<16xf32>, vector<16xf32>, vector<16xf32>, vector<16xf32>, vector<16xf32>, vector<16xf32>, vector<16xf32>, vector<16xf32>, vector<16xf32>, vector<16xf32>, vector<16xf32>, vector<16xf32>, vector<16xf32>, vector<16xf32>, vector<16xf32>
    }
    %scan3A_1885 = arith.constant 496 : i32
    %get3A_1886 = arith.constant 384 : index
    %get3A_1887 = tpu.vector_load %arg7[%get3A_1886] {strides = array<i32>} : memref<512xi32, #tpu.memory_space<vmem>>, vector<16xi32>,
    %sub3A_1888 = arith.constant 504 : i32
    %sub3A_1889 = vector.broadcast %sub3A_1888 : i32 to vector<16xi32>
    %sub3A_1890 = arith.subi %get3A_1887, %sub3A_1889 : vector<16xi32>
    %max3A_1891 = arith.constant 0 : i32
    %max3A_1892 = vector.broadcast %max3A_1891 : i32 to vector<16xi32>
    %max3A_1893 = arith.maxsi %sub3A_1890, %max3A_1892 : vector<16xi32>
    %min3A_1894 = arith.constant 495 : i32
    %min3A_1895 = vector.broadcast %min3A_1894 : i32 to vector<16xi32>
    %min3A_1896 = arith.minsi %max3A_1893, %min3A_1895 : vector<16xi32>
    %add3A_1897 = arith.constant 0 : i32
    %add3A_1898 = vector.broadcast %add3A_1897 : i32 to vector<16xi32>
    %add3A_1899 = arith.addi %iota3A, %add3A_1898 : vector<16xi32>
    %gather3A_1900 = tpu.vector_load_idx %arg6[%min3A_1896, %add3A_1899] : memref<496x128xf32, #tpu.memory_space<vmem>>[vector<16xi32>, vector<16xi32>], vector<16xf32>,
    %ge3A_1901 = arith.constant 0 : i32
    %ge3A_1902 = vector.broadcast %ge3A_1901 : i32 to vector<16xi32>
    %ge3A_1903 = arith.cmpi sge, %sub3A_1890, %ge3A_1902 : vector<16xi32>
    %lt3A_1904 = arith.constant 496 : i32
    %lt3A_1905 = vector.broadcast %lt3A_1904 : i32 to vector<16xi32>
    %lt3A_1906 = arith.cmpi slt, %sub3A_1890, %lt3A_1905 : vector<16xi32>
    %and3A_1907 = arith.andi %ge3A_1903, %lt3A_1906 : vector<16xi1>
    %select_n3A_1908 = arith.select %and3A_1907, %gather3A_1900, %select_n3A_1711 : vector<16xi1>, vector<16xf32>
    %get3A_1909 = arith.constant 400 : index
    %get3A_1910 = tpu.vector_load %arg7[%get3A_1909] {strides = array<i32>} : memref<512xi32, #tpu.memory_space<vmem>>, vector<16xi32>,
    %sub3A_1911 = arith.constant 504 : i32
    %sub3A_1912 = vector.broadcast %sub3A_1911 : i32 to vector<16xi32>
    %sub3A_1913 = arith.subi %get3A_1910, %sub3A_1912 : vector<16xi32>
    %max3A_1914 = arith.constant 0 : i32
    %max3A_1915 = vector.broadcast %max3A_1914 : i32 to vector<16xi32>
    %max3A_1916 = arith.maxsi %sub3A_1913, %max3A_1915 : vector<16xi32>
    %min3A_1917 = arith.constant 495 : i32
    %min3A_1918 = vector.broadcast %min3A_1917 : i32 to vector<16xi32>
    %min3A_1919 = arith.minsi %max3A_1916, %min3A_1918 : vector<16xi32>
    %add3A_1920 = arith.constant 16 : i32
    %add3A_1921 = vector.broadcast %add3A_1920 : i32 to vector<16xi32>
    %add3A_1922 = arith.addi %iota3A, %add3A_1921 : vector<16xi32>
    %gather3A_1923 = tpu.vector_load_idx %arg6[%min3A_1919, %add3A_1922] : memref<496x128xf32, #tpu.memory_space<vmem>>[vector<16xi32>, vector<16xi32>], vector<16xf32>,
    %ge3A_1924 = arith.constant 0 : i32
    %ge3A_1925 = vector.broadcast %ge3A_1924 : i32 to vector<16xi32>
    %ge3A_1926 = arith.cmpi sge, %sub3A_1913, %ge3A_1925 : vector<16xi32>
    %lt3A_1927 = arith.constant 496 : i32
    %lt3A_1928 = vector.broadcast %lt3A_1927 : i32 to vector<16xi32>
    %lt3A_1929 = arith.cmpi slt, %sub3A_1913, %lt3A_1928 : vector<16xi32>
    %and3A_1930 = arith.andi %ge3A_1926, %lt3A_1929 : vector<16xi1>
    %select_n3A_1931 = arith.select %and3A_1930, %gather3A_1923, %select_n3A_1734 : vector<16xi1>, vector<16xf32>
    %get3A_1932 = arith.constant 416 : index
    %get3A_1933 = tpu.vector_load %arg7[%get3A_1932] {strides = array<i32>} : memref<512xi32, #tpu.memory_space<vmem>>, vector<16xi32>,
    %sub3A_1934 = arith.constant 504 : i32
    %sub3A_1935 = vector.broadcast %sub3A_1934 : i32 to vector<16xi32>
    %sub3A_1936 = arith.subi %get3A_1933, %sub3A_1935 : vector<16xi32>
    %max3A_1937 = arith.constant 0 : i32
    %max3A_1938 = vector.broadcast %max3A_1937 : i32 to vector<16xi32>
    %max3A_1939 = arith.maxsi %sub3A_1936, %max3A_1938 : vector<16xi32>
    %min3A_1940 = arith.constant 495 : i32
    %min3A_1941 = vector.broadcast %min3A_1940 : i32 to vector<16xi32>
    %min3A_1942 = arith.minsi %max3A_1939, %min3A_1941 : vector<16xi32>
    %add3A_1943 = arith.constant 32 : i32
    %add3A_1944 = vector.broadcast %add3A_1943 : i32 to vector<16xi32>
    %add3A_1945 = arith.addi %iota3A, %add3A_1944 : vector<16xi32>
    %gather3A_1946 = tpu.vector_load_idx %arg6[%min3A_1942, %add3A_1945] : memref<496x128xf32, #tpu.memory_space<vmem>>[vector<16xi32>, vector<16xi32>], vector<16xf32>,
    %ge3A_1947 = arith.constant 0 : i32
    %ge3A_1948 = vector.broadcast %ge3A_1947 : i32 to vector<16xi32>
    %ge3A_1949 = arith.cmpi sge, %sub3A_1936, %ge3A_1948 : vector<16xi32>
    %lt3A_1950 = arith.constant 496 : i32
    %lt3A_1951 = vector.broadcast %lt3A_1950 : i32 to vector<16xi32>
    %lt3A_1952 = arith.cmpi slt, %sub3A_1936, %lt3A_1951 : vector<16xi32>
    %and3A_1953 = arith.andi %ge3A_1949, %lt3A_1952 : vector<16xi1>
    %select_n3A_1954 = arith.select %and3A_1953, %gather3A_1946, %select_n3A_1757 : vector<16xi1>, vector<16xf32>
    %get3A_1955 = arith.constant 432 : index
    %get3A_1956 = tpu.vector_load %arg7[%get3A_1955] {strides = array<i32>} : memref<512xi32, #tpu.memory_space<vmem>>, vector<16xi32>,
    %sub3A_1957 = arith.constant 504 : i32
    %sub3A_1958 = vector.broadcast %sub3A_1957 : i32 to vector<16xi32>
    %sub3A_1959 = arith.subi %get3A_1956, %sub3A_1958 : vector<16xi32>
    %max3A_1960 = arith.constant 0 : i32
    %max3A_1961 = vector.broadcast %max3A_1960 : i32 to vector<16xi32>
    %max3A_1962 = arith.maxsi %sub3A_1959, %max3A_1961 : vector<16xi32>
    %min3A_1963 = arith.constant 495 : i32
    %min3A_1964 = vector.broadcast %min3A_1963 : i32 to vector<16xi32>
    %min3A_1965 = arith.minsi %max3A_1962, %min3A_1964 : vector<16xi32>
    %add3A_1966 = arith.constant 48 : i32
    %add3A_1967 = vector.broadcast %add3A_1966 : i32 to vector<16xi32>
    %add3A_1968 = arith.addi %iota3A, %add3A_1967 : vector<16xi32>
    %gather3A_1969 = tpu.vector_load_idx %arg6[%min3A_1965, %add3A_1968] : memref<496x128xf32, #tpu.memory_space<vmem>>[vector<16xi32>, vector<16xi32>], vector<16xf32>,
    %ge3A_1970 = arith.constant 0 : i32
    %ge3A_1971 = vector.broadcast %ge3A_1970 : i32 to vector<16xi32>
    %ge3A_1972 = arith.cmpi sge, %sub3A_1959, %ge3A_1971 : vector<16xi32>
    %lt3A_1973 = arith.constant 496 : i32
    %lt3A_1974 = vector.broadcast %lt3A_1973 : i32 to vector<16xi32>
    %lt3A_1975 = arith.cmpi slt, %sub3A_1959, %lt3A_1974 : vector<16xi32>
    %and3A_1976 = arith.andi %ge3A_1972, %lt3A_1975 : vector<16xi1>
    %select_n3A_1977 = arith.select %and3A_1976, %gather3A_1969, %select_n3A_1780 : vector<16xi1>, vector<16xf32>
    %get3A_1978 = arith.constant 448 : index
    %get3A_1979 = tpu.vector_load %arg7[%get3A_1978] {strides = array<i32>} : memref<512xi32, #tpu.memory_space<vmem>>, vector<16xi32>,
    %sub3A_1980 = arith.constant 504 : i32
    %sub3A_1981 = vector.broadcast %sub3A_1980 : i32 to vector<16xi32>
    %sub3A_1982 = arith.subi %get3A_1979, %sub3A_1981 : vector<16xi32>
    %max3A_1983 = arith.constant 0 : i32
    %max3A_1984 = vector.broadcast %max3A_1983 : i32 to vector<16xi32>
    %max3A_1985 = arith.maxsi %sub3A_1982, %max3A_1984 : vector<16xi32>
    %min3A_1986 = arith.constant 495 : i32
    %min3A_1987 = vector.broadcast %min3A_1986 : i32 to vector<16xi32>
    %min3A_1988 = arith.minsi %max3A_1985, %min3A_1987 : vector<16xi32>
    %add3A_1989 = arith.constant 64 : i32
    %add3A_1990 = vector.broadcast %add3A_1989 : i32 to vector<16xi32>
    %add3A_1991 = arith.addi %iota3A, %add3A_1990 : vector<16xi32>
    %gather3A_1992 = tpu.vector_load_idx %arg6[%min3A_1988, %add3A_1991] : memref<496x128xf32, #tpu.memory_space<vmem>>[vector<16xi32>, vector<16xi32>], vector<16xf32>,
    %ge3A_1993 = arith.constant 0 : i32
    %ge3A_1994 = vector.broadcast %ge3A_1993 : i32 to vector<16xi32>
    %ge3A_1995 = arith.cmpi sge, %sub3A_1982, %ge3A_1994 : vector<16xi32>
    %lt3A_1996 = arith.constant 496 : i32
    %lt3A_1997 = vector.broadcast %lt3A_1996 : i32 to vector<16xi32>
    %lt3A_1998 = arith.cmpi slt, %sub3A_1982, %lt3A_1997 : vector<16xi32>
    %and3A_1999 = arith.andi %ge3A_1995, %lt3A_1998 : vector<16xi1>
    %select_n3A_2000 = arith.select %and3A_1999, %gather3A_1992, %select_n3A_1803 : vector<16xi1>, vector<16xf32>
    %get3A_2001 = arith.constant 464 : index
    %get3A_2002 = tpu.vector_load %arg7[%get3A_2001] {strides = array<i32>} : memref<512xi32, #tpu.memory_space<vmem>>, vector<16xi32>,
    %sub3A_2003 = arith.constant 504 : i32
    %sub3A_2004 = vector.broadcast %sub3A_2003 : i32 to vector<16xi32>
    %sub3A_2005 = arith.subi %get3A_2002, %sub3A_2004 : vector<16xi32>
    %max3A_2006 = arith.constant 0 : i32
    %max3A_2007 = vector.broadcast %max3A_2006 : i32 to vector<16xi32>
    %max3A_2008 = arith.maxsi %sub3A_2005, %max3A_2007 : vector<16xi32>
    %min3A_2009 = arith.constant 495 : i32
    %min3A_2010 = vector.broadcast %min3A_2009 : i32 to vector<16xi32>
    %min3A_2011 = arith.minsi %max3A_2008, %min3A_2010 : vector<16xi32>
    %add3A_2012 = arith.constant 80 : i32
    %add3A_2013 = vector.broadcast %add3A_2012 : i32 to vector<16xi32>
    %add3A_2014 = arith.addi %iota3A, %add3A_2013 : vector<16xi32>
    %gather3A_2015 = tpu.vector_load_idx %arg6[%min3A_2011, %add3A_2014] : memref<496x128xf32, #tpu.memory_space<vmem>>[vector<16xi32>, vector<16xi32>], vector<16xf32>,
    %ge3A_2016 = arith.constant 0 : i32
    %ge3A_2017 = vector.broadcast %ge3A_2016 : i32 to vector<16xi32>
    %ge3A_2018 = arith.cmpi sge, %sub3A_2005, %ge3A_2017 : vector<16xi32>
    %lt3A_2019 = arith.constant 496 : i32
    %lt3A_2020 = vector.broadcast %lt3A_2019 : i32 to vector<16xi32>
    %lt3A_2021 = arith.cmpi slt, %sub3A_2005, %lt3A_2020 : vector<16xi32>
    %and3A_2022 = arith.andi %ge3A_2018, %lt3A_2021 : vector<16xi1>
    %select_n3A_2023 = arith.select %and3A_2022, %gather3A_2015, %select_n3A_1826 : vector<16xi1>, vector<16xf32>
    %get3A_2024 = arith.constant 480 : index
    %get3A_2025 = tpu.vector_load %arg7[%get3A_2024] {strides = array<i32>} : memref<512xi32, #tpu.memory_space<vmem>>, vector<16xi32>,
    %sub3A_2026 = arith.constant 504 : i32
    %sub3A_2027 = vector.broadcast %sub3A_2026 : i32 to vector<16xi32>
    %sub3A_2028 = arith.subi %get3A_2025, %sub3A_2027 : vector<16xi32>
    %max3A_2029 = arith.constant 0 : i32
    %max3A_2030 = vector.broadcast %max3A_2029 : i32 to vector<16xi32>
    %max3A_2031 = arith.maxsi %sub3A_2028, %max3A_2030 : vector<16xi32>
    %min3A_2032 = arith.constant 495 : i32
    %min3A_2033 = vector.broadcast %min3A_2032 : i32 to vector<16xi32>
    %min3A_2034 = arith.minsi %max3A_2031, %min3A_2033 : vector<16xi32>
    %add3A_2035 = arith.constant 96 : i32
    %add3A_2036 = vector.broadcast %add3A_2035 : i32 to vector<16xi32>
    %add3A_2037 = arith.addi %iota3A, %add3A_2036 : vector<16xi32>
    %gather3A_2038 = tpu.vector_load_idx %arg6[%min3A_2034, %add3A_2037] : memref<496x128xf32, #tpu.memory_space<vmem>>[vector<16xi32>, vector<16xi32>], vector<16xf32>,
    %ge3A_2039 = arith.constant 0 : i32
    %ge3A_2040 = vector.broadcast %ge3A_2039 : i32 to vector<16xi32>
    %ge3A_2041 = arith.cmpi sge, %sub3A_2028, %ge3A_2040 : vector<16xi32>
    %lt3A_2042 = arith.constant 496 : i32
    %lt3A_2043 = vector.broadcast %lt3A_2042 : i32 to vector<16xi32>
    %lt3A_2044 = arith.cmpi slt, %sub3A_2028, %lt3A_2043 : vector<16xi32>
    %and3A_2045 = arith.andi %ge3A_2041, %lt3A_2044 : vector<16xi1>
    %select_n3A_2046 = arith.select %and3A_2045, %gather3A_2038, %select_n3A_1849 : vector<16xi1>, vector<16xf32>
    %get3A_2047 = arith.constant 496 : index
    %get3A_2048 = tpu.vector_load %arg7[%get3A_2047] {strides = array<i32>} : memref<512xi32, #tpu.memory_space<vmem>>, vector<16xi32>,
    %sub3A_2049 = arith.constant 504 : i32
    %sub3A_2050 = vector.broadcast %sub3A_2049 : i32 to vector<16xi32>
    %sub3A_2051 = arith.subi %get3A_2048, %sub3A_2050 : vector<16xi32>
    %max3A_2052 = arith.constant 0 : i32
    %max3A_2053 = vector.broadcast %max3A_2052 : i32 to vector<16xi32>
    %max3A_2054 = arith.maxsi %sub3A_2051, %max3A_2053 : vector<16xi32>
    %min3A_2055 = arith.constant 495 : i32
    %min3A_2056 = vector.broadcast %min3A_2055 : i32 to vector<16xi32>
    %min3A_2057 = arith.minsi %max3A_2054, %min3A_2056 : vector<16xi32>
    %add3A_2058 = arith.constant 112 : i32
    %add3A_2059 = vector.broadcast %add3A_2058 : i32 to vector<16xi32>
    %add3A_2060 = arith.addi %iota3A, %add3A_2059 : vector<16xi32>
    %gather3A_2061 = tpu.vector_load_idx %arg6[%min3A_2057, %add3A_2060] : memref<496x128xf32, #tpu.memory_space<vmem>>[vector<16xi32>, vector<16xi32>], vector<16xf32>,
    %ge3A_2062 = arith.constant 0 : i32
    %ge3A_2063 = vector.broadcast %ge3A_2062 : i32 to vector<16xi32>
    %ge3A_2064 = arith.cmpi sge, %sub3A_2051, %ge3A_2063 : vector<16xi32>
    %lt3A_2065 = arith.constant 496 : i32
    %lt3A_2066 = vector.broadcast %lt3A_2065 : i32 to vector<16xi32>
    %lt3A_2067 = arith.cmpi slt, %sub3A_2051, %lt3A_2066 : vector<16xi32>
    %and3A_2068 = arith.andi %ge3A_2064, %lt3A_2067 : vector<16xi1>
    %select_n3A_2069 = arith.select %and3A_2068, %gather3A_2061, %select_n3A_1872 : vector<16xi1>, vector<16xf32>
    %eq3A_2070 = arith.cmpf oeq, %select_n3A_1908, %scan3A_1884#0 : vector<16xf32>
    %select_n3A_2071 = arith.select %eq3A_2070, %scan3A_1884#8, %scan3A_1884#0 : vector<16xi1>, vector<16xf32>
    %sub3A_2072 = arith.subf %select_n3A_2071, %select_n3A_1908 : vector<16xf32>
    %swap3A_2073 = arith.constant 384 : index
    %swap3A_2074 = tpu.vector_load %arg8[%swap3A_2073] {strides = array<i32>} : memref<512xf32, #tpu.memory_space<vmem>>, vector<16xf32>,
    tpu.vector_store %arg8[%swap3A_2073], %sub3A_2072 {strides = array<i32>} : memref<512xf32, #tpu.memory_space<vmem>>, vector<16xf32>,
    %eq3A_2075 = arith.cmpf oeq, %select_n3A_1931, %scan3A_1884#1 : vector<16xf32>
    %select_n3A_2076 = arith.select %eq3A_2075, %scan3A_1884#9, %scan3A_1884#1 : vector<16xi1>, vector<16xf32>
    %sub3A_2077 = arith.subf %select_n3A_2076, %select_n3A_1931 : vector<16xf32>
    %swap3A_2078 = arith.constant 400 : index
    %swap3A_2079 = tpu.vector_load %arg8[%swap3A_2078] {strides = array<i32>} : memref<512xf32, #tpu.memory_space<vmem>>, vector<16xf32>,
    tpu.vector_store %arg8[%swap3A_2078], %sub3A_2077 {strides = array<i32>} : memref<512xf32, #tpu.memory_space<vmem>>, vector<16xf32>,
    %eq3A_2080 = arith.cmpf oeq, %select_n3A_1954, %scan3A_1884#2 : vector<16xf32>
    %select_n3A_2081 = arith.select %eq3A_2080, %scan3A_1884#10, %scan3A_1884#2 : vector<16xi1>, vector<16xf32>
    %sub3A_2082 = arith.subf %select_n3A_2081, %select_n3A_1954 : vector<16xf32>
    %swap3A_2083 = arith.constant 416 : index
    %swap3A_2084 = tpu.vector_load %arg8[%swap3A_2083] {strides = array<i32>} : memref<512xf32, #tpu.memory_space<vmem>>, vector<16xf32>,
    tpu.vector_store %arg8[%swap3A_2083], %sub3A_2082 {strides = array<i32>} : memref<512xf32, #tpu.memory_space<vmem>>, vector<16xf32>,
    %eq3A_2085 = arith.cmpf oeq, %select_n3A_1977, %scan3A_1884#3 : vector<16xf32>
    %select_n3A_2086 = arith.select %eq3A_2085, %scan3A_1884#11, %scan3A_1884#3 : vector<16xi1>, vector<16xf32>
    %sub3A_2087 = arith.subf %select_n3A_2086, %select_n3A_1977 : vector<16xf32>
    %swap3A_2088 = arith.constant 432 : index
    %swap3A_2089 = tpu.vector_load %arg8[%swap3A_2088] {strides = array<i32>} : memref<512xf32, #tpu.memory_space<vmem>>, vector<16xf32>,
    tpu.vector_store %arg8[%swap3A_2088], %sub3A_2087 {strides = array<i32>} : memref<512xf32, #tpu.memory_space<vmem>>, vector<16xf32>,
    %eq3A_2090 = arith.cmpf oeq, %select_n3A_2000, %scan3A_1884#4 : vector<16xf32>
    %select_n3A_2091 = arith.select %eq3A_2090, %scan3A_1884#12, %scan3A_1884#4 : vector<16xi1>, vector<16xf32>
    %sub3A_2092 = arith.subf %select_n3A_2091, %select_n3A_2000 : vector<16xf32>
    %swap3A_2093 = arith.constant 448 : index
    %swap3A_2094 = tpu.vector_load %arg8[%swap3A_2093] {strides = array<i32>} : memref<512xf32, #tpu.memory_space<vmem>>, vector<16xf32>,
    tpu.vector_store %arg8[%swap3A_2093], %sub3A_2092 {strides = array<i32>} : memref<512xf32, #tpu.memory_space<vmem>>, vector<16xf32>,
    %eq3A_2095 = arith.cmpf oeq, %select_n3A_2023, %scan3A_1884#5 : vector<16xf32>
    %select_n3A_2096 = arith.select %eq3A_2095, %scan3A_1884#13, %scan3A_1884#5 : vector<16xi1>, vector<16xf32>
    %sub3A_2097 = arith.subf %select_n3A_2096, %select_n3A_2023 : vector<16xf32>
    %swap3A_2098 = arith.constant 464 : index
    %swap3A_2099 = tpu.vector_load %arg8[%swap3A_2098] {strides = array<i32>} : memref<512xf32, #tpu.memory_space<vmem>>, vector<16xf32>,
    tpu.vector_store %arg8[%swap3A_2098], %sub3A_2097 {strides = array<i32>} : memref<512xf32, #tpu.memory_space<vmem>>, vector<16xf32>,
    %eq3A_2100 = arith.cmpf oeq, %select_n3A_2046, %scan3A_1884#6 : vector<16xf32>
    %select_n3A_2101 = arith.select %eq3A_2100, %scan3A_1884#14, %scan3A_1884#6 : vector<16xi1>, vector<16xf32>
    %sub3A_2102 = arith.subf %select_n3A_2101, %select_n3A_2046 : vector<16xf32>
    %swap3A_2103 = arith.constant 480 : index
    %swap3A_2104 = tpu.vector_load %arg8[%swap3A_2103] {strides = array<i32>} : memref<512xf32, #tpu.memory_space<vmem>>, vector<16xf32>,
    tpu.vector_store %arg8[%swap3A_2103], %sub3A_2102 {strides = array<i32>} : memref<512xf32, #tpu.memory_space<vmem>>, vector<16xf32>,
    %eq3A_2105 = arith.cmpf oeq, %select_n3A_2069, %scan3A_1884#7 : vector<16xf32>
    %select_n3A_2106 = arith.select %eq3A_2105, %scan3A_1884#15, %scan3A_1884#7 : vector<16xi1>, vector<16xf32>
    %sub3A_2107 = arith.subf %select_n3A_2106, %select_n3A_2069 : vector<16xf32>
    %swap3A_2108 = arith.constant 496 : index
    %swap3A_2109 = tpu.vector_load %arg8[%swap3A_2108] {strides = array<i32>} : memref<512xf32, #tpu.memory_space<vmem>>, vector<16xf32>,
    tpu.vector_store %arg8[%swap3A_2108], %sub3A_2107 {strides = array<i32>} : memref<512xf32, #tpu.memory_space<vmem>>, vector<16xf32>,
    "tpu.region"() ({
      %run_scoped3A = tpu.sem_alloc : memref<!tpu.dma_semaphore, #tpu.memory_space<semaphore_mem>>
      %dma_start3A_2110 = tpu.memref_slice %arg4[%multiple_of3A] : memref<16384xf32, #tpu.memory_space<hbm>> -> memref<512xf32, #tpu.memory_space<hbm>>
      %dma_start3A_2111 = tpu.memref_slice %arg4[%multiple_of3A] : memref<16384xf32, #tpu.memory_space<hbm>> -> memref<512xf32, #tpu.memory_space<hbm>>
      tpu.enqueue_dma source(%arg8 : memref<512xf32, #tpu.memory_space<vmem>>) target(%dma_start3A_2111 : memref<512xf32, #tpu.memory_space<hbm>>) target_semaphore(%run_scoped3A : memref<!tpu.dma_semaphore, #tpu.memory_space<semaphore_mem>>)
      %dma_wait3A_2112 = tpu.memref_slice %arg4[%multiple_of3A] : memref<16384xf32, #tpu.memory_space<hbm>> -> memref<512xf32, #tpu.memory_space<hbm>>
      %dma_wait3A_2113 = tpu.memref_slice %arg4[%multiple_of3A] : memref<16384xf32, #tpu.memory_space<hbm>> -> memref<512xf32, #tpu.memory_space<hbm>>
      tpu.wait_dma2 semaphore(%run_scoped3A : memref<!tpu.dma_semaphore, #tpu.memory_space<semaphore_mem>>) src(%arg8 : memref<512xf32, #tpu.memory_space<vmem>>) dst(%dma_wait3A_2113 : memref<512xf32, #tpu.memory_space<hbm>>)
      tpu.yield
    }) : () -> ()
    return
  }
}

</mosaic_0001>

<sc_bundles>
// kernel: kernel.3.cloned.1.call-start
scs
__scs_entry_jumppad:
0x0: {  	(pc) =	sbr.rel $0x88, $3  }
0x1: {  	(tag) =	ssettag $0x0;
	lr =	simm.s32 $0x1  }
0x2: {  	[smem:$0x3F9F] =	sst lr;
	_ =	strace $0xD0000000  }
0x3: {  	_ = 	snop  }
0x4: {  	_ = 	snop  }
0x5: {  	_ = 	snop  }
0x6: {  	_ = 	snop  }
0x7: {  	_ = 	snop  }
__scs_overlays_trampoline_lowered:
0x8: {  	[smem:$0x3FAE] =	sst s0  }
0x9: {  	[smem:$0x3FAF] =	sst s1  }
0xa: {  	[smem:$0x3FB0] =	sst s2  }
0xb: {  	[smem:$0x3FB1] =	sst s3  }
0xc: {  	[smem:$0x3FB2] =	sst s4  }
0xd: {  	[smem:$0x3FB3] =	sst s5  }
0xe: {  	[smem:$0x3FB4] =	sst s6  }
0xf: {  	[smem:$0x3FB5] =	sst s7  }
0x10: {  	[smem:$0x3FB6] =	sst s8  }
0x11: {  	[smem:$0x3FB7] =	sst s9;
	s0 =	simm.s32 @!p0 $0x0  }
0x12: {  	s1 =	sld [smem:$0x3F9D];
	s0 =	simm.s32 @p0 $0x1  }
0x13: {  	[smem:$0x3FB8] =	sst s0;
	s0 =	simm.s32 @!p1 $0x0  }
0x14: {  	s2 =	sld [smem:$0x3F9C];
	s0 =	simm.s32 @p1 $0x1  }
0x15: {  	[smem:$0x3FB9] =	sst s0;
	s0 =	simm.s32 @!p2 $0x0  }
0x16: {  	s3 =	sld [smem:$0x3FDB];
	s0 =	simm.s32 @p2 $0x1  }
0x17: {  	s4 =	simm.s32 $0x1BF5;
	[smem:$0x3FBB] =	sst s0  }
0x18: {  	s0 =	sld [smem:$0x3F9E];
	_ =	swait.ge [sflag:s4], $0x0  }
0x19: {  	s7 =	sld [smem:$0x3F9F]  }
0x1a: {  	s8 =	sadd.s32 $0xFFFFE003, lr  }
0x1b: {  	s9 =	sadd.s32 $0xFFFFFEF7, lr;
	s5 =	simm.s32 $0xFFFFFFFF;
	p2 =	slt.u32 s8, $0xFFFFF086  }
0x1c: {  	p1 =	slt.u32 s9, $0xF7A;
	s5 =	simm.s32 @!p2 $0x0  }
0x1d: {  	s5 =	simm.s32 @p1 $0x1;
	p0 =	seq.s32 s7, s2  }
0x1e: {  	s7 =	smul.u32 @!p0 $0xF7A, s2;
	p2 =	seq.s32 @!p0 s5, $0x0  }
0x1f: {  	s9 =	smul.u32 $0xF7A, s1;
	s8 =	simm.s32 @!p0 $0x1BF5;
	p2 =	por !p2, p0  }
0x20: {  	[sflag:s8] =	ssyncset.s32 @!p0 $0xFFFFF086;
	s6 =	sadd.s32 @!p0 s3, s7;
	s7 =	simm.s32 @!p0 $0x108  }
0x21: {  	s3 =	sadd.s32 s3, s9;
	s6 =	sadd.s32 @!p0 $0x88, s6;
	s7 =	simm.s32 @p2 $0x1082  }
0x22: {  	[simem:s7], [sflag:s8] =	dma.local @!p0 [hbm:s6], $0xF7A  }
0x23: {  	s9 =	sor.u32 $0xD0000000, s2;
	s6 =	simm.s32 $0x108;
	_ =	swait.ge @!p0 [sflag:s8], $0x0  }
0x24: {  	s3 =	sadd.s32 $0x88, s3;
	s6 =	simm.s32 @!p1 $0x1082;
	[sflag:s4] =	ssyncset.s32 $0xFFFFF086  }
0x25: {  	[simem:s6], [sflag:s4] =	dma.local [hbm:s3], $0xF7A  }
0x26: {  	[smem:$0x3F9F] =	sst s1;
	(tag) =	ssettag s2;
	_ =	strace s9  }
0x27: {  	s1 =	sld [smem:$0x3FAF]  }
0x28: {  	s2 =	sld [smem:$0x3FB0]  }
0x29: {  	s4 =	sld [smem:$0x3FB2]  }
0x2a: {  	p0 =	seq.s32 s5, $0x0;
	s5 =	sld [smem:$0x3FB3]  }
0x2b: {  	s6 =	sld [smem:$0x3FB4]  }
0x2c: {  	s7 =	sld [smem:$0x3FB5]  }
0x2d: {  	s3 =	simm.s32 $0x108;
	s8 =	sld [smem:$0x3FB6]  }
0x2e: {  	s3 =	simm.s32 @!p0 $0x1082;
	s9 =	sld [smem:$0x3FB7]  }
0x2f: {  	lr =	sadd.s32 s0, s3;
	s0 =	sld [smem:$0x3FAE]  }
0x30: {  	s3 =	sld [smem:$0x3FB1]  }
0x31: {  	[smem:$0x3FBA] =	sst s10  }
0x32: {  	s10 =	sld [smem:$0x3FB8];
	_ =	sdelay $0x3  }
0x33: {  	p0 =	seq.s32 s10, $0x1;
	s10 =	sld [smem:$0x3FBA];
	_ =	sdelay $0x3  }
0x34: {  	[smem:$0x3FBA] =	sst s10  }
0x35: {  	s10 =	sld [smem:$0x3FB9];
	_ =	sdelay $0x3  }
0x36: {  	p1 =	seq.s32 s10, $0x1;
	s10 =	sld [smem:$0x3FBA];
	_ =	sdelay $0x3  }
0x37: {  	[smem:$0x3FBA] =	sst s10  }
0x38: {  	s10 =	sld [smem:$0x3FBB]  }
0x39: {  	_ = 	snop;
	(pc) =	sbr.ind lr, $3  }
0x3a: {  	_ = 	snop  }
0x3b: {  	_ = 	snop  }
0x3c: {  	p2 =	seq.s32 s10, $0x1;
	s10 =	sld [smem:$0x3FBA]  }
0x3d: {  	_ =	shalt  }
0x3e: {  	_ =	shalt  }
0x3f: {  	_ =	shalt  }
0x40: {  	_ =	shalt  }
0x41: {  	_ =	shalt  }
0x42: {  	_ =	shalt  }
0x43: {  	_ =	shalt  }
0x44: {  	_ =	shalt  }
0x45: {  	_ =	shalt  }
0x46: {  	_ =	shalt  }
0x47: {  	_ =	shalt  }
0x48: {  	_ =	shalt  }
0x49: {  	_ =	shalt  }
0x4a: {  	_ =	shalt  }
0x4b: {  	_ =	shalt  }
0x4c: {  	_ =	shalt  }
0x4d: {  	_ =	shalt  }
0x4e: {  	_ =	shalt  }
0x4f: {  	_ =	shalt  }
0x50: {  	_ =	shalt  }
0x51: {  	_ =	shalt  }
0x52: {  	_ =	shalt  }
0x53: {  	_ =	shalt  }
0x54: {  	_ =	shalt  }
0x55: {  	_ =	shalt  }
0x56: {  	_ =	shalt  }
0x57: {  	_ =	shalt  }
0x58: {  	_ =	shalt  }
0x59: {  	_ =	shalt  }
0x5a: {  	_ =	shalt  }
0x5b: {  	_ =	shalt  }
0x5c: {  	_ =	shalt  }
0x5d: {  	_ =	shalt  }
0x5e: {  	_ =	shalt  }
0x5f: {  	_ =	shalt  }
0x60: {  	_ =	shalt  }
0x61: {  	_ =	shalt  }
0x62: {  	_ =	shalt  }
0x63: {  	_ =	shalt  }
0x64: {  	_ =	shalt  }
0x65: {  	_ =	shalt  }
0x66: {  	_ =	shalt  }
0x67: {  	_ =	shalt  }
0x68: {  	_ =	shalt  }
0x69: {  	_ =	shalt  }
0x6a: {  	_ =	shalt  }
0x6b: {  	_ =	shalt  }
0x6c: {  	_ =	shalt  }
0x6d: {  	_ =	shalt  }
0x6e: {  	_ =	shalt  }
0x6f: {  	_ =	shalt  }
0x70: {  	_ =	shalt  }
0x71: {  	_ =	shalt  }
0x72: {  	_ =	shalt  }
0x73: {  	_ =	shalt  }
0x74: {  	_ =	shalt  }
0x75: {  	_ =	shalt  }
0x76: {  	_ =	shalt  }
0x77: {  	_ =	shalt  }
0x78: {  	_ =	shalt  }
0x79: {  	_ =	shalt  }
0x7a: {  	_ =	shalt  }
0x7b: {  	_ =	shalt  }
0x7c: {  	_ =	shalt  }
0x7d: {  	_ =	shalt  }
0x7e: {  	_ =	shalt  }
0x7f: {  	_ =	shalt  }
0x80: {  	_ =	shalt  }
0x81: {  	_ =	shalt  }
0x82: {  	_ =	shalt  }
0x83: {  	_ =	shalt  }
0x84: {  	_ =	shalt  }
0x85: {  	_ =	shalt  }
0x86: {  	_ =	shalt  }
0x87: {  	_ =	shalt  }
.Lfunc_end0:
.L_simem_size_0:
called_computation_lowered:
.L_overlay_start_0:
0x88: {  	s2 =	sld [smem:$0x3FD9]  }
0x89: {  	s3 =	sld [smem:$0x3FFE];
	_ =	sdelay $0x1  }
0x8a: {  	s1 =	srdreg.scid  }
0x8b: {  	s0 =	sand.u32 $0x1, s1  }
0x8c: {  	s18 =	sshll.u32 s0, $0xA;
	s2 =	sadd.s32 s3, s2  }
0x8d: {  	s2 =	sadd.s32 s2, s18  }
0x8e: {  	[smem:$0x3FC6] =	sst s2  }
0x8f: {  	_ = 	snop  }
0x90: {  	s2 =	sld [smem:$0x3FC9]  }
0x91: {  	s19 =	sld [smem:$0x3FC8]  }
0x92: {  	s4 =	sld [smem:$0x3FD0];
	(tm) =	ssettm $0x1  }
0x93: {  	s5 =	sld [smem:$0x3FFB];
	_ =	sdelay $0x3  }
0x94: {  	_ =	strace s5  }
0x95: {  	s5 =	sld [smem:$0x3FFC];
	_ =	sdelay $0x3  }
0x96: {  	_ =	strace s5  }
0x97: {  	s5 =	sld [smem:$0x3FFD];
	_ =	sdelay $0x3  }
0x98: {  	_ =	strace s5  }
0x99: {  	_ =	strace $0x8FFFFFFF  }
0x9a: {  	s20 =	sld [smem:$0x3FDB];
	_ =	sdelay $0x1  }
0x9b: {  	s6 =	simm.s32 $_scs_section_size  }
0x9c: {  	s7 =	simm.s32 $_size__tile_overlayer_lowered;
	s8 =	simm.s32 $_tile_overlayer_lowered  }
0x9d: {  	s23 =	simm.s32 $0x1BFF;
	s22 =	sshll.u32 s8, $0x1;
	s5 =	sadd.s32 s6, s20  }
0x9e: {  	s9 =	simm.s32 $0x0;
	s21 =	sshll.u32 s7, $0x1;
	s7 =	sadd.s32 s22, s5  }
0x9f: {  	[timem:s9], [sflag:s23] =	dma.local [hbm:s7], s21  }
0xa0: {  	_ =	swait.ge [sflag:s23], s21  }
0xa1: {  	s6 =	ssub.s32 $0x0, s21;
	[sflag:s23] =	ssyncset.done $0x0  }
0xa2: {  	[sflag:s23] =	ssyncadd.s32 s6;
	_ =	sdelay $0x1  }
0xa3: {  	s24 =	simm.s32 $0x1B8B  }
0xa4: {  	_ =	swait.ge [sflag:s24], $0x1  }
0xa5: {  	[sflag:s24] =	ssyncset.done $0x0  }
0xa6: {  	s25 =	simm.s32 $0x1B8E;
	[sflag:s24] =	ssyncadd.s32 $0xFFFFFFFF  }
0xa7: {  	s26 =	simm.s32 $execute0_lowered;
	[smem:$0x3FD2] =	sst s25  }
0xa8: {  	s6 =	sshll.u32 s26, $0x1;
	_ =	strace $0x80000046;
	[dreg:$0x1] =	wrdreg $0xFFFFFFFF  }
0xa9: {  	s28 =	simm.s32 $_size_execute0_lowered;
	s5 =	sadd.s32 s5, s6;
	[dreg:$0x0] =	wrdreg $0x0  }
0xaa: {  	s6 =	sshll.u32 s28, $0x1;
	[dreg:$0x2] =	wrdreg s5  }
0xab: {  	[dreg:$0x3] =	wrdreg s6  }
0xac: {  	[dreg:$0x4] =	wrdreg $0xC0  }
0xad: {  	_ =	task [dreg:s9], $0x5FFFF  }
0xae: {  	[dreg:$0x1] =	wrdreg $0xFFFFFFFF  }
0xaf: {  	[dreg:$0x0] =	wrdreg $0x60  }
0xb0: {  	[dreg:$0x2] =	wrdreg s2  }
0xb1: {  	[dreg:$0x3] =	wrdreg s19  }
0xb2: {  	[dreg:$0x4] =	wrdreg s4  }
0xb3: {  	[dreg:$0x5] =	wrdreg $0x9  }
0xb4: {  	_ =	task.clear_ibuf [dreg:s9], $0x6FFFF;
	_ =	strace $0x90000046  }
0xb5: {  	s29 =	simm.s32 $0x9;
	_ =	strace $0x80000048  }
0xb6: {  	_ =	swait.ge [sflag:s29], $0x1  }
0xb7: {  	[sflag:s29] =	ssyncadd.s32 $0xFFFFFFFF  }
0xb8: {  	_ =	strace $0x90000048  }
0xb9: {  	_ =	sfence  }
0xba: {  	s30 =	sld [smem:$0x0];
	_ =	sdelay $0x2  }
0xbb: {  	s31 =	sshll.u32 s1, $0xD;
	s1 =	sshrl.u32 s1, $0x2  }
0xbc: {  	s3 =	sand.u32 $0x4000, s31;
	s1 =	sadd.s32 s1, s30  }
0xbd: {  	s0 =	sor.u32 s3, s0;
	s1 =	sshll.u32 s1, $0x11  }
0xbe: {  	s0 =	sor.u32 s1, s0  }
0xbf: {  	s0 =	sadd.s32 $0x8F2B, s0  }
0xc0: {  	[sflag:s0] =	ssyncadd.remote.s32 $0x1  }
0xc1: {  	_ =	sfence.sel $0xFFFF  }
0xc2: {  	[dreg:$0x0] =	wrdreg $0xFFFFFFFF;
	(pc) =	sbr.abs _section_cstart, $3  }
0xc3: {  	[dreg:$0x1] =	wrdreg $0xFFFFFFFF  }
0xc4: {  	_ =	task.clear_ibuf [dreg:s9], $0x2FFFF;
	_ =	strace $0x9FFFFFFF  }
0xc5: {  	(tm) =	ssettm $0x7FFFFFFF  }
tec
execute0_lowered:
.L_overlay_start_1:
0x0: {  	(tag) =	ssettag $0x1  }
0x1: {  	s3 =	rddreg [dreg:$0x0]  }
0x2: {  	s5 =	rddreg [dreg:$0x1]  }
0x3: {  	s12 =	rddreg [dreg:$0x2];
	s2 =	srdreg.scid  }
0x4: {  	s0 =	rddreg [dreg:$0x3];
	s1 =	stileid.u32;
	s15 =	simm.s32 $0x20000  }
0x5: {  	s16 =	simm.s32 $0xFC00;
	s17 =	simm.s32 $0x1F400;
	s18 =	simm.s32 $0x3  }
0x6: {  	s19 =	simm.s32 $0x1;
	s20 =	simm.s32 $0x2;
	s21 =	simm.s32 $0x1F600  }
0x7: {  	s22 =	simm.s32 $0x0;
	s4 =	sand.u32 $0x1, s2;
	s2 =	simm.s32 $0x0  }
0x8: {  	s6 =	sshll.u32 s1, $0xA;
	s7 =	sshll.u32 s4, $0x9;
	[smem:$0x7FF] =	sst s2  }
0x9: {  	s4 =	ssub.s32 $0x2, s4;
	s6 =	sor.u32 s7, s6;
	_ =	strace $0x80000047  }
0xa: {  	s31 =	sshrl.u32 s4, $0x1;
	s3 =	sadd.s32 s3, s6;
	s14 =	sshrl.u32 s6, $0x3  }
0xb: {  	s13 =	ssub.s32 s4, s31;
	s4 =	sadd.s32 $0xFC000, s3;
	s5 =	sadd.s32 s5, s14  }
0xc: {  	v0 =	vlaneseq.u32;
	s6 =	sadd.s32 $0x80, s3;
	s7 =	sadd.s32 $0xFC080, s3;
	s8 =	sadd.s32 $0x100, s3  }
0xd: {  	v1 =	vor.u32 $0x10, v0;
	v2 =	vor.u32 $0x20, v0;
	v3 =	vor.u32 $0x30, v0;
	s9 =	sadd.s32 $0xFC100, s3;
	s10 =	sadd.s32 $0x180, s3;
	s11 =	sadd.s32 $0xFC180, s3  }
0xe: {  	v4 =	vor.u32 $0x40, v0;
	v5 =	vor.u32 $0x50, v0;
	v6 =	vor.u32 $0x60, v0;
	s12 =	sadd.s32 s12, s14;
	s13 =	smax.u32 s13, $0x1;
	s14 =	simm.s32 $0x400  }
.LBB2_1:
0xf: {  	[tilespmem:s2], [sflag:$0x1] =	stream.strided.gather [hbm4b:s3+s14], $0xFC00, s15, s14, $0x38;
	[tilespmem:$0x1F800] =	vst v63  }
0x10: {  	_ = 	snop  }
0x11: {  	[tilespmem:s16], [sflag:$0x2] =	stream.strided.gather [hbm4b:s4+s14], $0xF800, s15, s14, $0x38;
	[tilespmem:$0x1F800] =	vst v63  }
0x12: {  	_ = 	snop  }
0x13: {  	[tilespmem:s17], [sflag:$0x3] =	stream.linear.gather [hbm4b:s5+s2], $0x200, $0x38;
	[tilespmem:$0x1F800] =	vst v63  }
0x14: {  	_ =	swait.ge [sflag:s18], $0x200  }
0x15: {  	[sflag:s18] =	ssyncset.done $0x0  }
0x16: {  	[sflag:s18] =	ssyncadd.s32 $0xFFFFFE00  }
0x17: {  	_ =	swait.ge [sflag:s19], $0xFC00  }
0x18: {  	[sflag:s19] =	ssyncset.done $0x0  }
0x19: {  	[sflag:s19] =	ssyncadd.s32 $0xFFFF0400  }
0x1a: {  	v7 =	vld [tilespmem:$0x0]  }
0x1b: {  	v29 =	vld [tilespmem:$0x10]  }
0x1c: {  	v8 =	vld [tilespmem:$0x20]  }
0x1d: {  	v9 =	vld [tilespmem:$0x30]  }
0x1e: {  	v10 =	vld [tilespmem:$0x40]  }
0x1f: {  	v11 =	vld [tilespmem:$0x50]  }
0x20: {  	s24 =	simm.s32 $0xC0;
	v12 =	vld [tilespmem:$0x60]  }
0x21: {  	v13 =	vld [tilespmem:s24+$0xFFFFFFE0]  }
0x22: {  	v14 =	vld [tilespmem:s24+$0xFFFFFFF0]  }
0x23: {  	v15 =	vld [tilespmem:s24+$0x0]  }
0x24: {  	v16 =	vld [tilespmem:s24+$0x10]  }
0x25: {  	v17 =	vld [tilespmem:s24+$0x20]  }
0x26: {  	v18 =	vld [tilespmem:s24+$0xA0]  }
0x27: {  	v20 =	vld [tilespmem:s24+$0x90]  }
0x28: {  	v19 =	vld [tilespmem:s24+$0xFFFFFFC0]  }
0x29: {  	v46 =	vld [tilespmem:s24+$0xFFFFFFD0]  }
0x2a: {  	v36 =	vimm.f32 $-Inf;
	v44 =	vimm.f32 $-Inf;
	v41 =	vimm.f32 $-Inf;
	v22 =	vld [tilespmem:$0x70]  }
0x2b: {  	v35 =	vimm.f32 $-Inf;
	v32 =	vimm.f32 $-Inf;
	v23 =	vld [tilespmem:s24+$0x80];
	v31 =	vmin.f32 v10, v15  }
0x2c: {  	v38 =	vld [tilespmem:s24+$0x60];
	v24 =	vmax.f32 v11, v16;
	v21 =	vmin.f32 v12, v17;
	v12 =	vmax.f32 v12, v17  }
0x2d: {  	v49 =	vld [tilespmem:s24+$0x50];
	v37 =	vmax.f32 v9, v14;
	v34 =	vmax.f32 v10, v15;
	v33 =	vmin.f32 v11, v16  }
0x2e: {  	v45 =	vld [tilespmem:s24+$0x70];
	v39 =	vmax.f32 v7, v19;
	v47 =	vmax.f32 v8, v13;
	v50 =	vmin.f32 v9, v14  }
0x2f: {  	v43 =	vld [tilespmem:s24+$0x40];
	v63 =	vmin.f32 v29, v46;
	v54 =	vmin.f32 v7, v19;
	v7 =	vmin.f32 v8, v13  }
0x30: {  	v42 =	vld [tilespmem:s24+$0x30];
	v48 =	vmax.f32 v36, v21;
	v21 =	vmax.f32 v12, v18;
	v30 =	vmin.f32 v24, v20  }
0x31: {  	s23 =	simm.s32 $0x1;
	v40 =	vld [tilespmem:s24+$0xB0];
	s24 =	simm.s32 $0x1C0;
	v52 =	vmax.f32 v36, v63;
	v51 =	vmax.f32 v36, v7;
	v53 =	vmin.f32 v12, v18  }
.LBB2_2:
0x32: {  	v7 =	vld [tilespmem:s24+$0x80];
	s23 =	sadd.s32 $0x2, s23;
	v8 =	vmax.f32 v36, v54;
	v9 =	vmax.f32 v29, v46;
	v10 =	vmin.f32 v47, v38  }
0x33: {  	v11 =	vld [tilespmem:s24+$0xFFFFFFE0];
	p0 =	slt.u32 s23, $0x1F5;
	v12 =	vmin.f32 v9, v49;
	v29 =	vmax.f32 v9, v49;
	v9 =	vmax.f32 v48, v53  }
0x34: {  	v14 =	vmax.f32 v44, v50;
	v13 =	vld [tilespmem:s24+$0xFFFFFFF0];
	v15 =	vmin.f32 v39, v43;
	v12 =	vmax.f32 v52, v12  }
0x35: {  	v10 =	vmax.f32 v51, v10;
	v18 =	vmin.f32 v37, v45;
	v16 =	vld [tilespmem:s24+$0x0];
	v17 =	vmax.f32 v22, v42  }
0x36: {  	v36 =	vmax.f32 v8, v15;
	v8 =	vmax.f32 v47, v38;
	v15 =	vmax.f32 v37, v45;
	v19 =	vld [tilespmem:s24+$0x10]  }
0x37: {  	v26 =	vmax.f32 v41, v31;
	v44 =	vmax.f32 v14, v18;
	v14 =	vmax.f32 v34, v23;
	v25 =	vld [tilespmem:s24+$0x20]  }
0x38: {  	v28 =	vmin.f32 v34, v23;
	v27 =	vmax.f32 v39, v43;
	v34 =	vmin.f32 v17, v40;
	v23 =	vmovc v7;
	v18 =	vld [tilespmem:s24+$0xA0]  }
0x39: {  	v22 =	vmin.f32 v22, v42;
	v7 =	vmax.f32 v35, v33;
	v33 =	vmax.f32 v24, v20;
	v20 =	vld [tilespmem:s24+$0x90]  }
0x3a: {  	v41 =	vmax.f32 v26, v28;
	v24 =	vmax.f32 v32, v22;
	v22 =	vmax.f32 v17, v40;
	v42 =	vld [tilespmem:s24+$0xFFFFFFC0]  }
0x3b: {  	v35 =	vmax.f32 v7, v30;
	v32 =	vmax.f32 v24, v34;
	v31 =	vmin.f32 v14, v16;
	v46 =	vld [tilespmem:s24+$0xFFFFFFD0]  }
0x3c: {  	v24 =	vmax.f32 v33, v19;
	v7 =	vmin.f32 v21, v25;
	v17 =	vmax.f32 v21, v25;
	v38 =	vld [tilespmem:s24+$0x60]  }
.Ltmp0:
0x3d: {  	v37 =	vmax.f32 v15, v13;
	v48 =	vmax.f32 v9, v7;
	v49 =	vld [tilespmem:s24+$0x50];
	v21 =	vmax.f32 v17, v18;
	(pc) =	sbr.rel @p0 .LBB2_2-.Ltmp0, $4  }
0x3e: {  	v34 =	vmax.f32 v14, v16;
	v33 =	vmin.f32 v33, v19;
	v45 =	vld [tilespmem:s24+$0x70];
	v30 =	vmin.f32 v24, v20  }
0x3f: {  	v47 =	vmax.f32 v8, v11;
	v50 =	vmin.f32 v15, v13;
	v39 =	vmax.f32 v27, v42;
	v43 =	vld [tilespmem:s24+$0x40]  }
0x40: {  	v8 =	vmin.f32 v8, v11;
	v54 =	vmin.f32 v27, v42;
	v7 =	vmin.f32 v29, v46;
	v42 =	vld [tilespmem:s24+$0x30]  }
0x41: {  	v51 =	vmax.f32 v10, v8;
	v53 =	vmin.f32 v17, v18;
	v52 =	vmax.f32 v12, v7;
	v40 =	vld [tilespmem:s24+$0xB0];
	s24 =	sadd.s32 $0x100, s24  }
0x42: {  	v19 =	vld [tilespmem:$0x1F400]  }
0x43: {  	v18 =	vld [tilespmem:$0x1F410]  }
0x44: {  	v17 =	vld [tilespmem:$0x1F420]  }
0x45: {  	v15 =	vld [tilespmem:$0x1F430]  }
0x46: {  	v11 =	vld [tilespmem:$0x1F440]  }
0x47: {  	v10 =	vld [tilespmem:$0x1F450];
	v29 =	vmax.f32 v29, v46  }
0x48: {  	v36 =	vmax.f32 v36, v54;
	v48 =	vmax.f32 v48, v53;
	v61 =	vmin.f32 v29, v49  }
0x49: {  	v49 =	vmax.f32 v29, v49;
	v29 =	vmin.f32 v47, v38;
	v38 =	vmax.f32 v47, v38  }
0x4a: {  	vm0 =	vgt.s32 v19, $0x0;
	vm9 =	vgt.s32 v18, $0x0;
	vm10 =	vgt.s32 v17, $0x0  }
0x4b: {  	vm11 =	vgt.s32 v15, $0x0;
	vm12 =	vgt.s32 v11, $0x0;
	v8 =	vnsel vm9, $0x0, v18  }
0x4c: {  	vm13 =	vgt.s32 v10, $0x0;
	v9 =	vnsel vm10, $0x0, v17;
	v8 =	vmin.u32 v8, $0x1F7  }
0x4d: {  	v7 =	vnsel vm0, $0x0, v19;
	v13 =	vmin.u32 v9, $0x1F7;
	v9 =	vld [tilespmem:$0x1F470];
	v8 =	vshll.u32 v8, $0x7  }
0x4e: {  	v14 =	vnsel vm11, $0x0, v15;
	v16 =	vnsel vm12, $0x0, v11;
	v12 =	vor.u32 v1, v8;
	v8 =	vld [tilespmem:$0x1F460]  }
0x4f: {  	v57 =	vld [tilespmem:$0xFBD0];
	v25 =	vnsel vm13, $0x0, v10;
	v7 =	vmin.u32 v7, $0x1F7;
	v13 =	vshll.u32 v13, $0x7  }
0x50: {  	v46 =	vld [tilespmem:$0xFBC0];
	v14 =	vmin.u32 v14, $0x1F7;
	v7 =	vshll.u32 v7, $0x7;
	v13 =	vor.u32 v2, v13  }
0x51: {  	v58 =	vld [tilespmem:$0xFBB0];
	v16 =	vmin.u32 v16, $0x1F7;
	v25 =	vmin.u32 v25, $0x1F7;
	v7 =	vor.u32 v0, v7  }
0x52: {  	v53 =	vld [tilespmem:$0xFBA0];
	v14 =	vshll.u32 v14, $0x7;
	v16 =	vshll.u32 v16, $0x7;
	v25 =	vshll.u32 v25, $0x7  }
0x53: {  	v54 =	vld [tilespmem:$0xFB90];
	v16 =	vor.u32 v4, v16;
	vm15 =	vgt.s32 v9, $0x0;
	vm14 =	vgt.s32 v8, $0x0  }
0x54: {  	v47 =	vld [tilespmem:$0xFB80];
	v14 =	vor.u32 v3, v14;
	v28 =	vnsel vm15, $0x0, v9;
	v26 =	vnsel vm14, $0x0, v8  }
0x55: {  	v55 =	vor.u32 v5, v25;
	v25 =	vmin.u32 v28, $0x1F7;
	v28 =	vld.idx.msk [tilespmem:v13+s2+$0x0], $0xffff;
	v27 =	vmin.u32 v26, $0x1F7  }
0x56: {  	v26 =	vld.idx.msk [tilespmem:v7+s2+$0x0], $0xffff;
	v7 =	vshll.u32 v27, $0x7  }
0x57: {  	v25 =	vshll.u32 v25, $0x7;
	v27 =	vld.idx.msk [tilespmem:v12+s2+$0x0], $0xffff;
	v12 =	vor.u32 v6, v7;
	v7 =	vor.u32 $0x70, v0  }
0x58: {  	v16 =	vld.idx.msk [tilespmem:v16+s2+$0x0], $0xffff;
	v56 =	vor.u32 v7, v25  }
0x59: {  	v25 =	vld.idx.msk [tilespmem:v14+s2+$0x0], $0xffff  }
0x5a: {  	v14 =	vld.idx.msk [tilespmem:v55+s2+$0x0], $0xffff  }
0x5b: {  	v55 =	vld [tilespmem:$0xFBF0]  }
0x5c: {  	v44 =	vmax.f32 v44, v50;
	v31 =	vmax.f32 v41, v31;
	v13 =	vld.idx.msk [tilespmem:v12+s2+$0x0], $0xffff  }
0x5d: {  	v33 =	vmax.f32 v35, v33;
	v24 =	vmax.f32 v24, v20;
	v63 =	vmax.f32 v37, v45;
	v12 =	vld.idx.msk [tilespmem:v56+s2+$0x0], $0xffff  }
0x5e: {  	v30 =	vmax.f32 v33, v30;
	v62 =	vmin.f32 v39, v43;
	v52 =	vmax.f32 v52, v61;
	v56 =	vld [tilespmem:$0xFBE0];
	[tilespmem:s2], [sflag:$0x1] =	stream.strided.gather [hbm4b:s6+s14], $0xFC00, s15, s14, $0x38  }
0x5f: {  	v51 =	vmax.f32 v51, v29;
	v29 =	vmin.f32 v37, v45;
	v61 =	vmax.f32 v34, v23;
	_ =	swait.ge [sflag:s20], $0xF800  }
0x60: {  	v23 =	vmin.f32 v34, v23;
	v50 =	vmax.f32 v36, v62;
	v59 =	vmax.f32 v22, v42;
	[sflag:s20] =	ssyncset.done $0x0  }
0x61: {  	s24 =	simm.s32 $0xFC80;
	v60 =	vmax.f32 v44, v29;
	v62 =	vmax.f32 v39, v43;
	v22 =	vmin.f32 v22, v42;
	[sflag:s20] =	ssyncadd.s32 $0xFFFF0800  }
0x62: {  	v31 =	vmax.f32 v31, v23;
	v29 =	vmin.f32 v59, v40;
	v20 =	vmax.f32 v32, v22;
	v23 =	vld [tilespmem:s24+$0x40]  }
0x63: {  	v22 =	vmax.f32 v59, v40;
	v20 =	vmax.f32 v20, v29;
	v45 =	vmax.f32 v24, v57;
	v33 =	vld [tilespmem:s24+$0xFFFFFFA0]  }
0x64: {  	v37 =	vmax.f32 v49, v54;
	v29 =	vmin.f32 v22, v55;
	v22 =	vmax.f32 v22, v55;
	v35 =	vld [tilespmem:s24+$0xFFFFFFB0]  }
0x65: {  	v20 =	vmax.f32 v20, v29;
	v34 =	vld [tilespmem:s24+$0xFFFFFFC0];
	v29 =	vmin.f32 v21, v56;
	v21 =	vmax.f32 v21, v56  }
0x66: {  	v55 =	vld [tilespmem:s24+$0xFFFFFFD0];
	v32 =	vmax.f32 v48, v29;
	v29 =	vmin.f32 v24, v57;
	v24 =	vmin.f32 v61, v46  }
0x67: {  	v44 =	vld [tilespmem:s24+$0x20];
	v46 =	vmax.f32 v61, v46;
	v61 =	vmax.f32 v62, v47;
	v29 =	vmax.f32 v30, v29  }
0x68: {  	v57 =	vld [tilespmem:s24+$0x60];
	v36 =	vmax.f32 v31, v24;
	v24 =	vmin.f32 v63, v58;
	v63 =	vmax.f32 v63, v58  }
0x69: {  	v31 =	vld [tilespmem:s24+$0xFFFFFFE0];
	v58 =	vmax.f32 v38, v53;
	v30 =	vmin.f32 v49, v54;
	v39 =	vmax.f32 v60, v24  }
0x6a: {  	v24 =	vmin.f32 v38, v53;
	v52 =	vmax.f32 v52, v30;
	v30 =	vmin.f32 v62, v47;
	v60 =	vld [tilespmem:s24+$0xFFFFFF80]  }
0x6b: {  	v47 =	vld [tilespmem:s24+$0xFFFFFF90];
	v51 =	vmax.f32 v51, v24;
	v42 =	vmax.f32 v50, v30;
	v40 =	vmin.f32 v46, v34  }
0x6c: {  	v24 =	vld [tilespmem:s24+$0x50];
	v30 =	vmax.f32 v45, v55;
	v43 =	vmax.f32 v63, v35;
	v34 =	vmax.f32 v46, v34  }
0x6d: {  	v41 =	vld [tilespmem:s24+$0x0];
	v46 =	vmax.f32 v58, v33;
	v50 =	vmin.f32 v63, v35;
	v33 =	vmin.f32 v58, v33  }
0x6e: {  	v49 =	vld [tilespmem:s24+$0x10];
	v51 =	vmax.f32 v51, v33;
	v62 =	vmin.f32 v21, v31;
	v59 =	vmax.f32 v21, v31  }
0x6f: {  	v35 =	vld [tilespmem:s24+$0xFFFFFFF0];
	v48 =	vmax.f32 v32, v62;
	v21 =	vmax.f32 v59, v57;
	v32 =	vmin.f32 v45, v55  }
0x70: {  	v45 =	vld [tilespmem:s24+$0x30];
	v38 =	vmax.f32 v61, v60;
	v53 =	vmin.f32 v61, v60;
	v63 =	vmin.f32 v37, v47  }
0x71: {  	s23 =	simm.s32 $0x0;
	v33 =	vld [tilespmem:s24+$0x70];
	v54 =	vmin.f32 v59, v57;
	s24 =	simm.s32 $0xFD80;
	v31 =	vmin.f32 v30, v24;
	v52 =	vmax.f32 v52, v63  }
.LBB2_4:
0x72: {  	v55 =	vld [tilespmem:s24+$0x40];
	s23 =	sadd.s32 $0x2, s23;
	v42 =	vmax.f32 v42, v53;
	v37 =	vmax.f32 v37, v47;
	v47 =	vmin.f32 v46, v44  }
0x73: {  	v48 =	vmax.f32 v48, v54;
	v56 =	vld [tilespmem:s24+$0xFFFFFFA0];
	p0 =	slt.u32 s23, $0x1EE;
	v53 =	vmin.f32 v37, v49;
	v37 =	vmax.f32 v37, v49  }
0x74: {  	v39 =	vmax.f32 v39, v50;
	v54 =	vld [tilespmem:s24+$0xFFFFFFB0];
	v49 =	vmin.f32 v38, v41;
	v52 =	vmax.f32 v52, v53  }
0x75: {  	v51 =	vmax.f32 v51, v47;
	v47 =	vmin.f32 v43, v45;
	v50 =	vld [tilespmem:s24+$0xFFFFFFC0];
	v53 =	vmax.f32 v22, v35  }
0x76: {  	v58 =	vmax.f32 v46, v44;
	v59 =	vmax.f32 v43, v45;
	v42 =	vmax.f32 v42, v49;
	v57 =	vld [tilespmem:s24+$0xFFFFFFD0]  }
0x77: {  	v36 =	vmax.f32 v36, v40;
	v45 =	vmax.f32 v34, v23;
	v39 =	vmax.f32 v39, v47;
	v43 =	vld [tilespmem:s24+$0xFFFFFFE0]  }
0x78: {  	v34 =	vmin.f32 v34, v23;
	v61 =	vmax.f32 v38, v41;
	v38 =	vmin.f32 v53, v33;
	v23 =	vmovc v55;
	v60 =	vld [tilespmem:s24+$0x60]  }
0x79: {  	v29 =	vmax.f32 v29, v32;
	v32 =	vmax.f32 v30, v24;
	v22 =	vmin.f32 v22, v35;
	v24 =	vld [tilespmem:s24+$0x50]  }
0x7a: {  	v36 =	vmax.f32 v36, v34;
	v20 =	vmax.f32 v20, v22;
	v22 =	vmax.f32 v53, v33;
	v35 =	vld [tilespmem:s24+$0xFFFFFF80]  }
0x7b: {  	v29 =	vmax.f32 v29, v31;
	v20 =	vmax.f32 v20, v38;
	v40 =	vmin.f32 v45, v50;
	v47 =	vld [tilespmem:s24+$0xFFFFFF90]  }
0x7c: {  	v30 =	vmax.f32 v32, v57;
	v31 =	vmin.f32 v21, v43;
	v33 =	vmax.f32 v21, v43;
	v44 =	vld [tilespmem:s24+$0x20]  }
.Ltmp1:
0x7d: {  	v43 =	vmax.f32 v59, v54;
	v48 =	vmax.f32 v48, v31;
	v49 =	vld [tilespmem:s24+$0x10];
	v21 =	vmax.f32 v33, v60;
	(pc) =	sbr.rel @p0 .LBB2_4-.Ltmp1, $4  }
0x7e: {  	v34 =	vmax.f32 v45, v50;
	v32 =	vmin.f32 v32, v57;
	v45 =	vld [tilespmem:s24+$0x30];
	v31 =	vmin.f32 v30, v24  }
0x7f: {  	v46 =	vmax.f32 v58, v56;
	v50 =	vmin.f32 v59, v54;
	v38 =	vmax.f32 v61, v35;
	v41 =	vld [tilespmem:s24+$0x0]  }
0x80: {  	v55 =	vmin.f32 v58, v56;
	v53 =	vmin.f32 v61, v35;
	v54 =	vmin.f32 v37, v47;
	v35 =	vld [tilespmem:s24+$0xFFFFFFF0]  }
0x81: {  	v51 =	vmax.f32 v51, v55;
	v52 =	vmax.f32 v52, v54;
	v54 =	vmin.f32 v33, v60;
	v33 =	vld [tilespmem:s24+$0x70];
	s24 =	sadd.s32 $0x100, s24  }
0x82: {  	v37 =	vmax.f32 v37, v47  }
0x83: {  	v42 =	vmax.f32 v42, v53;
	v63 =	vmin.f32 v46, v44;
	v39 =	vmax.f32 v39, v50  }
0x84: {  	vm9 =	vlt.u32 v19, $0x1F8;
	v44 =	vmax.f32 v46, v44;
	vm10 =	vlt.u32 v18, $0x1F8  }
0x85: {  	vm11 =	vlt.u32 v17, $0x1F8;
	v36 =	vmax.f32 v36, v40;
	vm12 =	vlt.u32 v15, $0x1F8  }
0x86: {  	v55 =	vld [tilespmem:$0x1F400];
	v29 =	vmax.f32 v29, v32;
	v24 =	vmax.f32 v30, v24;
	v47 =	vmin.f32 v37, v49  }
0x87: {  	v58 =	vld [tilespmem:$0x1F410];
	v49 =	vmax.f32 v37, v49;
	v37 =	vmax.f32 v48, v54;
	v51 =	vmax.f32 v51, v63  }
0x88: {  	v19 =	vld [tilespmem:$0x1F420];
	v53 =	vmin.f32 v43, v45;
	v26 =	vnsel vm9, $0xFF800000, v26;
	v43 =	vmax.f32 v43, v45  }
0x89: {  	v18 =	vld [tilespmem:$0x1F430];
	v27 =	vnsel vm10, $0xFF800000, v27;
	v28 =	vnsel vm11, $0xFF800000, v28;
	v25 =	vnsel vm12, $0xFF800000, v25  }
0x8a: {  	v59 =	vld [tilespmem:$0x1F440];
	vm9 =	vlt.u32 v11, $0x1F8;
	vm10 =	vlt.u32 v10, $0x1F8;
	vm11 =	vlt.u32 v8, $0x1F8  }
0x8b: {  	v60 =	vld [tilespmem:$0x1F450];
	vm12 =	vlt.u32 v9, $0x1F8;
	v57 =	vmin.f32 v38, v41;
	v47 =	vmax.f32 v52, v47  }
0x8c: {  	v61 =	vld [tilespmem:$0x1F460];
	v39 =	vmax.f32 v39, v53;
	v38 =	vmax.f32 v38, v41;
	v16 =	vnsel vm9, $0xFF800000, v16  }
0x8d: {  	v62 =	vld [tilespmem:$0x1F470];
	v14 =	vnsel vm10, $0xFF800000, v14;
	v13 =	vnsel vm11, $0xFF800000, v13;
	v55 =	vadd.s32 $0xFFFFFE08, v55  }
0x8e: {  	v12 =	vnsel vm12, $0xFF800000, v12;
	v42 =	vmax.f32 v42, v57;
	vm0 =	vgt.s32 v55, $0x0  }
0x8f: {  	v40 =	vadd.s32 $0xFFFFFE08, v58;
	v19 =	vadd.s32 $0xFFFFFE08, v19;
	v56 =	vnsel vm0, $0x0, v55  }
0x90: {  	v18 =	vadd.s32 $0xFFFFFE08, v18;
	v17 =	vadd.s32 $0xFFFFFE08, v59;
	v56 =	vmin.u32 v56, $0x1EF  }
0x91: {  	v15 =	vadd.s32 $0xFFFFFE08, v60;
	v45 =	vadd.s32 $0xFFFFFE08, v61;
	v56 =	vshll.u32 v56, $0x7  }
0x92: {  	v46 =	vadd.s32 $0xFFFFFE08, v62;
	vm13 =	vlt.u32 v55, $0x1F0;
	v56 =	vor.u32 v0, v56  }
0x93: {  	vm14 =	vgt.s32 v40, $0x0;
	vm15 =	vgt.s32 v19, $0x0;
	vm4 =	vgt.s32 v18, $0x0  }
0x94: {  	vm5 =	vgt.s32 v17, $0x0;
	vm6 =	vgt.s32 v15, $0x0;
	vm7 =	vgt.s32 v45, $0x0  }
0x95: {  	vm8 =	vgt.s32 v46, $0x0;
	v63 =	vnsel vm14, $0x0, v40;
	v50 =	vnsel vm15, $0x0, v19  }
0x96: {  	v57 =	vnsel vm4, $0x0, v18;
	v60 =	vnsel vm7, $0x0, v45;
	v61 =	vmin.u32 v63, $0x1EF  }
0x97: {  	v62 =	vnsel vm8, $0x0, v46;
	v53 =	vmin.u32 v60, $0x1EF;
	v63 =	vshll.u32 v61, $0x7;
	v56 =	vld.idx.msk [tilespmem:v56+s16+$0x0], $0xffff  }
0x98: {  	v48 =	vmin.u32 v62, $0x1EF;
	v53 =	vshll.u32 v53, $0x7;
	v11 =	vor.u32 v1, v63  }
0x99: {  	v50 =	vmin.u32 v50, $0x1EF;
	v48 =	vshll.u32 v48, $0x7;
	v53 =	vor.u32 v6, v53  }
0x9a: {  	v58 =	vnsel vm5, $0x0, v17;
	v41 =	vshll.u32 v50, $0x7;
	v48 =	vor.u32 v7, v48  }
0x9b: {  	v59 =	vnsel vm6, $0x0, v15;
	vm14 =	vlt.u32 v19, $0x1F0;
	v41 =	vor.u32 v2, v41  }
0x9c: {  	vm15 =	vlt.u32 v18, $0x1F0;
	v26 =	vsel vm13, v56, v26;
	v56 =	vmin.u32 v57, $0x1EF  }
0x9d: {  	vm4 =	vlt.u32 v17, $0x1F0;
	vm5 =	vlt.u32 v15, $0x1F0;
	v11 =	vld.idx.msk [tilespmem:v11+s16+$0x0], $0xffff;
	v50 =	vshll.u32 v56, $0x7  }
0x9e: {  	v19 =	vld.idx.msk [tilespmem:v53+s16+$0x0], $0xffff;
	v57 =	vmin.u32 v58, $0x1EF;
	v58 =	vmin.u32 v59, $0x1EF;
	v50 =	vor.u32 v3, v50  }
0x9f: {  	vm6 =	vlt.u32 v45, $0x1F0;
	v60 =	vmax.f32 v22, v35;
	v18 =	vld.idx.msk [tilespmem:v48+s16+$0x0], $0xffff;
	v54 =	vshll.u32 v58, $0x7  }
0xa0: {  	v22 =	vmin.f32 v22, v35;
	v41 =	vld.idx.msk [tilespmem:v41+s16+$0x0], $0xffff;
	v52 =	vshll.u32 v57, $0x7;
	v54 =	vor.u32 v5, v54  }
0xa1: {  	v62 =	vmin.f32 v60, v33;
	v35 =	vmax.f32 v20, v22;
	v52 =	vor.u32 v4, v52  }
0xa2: {  	vm7 =	vlt.u32 v46, $0x1F0;
	v17 =	vmax.f32 v35, v62;
	v48 =	vmax.f32 v60, v33  }
0xa3: {  	v59 =	vmax.f32 v34, v23;
	v23 =	vmin.f32 v34, v23;
	vm13 =	vlt.u32 v40, $0x1F0;
	v8 =	vld.idx.msk [tilespmem:v50+s16+$0x0], $0xffff  }
0xa4: {  	v13 =	vsel vm6, v19, v13;
	v19 =	vmax.f32 v29, v31;
	v12 =	vsel vm7, v18, v12  }
0xa5: {  	v11 =	vsel vm13, v11, v27;
	v27 =	vsel vm14, v41, v28;
	vm8 =	veq.f32 v26, v38;
	v63 =	vld.idx.msk [tilespmem:v54+s16+$0x0], $0xffff  }
0xa6: {  	v41 =	vmax.f32 v36, v23;
	v18 =	vsel vm8, v42, v38;
	vm9 =	veq.f32 v11, v49;
	v61 =	vld.idx.msk [tilespmem:v52+s16+$0x0], $0xffff  }
0xa7: {  	vm10 =	veq.f32 v27, v44;
	v18 =	vsub.f32 v18, v26;
	v20 =	vsel vm9, v47, v49  }
0xa8: {  	v11 =	vsub.f32 v20, v11;
	v20 =	vsel vm10, v51, v44;
	v8 =	vsel vm15, v8, v25  }
0xa9: {  	vm14 =	veq.f32 v13, v21;
	[tilespmem:$0x1F600] =	vst v18;
	v18 =	vsub.f32 v20, v27;
	vm11 =	veq.f32 v8, v43  }
0xaa: {  	v52 =	vsel vm14, v37, v21;
	v14 =	vsel vm5, v63, v14;
	v20 =	vsel vm11, v39, v43  }
0xab: {  	[tilespmem:$0x1F610] =	vst v11;
	v9 =	vsel vm4, v61, v16;
	vm13 =	veq.f32 v14, v24;
	v8 =	vsub.f32 v20, v8  }
0xac: {  	v53 =	vsub.f32 v52, v13;
	[tilespmem:$0x1F620] =	vst v18;
	vm12 =	veq.f32 v9, v59;
	v51 =	vsel vm13, v19, v24  }
0xad: {  	vm15 =	veq.f32 v12, v48;
	v10 =	vsel vm12, v41, v59;
	[tilespmem:$0x1F630] =	vst v8;
	v8 =	vsub.f32 v51, v14  }
0xae: {  	[tilespmem:$0x1F660] =	vst v53;
	v54 =	vsel vm15, v17, v48;
	v9 =	vsub.f32 v10, v9  }
0xaf: {  	[tilespmem:$0x1F650] =	vst v8;
	v8 =	vsub.f32 v54, v12  }
0xb0: {  	[tilespmem:$0x1F640] =	vst v9  }
0xb1: {  	[tilespmem:$0x1F670] =	vst v8  }
0xb2: {  	[tilespmem:s16], [sflag:$0x2] =	stream.strided.gather [hbm4b:s7+s14], $0xF800, s15, s14, $0x38;
	[tilespmem:$0x1F800] =	vst v63  }
0xb3: {  	_ =	swait.ge [sflag:s19], $0xFC00  }
0xb4: {  	[sflag:s19] =	ssyncset.done $0x0  }
0xb5: {  	[sflag:s19] =	ssyncadd.s32 $0xFFFF0400  }
0xb6: {  	v8 =	vld [tilespmem:$0x0]  }
0xb7: {  	v29 =	vld [tilespmem:$0x10]  }
0xb8: {  	v9 =	vld [tilespmem:$0x20]  }
0xb9: {  	v55 =	vld [tilespmem:$0x30]  }
0xba: {  	v56 =	vld [tilespmem:$0x40]  }
0xbb: {  	v57 =	vld [tilespmem:$0x50]  }
0xbc: {  	s24 =	simm.s32 $0xC0;
	v58 =	vld [tilespmem:$0x60]  }
0xbd: {  	v59 =	vld [tilespmem:s24+$0xFFFFFFE0]  }
0xbe: {  	v60 =	vld [tilespmem:s24+$0xFFFFFFF0]  }
0xbf: {  	v61 =	vld [tilespmem:s24+$0x0]  }
0xc0: {  	v62 =	vld [tilespmem:s24+$0x10]  }
0xc1: {  	v18 =	vld [tilespmem:s24+$0x20]  }
0xc2: {  	v19 =	vld [tilespmem:s24+$0xA0]  }
0xc3: {  	v20 =	vld [tilespmem:s24+$0x90]  }
0xc4: {  	v25 =	vld [tilespmem:s24+$0xFFFFFFC0]  }
0xc5: {  	v46 =	vld [tilespmem:s24+$0xFFFFFFD0]  }
0xc6: {  	v32 =	vimm.f32 $-Inf;
	v35 =	vimm.f32 $-Inf;
	v36 =	vimm.f32 $-Inf;
	v22 =	vld [tilespmem:$0x70]  }
0xc7: {  	v44 =	vimm.f32 $-Inf;
	v41 =	vimm.f32 $-Inf;
	v23 =	vld [tilespmem:s24+$0x80];
	v31 =	vmin.f32 v56, v61  }
0xc8: {  	v38 =	vld [tilespmem:s24+$0x60];
	v24 =	vmax.f32 v57, v62;
	v21 =	vmin.f32 v58, v18;
	v13 =	vmax.f32 v58, v18  }
0xc9: {  	v49 =	vld [tilespmem:s24+$0x50];
	v37 =	vmax.f32 v55, v60;
	v34 =	vmax.f32 v56, v61;
	v33 =	vmin.f32 v57, v62  }
0xca: {  	v45 =	vld [tilespmem:s24+$0x70];
	v39 =	vmax.f32 v8, v25;
	v47 =	vmax.f32 v9, v59;
	v50 =	vmin.f32 v55, v60  }
0xcb: {  	v43 =	vld [tilespmem:s24+$0x40];
	v63 =	vmin.f32 v29, v46;
	v54 =	vmin.f32 v8, v25;
	v8 =	vmin.f32 v9, v59  }
0xcc: {  	v42 =	vld [tilespmem:s24+$0x30];
	v48 =	vmax.f32 v36, v21;
	v21 =	vmax.f32 v13, v19;
	v30 =	vmin.f32 v24, v20  }
0xcd: {  	s23 =	simm.s32 $0x1;
	v40 =	vld [tilespmem:s24+$0xB0];
	s24 =	simm.s32 $0x1C0;
	v52 =	vmax.f32 v36, v63;
	v51 =	vmax.f32 v36, v8;
	v53 =	vmin.f32 v13, v19  }
.LBB2_6:
0xce: {  	v8 =	vld [tilespmem:s24+$0x80];
	s23 =	sadd.s32 $0x2, s23;
	v9 =	vmax.f32 v36, v54;
	v10 =	vmax.f32 v29, v46;
	v11 =	vmin.f32 v47, v38  }
0xcf: {  	v12 =	vld [tilespmem:s24+$0xFFFFFFE0];
	p0 =	slt.u32 s23, $0x1F5;
	v13 =	vmin.f32 v10, v49;
	v29 =	vmax.f32 v10, v49;
	v10 =	vmax.f32 v48, v53  }
0xd0: {  	v15 =	vmax.f32 v44, v50;
	v14 =	vld [tilespmem:s24+$0xFFFFFFF0];
	v16 =	vmin.f32 v39, v43;
	v13 =	vmax.f32 v52, v13  }
0xd1: {  	v11 =	vmax.f32 v51, v11;
	v19 =	vmin.f32 v37, v45;
	v17 =	vld [tilespmem:s24+$0x0];
	v18 =	vmax.f32 v22, v42  }
0xd2: {  	v36 =	vmax.f32 v9, v16;
	v9 =	vmax.f32 v47, v38;
	v16 =	vmax.f32 v37, v45;
	v25 =	vld [tilespmem:s24+$0x10]  }
0xd3: {  	v27 =	vmax.f32 v41, v31;
	v44 =	vmax.f32 v15, v19;
	v15 =	vmax.f32 v34, v23;
	v26 =	vld [tilespmem:s24+$0x20]  }
0xd4: {  	v31 =	vmin.f32 v34, v23;
	v28 =	vmax.f32 v39, v43;
	v34 =	vmin.f32 v18, v40;
	v23 =	vmovc v8;
	v19 =	vld [tilespmem:s24+$0xA0]  }
0xd5: {  	v22 =	vmin.f32 v22, v42;
	v8 =	vmax.f32 v35, v33;
	v33 =	vmax.f32 v24, v20;
	v20 =	vld [tilespmem:s24+$0x90]  }
0xd6: {  	v41 =	vmax.f32 v27, v31;
	v24 =	vmax.f32 v32, v22;
	v22 =	vmax.f32 v18, v40;
	v42 =	vld [tilespmem:s24+$0xFFFFFFC0]  }
0xd7: {  	v35 =	vmax.f32 v8, v30;
	v32 =	vmax.f32 v24, v34;
	v31 =	vmin.f32 v15, v17;
	v46 =	vld [tilespmem:s24+$0xFFFFFFD0]  }
0xd8: {  	v24 =	vmax.f32 v33, v25;
	v8 =	vmin.f32 v21, v26;
	v18 =	vmax.f32 v21, v26;
	v38 =	vld [tilespmem:s24+$0x60]  }
.Ltmp2:
0xd9: {  	v37 =	vmax.f32 v16, v14;
	v48 =	vmax.f32 v10, v8;
	v49 =	vld [tilespmem:s24+$0x50];
	v21 =	vmax.f32 v18, v19;
	(pc) =	sbr.rel @p0 .LBB2_6-.Ltmp2, $4  }
0xda: {  	v34 =	vmax.f32 v15, v17;
	v33 =	vmin.f32 v33, v25;
	v45 =	vld [tilespmem:s24+$0x70];
	v30 =	vmin.f32 v24, v20  }
0xdb: {  	v47 =	vmax.f32 v9, v12;
	v50 =	vmin.f32 v16, v14;
	v39 =	vmax.f32 v28, v42;
	v43 =	vld [tilespmem:s24+$0x40]  }
0xdc: {  	v9 =	vmin.f32 v9, v12;
	v54 =	vmin.f32 v28, v42;
	v8 =	vmin.f32 v29, v46;
	v42 =	vld [tilespmem:s24+$0x30]  }
0xdd: {  	v51 =	vmax.f32 v11, v9;
	v53 =	vmin.f32 v18, v19;
	v52 =	vmax.f32 v13, v8;
	v40 =	vld [tilespmem:s24+$0xB0];
	s24 =	sadd.s32 $0x100, s24  }
0xde: {  	v19 =	vld [tilespmem:$0x1F480]  }
0xdf: {  	v18 =	vld [tilespmem:$0x1F490]  }
0xe0: {  	v17 =	vld [tilespmem:$0x1F4A0]  }
0xe1: {  	v11 =	vld [tilespmem:$0x1F4C0]  }
0xe2: {  	v29 =	vmax.f32 v29, v46;
	v36 =	vmax.f32 v36, v54;
	v48 =	vmax.f32 v48, v53  }
0xe3: {  	v61 =	vmin.f32 v29, v49;
	v49 =	vmax.f32 v29, v49;
	vm0 =	vgt.s32 v19, $0x0  }
0xe4: {  	v10 =	vld [tilespmem:$0x1F4D0];
	v29 =	vmin.f32 v47, v38;
	vm9 =	vgt.s32 v18, $0x0;
	v8 =	vnsel vm0, $0x0, v19  }
0xe5: {  	v16 =	vld [tilespmem:$0x1F4B0];
	vm10 =	vgt.s32 v17, $0x0;
	v9 =	vnsel vm9, $0x0, v18;
	v8 =	vmin.u32 v8, $0x1F7  }
0xe6: {  	vm12 =	vgt.s32 v11, $0x0;
	v9 =	vmin.u32 v9, $0x1F7;
	v8 =	vshll.u32 v8, $0x7  }
0xe7: {  	v57 =	vld [tilespmem:$0xFBD0];
	v25 =	vnsel vm12, $0x0, v11;
	v12 =	vor.u32 v0, v8;
	v8 =	vshll.u32 v9, $0x7  }
0xe8: {  	v25 =	vmin.u32 v25, $0x1F7;
	v9 =	vnsel vm10, $0x0, v17;
	v13 =	vor.u32 v1, v8;
	v8 =	vld [tilespmem:$0x1F4E0]  }
0xe9: {  	vm13 =	vgt.s32 v10, $0x0;
	v25 =	vshll.u32 v25, $0x7;
	v14 =	vmin.u32 v9, $0x1F7;
	v9 =	vld [tilespmem:$0x1F4F0]  }
0xea: {  	v46 =	vld [tilespmem:$0xFBC0];
	vm11 =	vgt.s32 v16, $0x0;
	v55 =	vor.u32 v4, v25;
	v25 =	vnsel vm13, $0x0, v10  }
0xeb: {  	v58 =	vld [tilespmem:$0xFBB0];
	v15 =	vnsel vm11, $0x0, v16;
	v25 =	vmin.u32 v25, $0x1F7;
	v14 =	vshll.u32 v14, $0x7  }
0xec: {  	v53 =	vld [tilespmem:$0xFBA0];
	v15 =	vmin.u32 v15, $0x1F7;
	v25 =	vshll.u32 v25, $0x7;
	v14 =	vor.u32 v2, v14  }
0xed: {  	v15 =	vshll.u32 v15, $0x7;
	v27 =	vld.idx.msk [tilespmem:v12+s2+$0x0], $0xffff;
	v12 =	vor.u32 v5, v25;
	vm14 =	vgt.s32 v8, $0x0  }
0xee: {  	v54 =	vld [tilespmem:$0xFB90];
	v15 =	vor.u32 v3, v15;
	vm15 =	vgt.s32 v9, $0x0;
	v26 =	vnsel vm14, $0x0, v8  }
0xef: {  	v38 =	vmax.f32 v47, v38;
	v47 =	vld [tilespmem:$0xFB80];
	v28 =	vnsel vm15, $0x0, v9;
	v26 =	vmin.u32 v26, $0x1F7  }
0xf0: {  	v25 =	vshll.u32 v26, $0x7;
	v26 =	vmin.u32 v28, $0x1F7;
	v28 =	vld.idx.msk [tilespmem:v13+s2+$0x0], $0xffff  }
0xf1: {  	v13 =	vor.u32 v6, v25;
	v25 =	vshll.u32 v26, $0x7;
	v26 =	vld.idx.msk [tilespmem:v14+s2+$0x0], $0xffff  }
0xf2: {  	v14 =	vld.idx.msk [tilespmem:v12+s2+$0x0], $0xffff;
	v56 =	vor.u32 v7, v25  }
0xf3: {  	v25 =	vld.idx.msk [tilespmem:v15+s2+$0x0], $0xffff  }
0xf4: {  	v15 =	vld.idx.msk [tilespmem:v55+s2+$0x0], $0xffff  }
0xf5: {  	v55 =	vld [tilespmem:$0xFBF0]  }
0xf6: {  	v44 =	vmax.f32 v44, v50;
	v31 =	vmax.f32 v41, v31;
	v13 =	vld.idx.msk [tilespmem:v13+s2+$0x0], $0xffff  }
0xf7: {  	v33 =	vmax.f32 v35, v33;
	v24 =	vmax.f32 v24, v20;
	v63 =	vmax.f32 v37, v45;
	v12 =	vld.idx.msk [tilespmem:v56+s2+$0x0], $0xffff  }
0xf8: {  	v30 =	vmax.f32 v33, v30;
	v62 =	vmin.f32 v39, v43;
	v52 =	vmax.f32 v52, v61;
	v56 =	vld [tilespmem:$0xFBE0];
	[tilespmem:s2], [sflag:$0x1] =	stream.strided.gather [hbm4b:s8+s14], $0xFC00, s15, s14, $0x38  }
0xf9: {  	v51 =	vmax.f32 v51, v29;
	v29 =	vmin.f32 v37, v45;
	v61 =	vmax.f32 v34, v23;
	_ =	swait.ge [sflag:s20], $0xF800  }
0xfa: {  	v23 =	vmin.f32 v34, v23;
	v50 =	vmax.f32 v36, v62;
	v59 =	vmax.f32 v22, v42;
	[sflag:s20] =	ssyncset.done $0x0  }
0xfb: {  	s24 =	simm.s32 $0xFC80;
	v60 =	vmax.f32 v44, v29;
	v62 =	vmax.f32 v39, v43;
	v22 =	vmin.f32 v22, v42;
	[sflag:s20] =	ssyncadd.s32 $0xFFFF0800  }
0xfc: {  	v31 =	vmax.f32 v31, v23;
	v29 =	vmin.f32 v59, v40;
	v20 =	vmax.f32 v32, v22;
	v23 =	vld [tilespmem:s24+$0x40]  }
0xfd: {  	v22 =	vmax.f32 v59, v40;
	v20 =	vmax.f32 v20, v29;
	v45 =	vmax.f32 v24, v57;
	v33 =	vld [tilespmem:s24+$0xFFFFFFA0]  }
0xfe: {  	v37 =	vmax.f32 v49, v54;
	v29 =	vmin.f32 v22, v55;
	v22 =	vmax.f32 v22, v55;
	v35 =	vld [tilespmem:s24+$0xFFFFFFB0]  }
0xff: {  	v20 =	vmax.f32 v20, v29;
	v34 =	vld [tilespmem:s24+$0xFFFFFFC0];
	v29 =	vmin.f32 v21, v56;
	v21 =	vmax.f32 v21, v56  }
0x100: {  	v55 =	vld [tilespmem:s24+$0xFFFFFFD0];
	v32 =	vmax.f32 v48, v29;
	v29 =	vmin.f32 v24, v57;
	v24 =	vmin.f32 v61, v46  }
0x101: {  	v44 =	vld [tilespmem:s24+$0x20];
	v46 =	vmax.f32 v61, v46;
	v61 =	vmax.f32 v62, v47;
	v29 =	vmax.f32 v30, v29  }
0x102: {  	v57 =	vld [tilespmem:s24+$0x60];
	v36 =	vmax.f32 v31, v24;
	v24 =	vmin.f32 v63, v58;
	v63 =	vmax.f32 v63, v58  }
0x103: {  	v31 =	vld [tilespmem:s24+$0xFFFFFFE0];
	v58 =	vmax.f32 v38, v53;
	v30 =	vmin.f32 v49, v54;
	v39 =	vmax.f32 v60, v24  }
0x104: {  	v24 =	vmin.f32 v38, v53;
	v52 =	vmax.f32 v52, v30;
	v30 =	vmin.f32 v62, v47;
	v60 =	vld [tilespmem:s24+$0xFFFFFF80]  }
0x105: {  	v47 =	vld [tilespmem:s24+$0xFFFFFF90];
	v51 =	vmax.f32 v51, v24;
	v42 =	vmax.f32 v50, v30;
	v40 =	vmin.f32 v46, v34  }
0x106: {  	v24 =	vld [tilespmem:s24+$0x50];
	v30 =	vmax.f32 v45, v55;
	v43 =	vmax.f32 v63, v35;
	v34 =	vmax.f32 v46, v34  }
0x107: {  	v41 =	vld [tilespmem:s24+$0x0];
	v46 =	vmax.f32 v58, v33;
	v50 =	vmin.f32 v63, v35;
	v33 =	vmin.f32 v58, v33  }
0x108: {  	v49 =	vld [tilespmem:s24+$0x10];
	v51 =	vmax.f32 v51, v33;
	v62 =	vmin.f32 v21, v31;
	v59 =	vmax.f32 v21, v31  }
0x109: {  	v35 =	vld [tilespmem:s24+$0xFFFFFFF0];
	v48 =	vmax.f32 v32, v62;
	v21 =	vmax.f32 v59, v57;
	v32 =	vmin.f32 v45, v55  }
0x10a: {  	v45 =	vld [tilespmem:s24+$0x30];
	v38 =	vmax.f32 v61, v60;
	v53 =	vmin.f32 v61, v60;
	v63 =	vmin.f32 v37, v47  }
0x10b: {  	s23 =	simm.s32 $0x0;
	v33 =	vld [tilespmem:s24+$0x70];
	v54 =	vmin.f32 v59, v57;
	s24 =	simm.s32 $0xFD80;
	v31 =	vmin.f32 v30, v24;
	v52 =	vmax.f32 v52, v63  }
.LBB2_8:
0x10c: {  	v55 =	vld [tilespmem:s24+$0x40];
	s23 =	sadd.s32 $0x2, s23;
	v42 =	vmax.f32 v42, v53;
	v37 =	vmax.f32 v37, v47;
	v47 =	vmin.f32 v46, v44  }
0x10d: {  	v48 =	vmax.f32 v48, v54;
	v56 =	vld [tilespmem:s24+$0xFFFFFFA0];
	p0 =	slt.u32 s23, $0x1EE;
	v53 =	vmin.f32 v37, v49;
	v37 =	vmax.f32 v37, v49  }
0x10e: {  	v39 =	vmax.f32 v39, v50;
	v54 =	vld [tilespmem:s24+$0xFFFFFFB0];
	v49 =	vmin.f32 v38, v41;
	v52 =	vmax.f32 v52, v53  }
0x10f: {  	v51 =	vmax.f32 v51, v47;
	v47 =	vmin.f32 v43, v45;
	v50 =	vld [tilespmem:s24+$0xFFFFFFC0];
	v53 =	vmax.f32 v22, v35  }
0x110: {  	v58 =	vmax.f32 v46, v44;
	v59 =	vmax.f32 v43, v45;
	v42 =	vmax.f32 v42, v49;
	v57 =	vld [tilespmem:s24+$0xFFFFFFD0]  }
0x111: {  	v36 =	vmax.f32 v36, v40;
	v45 =	vmax.f32 v34, v23;
	v39 =	vmax.f32 v39, v47;
	v43 =	vld [tilespmem:s24+$0xFFFFFFE0]  }
0x112: {  	v34 =	vmin.f32 v34, v23;
	v61 =	vmax.f32 v38, v41;
	v38 =	vmin.f32 v53, v33;
	v23 =	vmovc v55;
	v60 =	vld [tilespmem:s24+$0x60]  }
0x113: {  	v29 =	vmax.f32 v29, v32;
	v32 =	vmax.f32 v30, v24;
	v22 =	vmin.f32 v22, v35;
	v24 =	vld [tilespmem:s24+$0x50]  }
0x114: {  	v36 =	vmax.f32 v36, v34;
	v20 =	vmax.f32 v20, v22;
	v22 =	vmax.f32 v53, v33;
	v35 =	vld [tilespmem:s24+$0xFFFFFF80]  }
0x115: {  	v29 =	vmax.f32 v29, v31;
	v20 =	vmax.f32 v20, v38;
	v40 =	vmin.f32 v45, v50;
	v47 =	vld [tilespmem:s24+$0xFFFFFF90]  }
0x116: {  	v30 =	vmax.f32 v32, v57;
	v31 =	vmin.f32 v21, v43;
	v33 =	vmax.f32 v21, v43;
	v44 =	vld [tilespmem:s24+$0x20]  }
.Ltmp3:
0x117: {  	v43 =	vmax.f32 v59, v54;
	v48 =	vmax.f32 v48, v31;
	v49 =	vld [tilespmem:s24+$0x10];
	v21 =	vmax.f32 v33, v60;
	(pc) =	sbr.rel @p0 .LBB2_8-.Ltmp3, $4  }
0x118: {  	v34 =	vmax.f32 v45, v50;
	v32 =	vmin.f32 v32, v57;
	v45 =	vld [tilespmem:s24+$0x30];
	v31 =	vmin.f32 v30, v24  }
0x119: {  	v46 =	vmax.f32 v58, v56;
	v50 =	vmin.f32 v59, v54;
	v38 =	vmax.f32 v61, v35;
	v41 =	vld [tilespmem:s24+$0x0]  }
0x11a: {  	v55 =	vmin.f32 v58, v56;
	v53 =	vmin.f32 v61, v35;
	v54 =	vmin.f32 v37, v47;
	v35 =	vld [tilespmem:s24+$0xFFFFFFF0]  }
0x11b: {  	v51 =	vmax.f32 v51, v55;
	v52 =	vmax.f32 v52, v54;
	v54 =	vmin.f32 v33, v60;
	v33 =	vld [tilespmem:s24+$0x70];
	s24 =	sadd.s32 $0x100, s24  }
0x11c: {  	v37 =	vmax.f32 v37, v47  }
0x11d: {  	v42 =	vmax.f32 v42, v53;
	v63 =	vmin.f32 v46, v44;
	v39 =	vmax.f32 v39, v50  }
0x11e: {  	vm9 =	vlt.u32 v19, $0x1F8;
	v44 =	vmax.f32 v46, v44;
	vm10 =	vlt.u32 v18, $0x1F8  }
0x11f: {  	vm11 =	vlt.u32 v17, $0x1F8;
	v36 =	vmax.f32 v36, v40;
	vm12 =	vlt.u32 v16, $0x1F8  }
0x120: {  	v55 =	vld [tilespmem:$0x1F480];
	v29 =	vmax.f32 v29, v32;
	v24 =	vmax.f32 v30, v24;
	v47 =	vmin.f32 v37, v49  }
0x121: {  	v58 =	vld [tilespmem:$0x1F490];
	v49 =	vmax.f32 v37, v49;
	v37 =	vmax.f32 v48, v54;
	v51 =	vmax.f32 v51, v63  }
0x122: {  	v19 =	vld [tilespmem:$0x1F4A0];
	v53 =	vmin.f32 v43, v45;
	v27 =	vnsel vm9, $0xFF800000, v27;
	v43 =	vmax.f32 v43, v45  }
0x123: {  	v18 =	vld [tilespmem:$0x1F4B0];
	v28 =	vnsel vm10, $0xFF800000, v28;
	v26 =	vnsel vm11, $0xFF800000, v26;
	v25 =	vnsel vm12, $0xFF800000, v25  }
0x124: {  	v59 =	vld [tilespmem:$0x1F4C0];
	vm9 =	vlt.u32 v11, $0x1F8;
	vm10 =	vlt.u32 v10, $0x1F8;
	vm11 =	vlt.u32 v8, $0x1F8  }
0x125: {  	v60 =	vld [tilespmem:$0x1F4D0];
	vm12 =	vlt.u32 v9, $0x1F8;
	v57 =	vmin.f32 v38, v41;
	v47 =	vmax.f32 v52, v47  }
0x126: {  	v61 =	vld [tilespmem:$0x1F4E0];
	v39 =	vmax.f32 v39, v53;
	v38 =	vmax.f32 v38, v41;
	v15 =	vnsel vm9, $0xFF800000, v15  }
0x127: {  	v62 =	vld [tilespmem:$0x1F4F0];
	v14 =	vnsel vm10, $0xFF800000, v14;
	v13 =	vnsel vm11, $0xFF800000, v13;
	v55 =	vadd.s32 $0xFFFFFE08, v55  }
0x128: {  	v12 =	vnsel vm12, $0xFF800000, v12;
	v42 =	vmax.f32 v42, v57;
	vm0 =	vgt.s32 v55, $0x0  }
0x129: {  	v40 =	vadd.s32 $0xFFFFFE08, v58;
	v19 =	vadd.s32 $0xFFFFFE08, v19;
	v56 =	vnsel vm0, $0x0, v55  }
0x12a: {  	v18 =	vadd.s32 $0xFFFFFE08, v18;
	v17 =	vadd.s32 $0xFFFFFE08, v59;
	v56 =	vmin.u32 v56, $0x1EF  }
0x12b: {  	v16 =	vadd.s32 $0xFFFFFE08, v60;
	v45 =	vadd.s32 $0xFFFFFE08, v61;
	v56 =	vshll.u32 v56, $0x7  }
0x12c: {  	v46 =	vadd.s32 $0xFFFFFE08, v62;
	vm13 =	vlt.u32 v55, $0x1F0;
	v56 =	vor.u32 v0, v56  }
0x12d: {  	vm14 =	vgt.s32 v40, $0x0;
	vm15 =	vgt.s32 v19, $0x0;
	vm4 =	vgt.s32 v18, $0x0  }
0x12e: {  	vm5 =	vgt.s32 v17, $0x0;
	vm6 =	vgt.s32 v16, $0x0;
	vm7 =	vgt.s32 v45, $0x0  }
0x12f: {  	vm8 =	vgt.s32 v46, $0x0;
	v63 =	vnsel vm14, $0x0, v40;
	v50 =	vnsel vm15, $0x0, v19  }
0x130: {  	v57 =	vnsel vm4, $0x0, v18;
	v60 =	vnsel vm7, $0x0, v45;
	v61 =	vmin.u32 v63, $0x1EF  }
0x131: {  	v62 =	vnsel vm8, $0x0, v46;
	v50 =	vmin.u32 v50, $0x1EF;
	v63 =	vshll.u32 v61, $0x7;
	v56 =	vld.idx.msk [tilespmem:v56+s16+$0x0], $0xffff  }
0x132: {  	v53 =	vmin.u32 v60, $0x1EF;
	v41 =	vshll.u32 v50, $0x7;
	v11 =	vor.u32 v1, v63  }
0x133: {  	v48 =	vmin.u32 v62, $0x1EF;
	v53 =	vshll.u32 v53, $0x7;
	v41 =	vor.u32 v2, v41  }
0x134: {  	v58 =	vnsel vm5, $0x0, v17;
	v48 =	vshll.u32 v48, $0x7;
	v53 =	vor.u32 v6, v53  }
0x135: {  	v59 =	vnsel vm6, $0x0, v16;
	vm14 =	vlt.u32 v19, $0x1F0;
	v48 =	vor.u32 v7, v48  }
0x136: {  	vm15 =	vlt.u32 v18, $0x1F0;
	v27 =	vsel vm13, v56, v27;
	v56 =	vmin.u32 v57, $0x1EF  }
0x137: {  	vm4 =	vlt.u32 v17, $0x1F0;
	vm5 =	vlt.u32 v16, $0x1F0;
	v11 =	vld.idx.msk [tilespmem:v11+s16+$0x0], $0xffff;
	v50 =	vshll.u32 v56, $0x7  }
0x138: {  	v41 =	vld.idx.msk [tilespmem:v41+s16+$0x0], $0xffff;
	v57 =	vmin.u32 v58, $0x1EF;
	v58 =	vmin.u32 v59, $0x1EF;
	v50 =	vor.u32 v3, v50  }
0x139: {  	vm6 =	vlt.u32 v45, $0x1F0;
	v60 =	vmax.f32 v22, v35;
	v19 =	vld.idx.msk [tilespmem:v53+s16+$0x0], $0xffff;
	v54 =	vshll.u32 v58, $0x7  }
0x13a: {  	v22 =	vmin.f32 v22, v35;
	v18 =	vld.idx.msk [tilespmem:v48+s16+$0x0], $0xffff;
	v52 =	vshll.u32 v57, $0x7;
	v54 =	vor.u32 v5, v54  }
0x13b: {  	v62 =	vmin.f32 v60, v33;
	v35 =	vmax.f32 v20, v22;
	v52 =	vor.u32 v4, v52  }
0x13c: {  	vm7 =	vlt.u32 v46, $0x1F0;
	v17 =	vmax.f32 v35, v62;
	v48 =	vmax.f32 v60, v33  }
0x13d: {  	v59 =	vmax.f32 v34, v23;
	v23 =	vmin.f32 v34, v23;
	vm13 =	vlt.u32 v40, $0x1F0;
	v8 =	vld.idx.msk [tilespmem:v50+s16+$0x0], $0xffff  }
0x13e: {  	v26 =	vsel vm14, v41, v26;
	v13 =	vsel vm6, v19, v13;
	v19 =	vmax.f32 v29, v31  }
0x13f: {  	v12 =	vsel vm7, v18, v12;
	v11 =	vsel vm13, v11, v28;
	vm8 =	veq.f32 v27, v38;
	v63 =	vld.idx.msk [tilespmem:v54+s16+$0x0], $0xffff  }
0x140: {  	v41 =	vmax.f32 v36, v23;
	v18 =	vsel vm8, v42, v38;
	vm9 =	veq.f32 v11, v49;
	v61 =	vld.idx.msk [tilespmem:v52+s16+$0x0], $0xffff  }
0x141: {  	vm10 =	veq.f32 v26, v44;
	v18 =	vsub.f32 v18, v27;
	v20 =	vsel vm9, v47, v49  }
0x142: {  	v11 =	vsub.f32 v20, v11;
	v20 =	vsel vm10, v51, v44;
	v8 =	vsel vm15, v8, v25  }
0x143: {  	vm14 =	veq.f32 v13, v21;
	[tilespmem:$0x1F680] =	vst v18;
	v18 =	vsub.f32 v20, v26;
	vm11 =	veq.f32 v8, v43  }
0x144: {  	v52 =	vsel vm14, v37, v21;
	v14 =	vsel vm5, v63, v14;
	v20 =	vsel vm11, v39, v43  }
0x145: {  	[tilespmem:$0x1F690] =	vst v11;
	v9 =	vsel vm4, v61, v15;
	vm13 =	veq.f32 v14, v24;
	v8 =	vsub.f32 v20, v8  }
0x146: {  	v53 =	vsub.f32 v52, v13;
	[tilespmem:$0x1F6A0] =	vst v18;
	vm12 =	veq.f32 v9, v59;
	v51 =	vsel vm13, v19, v24  }
0x147: {  	vm15 =	veq.f32 v12, v48;
	v10 =	vsel vm12, v41, v59;
	[tilespmem:$0x1F6B0] =	vst v8;
	v8 =	vsub.f32 v51, v14  }
0x148: {  	[tilespmem:$0x1F6E0] =	vst v53;
	v54 =	vsel vm15, v17, v48;
	v9 =	vsub.f32 v10, v9  }
0x149: {  	[tilespmem:$0x1F6D0] =	vst v8;
	v8 =	vsub.f32 v54, v12  }
0x14a: {  	[tilespmem:$0x1F6C0] =	vst v9  }
0x14b: {  	[tilespmem:$0x1F6F0] =	vst v8  }
0x14c: {  	[tilespmem:s16], [sflag:$0x2] =	stream.strided.gather [hbm4b:s9+s14], $0xF800, s15, s14, $0x38;
	[tilespmem:$0x1F800] =	vst v63  }
0x14d: {  	_ =	swait.ge [sflag:s19], $0xFC00  }
0x14e: {  	[sflag:s19] =	ssyncset.done $0x0  }
0x14f: {  	[sflag:s19] =	ssyncadd.s32 $0xFFFF0400  }
0x150: {  	v8 =	vld [tilespmem:$0x0]  }
0x151: {  	v29 =	vld [tilespmem:$0x10]  }
0x152: {  	v9 =	vld [tilespmem:$0x20]  }
0x153: {  	v55 =	vld [tilespmem:$0x30]  }
0x154: {  	v56 =	vld [tilespmem:$0x40]  }
0x155: {  	v57 =	vld [tilespmem:$0x50]  }
0x156: {  	s24 =	simm.s32 $0xC0;
	v58 =	vld [tilespmem:$0x60]  }
0x157: {  	v59 =	vld [tilespmem:s24+$0xFFFFFFE0]  }
0x158: {  	v60 =	vld [tilespmem:s24+$0xFFFFFFF0]  }
0x159: {  	v61 =	vld [tilespmem:s24+$0x0]  }
0x15a: {  	v62 =	vld [tilespmem:s24+$0x10]  }
0x15b: {  	v18 =	vld [tilespmem:s24+$0x20]  }
0x15c: {  	v19 =	vld [tilespmem:s24+$0xA0]  }
0x15d: {  	v20 =	vld [tilespmem:s24+$0x90]  }
0x15e: {  	v25 =	vld [tilespmem:s24+$0xFFFFFFC0]  }
0x15f: {  	v46 =	vld [tilespmem:s24+$0xFFFFFFD0]  }
0x160: {  	v32 =	vimm.f32 $-Inf;
	v35 =	vimm.f32 $-Inf;
	v36 =	vimm.f32 $-Inf;
	v22 =	vld [tilespmem:$0x70]  }
0x161: {  	v44 =	vimm.f32 $-Inf;
	v41 =	vimm.f32 $-Inf;
	v23 =	vld [tilespmem:s24+$0x80];
	v31 =	vmin.f32 v56, v61  }
0x162: {  	v38 =	vld [tilespmem:s24+$0x60];
	v24 =	vmax.f32 v57, v62;
	v21 =	vmin.f32 v58, v18;
	v13 =	vmax.f32 v58, v18  }
0x163: {  	v49 =	vld [tilespmem:s24+$0x50];
	v37 =	vmax.f32 v55, v60;
	v34 =	vmax.f32 v56, v61;
	v33 =	vmin.f32 v57, v62  }
0x164: {  	v45 =	vld [tilespmem:s24+$0x70];
	v39 =	vmax.f32 v8, v25;
	v47 =	vmax.f32 v9, v59;
	v50 =	vmin.f32 v55, v60  }
0x165: {  	v43 =	vld [tilespmem:s24+$0x40];
	v63 =	vmin.f32 v29, v46;
	v54 =	vmin.f32 v8, v25;
	v8 =	vmin.f32 v9, v59  }
0x166: {  	v42 =	vld [tilespmem:s24+$0x30];
	v48 =	vmax.f32 v36, v21;
	v21 =	vmax.f32 v13, v19;
	v30 =	vmin.f32 v24, v20  }
0x167: {  	s23 =	simm.s32 $0x1;
	v40 =	vld [tilespmem:s24+$0xB0];
	s24 =	simm.s32 $0x1C0;
	v52 =	vmax.f32 v36, v63;
	v51 =	vmax.f32 v36, v8;
	v53 =	vmin.f32 v13, v19  }
.LBB2_10:
0x168: {  	v8 =	vld [tilespmem:s24+$0x80];
	s23 =	sadd.s32 $0x2, s23;
	v9 =	vmax.f32 v36, v54;
	v10 =	vmax.f32 v29, v46;
	v11 =	vmin.f32 v47, v38  }
0x169: {  	v12 =	vld [tilespmem:s24+$0xFFFFFFE0];
	p0 =	slt.u32 s23, $0x1F5;
	v13 =	vmin.f32 v10, v49;
	v29 =	vmax.f32 v10, v49;
	v10 =	vmax.f32 v48, v53  }
0x16a: {  	v15 =	vmax.f32 v44, v50;
	v14 =	vld [tilespmem:s24+$0xFFFFFFF0];
	v16 =	vmin.f32 v39, v43;
	v13 =	vmax.f32 v52, v13  }
0x16b: {  	v11 =	vmax.f32 v51, v11;
	v19 =	vmin.f32 v37, v45;
	v17 =	vld [tilespmem:s24+$0x0];
	v18 =	vmax.f32 v22, v42  }
0x16c: {  	v36 =	vmax.f32 v9, v16;
	v9 =	vmax.f32 v47, v38;
	v16 =	vmax.f32 v37, v45;
	v25 =	vld [tilespmem:s24+$0x10]  }
0x16d: {  	v27 =	vmax.f32 v41, v31;
	v44 =	vmax.f32 v15, v19;
	v15 =	vmax.f32 v34, v23;
	v26 =	vld [tilespmem:s24+$0x20]  }
0x16e: {  	v31 =	vmin.f32 v34, v23;
	v28 =	vmax.f32 v39, v43;
	v34 =	vmin.f32 v18, v40;
	v23 =	vmovc v8;
	v19 =	vld [tilespmem:s24+$0xA0]  }
0x16f: {  	v22 =	vmin.f32 v22, v42;
	v8 =	vmax.f32 v35, v33;
	v33 =	vmax.f32 v24, v20;
	v20 =	vld [tilespmem:s24+$0x90]  }
0x170: {  	v41 =	vmax.f32 v27, v31;
	v24 =	vmax.f32 v32, v22;
	v22 =	vmax.f32 v18, v40;
	v42 =	vld [tilespmem:s24+$0xFFFFFFC0]  }
0x171: {  	v35 =	vmax.f32 v8, v30;
	v32 =	vmax.f32 v24, v34;
	v31 =	vmin.f32 v15, v17;
	v46 =	vld [tilespmem:s24+$0xFFFFFFD0]  }
0x172: {  	v24 =	vmax.f32 v33, v25;
	v8 =	vmin.f32 v21, v26;
	v18 =	vmax.f32 v21, v26;
	v38 =	vld [tilespmem:s24+$0x60]  }
.Ltmp4:
0x173: {  	v37 =	vmax.f32 v16, v14;
	v48 =	vmax.f32 v10, v8;
	v49 =	vld [tilespmem:s24+$0x50];
	v21 =	vmax.f32 v18, v19;
	(pc) =	sbr.rel @p0 .LBB2_10-.Ltmp4, $4  }
0x174: {  	v34 =	vmax.f32 v15, v17;
	v33 =	vmin.f32 v33, v25;
	v45 =	vld [tilespmem:s24+$0x70];
	v30 =	vmin.f32 v24, v20  }
0x175: {  	v47 =	vmax.f32 v9, v12;
	v50 =	vmin.f32 v16, v14;
	v39 =	vmax.f32 v28, v42;
	v43 =	vld [tilespmem:s24+$0x40]  }
0x176: {  	v9 =	vmin.f32 v9, v12;
	v54 =	vmin.f32 v28, v42;
	v8 =	vmin.f32 v29, v46;
	v42 =	vld [tilespmem:s24+$0x30]  }
0x177: {  	v51 =	vmax.f32 v11, v9;
	v53 =	vmin.f32 v18, v19;
	v52 =	vmax.f32 v13, v8;
	v40 =	vld [tilespmem:s24+$0xB0];
	s24 =	sadd.s32 $0x100, s24  }
0x178: {  	v19 =	vld [tilespmem:$0x1F500]  }
0x179: {  	v18 =	vld [tilespmem:$0x1F510]  }
0x17a: {  	v17 =	vld [tilespmem:$0x1F520]  }
0x17b: {  	v11 =	vld [tilespmem:$0x1F540]  }
0x17c: {  	v29 =	vmax.f32 v29, v46;
	v36 =	vmax.f32 v36, v54;
	v48 =	vmax.f32 v48, v53  }
0x17d: {  	v61 =	vmin.f32 v29, v49;
	v49 =	vmax.f32 v29, v49;
	vm0 =	vgt.s32 v19, $0x0  }
0x17e: {  	v10 =	vld [tilespmem:$0x1F550];
	v29 =	vmin.f32 v47, v38;
	vm9 =	vgt.s32 v18, $0x0;
	v8 =	vnsel vm0, $0x0, v19  }
0x17f: {  	v16 =	vld [tilespmem:$0x1F530];
	vm10 =	vgt.s32 v17, $0x0;
	v9 =	vnsel vm9, $0x0, v18;
	v8 =	vmin.u32 v8, $0x1F7  }
0x180: {  	vm12 =	vgt.s32 v11, $0x0;
	v9 =	vmin.u32 v9, $0x1F7;
	v8 =	vshll.u32 v8, $0x7  }
0x181: {  	v57 =	vld [tilespmem:$0xFBD0];
	v25 =	vnsel vm12, $0x0, v11;
	v12 =	vor.u32 v0, v8;
	v8 =	vshll.u32 v9, $0x7  }
0x182: {  	v25 =	vmin.u32 v25, $0x1F7;
	v9 =	vnsel vm10, $0x0, v17;
	v13 =	vor.u32 v1, v8;
	v8 =	vld [tilespmem:$0x1F560]  }
0x183: {  	vm13 =	vgt.s32 v10, $0x0;
	v25 =	vshll.u32 v25, $0x7;
	v14 =	vmin.u32 v9, $0x1F7;
	v9 =	vld [tilespmem:$0x1F570]  }
0x184: {  	v46 =	vld [tilespmem:$0xFBC0];
	vm11 =	vgt.s32 v16, $0x0;
	v55 =	vor.u32 v4, v25;
	v25 =	vnsel vm13, $0x0, v10  }
0x185: {  	v58 =	vld [tilespmem:$0xFBB0];
	v15 =	vnsel vm11, $0x0, v16;
	v25 =	vmin.u32 v25, $0x1F7;
	v14 =	vshll.u32 v14, $0x7  }
0x186: {  	v53 =	vld [tilespmem:$0xFBA0];
	v15 =	vmin.u32 v15, $0x1F7;
	v25 =	vshll.u32 v25, $0x7;
	v14 =	vor.u32 v2, v14  }
0x187: {  	v15 =	vshll.u32 v15, $0x7;
	v27 =	vld.idx.msk [tilespmem:v12+s2+$0x0], $0xffff;
	v12 =	vor.u32 v5, v25;
	vm14 =	vgt.s32 v8, $0x0  }
0x188: {  	v54 =	vld [tilespmem:$0xFB90];
	v15 =	vor.u32 v3, v15;
	vm15 =	vgt.s32 v9, $0x0;
	v26 =	vnsel vm14, $0x0, v8  }
0x189: {  	v38 =	vmax.f32 v47, v38;
	v47 =	vld [tilespmem:$0xFB80];
	v28 =	vnsel vm15, $0x0, v9;
	v26 =	vmin.u32 v26, $0x1F7  }
0x18a: {  	v25 =	vshll.u32 v26, $0x7;
	v26 =	vmin.u32 v28, $0x1F7;
	v28 =	vld.idx.msk [tilespmem:v13+s2+$0x0], $0xffff  }
0x18b: {  	v13 =	vor.u32 v6, v25;
	v25 =	vshll.u32 v26, $0x7;
	v26 =	vld.idx.msk [tilespmem:v14+s2+$0x0], $0xffff  }
0x18c: {  	v14 =	vld.idx.msk [tilespmem:v12+s2+$0x0], $0xffff;
	v56 =	vor.u32 v7, v25  }
0x18d: {  	v25 =	vld.idx.msk [tilespmem:v15+s2+$0x0], $0xffff  }
0x18e: {  	v15 =	vld.idx.msk [tilespmem:v55+s2+$0x0], $0xffff  }
0x18f: {  	v55 =	vld [tilespmem:$0xFBF0]  }
0x190: {  	v44 =	vmax.f32 v44, v50;
	v31 =	vmax.f32 v41, v31;
	v13 =	vld.idx.msk [tilespmem:v13+s2+$0x0], $0xffff  }
0x191: {  	v33 =	vmax.f32 v35, v33;
	v24 =	vmax.f32 v24, v20;
	v63 =	vmax.f32 v37, v45;
	v12 =	vld.idx.msk [tilespmem:v56+s2+$0x0], $0xffff  }
0x192: {  	v30 =	vmax.f32 v33, v30;
	v62 =	vmin.f32 v39, v43;
	v52 =	vmax.f32 v52, v61;
	v56 =	vld [tilespmem:$0xFBE0];
	[tilespmem:s2], [sflag:$0x1] =	stream.strided.gather [hbm4b:s10+s14], $0xFC00, s15, s14, $0x38  }
0x193: {  	v51 =	vmax.f32 v51, v29;
	v29 =	vmin.f32 v37, v45;
	v61 =	vmax.f32 v34, v23;
	_ =	swait.ge [sflag:s20], $0xF800  }
0x194: {  	v23 =	vmin.f32 v34, v23;
	v50 =	vmax.f32 v36, v62;
	v59 =	vmax.f32 v22, v42;
	[sflag:s20] =	ssyncset.done $0x0  }
0x195: {  	s24 =	simm.s32 $0xFC80;
	v60 =	vmax.f32 v44, v29;
	v62 =	vmax.f32 v39, v43;
	v22 =	vmin.f32 v22, v42;
	[sflag:s20] =	ssyncadd.s32 $0xFFFF0800  }
0x196: {  	v31 =	vmax.f32 v31, v23;
	v29 =	vmin.f32 v59, v40;
	v20 =	vmax.f32 v32, v22;
	v23 =	vld [tilespmem:s24+$0x40]  }
0x197: {  	v22 =	vmax.f32 v59, v40;
	v20 =	vmax.f32 v20, v29;
	v45 =	vmax.f32 v24, v57;
	v33 =	vld [tilespmem:s24+$0xFFFFFFA0]  }
0x198: {  	v37 =	vmax.f32 v49, v54;
	v29 =	vmin.f32 v22, v55;
	v22 =	vmax.f32 v22, v55;
	v35 =	vld [tilespmem:s24+$0xFFFFFFB0]  }
0x199: {  	v20 =	vmax.f32 v20, v29;
	v34 =	vld [tilespmem:s24+$0xFFFFFFC0];
	v29 =	vmin.f32 v21, v56;
	v21 =	vmax.f32 v21, v56  }
0x19a: {  	v55 =	vld [tilespmem:s24+$0xFFFFFFD0];
	v32 =	vmax.f32 v48, v29;
	v29 =	vmin.f32 v24, v57;
	v24 =	vmin.f32 v61, v46  }
0x19b: {  	v44 =	vld [tilespmem:s24+$0x20];
	v46 =	vmax.f32 v61, v46;
	v61 =	vmax.f32 v62, v47;
	v29 =	vmax.f32 v30, v29  }
0x19c: {  	v57 =	vld [tilespmem:s24+$0x60];
	v36 =	vmax.f32 v31, v24;
	v24 =	vmin.f32 v63, v58;
	v63 =	vmax.f32 v63, v58  }
0x19d: {  	v31 =	vld [tilespmem:s24+$0xFFFFFFE0];
	v58 =	vmax.f32 v38, v53;
	v30 =	vmin.f32 v49, v54;
	v39 =	vmax.f32 v60, v24  }
0x19e: {  	v24 =	vmin.f32 v38, v53;
	v52 =	vmax.f32 v52, v30;
	v30 =	vmin.f32 v62, v47;
	v60 =	vld [tilespmem:s24+$0xFFFFFF80]  }
0x19f: {  	v47 =	vld [tilespmem:s24+$0xFFFFFF90];
	v51 =	vmax.f32 v51, v24;
	v42 =	vmax.f32 v50, v30;
	v40 =	vmin.f32 v46, v34  }
0x1a0: {  	v24 =	vld [tilespmem:s24+$0x50];
	v30 =	vmax.f32 v45, v55;
	v43 =	vmax.f32 v63, v35;
	v34 =	vmax.f32 v46, v34  }
0x1a1: {  	v41 =	vld [tilespmem:s24+$0x0];
	v46 =	vmax.f32 v58, v33;
	v50 =	vmin.f32 v63, v35;
	v33 =	vmin.f32 v58, v33  }
0x1a2: {  	v49 =	vld [tilespmem:s24+$0x10];
	v51 =	vmax.f32 v51, v33;
	v62 =	vmin.f32 v21, v31;
	v59 =	vmax.f32 v21, v31  }
0x1a3: {  	v35 =	vld [tilespmem:s24+$0xFFFFFFF0];
	v48 =	vmax.f32 v32, v62;
	v21 =	vmax.f32 v59, v57;
	v32 =	vmin.f32 v45, v55  }
0x1a4: {  	v45 =	vld [tilespmem:s24+$0x30];
	v38 =	vmax.f32 v61, v60;
	v53 =	vmin.f32 v61, v60;
	v63 =	vmin.f32 v37, v47  }
0x1a5: {  	s23 =	simm.s32 $0x0;
	v33 =	vld [tilespmem:s24+$0x70];
	v54 =	vmin.f32 v59, v57;
	s24 =	simm.s32 $0xFD80;
	v31 =	vmin.f32 v30, v24;
	v52 =	vmax.f32 v52, v63  }
.LBB2_12:
0x1a6: {  	v55 =	vld [tilespmem:s24+$0x40];
	s23 =	sadd.s32 $0x2, s23;
	v42 =	vmax.f32 v42, v53;
	v37 =	vmax.f32 v37, v47;
	v47 =	vmin.f32 v46, v44  }
0x1a7: {  	v48 =	vmax.f32 v48, v54;
	v56 =	vld [tilespmem:s24+$0xFFFFFFA0];
	p0 =	slt.u32 s23, $0x1EE;
	v53 =	vmin.f32 v37, v49;
	v37 =	vmax.f32 v37, v49  }
0x1a8: {  	v39 =	vmax.f32 v39, v50;
	v54 =	vld [tilespmem:s24+$0xFFFFFFB0];
	v49 =	vmin.f32 v38, v41;
	v52 =	vmax.f32 v52, v53  }
0x1a9: {  	v51 =	vmax.f32 v51, v47;
	v47 =	vmin.f32 v43, v45;
	v50 =	vld [tilespmem:s24+$0xFFFFFFC0];
	v53 =	vmax.f32 v22, v35  }
0x1aa: {  	v58 =	vmax.f32 v46, v44;
	v59 =	vmax.f32 v43, v45;
	v42 =	vmax.f32 v42, v49;
	v57 =	vld [tilespmem:s24+$0xFFFFFFD0]  }
0x1ab: {  	v36 =	vmax.f32 v36, v40;
	v45 =	vmax.f32 v34, v23;
	v39 =	vmax.f32 v39, v47;
	v43 =	vld [tilespmem:s24+$0xFFFFFFE0]  }
0x1ac: {  	v34 =	vmin.f32 v34, v23;
	v61 =	vmax.f32 v38, v41;
	v38 =	vmin.f32 v53, v33;
	v23 =	vmovc v55;
	v60 =	vld [tilespmem:s24+$0x60]  }
0x1ad: {  	v29 =	vmax.f32 v29, v32;
	v32 =	vmax.f32 v30, v24;
	v22 =	vmin.f32 v22, v35;
	v24 =	vld [tilespmem:s24+$0x50]  }
0x1ae: {  	v36 =	vmax.f32 v36, v34;
	v20 =	vmax.f32 v20, v22;
	v22 =	vmax.f32 v53, v33;
	v35 =	vld [tilespmem:s24+$0xFFFFFF80]  }
0x1af: {  	v29 =	vmax.f32 v29, v31;
	v20 =	vmax.f32 v20, v38;
	v40 =	vmin.f32 v45, v50;
	v47 =	vld [tilespmem:s24+$0xFFFFFF90]  }
0x1b0: {  	v30 =	vmax.f32 v32, v57;
	v31 =	vmin.f32 v21, v43;
	v33 =	vmax.f32 v21, v43;
	v44 =	vld [tilespmem:s24+$0x20]  }
.Ltmp5:
0x1b1: {  	v43 =	vmax.f32 v59, v54;
	v48 =	vmax.f32 v48, v31;
	v49 =	vld [tilespmem:s24+$0x10];
	v21 =	vmax.f32 v33, v60;
	(pc) =	sbr.rel @p0 .LBB2_12-.Ltmp5, $4  }
0x1b2: {  	v34 =	vmax.f32 v45, v50;
	v32 =	vmin.f32 v32, v57;
	v45 =	vld [tilespmem:s24+$0x30];
	v31 =	vmin.f32 v30, v24  }
0x1b3: {  	v46 =	vmax.f32 v58, v56;
	v50 =	vmin.f32 v59, v54;
	v38 =	vmax.f32 v61, v35;
	v41 =	vld [tilespmem:s24+$0x0]  }
0x1b4: {  	v55 =	vmin.f32 v58, v56;
	v53 =	vmin.f32 v61, v35;
	v54 =	vmin.f32 v37, v47;
	v35 =	vld [tilespmem:s24+$0xFFFFFFF0]  }
0x1b5: {  	v51 =	vmax.f32 v51, v55;
	v52 =	vmax.f32 v52, v54;
	v54 =	vmin.f32 v33, v60;
	v33 =	vld [tilespmem:s24+$0x70];
	s24 =	sadd.s32 $0x100, s24  }
0x1b6: {  	v37 =	vmax.f32 v37, v47;
	v42 =	vmax.f32 v42, v53  }
0x1b7: {  	v63 =	vmin.f32 v46, v44;
	v39 =	vmax.f32 v39, v50;
	vm9 =	vlt.u32 v19, $0x1F8  }
0x1b8: {  	v44 =	vmax.f32 v46, v44;
	vm10 =	vlt.u32 v18, $0x1F8;
	vm11 =	vlt.u32 v17, $0x1F8  }
0x1b9: {  	v55 =	vld [tilespmem:$0x1F500];
	v36 =	vmax.f32 v36, v40;
	vm12 =	vlt.u32 v16, $0x1F8;
	v29 =	vmax.f32 v29, v32  }
0x1ba: {  	v59 =	vld [tilespmem:$0x1F510];
	v24 =	vmax.f32 v30, v24;
	v47 =	vmin.f32 v37, v49;
	v49 =	vmax.f32 v37, v49  }
0x1bb: {  	v19 =	vld [tilespmem:$0x1F520];
	v37 =	vmax.f32 v48, v54;
	v51 =	vmax.f32 v51, v63;
	v60 =	vmin.f32 v43, v45  }
0x1bc: {  	v18 =	vld [tilespmem:$0x1F530];
	v27 =	vnsel vm9, $0xFF800000, v27;
	v43 =	vmax.f32 v43, v45;
	v28 =	vnsel vm10, $0xFF800000, v28  }
0x1bd: {  	v17 =	vld [tilespmem:$0x1F540];
	v26 =	vnsel vm11, $0xFF800000, v26;
	v25 =	vnsel vm12, $0xFF800000, v25;
	vm9 =	vlt.u32 v11, $0x1F8  }
0x1be: {  	v16 =	vld [tilespmem:$0x1F550];
	vm10 =	vlt.u32 v10, $0x1F8;
	vm11 =	vlt.u32 v8, $0x1F8;
	vm12 =	vlt.u32 v9, $0x1F8  }
0x1bf: {  	v61 =	vld [tilespmem:$0x1F560];
	v58 =	vmin.f32 v38, v41;
	v47 =	vmax.f32 v52, v47;
	v39 =	vmax.f32 v39, v60  }
0x1c0: {  	v62 =	vld [tilespmem:$0x1F570];
	v38 =	vmax.f32 v38, v41;
	v15 =	vnsel vm9, $0xFF800000, v15;
	v55 =	vadd.s32 $0xFFFFFE08, v55  }
0x1c1: {  	v14 =	vnsel vm10, $0xFF800000, v14;
	v42 =	vmax.f32 v42, v58;
	vm0 =	vgt.s32 v55, $0x0  }
0x1c2: {  	v40 =	vadd.s32 $0xFFFFFE08, v59;
	v19 =	vadd.s32 $0xFFFFFE08, v19;
	v56 =	vnsel vm0, $0x0, v55  }
0x1c3: {  	v18 =	vadd.s32 $0xFFFFFE08, v18;
	v17 =	vadd.s32 $0xFFFFFE08, v17;
	v56 =	vmin.u32 v56, $0x1EF  }
0x1c4: {  	v16 =	vadd.s32 $0xFFFFFE08, v16;
	v45 =	vadd.s32 $0xFFFFFE08, v61;
	v56 =	vshll.u32 v56, $0x7  }
0x1c5: {  	v46 =	vadd.s32 $0xFFFFFE08, v62;
	vm13 =	vlt.u32 v55, $0x1F0;
	v56 =	vor.u32 v0, v56  }
0x1c6: {  	vm14 =	vgt.s32 v40, $0x0;
	vm5 =	vgt.s32 v17, $0x0;
	vm6 =	vgt.s32 v16, $0x0  }
0x1c7: {  	vm7 =	vgt.s32 v45, $0x0;
	vm8 =	vgt.s32 v46, $0x0;
	v63 =	vnsel vm14, $0x0, v40  }
0x1c8: {  	v58 =	vnsel vm5, $0x0, v17;
	v59 =	vnsel vm6, $0x0, v16;
	v61 =	vmin.u32 v63, $0x1EF  }
0x1c9: {  	v60 =	vnsel vm7, $0x0, v45;
	v58 =	vmin.u32 v58, $0x1EF;
	v63 =	vshll.u32 v61, $0x7  }
0x1ca: {  	v59 =	vmin.u32 v59, $0x1EF;
	v52 =	vshll.u32 v58, $0x7;
	v11 =	vor.u32 v1, v63;
	v57 =	vld.idx.msk [tilespmem:v56+s16+$0x0], $0xffff  }
0x1cb: {  	v53 =	vmin.u32 v60, $0x1EF;
	v54 =	vshll.u32 v59, $0x7;
	v52 =	vor.u32 v4, v52  }
0x1cc: {  	v62 =	vnsel vm8, $0x0, v46;
	v53 =	vshll.u32 v53, $0x7;
	v54 =	vor.u32 v5, v54  }
0x1cd: {  	vm15 =	vgt.s32 v19, $0x0;
	v48 =	vmin.u32 v62, $0x1EF;
	v53 =	vor.u32 v6, v53  }
0x1ce: {  	vm4 =	vgt.s32 v18, $0x0;
	v50 =	vnsel vm15, $0x0, v19;
	v48 =	vshll.u32 v48, $0x7  }
0x1cf: {  	v56 =	vmin.u32 v50, $0x1EF;
	v11 =	vld.idx.msk [tilespmem:v11+s16+$0x0], $0xffff;
	v27 =	vsel vm13, v57, v27;
	v57 =	vnsel vm4, $0x0, v18  }
0x1d0: {  	v48 =	vor.u32 v7, v48;
	v62 =	vld.idx.msk [tilespmem:v52+s16+$0x0], $0xffff;
	v41 =	vshll.u32 v56, $0x7;
	v57 =	vmin.u32 v57, $0x1EF  }
0x1d1: {  	v13 =	vnsel vm11, $0xFF800000, v13;
	v52 =	vld.idx.msk [tilespmem:v54+s16+$0x0], $0xffff;
	v41 =	vor.u32 v2, v41;
	v50 =	vshll.u32 v57, $0x7  }
0x1d2: {  	v12 =	vnsel vm12, $0xFF800000, v12;
	vm14 =	vlt.u32 v19, $0x1F0;
	v19 =	vld.idx.msk [tilespmem:v53+s16+$0x0], $0xffff;
	v50 =	vor.u32 v3, v50  }
0x1d3: {  	vm15 =	vlt.u32 v18, $0x1F0;
	vm5 =	vlt.u32 v16, $0x1F0;
	vm6 =	vlt.u32 v45, $0x1F0  }
0x1d4: {  	vm7 =	vlt.u32 v46, $0x1F0;
	v60 =	vmax.f32 v34, v23;
	v61 =	vmax.f32 v22, v35  }
0x1d5: {  	v23 =	vmin.f32 v34, v23;
	v22 =	vmin.f32 v22, v35;
	v63 =	vmin.f32 v61, v33;
	v18 =	vld.idx.msk [tilespmem:v48+s16+$0x0], $0xffff  }
0x1d6: {  	vm13 =	vlt.u32 v40, $0x1F0;
	vm4 =	vlt.u32 v17, $0x1F0;
	v17 =	vmax.f32 v20, v22;
	v41 =	vld.idx.msk [tilespmem:v41+s16+$0x0], $0xffff  }
0x1d7: {  	v14 =	vsel vm5, v52, v14;
	v13 =	vsel vm6, v19, v13;
	v11 =	vsel vm13, v11, v28;
	v8 =	vld.idx.msk [tilespmem:v50+s16+$0x0], $0xffff  }
0x1d8: {  	v19 =	vmax.f32 v29, v31;
	v9 =	vsel vm4, v62, v15;
	vm9 =	veq.f32 v11, v49  }
0x1d9: {  	v15 =	vmax.f32 v36, v23;
	vm12 =	veq.f32 v9, v60;
	v20 =	vsel vm9, v47, v49  }
0x1da: {  	vm8 =	veq.f32 v27, v38;
	v10 =	vsel vm12, v15, v60;
	v11 =	vsub.f32 v20, v11  }
0x1db: {  	v12 =	vsel vm7, v18, v12;
	v18 =	vsel vm8, v42, v38;
	v26 =	vsel vm14, v41, v26  }
0x1dc: {  	v18 =	vsub.f32 v18, v27;
	vm10 =	veq.f32 v26, v44;
	v8 =	vsel vm15, v8, v25  }
0x1dd: {  	v9 =	vsub.f32 v10, v9;
	v20 =	vsel vm10, v51, v44;
	vm11 =	veq.f32 v8, v43  }
0x1de: {  	vm14 =	veq.f32 v13, v21;
	[tilespmem:$0x1F700] =	vst v18;
	v18 =	vsub.f32 v20, v26;
	v20 =	vsel vm11, v39, v43  }
0x1df: {  	vm13 =	veq.f32 v14, v24;
	[tilespmem:$0x1F710] =	vst v11;
	v54 =	vsel vm14, v37, v21;
	v8 =	vsub.f32 v20, v8  }
0x1e0: {  	v16 =	vmax.f32 v61, v33;
	v53 =	vsel vm13, v19, v24;
	[tilespmem:$0x1F740] =	vst v9;
	v55 =	vsub.f32 v54, v13  }
0x1e1: {  	v17 =	vmax.f32 v17, v63;
	vm15 =	veq.f32 v12, v16;
	[tilespmem:$0x1F730] =	vst v8;
	v8 =	vsub.f32 v53, v14  }
0x1e2: {  	[tilespmem:$0x1F760] =	vst v55;
	v56 =	vsel vm15, v17, v16  }
0x1e3: {  	[tilespmem:$0x1F750] =	vst v8;
	v8 =	vsub.f32 v56, v12  }
0x1e4: {  	[tilespmem:$0x1F720] =	vst v18  }
0x1e5: {  	[tilespmem:$0x1F770] =	vst v8  }
0x1e6: {  	[tilespmem:s16], [sflag:$0x2] =	stream.strided.gather [hbm4b:s11+s14], $0xF800, s15, s14, $0x38;
	[tilespmem:$0x1F800] =	vst v63  }
0x1e7: {  	_ =	swait.ge [sflag:s19], $0xFC00  }
0x1e8: {  	[sflag:s19] =	ssyncset.done $0x0  }
0x1e9: {  	[sflag:s19] =	ssyncadd.s32 $0xFFFF0400  }
0x1ea: {  	v8 =	vld [tilespmem:$0x0]  }
0x1eb: {  	v16 =	vld [tilespmem:$0x10]  }
0x1ec: {  	v57 =	vld [tilespmem:$0x20]  }
0x1ed: {  	v58 =	vld [tilespmem:$0x30]  }
0x1ee: {  	v59 =	vld [tilespmem:$0x40]  }
0x1ef: {  	v60 =	vld [tilespmem:$0x50]  }
0x1f0: {  	s24 =	simm.s32 $0xC0;
	v61 =	vld [tilespmem:$0x60]  }
0x1f1: {  	v62 =	vld [tilespmem:s24+$0xFFFFFFE0]  }
0x1f2: {  	v15 =	vld [tilespmem:s24+$0xFFFFFFF0]  }
0x1f3: {  	v23 =	vld [tilespmem:s24+$0x0]  }
0x1f4: {  	v24 =	vld [tilespmem:s24+$0x10]  }
0x1f5: {  	v19 =	vld [tilespmem:s24+$0x20]  }
0x1f6: {  	v29 =	vld [tilespmem:s24+$0xA0]  }
0x1f7: {  	v20 =	vld [tilespmem:s24+$0x90]  }
0x1f8: {  	v28 =	vld [tilespmem:s24+$0xFFFFFFC0]  }
0x1f9: {  	v25 =	vld [tilespmem:s24+$0xFFFFFFD0]  }
0x1fa: {  	v30 =	vimm.f32 $-Inf;
	v33 =	vimm.f32 $-Inf;
	v38 =	vimm.f32 $-Inf;
	v21 =	vld [tilespmem:$0x70]  }
0x1fb: {  	v18 =	vimm.f32 $-Inf;
	v22 =	vld [tilespmem:s24+$0x80];
	v17 =	vmin.f32 v59, v23;
	v26 =	vmax.f32 v60, v24  }
0x1fc: {  	v35 =	vld [tilespmem:s24+$0x60];
	v27 =	vmin.f32 v61, v19;
	v13 =	vmax.f32 v61, v19;
	v34 =	vmax.f32 v58, v15  }
0x1fd: {  	v44 =	vld [tilespmem:s24+$0x50];
	v32 =	vmax.f32 v59, v23;
	v31 =	vmin.f32 v60, v24;
	v36 =	vmax.f32 v8, v28  }
0x1fe: {  	v41 =	vld [tilespmem:s24+$0x70];
	v42 =	vmax.f32 v57, v62;
	v45 =	vmin.f32 v58, v15;
	v63 =	vmin.f32 v16, v25  }
0x1ff: {  	v40 =	vld [tilespmem:s24+$0x40];
	v28 =	vmin.f32 v8, v28;
	v8 =	vmin.f32 v57, v62;
	v43 =	vmax.f32 v18, v27  }
0x200: {  	v39 =	vld [tilespmem:s24+$0x30];
	v19 =	vmax.f32 v13, v29;
	v27 =	vmin.f32 v26, v20;
	v47 =	vmax.f32 v18, v63  }
0x201: {  	s23 =	simm.s32 $0x1;
	v37 =	vld [tilespmem:s24+$0xB0];
	s24 =	simm.s32 $0x1C0;
	v46 =	vmax.f32 v18, v8;
	v48 =	vmin.f32 v13, v29;
	v29 =	vimm.f32 $-Inf  }
.LBB2_14:
0x202: {  	v8 =	vld [tilespmem:s24+$0x80];
	s23 =	sadd.s32 $0x2, s23;
	v9 =	vmax.f32 v18, v28;
	v10 =	vmax.f32 v16, v25;
	v11 =	vmin.f32 v42, v35  }
0x203: {  	v12 =	vld [tilespmem:s24+$0xFFFFFFE0];
	p0 =	slt.u32 s23, $0x1F5;
	v13 =	vmin.f32 v10, v44;
	v16 =	vmax.f32 v10, v44;
	v10 =	vmax.f32 v43, v48  }
0x204: {  	v15 =	vmax.f32 v29, v45;
	v14 =	vld [tilespmem:s24+$0xFFFFFFF0];
	v18 =	vmin.f32 v36, v40;
	v13 =	vmax.f32 v47, v13  }
0x205: {  	v11 =	vmax.f32 v46, v11;
	v25 =	vmin.f32 v34, v41;
	v23 =	vld [tilespmem:s24+$0x0];
	v24 =	vmax.f32 v21, v39  }
0x206: {  	v45 =	vmax.f32 v34, v41;
	v18 =	vmax.f32 v9, v18;
	v9 =	vmax.f32 v42, v35;
	v28 =	vld [tilespmem:s24+$0x10]  }
0x207: {  	v17 =	vmax.f32 v38, v17;
	v29 =	vmax.f32 v15, v25;
	v15 =	vmax.f32 v32, v22;
	v34 =	vld [tilespmem:s24+$0x20]  }
0x208: {  	v46 =	vmax.f32 v36, v40;
	v25 =	vmin.f32 v32, v22;
	v32 =	vmin.f32 v24, v37;
	v22 =	vmovc v8;
	v48 =	vld [tilespmem:s24+$0xA0]  }
0x209: {  	v21 =	vmin.f32 v21, v39;
	v8 =	vmax.f32 v33, v31;
	v31 =	vmax.f32 v26, v20;
	v20 =	vld [tilespmem:s24+$0x90]  }
0x20a: {  	v38 =	vmax.f32 v17, v25;
	v26 =	vmax.f32 v30, v21;
	v21 =	vmax.f32 v24, v37;
	v39 =	vld [tilespmem:s24+$0xFFFFFFC0]  }
0x20b: {  	v33 =	vmax.f32 v8, v27;
	v30 =	vmax.f32 v26, v32;
	v17 =	vmin.f32 v15, v23;
	v25 =	vld [tilespmem:s24+$0xFFFFFFD0]  }
0x20c: {  	v26 =	vmax.f32 v31, v28;
	v8 =	vmin.f32 v19, v34;
	v24 =	vmax.f32 v19, v34;
	v35 =	vld [tilespmem:s24+$0x60]  }
.Ltmp6:
0x20d: {  	v34 =	vmax.f32 v45, v14;
	v43 =	vmax.f32 v10, v8;
	v44 =	vld [tilespmem:s24+$0x50];
	v19 =	vmax.f32 v24, v48;
	(pc) =	sbr.rel @p0 .LBB2_14-.Ltmp6, $4  }
0x20e: {  	v32 =	vmax.f32 v15, v23;
	v31 =	vmin.f32 v31, v28;
	v41 =	vld [tilespmem:s24+$0x70];
	v27 =	vmin.f32 v26, v20  }
0x20f: {  	v42 =	vmax.f32 v9, v12;
	v45 =	vmin.f32 v45, v14;
	v36 =	vmax.f32 v46, v39;
	v40 =	vld [tilespmem:s24+$0x40]  }
0x210: {  	v9 =	vmin.f32 v9, v12;
	v28 =	vmin.f32 v46, v39;
	v8 =	vmin.f32 v16, v25;
	v39 =	vld [tilespmem:s24+$0x30]  }
0x211: {  	v48 =	vmin.f32 v24, v48;
	v46 =	vmax.f32 v11, v9;
	v47 =	vmax.f32 v13, v8;
	v37 =	vld [tilespmem:s24+$0xB0];
	s24 =	sadd.s32 $0x100, s24  }
0x212: {  	v15 =	vld [tilespmem:$0x1F580]  }
0x213: {  	v14 =	vld [tilespmem:$0x1F590];
	_ =	sdelay $0x2  }
0x214: {  	v13 =	vld [tilespmem:$0x1F5A0]  }
0x215: {  	v12 =	vld [tilespmem:$0x1F5C0];
	vm0 =	vgt.s32 v15, $0x0  }
0x216: {  	v11 =	vld [tilespmem:$0x1F5B0];
	vm9 =	vgt.s32 v14, $0x0;
	v8 =	vnsel vm0, $0x0, v15  }
0x217: {  	v10 =	vld [tilespmem:$0x1F5D0];
	v9 =	vnsel vm9, $0x0, v14;
	v8 =	vmin.u32 v8, $0x1F7  }
0x218: {  	v49 =	vld [tilespmem:$0xFB80];
	v9 =	vmin.u32 v9, $0x1F7;
	v8 =	vshll.u32 v8, $0x7  }
0x219: {  	v50 =	vld [tilespmem:$0xFB90];
	vm10 =	vgt.s32 v13, $0x0;
	v23 =	vor.u32 v0, v8;
	v8 =	vshll.u32 v9, $0x7  }
0x21a: {  	vm12 =	vgt.s32 v12, $0x0;
	v9 =	vld [tilespmem:$0x1F5E0];
	v24 =	vor.u32 v1, v8;
	v8 =	vnsel vm10, $0x0, v13  }
0x21b: {  	vm11 =	vgt.s32 v11, $0x0;
	v54 =	vnsel vm12, $0x0, v12;
	v51 =	vmin.u32 v8, $0x1F7;
	v8 =	vld [tilespmem:$0x1F5F0]  }
0x21c: {  	v53 =	vld [tilespmem:$0xFBA0];
	vm13 =	vgt.s32 v10, $0x0;
	v52 =	vnsel vm11, $0x0, v11;
	v54 =	vmin.u32 v54, $0x1F7  }
0x21d: {  	v55 =	vld [tilespmem:$0xFBB0];
	v58 =	vnsel vm13, $0x0, v10;
	v52 =	vmin.u32 v52, $0x1F7;
	v54 =	vshll.u32 v54, $0x7  }
0x21e: {  	v56 =	vld [tilespmem:$0xFBC0];
	v58 =	vmin.u32 v58, $0x1F7;
	v54 =	vor.u32 v4, v54;
	v51 =	vshll.u32 v51, $0x7  }
0x21f: {  	v57 =	vld [tilespmem:$0xFBD0];
	v52 =	vshll.u32 v52, $0x7;
	v51 =	vor.u32 v2, v51;
	vm14 =	vgt.s32 v9, $0x0  }
0x220: {  	v59 =	vld [tilespmem:$0xFBE0];
	v58 =	vshll.u32 v58, $0x7;
	v60 =	vnsel vm14, $0x0, v9;
	vm15 =	vgt.s32 v8, $0x0  }
0x221: {  	v61 =	vld [tilespmem:$0xFBF0];
	v52 =	vor.u32 v3, v52;
	v60 =	vmin.u32 v60, $0x1F7;
	v62 =	vnsel vm15, $0x0, v8  }
0x222: {  	v58 =	vor.u32 v5, v58;
	v23 =	vld.idx.msk [tilespmem:v23+s2+$0x0], $0xffff;
	v60 =	vshll.u32 v60, $0x7;
	v62 =	vmin.u32 v62, $0x1F7  }
0x223: {  	v45 =	vmax.f32 v29, v45;
	v29 =	vld.idx.msk [tilespmem:v54+s2+$0x0], $0xffff;
	v60 =	vor.u32 v6, v60;
	v62 =	vshll.u32 v62, $0x7  }
0x224: {  	v16 =	vmax.f32 v16, v25;
	v43 =	vmax.f32 v43, v48;
	v25 =	vld.idx.msk [tilespmem:v51+s2+$0x0], $0xffff;
	v51 =	vor.u32 v7, v62  }
0x225: {  	v38 =	vmax.f32 v38, v17;
	v63 =	vmax.f32 v32, v22;
	v22 =	vmin.f32 v32, v22;
	v24 =	vld.idx.msk [tilespmem:v24+s2+$0x0], $0xffff  }
0x226: {  	v31 =	vmax.f32 v33, v31;
	v62 =	vmax.f32 v18, v28;
	v18 =	vmin.f32 v16, v44;
	v28 =	vld.idx.msk [tilespmem:v52+s2+$0x0], $0xffff  }
0x227: {  	v44 =	vmax.f32 v16, v44;
	v16 =	vmin.f32 v42, v35;
	v47 =	vmax.f32 v47, v18;
	v18 =	vld.idx.msk [tilespmem:v58+s2+$0x0], $0xffff  }
0x228: {  	v26 =	vmax.f32 v26, v20;
	v22 =	vmax.f32 v38, v22;
	v46 =	vmax.f32 v46, v16;
	v16 =	vld.idx.msk [tilespmem:v60+s2+$0x0], $0xffff  }
0x229: {  	v27 =	vmax.f32 v31, v27;
	v54 =	vmin.f32 v36, v40;
	v35 =	vmax.f32 v42, v35;
	v17 =	vld.idx.msk [tilespmem:v51+s2+$0x0], $0xffff;
	_ =	swait.ge [sflag:s20], $0xF800  }
0x22a: {  	v48 =	vmax.f32 v62, v54;
	v62 =	vmax.f32 v21, v39;
	v58 =	vmax.f32 v36, v40;
	[sflag:s20] =	ssyncset.done $0x0  }
0x22b: {  	s24 =	simm.s32 $0xFC80;
	v21 =	vmin.f32 v21, v39;
	v36 =	vmax.f32 v44, v50;
	v60 =	vmin.f32 v34, v41;
	[sflag:s20] =	ssyncadd.s32 $0xFFFF0800  }
0x22c: {  	v21 =	vmax.f32 v30, v21;
	v42 =	vmax.f32 v45, v60;
	v60 =	vmin.f32 v62, v37;
	v20 =	vld [tilespmem:s24+$0x40]  }
0x22d: {  	v30 =	vmax.f32 v62, v37;
	v31 =	vmax.f32 v21, v60;
	v21 =	vmin.f32 v58, v49;
	v33 =	vld [tilespmem:s24+$0xFFFFFFA0]  }
0x22e: {  	v34 =	vmax.f32 v34, v41;
	v38 =	vmax.f32 v48, v21;
	v21 =	vmin.f32 v44, v50;
	v52 =	vld [tilespmem:s24+$0xFFFFFFB0]  }
0x22f: {  	v45 =	vmax.f32 v63, v56;
	v54 =	vmax.f32 v47, v21;
	v21 =	vmin.f32 v35, v53;
	v32 =	vld [tilespmem:s24+$0xFFFFFFC0]  }
0x230: {  	v51 =	vmax.f32 v58, v49;
	v58 =	vmax.f32 v46, v21;
	v21 =	vmin.f32 v34, v55;
	v40 =	vld [tilespmem:s24+$0xFFFFFFD0]  }
0x231: {  	v35 =	vmax.f32 v35, v53;
	v62 =	vld [tilespmem:s24+$0xFFFFFFE0];
	v39 =	vmax.f32 v42, v21;
	v21 =	vmin.f32 v63, v56  }
0x232: {  	v47 =	vmax.f32 v26, v57;
	v60 =	vld [tilespmem:s24+$0xFFFFFF80];
	v42 =	vmax.f32 v34, v55;
	v37 =	vmax.f32 v22, v21  }
0x233: {  	v46 =	vld [tilespmem:s24+$0xFFFFFF90];
	v21 =	vmin.f32 v26, v57;
	v22 =	vmin.f32 v19, v59;
	v19 =	vmax.f32 v19, v59  }
0x234: {  	v44 =	vld [tilespmem:s24+$0x20];
	v26 =	vmax.f32 v30, v61;
	v63 =	vmax.f32 v43, v22;
	v22 =	vmin.f32 v30, v61  }
0x235: {  	v55 =	vld [tilespmem:s24+$0x60];
	v27 =	vmax.f32 v27, v21;
	v22 =	vmax.f32 v31, v22;
	v41 =	vmin.f32 v45, v32  }
0x236: {  	v21 =	vld [tilespmem:s24+$0x50];
	v30 =	vmax.f32 v47, v40;
	v31 =	vmin.f32 v19, v62;
	v62 =	vmax.f32 v19, v62  }
0x237: {  	v49 =	vld [tilespmem:s24+$0x10];
	v43 =	vmax.f32 v42, v52;
	v34 =	vmax.f32 v45, v32;
	v32 =	vmin.f32 v47, v40  }
0x238: {  	v45 =	vld [tilespmem:s24+$0x30];
	v40 =	vmax.f32 v51, v60;
	v47 =	vmax.f32 v35, v33;
	v50 =	vmin.f32 v42, v52  }
0x239: {  	v42 =	vld [tilespmem:s24+$0x0];
	v53 =	vmin.f32 v51, v60;
	v33 =	vmin.f32 v35, v33;
	v48 =	vmax.f32 v63, v31  }
0x23a: {  	v35 =	vld [tilespmem:s24+$0xFFFFFFF0];
	v19 =	vmax.f32 v62, v55;
	v63 =	vmin.f32 v36, v46;
	v51 =	vmax.f32 v58, v33  }
0x23b: {  	s23 =	simm.s32 $0x0;
	v33 =	vld [tilespmem:s24+$0x70];
	s24 =	simm.s32 $0xFD80;
	v52 =	vmax.f32 v54, v63;
	v54 =	vmin.f32 v62, v55;
	v31 =	vmin.f32 v30, v21  }
.LBB2_16:
0x23c: {  	v55 =	vld [tilespmem:s24+$0x40];
	s23 =	sadd.s32 $0x2, s23;
	v38 =	vmax.f32 v38, v53;
	v36 =	vmax.f32 v36, v46;
	v46 =	vmin.f32 v47, v44  }
0x23d: {  	v48 =	vmax.f32 v48, v54;
	v56 =	vld [tilespmem:s24+$0xFFFFFFA0];
	p0 =	slt.u32 s23, $0x1EE;
	v53 =	vmin.f32 v36, v49;
	v36 =	vmax.f32 v36, v49  }
0x23e: {  	v39 =	vmax.f32 v39, v50;
	v54 =	vld [tilespmem:s24+$0xFFFFFFB0];
	v49 =	vmin.f32 v40, v42;
	v52 =	vmax.f32 v52, v53  }
0x23f: {  	v51 =	vmax.f32 v51, v46;
	v46 =	vmin.f32 v43, v45;
	v50 =	vld [tilespmem:s24+$0xFFFFFFC0];
	v53 =	vmax.f32 v26, v35  }
0x240: {  	v58 =	vmax.f32 v47, v44;
	v59 =	vmax.f32 v43, v45;
	v38 =	vmax.f32 v38, v49;
	v57 =	vld [tilespmem:s24+$0xFFFFFFD0]  }
0x241: {  	v37 =	vmax.f32 v37, v41;
	v45 =	vmax.f32 v34, v20;
	v39 =	vmax.f32 v39, v46;
	v43 =	vld [tilespmem:s24+$0xFFFFFFE0]  }
0x242: {  	v34 =	vmin.f32 v34, v20;
	v61 =	vmax.f32 v40, v42;
	v40 =	vmin.f32 v53, v33;
	v20 =	vmovc v55;
	v60 =	vld [tilespmem:s24+$0x60]  }
0x243: {  	v27 =	vmax.f32 v27, v32;
	v32 =	vmax.f32 v30, v21;
	v26 =	vmin.f32 v26, v35;
	v21 =	vld [tilespmem:s24+$0x50]  }
0x244: {  	v37 =	vmax.f32 v37, v34;
	v22 =	vmax.f32 v22, v26;
	v26 =	vmax.f32 v53, v33;
	v35 =	vld [tilespmem:s24+$0xFFFFFF80]  }
0x245: {  	v27 =	vmax.f32 v27, v31;
	v22 =	vmax.f32 v22, v40;
	v41 =	vmin.f32 v45, v50;
	v46 =	vld [tilespmem:s24+$0xFFFFFF90]  }
0x246: {  	v30 =	vmax.f32 v32, v57;
	v31 =	vmin.f32 v19, v43;
	v33 =	vmax.f32 v19, v43;
	v44 =	vld [tilespmem:s24+$0x20]  }
.Ltmp7:
0x247: {  	v43 =	vmax.f32 v59, v54;
	v48 =	vmax.f32 v48, v31;
	v49 =	vld [tilespmem:s24+$0x10];
	v19 =	vmax.f32 v33, v60;
	(pc) =	sbr.rel @p0 .LBB2_16-.Ltmp7, $4  }
0x248: {  	v34 =	vmax.f32 v45, v50;
	v32 =	vmin.f32 v32, v57;
	v45 =	vld [tilespmem:s24+$0x30];
	v31 =	vmin.f32 v30, v21  }
0x249: {  	v47 =	vmax.f32 v58, v56;
	v50 =	vmin.f32 v59, v54;
	v40 =	vmax.f32 v61, v35;
	v42 =	vld [tilespmem:s24+$0x0]  }
0x24a: {  	v55 =	vmin.f32 v58, v56;
	v53 =	vmin.f32 v61, v35;
	v54 =	vmin.f32 v36, v46;
	v35 =	vld [tilespmem:s24+$0xFFFFFFF0]  }
0x24b: {  	v51 =	vmax.f32 v51, v55;
	v52 =	vmax.f32 v52, v54;
	v54 =	vmin.f32 v33, v60;
	v33 =	vld [tilespmem:s24+$0x70];
	s24 =	sadd.s32 $0x100, s24  }
0x24c: {  	v36 =	vmax.f32 v36, v46  }
0x24d: {  	v38 =	vmax.f32 v38, v53;
	v57 =	vmin.f32 v47, v44;
	v39 =	vmax.f32 v39, v50  }
0x24e: {  	vm0 =	vlt.u32 v15, $0x1F8;
	v44 =	vmax.f32 v47, v44;
	vm9 =	vlt.u32 v14, $0x1F8  }
0x24f: {  	vm10 =	vlt.u32 v13, $0x1F8;
	v37 =	vmax.f32 v37, v41;
	vm11 =	vlt.u32 v11, $0x1F8  }
0x250: {  	vm12 =	vlt.u32 v12, $0x1F8;
	v15 =	vadd.s32 $0xFFFFFE08, v15;
	v14 =	vadd.s32 $0xFFFFFE08, v14  }
0x251: {  	v13 =	vadd.s32 $0xFFFFFE08, v13;
	v11 =	vadd.s32 $0xFFFFFE08, v11;
	v12 =	vadd.s32 $0xFFFFFE08, v12  }
0x252: {  	v56 =	vadd.s32 $0xFFFFFE08, v8;
	v32 =	vmax.f32 v27, v32;
	v58 =	vmin.f32 v36, v49  }
0x253: {  	v49 =	vmax.f32 v36, v49;
	v36 =	vmax.f32 v48, v54;
	v46 =	vmax.f32 v51, v57  }
0x254: {  	v60 =	vmin.f32 v43, v45;
	v23 =	vnsel vm0, $0xFF800000, v23;
	v43 =	vmax.f32 v43, v45  }
0x255: {  	v24 =	vnsel vm9, $0xFF800000, v24;
	v25 =	vnsel vm10, $0xFF800000, v25;
	v28 =	vnsel vm11, $0xFF800000, v28  }
0x256: {  	v29 =	vnsel vm12, $0xFF800000, v29;
	vm13 =	vgt.s32 v15, $0x0;
	vm14 =	vgt.s32 v14, $0x0  }
0x257: {  	vm15 =	vgt.s32 v13, $0x0;
	vm4 =	vgt.s32 v11, $0x0;
	vm5 =	vgt.s32 v12, $0x0  }
0x258: {  	v54 =	vadd.s32 $0xFFFFFE08, v9;
	vm8 =	vgt.s32 v56, $0x0;
	vm9 =	vlt.u32 v10, $0x1F8  }
0x259: {  	vm10 =	vlt.u32 v9, $0x1F8;
	v9 =	vmax.f32 v34, v20;
	vm11 =	vlt.u32 v8, $0x1F8  }
0x25a: {  	vm12 =	vlt.u32 v15, $0x1F0;
	v59 =	vmin.f32 v40, v42;
	v50 =	vmax.f32 v52, v58  }
0x25b: {  	v61 =	vnsel vm13, $0x0, v15;
	v62 =	vnsel vm14, $0x0, v14;
	v63 =	vnsel vm15, $0x0, v13  }
0x25c: {  	v48 =	vnsel vm4, $0x0, v11;
	v52 =	vadd.s32 $0xFFFFFE08, v10;
	v53 =	vnsel vm5, $0x0, v12  }
0x25d: {  	vm7 =	vgt.s32 v54, $0x0;
	v39 =	vmax.f32 v39, v60;
	v40 =	vmax.f32 v40, v42  }
0x25e: {  	v60 =	vnsel vm8, $0x0, v56;
	v18 =	vnsel vm9, $0xFF800000, v18;
	v41 =	vmin.u32 v61, $0x1EF  }
0x25f: {  	v16 =	vnsel vm10, $0xFF800000, v16;
	v62 =	vmin.u32 v62, $0x1EF;
	v61 =	vshll.u32 v41, $0x7  }
0x260: {  	v63 =	vmin.u32 v63, $0x1EF;
	v41 =	vshll.u32 v62, $0x7;
	v10 =	vor.u32 v0, v61  }
0x261: {  	v48 =	vmin.u32 v48, $0x1EF;
	v45 =	vshll.u32 v63, $0x7;
	v41 =	vor.u32 v1, v41  }
0x262: {  	v53 =	vmin.u32 v53, $0x1EF;
	v47 =	vshll.u32 v48, $0x7;
	v45 =	vor.u32 v2, v45  }
0x263: {  	v42 =	vmin.u32 v60, $0x1EF;
	v48 =	vshll.u32 v53, $0x7;
	v47 =	vor.u32 v3, v47  }
0x264: {  	vm6 =	vgt.s32 v52, $0x0;
	v42 =	vshll.u32 v42, $0x7;
	v48 =	vor.u32 v4, v48  }
0x265: {  	v17 =	vnsel vm11, $0xFF800000, v17;
	v55 =	vnsel vm6, $0x0, v52;
	v7 =	vor.u32 v7, v42;
	v10 =	vld.idx.msk [tilespmem:v10+s16+$0x0], $0xffff  }
0x266: {  	vm13 =	vlt.u32 v14, $0x1F0;
	vm14 =	vlt.u32 v13, $0x1F0;
	v57 =	vmin.u32 v55, $0x1EF;
	v41 =	vld.idx.msk [tilespmem:v41+s16+$0x0], $0xffff  }
0x267: {  	v38 =	vmax.f32 v38, v59;
	v59 =	vnsel vm7, $0x0, v54;
	v53 =	vshll.u32 v57, $0x7;
	v58 =	vld.idx.msk [tilespmem:v45+s16+$0x0], $0xffff  }
0x268: {  	vm15 =	vlt.u32 v11, $0x1F0;
	v51 =	vmin.u32 v59, $0x1EF;
	v53 =	vor.u32 v5, v53;
	v8 =	vld.idx.msk [tilespmem:v47+s16+$0x0], $0xffff  }
0x269: {  	vm4 =	vlt.u32 v12, $0x1F0;
	v60 =	vmax.f32 v26, v35;
	v51 =	vshll.u32 v51, $0x7;
	v61 =	vld.idx.msk [tilespmem:v48+s16+$0x0], $0xffff  }
0x26a: {  	vm5 =	vlt.u32 v52, $0x1F0;
	vm7 =	vlt.u32 v56, $0x1F0;
	v51 =	vor.u32 v6, v51;
	v7 =	vld.idx.msk [tilespmem:v7+s16+$0x0], $0xffff  }
0x26b: {  	v59 =	vmin.f32 v34, v20;
	v62 =	vmin.f32 v60, v33;
	vm6 =	vlt.u32 v54, $0x1F0  }
0x26c: {  	v54 =	vmax.f32 v32, v31;
	v20 =	vmax.f32 v37, v59;
	v47 =	vmin.f32 v26, v35  }
0x26d: {  	v48 =	vmax.f32 v30, v21;
	v63 =	vld.idx.msk [tilespmem:v53+s16+$0x0], $0xffff;
	v53 =	vmax.f32 v60, v33;
	v10 =	vsel vm12, v10, v23  }
0x26e: {  	v24 =	vsel vm13, v41, v24;
	v25 =	vsel vm14, v58, v25;
	v8 =	vsel vm15, v8, v28  }
0x26f: {  	v41 =	vld.idx.msk [tilespmem:v51+s16+$0x0], $0xffff;
	v51 =	vmax.f32 v22, v47;
	v15 =	vsel vm4, v61, v29;
	v7 =	vsel vm7, v7, v17  }
0x270: {  	vm8 =	veq.f32 v10, v40;
	v12 =	vmax.f32 v51, v62;
	vm9 =	veq.f32 v24, v49  }
0x271: {  	vm10 =	veq.f32 v25, v44;
	vm11 =	veq.f32 v8, v43;
	v55 =	vsel vm8, v38, v40  }
0x272: {  	vm12 =	veq.f32 v15, v9;
	v56 =	vsel vm9, v50, v49;
	v10 =	vsub.f32 v55, v10  }
0x273: {  	vm15 =	veq.f32 v7, v53;
	v57 =	vsel vm10, v46, v44;
	v17 =	vsub.f32 v56, v24  }
0x274: {  	v14 =	vsel vm5, v63, v18;
	v59 =	vsel vm11, v39, v43;
	v58 =	vsub.f32 v57, v25;
	[tilespmem:$0x1F780] =	vst v10  }
0x275: {  	v9 =	vsel vm12, v20, v9;
	v63 =	vsel vm15, v12, v53;
	v8 =	vsub.f32 v59, v8;
	[tilespmem:$0x1F790] =	vst v17  }
0x276: {  	vm13 =	veq.f32 v14, v48;
	v9 =	vsub.f32 v9, v15;
	v13 =	vsel vm6, v41, v16;
	[tilespmem:$0x1F7A0] =	vst v58  }
0x277: {  	v7 =	vsub.f32 v63, v7;
	v60 =	vsel vm13, v54, v48;
	[tilespmem:$0x1F7B0] =	vst v8;
	vm14 =	veq.f32 v13, v19  }
0x278: {  	v8 =	vsub.f32 v60, v14;
	[tilespmem:$0x1F7C0] =	vst v9;
	v61 =	vsel vm14, v36, v19  }
0x279: {  	s22 =	sadd.s32 $0x1, s22;
	[tilespmem:$0x1F7F0] =	vst v7;
	v62 =	vsub.f32 v61, v13  }
0x27a: {  	p0 =	sne.s32 s22, s13;
	[tilespmem:$0x1F7D0] =	vst v8  }
.Ltmp8:
0x27b: {  	[tilespmem:$0x1F7E0] =	vst v62;
	(pc) =	sbr.rel @p0 .LBB2_1-.Ltmp8, $4  }
0x27c: {  	[hbm4b:s12+s2] =	stream.linear.scatter [tilespmem:s21], [sflag:$0x3], $0x200, $0x38;
	[tilespmem:$0x1F800] =	vst v63  }
0x27d: {  	_ =	swait.ge [sflag:s18], $0x200  }
0x27e: {  	[sflag:s18] =	ssyncset.done $0x0  }
0x27f: {  	[sflag:s18] =	ssyncadd.s32 $0xFFFFFE00  }
0x280: {  	_ =	sfence.sel $0x180000  }
0x281: {  	[bflag:$0x0] =	sbarrier.arrive $0xFFFF  }
0x282: {  	p0 =	sne.s32 s1, $0x0;
	_ =	strace $0x90000047  }
0x283: {  	s0 =	sadd.s32 @!p0 $0x100000, s0;
	[bflag:$0x2] =	sbarrier.arrive $0xFFFF  }
0x284: {  	[sflag:s0] =	ssyncadd.tile.s32 @!p0 $0x1;
	_ =	shalt  }
.Lfunc_end2:
_tile_overlayer_lowered:
.L_overlay_start_2:
0x285: {  	(tag) =	ssettag $0x2  }
0x286: {  	s0 =	rddreg [dreg:$0x0];
	s2 =	stileid.u32  }
0x287: {  	s1 =	rddreg [dreg:$0x1];
	p0 =	sne.s32 s2, $0x0  }
0x288: {  	s3 =	rddreg [dreg:$0x2];
	[bflag:$0x3] =	sbarrier.arrive $0xFFFF;
	s2 =	simm.s32 @!p0 $0x1C03  }
0x289: {  	[timem:s3], [sflag:s2] =	dma.local @!p0 [hbm:s0], s1  }
0x28a: {  	s0 =	simm.s32 @!p0 $0x3  }
0x28b: {  	_ =	swait.ge @!p0 [sflag:s0], s1  }
0x28c: {  	s1 =	ssub.s32 @!p0 $0x0, s1;
	[sflag:s0] =	ssyncset.done @!p0 $0x0  }
0x28d: {  	[sflag:s0] =	ssyncadd.s32 @!p0 s1  }
0x28e: {  	[bflag:$0x3] =	sbarrier.arrive $0xFFFF  }
0x28f: {  	_ =	shalt  }

</sc_bundles>
